<compile_context>
chip_gen: v7x
topology: tpu7x:2x2x1
jax: 0.10.2.dev20260603
libtpu: 0.0.44.dev20260713+nightly
codegen_flags: <defaults>
</compile_context>

<pallas_src>
import functools

import jax
import jax.numpy as jnp
import numpy as np
from jax import lax
from jax.experimental import pallas as pl
from jax.experimental.pallas import tpu as pltpu
from jax.experimental.pallas import tpu_sc as plsc

Hr, Wr = 64, 2048
Hb, Wb = 256, 256
R_MAX = 51.2

NC, NS, L = 2, 16, 16
NW = NC * NS
PLANES = 4 * 64
PPW = PLANES // NW
CHUNKS = Wr // L


def _constants():
    col = np.arange(Wr, dtype=np.float64)
    phi = (Wr - 1 - col) / (Wr - 1) * 2.0 * np.pi
    x = R_MAX * np.cos(phi)
    y = R_MAX * np.sin(phi)
    idx_x = x / R_MAX * (Wb / 2 - 0.5) + (Wb / 2 - 0.5)
    idx_y = y / R_MAX * (Hb / 2 - 0.5) + (Hb / 2 - 0.5)
    gx = (idx_x / Wb * 2.0 - 1.0).astype(np.float32)
    gy = (idx_y / Hb * 2.0 - 1.0).astype(np.float32)
    one, half = np.float32(1.0), np.float32(0.5)
    ix = (gx + one) * half * np.float32(Wb - 1)
    iy = (gy + one) * half * np.float32(Hb - 1)
    ix0 = np.floor(ix)
    iy0 = np.floor(iy)
    wx1 = ix - ix0
    wx0 = one - wx1
    wy1 = iy - iy0
    wy0 = one - wy1
    ix0i = ix0.astype(np.int32)
    iy0i = iy0.astype(np.int32)
    idx = np.stack([iy0i, iy0i + 1, ix0i, ix0i + 1])
    w = np.stack([wy0 * wx0, wy0 * wx1, wy1 * wx0, wy1 * wx1])
    return idx.astype(np.int32), w.astype(np.float32)


_IDX, _W = _constants()
_MESH = plsc.VectorSubcoreMesh(core_axis_name="c", subcore_axis_name="s")


@functools.partial(
    pl.kernel,
    out_type=jax.ShapeDtypeStruct((PLANES, Hr, Wr), jnp.float32),
    mesh=_MESH,
    compiler_params=pltpu.CompilerParams(needs_layout_passes=False),
    scratch_types=[
        pltpu.VMEM((Hb, Wb), jnp.float32),
        pltpu.VMEM((4, Wr), jnp.int32),
        pltpu.VMEM((4, Wr), jnp.float32),
        pltpu.VMEM((2, 8, Wr), jnp.float32),
        pltpu.SemaphoreType.DMA,
        pltpu.SemaphoreType.DMA,
    ],
)
def _sc_sample(bev_hbm, idx_hbm, w_hbm, out_hbm, plane_v, idx_v, w_v, rep_v,
               sem0, sem1):
    wid = lax.axis_index("s") * NC + lax.axis_index("c")
    sems = (sem0, sem1)
    pltpu.sync_copy(idx_hbm, idx_v)
    pltpu.sync_copy(w_hbm, w_v)

    pending = [None, None]
    for p in range(PPW):
        plane = wid * PPW + p
        pltpu.sync_copy(bev_hbm.at[plane], plane_v)
        buf = p % 2
        if pending[buf] is not None:
            for h in pending[buf]:
                h.wait()

        def chunk(j, carry2):
            s = pl.ds(pl.multiple_of(j * L, L), L)
            y0 = idx_v[0, s]
            y1 = idx_v[1, s]
            x0 = idx_v[2, s]
            x1 = idx_v[3, s]
            v00 = plsc.load_gather(plane_v, [y0, x0])
            v01 = plsc.load_gather(plane_v, [y0, x1])
            v10 = plsc.load_gather(plane_v, [y1, x0])
            v11 = plsc.load_gather(plane_v, [y1, x1])
            acc = (v00 * w_v[0, s] + v01 * w_v[1, s]
                   + v10 * w_v[2, s] + v11 * w_v[3, s])
            for r in range(8):
                rep_v[buf, r, s] = acc
            return carry2

        lax.fori_loop(0, CHUNKS, chunk, 0)
        pending[buf] = [
            pltpu.async_copy(rep_v.at[buf], out_hbm.at[plane, pl.ds(rb * 8, 8)],
                             sems[buf])
            for rb in range(Hr // 8)
        ]
    for hs in pending:
        if hs is not None:
            for h in hs:
                h.wait()


def kernel(bev_feat, ref_rv):
    B, C = ref_rv.shape[0], ref_rv.shape[1]
    planes = bev_feat.reshape(PLANES, Hb, Wb)
    out = _sc_sample(planes, jnp.asarray(_IDX), jnp.asarray(_W))
    return out.reshape(B, C, Hr, Wr)

# --- scband reference (transcript-rebuilt; emitter-appended) ---
"""Pipeline reference for scband-bev2-rv-61469571940658 (READ-ONLY COPY).

The authoritative reference and input builder live on the scoring server;
editing this copy changes nothing except your own understanding.
"""

import jax, jax.numpy as jnp
import numpy as np

Hr, Wr = 64, 2048
Hb, Wb = 256, 256
R_MAX = 51.2


def _make_grid():
    col = np.arange(Wr, dtype=np.float64)[None, :].repeat(Hr, axis=0)  # (Hr,Wr)
    phi = (Wr - 1 - col) / (Wr - 1) * 2.0 * np.pi
    x = R_MAX * np.cos(phi)
    y = R_MAX * np.sin(phi)
    idx_x = x / R_MAX * (Wb / 2 - 0.5) + (Wb / 2 - 0.5)
    idx_y = y / R_MAX * (Hb / 2 - 0.5) + (Hb / 2 - 0.5)
    grid = np.stack((idx_x, idx_y), -1).reshape(-1, 2)
    grid[:, 0] = grid[:, 0] / Wb * 2.0 - 1.0
    grid[:, 1] = grid[:, 1] / Hb * 2.0 - 1.0
    return jnp.asarray(grid, dtype=jnp.float32)  # (N,2)


def _make_rc():
    row = np.arange(Hr)[:, None].repeat(Wr, axis=1)
    col = np.arange(Wr)[None, :].repeat(Hr, axis=0)
    rc = np.stack((row, col), -1).reshape(-1, 2)
    return jnp.asarray(rc, dtype=jnp.int32)  # (N,2)


def _grid_sample_bilinear(img, grid):
    # img: (B,C,H,W), grid: (N,2) normalized coords shared across batch
    B, C, H, W = img.shape
    gx = grid[:, 0]
    gy = grid[:, 1]
    ix = (gx + 1.0) * 0.5 * (W - 1)
    iy = (gy + 1.0) * 0.5 * (H - 1)
    ix0 = jnp.floor(ix)
    iy0 = jnp.floor(iy)
    ix1 = ix0 + 1.0
    iy1 = iy0 + 1.0
    wx1 = ix - ix0
    wx0 = 1.0 - wx1
    wy1 = iy - iy0
    wy0 = 1.0 - wy1

    def gather(iy_, ix_):
        valid = (ix_ >= 0) & (ix_ <= W - 1) & (iy_ >= 0) & (iy_ <= H - 1)
        ixc = jnp.clip(ix_, 0, W - 1).astype(jnp.int32)
        iyc = jnp.clip(iy_, 0, H - 1).astype(jnp.int32)
        v = img[:, :, iyc, ixc]  # (B,C,N)
        return v * valid.astype(img.dtype)[None, None, :]

    v00 = gather(iy0, ix0)
    v01 = gather(iy0, ix1)
    v10 = gather(iy1, ix0)
    v11 = gather(iy1, ix1)
    out = (v00 * (wy0 * wx0)[None, None, :] + v01 * (wy0 * wx1)[None, None, :]
           + v10 * (wy1 * wx0)[None, None, :] + v11 * (wy1 * wx1)[None, None, :])
    return out  # (B,C,N)


def setup_inputs(seed: int = 0) -> dict:
    key = jax.random.key(seed)
    k1, k2 = jax.random.split(key)
    bev_feat = jax.random.normal(k1, (4, 64, Hb, Wb), dtype=jnp.float32)
    ref_rv = jax.random.normal(k2, (4, 64, Hr, Wr), dtype=jnp.float32)
    return {"bev_feat": bev_feat, "ref_rv": ref_rv}


def reference(bev_feat, ref_rv):
    B, C = ref_rv.shape[0], ref_rv.shape[1]
    grid = _make_grid()  # (N,2)
    rc = _make_rc()      # (N,2)
    N = rc.shape[0]
    sampled = _grid_sample_bilinear(bev_feat, grid)  # (B,C,N)
    sampled = jnp.transpose(sampled, (0, 2, 1)).reshape(-1, C)  # (B*N,C)
    bid = jnp.repeat(jnp.arange(B, dtype=jnp.int32), N)
    row = jnp.tile(rc[:, 0], B)
    col = jnp.tile(rc[:, 1], B)
    rv = ref_rv.at[bid, :, row, col].set(sampled)
    return rv

if __name__ == "__main__":
    import jax
    _d = setup_inputs()
    print(jax.jit(kernel)(*tuple(_d.values())))

</pallas_src>

<mosaic_0001>
#map = affine_map<(d0, d1) -> (0, 0, 0)>
#map1 = affine_map<(d0, d1) -> (0, 0)>
module attributes {stable_mosaic.version = 14 : i64} {
  func.func @_sc_sample(%arg0: i32, %arg1: i32, %arg2: memref<256x256x256xf32, #tpu.memory_space<hbm>>, %arg3: memref<4x2048xi32, #tpu.memory_space<hbm>>, %arg4: memref<4x2048xf32, #tpu.memory_space<hbm>>, %arg5: memref<256x64x2048xf32, #tpu.memory_space<hbm>>, %arg6: memref<256x256xf32, #tpu.memory_space<vmem>>, %arg7: memref<4x2048xi32, #tpu.memory_space<vmem>>, %arg8: memref<4x2048xf32, #tpu.memory_space<vmem>>, %arg9: memref<2x8x2048xf32, #tpu.memory_space<vmem>>, %arg10: memref<!tpu.dma_semaphore, #tpu.memory_space<semaphore_mem>>, %arg11: memref<!tpu.dma_semaphore, #tpu.memory_space<semaphore_mem>>) attributes {dimension_semantics = [#tpu.dimension_semantics<core_parallel>, #tpu.dimension_semantics<subcore_parallel>], iteration_bounds = array<i64: 2, 16>, scalar_prefetch = 0 : i64, scratch_operands = 6 : i64, tpu.core_type = #tpu.core_type<sc_vector_subcore>, window_params = [{transform_indices = #map}, {transform_indices = #map1}, {transform_indices = #map1}, {transform_indices = #map}]} {
    %mul3A = arith.constant 2 : i32
    %mul3A_0 = arith.muli %arg1, %mul3A : i32
    %add3A = arith.addi %mul3A_0, %arg0 : i32
    "tpu.region"() ({
      %run_scoped3A = tpu.sem_alloc : memref<!tpu.dma_semaphore, #tpu.memory_space<semaphore_mem>>
      tpu.enqueue_dma source(%arg3 : memref<4x2048xi32, #tpu.memory_space<hbm>>) target(%arg7 : memref<4x2048xi32, #tpu.memory_space<vmem>>) target_semaphore(%run_scoped3A : memref<!tpu.dma_semaphore, #tpu.memory_space<semaphore_mem>>)
      tpu.wait_dma2 semaphore(%run_scoped3A : memref<!tpu.dma_semaphore, #tpu.memory_space<semaphore_mem>>) src(%arg3 : memref<4x2048xi32, #tpu.memory_space<hbm>>) dst(%arg7 : memref<4x2048xi32, #tpu.memory_space<vmem>>)
      tpu.yield
    }) : () -> ()
    "tpu.region"() ({
      %run_scoped3A = tpu.sem_alloc : memref<!tpu.dma_semaphore, #tpu.memory_space<semaphore_mem>>
      tpu.enqueue_dma source(%arg4 : memref<4x2048xf32, #tpu.memory_space<hbm>>) target(%arg8 : memref<4x2048xf32, #tpu.memory_space<vmem>>) target_semaphore(%run_scoped3A : memref<!tpu.dma_semaphore, #tpu.memory_space<semaphore_mem>>)
      tpu.wait_dma2 semaphore(%run_scoped3A : memref<!tpu.dma_semaphore, #tpu.memory_space<semaphore_mem>>) src(%arg4 : memref<4x2048xf32, #tpu.memory_space<hbm>>) dst(%arg8 : memref<4x2048xf32, #tpu.memory_space<vmem>>)
      tpu.yield
    }) : () -> ()
    %mul3A_1 = arith.constant 8 : i32
    %mul3A_2 = arith.muli %add3A, %mul3A_1 : i32
    %add3A_3 = arith.constant 0 : i32
    %add3A_4 = arith.addi %mul3A_2, %add3A_3 : i32
    "tpu.region"() ({
      %run_scoped3A = tpu.sem_alloc : memref<!tpu.dma_semaphore, #tpu.memory_space<semaphore_mem>>
      %dma_start3A_2254 = arith.constant 0 : i32
      %dma_start3A_2255 = arith.constant 0 : i32
      %dma_start3A_2256 = tpu.memref_slice %arg2[%add3A_4, %dma_start3A_2254, %dma_start3A_2255] : memref<256x256x256xf32, #tpu.memory_space<hbm>> -> memref<1x256x256xf32, #tpu.memory_space<hbm>>
      %dma_start3A_2257 = tpu.memref_squeeze %dma_start3A_2256 : memref<1x256x256xf32, #tpu.memory_space<hbm>> -> memref<256x256xf32, #tpu.memory_space<hbm>>
      %dma_start3A_2258 = arith.constant 0 : i32
      %dma_start3A_2259 = arith.constant 0 : i32
      %dma_start3A_2260 = tpu.memref_slice %arg2[%add3A_4, %dma_start3A_2258, %dma_start3A_2259] : memref<256x256x256xf32, #tpu.memory_space<hbm>> -> memref<1x256x256xf32, #tpu.memory_space<hbm>>
      %dma_start3A_2261 = tpu.memref_squeeze %dma_start3A_2260 : memref<1x256x256xf32, #tpu.memory_space<hbm>> -> memref<256x256xf32, #tpu.memory_space<hbm>>
      tpu.enqueue_dma source(%dma_start3A_2261 : memref<256x256xf32, #tpu.memory_space<hbm>>) target(%arg6 : memref<256x256xf32, #tpu.memory_space<vmem>>) target_semaphore(%run_scoped3A : memref<!tpu.dma_semaphore, #tpu.memory_space<semaphore_mem>>)
      %dma_wait3A_2262 = arith.constant 0 : i32
      %dma_wait3A_2263 = arith.constant 0 : i32
      %dma_wait3A_2264 = tpu.memref_slice %arg2[%add3A_4, %dma_wait3A_2262, %dma_wait3A_2263] : memref<256x256x256xf32, #tpu.memory_space<hbm>> -> memref<1x256x256xf32, #tpu.memory_space<hbm>>
      %dma_wait3A_2265 = tpu.memref_squeeze %dma_wait3A_2264 : memref<1x256x256xf32, #tpu.memory_space<hbm>> -> memref<256x256xf32, #tpu.memory_space<hbm>>
      %dma_wait3A_2266 = arith.constant 0 : i32
      %dma_wait3A_2267 = arith.constant 0 : i32
      %dma_wait3A_2268 = tpu.memref_slice %arg2[%add3A_4, %dma_wait3A_2266, %dma_wait3A_2267] : memref<256x256x256xf32, #tpu.memory_space<hbm>> -> memref<1x256x256xf32, #tpu.memory_space<hbm>>
      %dma_wait3A_2269 = tpu.memref_squeeze %dma_wait3A_2268 : memref<1x256x256xf32, #tpu.memory_space<hbm>> -> memref<256x256xf32, #tpu.memory_space<hbm>>
      tpu.wait_dma2 semaphore(%run_scoped3A : memref<!tpu.dma_semaphore, #tpu.memory_space<semaphore_mem>>) src(%dma_wait3A_2269 : memref<256x256xf32, #tpu.memory_space<hbm>>) dst(%arg6 : memref<256x256xf32, #tpu.memory_space<vmem>>)
      tpu.yield
    }) : () -> ()
    %scan3A = arith.constant 0 : i32
    %scan3A_5 = arith.constant 0 : i32
    %scan3A_6 = arith.constant 128 : i32
    %scan3A_7 = arith.addi %scan3A_5, %scan3A_6 : i32
    %scan3A_8 = arith.constant 1 : i32
    scf.for %scan3A_2254 = %scan3A_5 to %scan3A_7 step %scan3A_8  : i32 {
      %mul3A_2255 = arith.constant 16 : i32
      %mul3A_2256 = arith.muli %scan3A_2254, %mul3A_2255 : i32
      %multiple_of3A = tpu.assume_multiple %mul3A_2256, 16 : i32
      %get3A = arith.constant 0 : i32
      %get3A_2257 = arith.index_cast %get3A : i32 to index
      %get3A_2258 = arith.index_cast %multiple_of3A : i32 to index
      %get3A_2259 = tpu.vector_load %arg7[%get3A_2257, %get3A_2258] {strides = array<i32>} : memref<4x2048xi32, #tpu.memory_space<vmem>>, vector<16xi32>,
      %get3A_2260 = arith.constant 1 : i32
      %get3A_2261 = arith.index_cast %get3A_2260 : i32 to index
      %get3A_2262 = arith.index_cast %multiple_of3A : i32 to index
      %get3A_2263 = tpu.vector_load %arg7[%get3A_2261, %get3A_2262] {strides = array<i32>} : memref<4x2048xi32, #tpu.memory_space<vmem>>, vector<16xi32>,
      %get3A_2264 = arith.constant 2 : i32
      %get3A_2265 = arith.index_cast %get3A_2264 : i32 to index
      %get3A_2266 = arith.index_cast %multiple_of3A : i32 to index
      %get3A_2267 = tpu.vector_load %arg7[%get3A_2265, %get3A_2266] {strides = array<i32>} : memref<4x2048xi32, #tpu.memory_space<vmem>>, vector<16xi32>,
      %get3A_2268 = arith.constant 3 : i32
      %get3A_2269 = arith.index_cast %get3A_2268 : i32 to index
      %get3A_2270 = arith.index_cast %multiple_of3A : i32 to index
      %get3A_2271 = tpu.vector_load %arg7[%get3A_2269, %get3A_2270] {strides = array<i32>} : memref<4x2048xi32, #tpu.memory_space<vmem>>, vector<16xi32>,
      %gather3A = tpu.vector_load_idx %arg6[%get3A_2259, %get3A_2267] : memref<256x256xf32, #tpu.memory_space<vmem>>[vector<16xi32>, vector<16xi32>], vector<16xf32>,
      %gather3A_2272 = tpu.vector_load_idx %arg6[%get3A_2259, %get3A_2271] : memref<256x256xf32, #tpu.memory_space<vmem>>[vector<16xi32>, vector<16xi32>], vector<16xf32>,
      %gather3A_2273 = tpu.vector_load_idx %arg6[%get3A_2263, %get3A_2267] : memref<256x256xf32, #tpu.memory_space<vmem>>[vector<16xi32>, vector<16xi32>], vector<16xf32>,
      %gather3A_2274 = tpu.vector_load_idx %arg6[%get3A_2263, %get3A_2271] : memref<256x256xf32, #tpu.memory_space<vmem>>[vector<16xi32>, vector<16xi32>], vector<16xf32>,
      %get3A_2275 = arith.constant 0 : i32
      %get3A_2276 = arith.index_cast %get3A_2275 : i32 to index
      %get3A_2277 = arith.index_cast %multiple_of3A : i32 to index
      %get3A_2278 = tpu.vector_load %arg8[%get3A_2276, %get3A_2277] {strides = array<i32>} : memref<4x2048xf32, #tpu.memory_space<vmem>>, vector<16xf32>,
      %mul3A_2279 = arith.mulf %gather3A, %get3A_2278 : vector<16xf32>
      %get3A_2280 = arith.constant 1 : i32
      %get3A_2281 = arith.index_cast %get3A_2280 : i32 to index
      %get3A_2282 = arith.index_cast %multiple_of3A : i32 to index
      %get3A_2283 = tpu.vector_load %arg8[%get3A_2281, %get3A_2282] {strides = array<i32>} : memref<4x2048xf32, #tpu.memory_space<vmem>>, vector<16xf32>,
      %mul3A_2284 = arith.mulf %gather3A_2272, %get3A_2283 : vector<16xf32>
      %add3A_2285 = arith.addf %mul3A_2279, %mul3A_2284 : vector<16xf32>
      %get3A_2286 = arith.constant 2 : i32
      %get3A_2287 = arith.index_cast %get3A_2286 : i32 to index
      %get3A_2288 = arith.index_cast %multiple_of3A : i32 to index
      %get3A_2289 = tpu.vector_load %arg8[%get3A_2287, %get3A_2288] {strides = array<i32>} : memref<4x2048xf32, #tpu.memory_space<vmem>>, vector<16xf32>,
      %mul3A_2290 = arith.mulf %gather3A_2273, %get3A_2289 : vector<16xf32>
      %add3A_2291 = arith.addf %add3A_2285, %mul3A_2290 : vector<16xf32>
      %get3A_2292 = arith.constant 3 : i32
      %get3A_2293 = arith.index_cast %get3A_2292 : i32 to index
      %get3A_2294 = arith.index_cast %multiple_of3A : i32 to index
      %get3A_2295 = tpu.vector_load %arg8[%get3A_2293, %get3A_2294] {strides = array<i32>} : memref<4x2048xf32, #tpu.memory_space<vmem>>, vector<16xf32>,
      %mul3A_2296 = arith.mulf %gather3A_2274, %get3A_2295 : vector<16xf32>
      %add3A_2297 = arith.addf %add3A_2291, %mul3A_2296 : vector<16xf32>
      %swap3A = arith.constant 0 : i32
      %swap3A_2298 = arith.constant 0 : i32
      %swap3A_2299 = arith.index_cast %swap3A : i32 to index
      %swap3A_2300 = arith.index_cast %swap3A_2298 : i32 to index
      %swap3A_2301 = arith.index_cast %multiple_of3A : i32 to index
      %swap3A_2302 = tpu.vector_load %arg9[%swap3A_2299, %swap3A_2300, %swap3A_2301] {strides = array<i32>} : memref<2x8x2048xf32, #tpu.memory_space<vmem>>, vector<16xf32>,
      tpu.vector_store %arg9[%swap3A_2299, %swap3A_2300, %swap3A_2301], %add3A_2297 {strides = array<i32>} : memref<2x8x2048xf32, #tpu.memory_space<vmem>>, vector<16xf32>,
      %swap3A_2303 = arith.constant 0 : i32
      %swap3A_2304 = arith.constant 1 : i32
      %swap3A_2305 = arith.index_cast %swap3A_2303 : i32 to index
      %swap3A_2306 = arith.index_cast %swap3A_2304 : i32 to index
      %swap3A_2307 = arith.index_cast %multiple_of3A : i32 to index
      %swap3A_2308 = tpu.vector_load %arg9[%swap3A_2305, %swap3A_2306, %swap3A_2307] {strides = array<i32>} : memref<2x8x2048xf32, #tpu.memory_space<vmem>>, vector<16xf32>,
      tpu.vector_store %arg9[%swap3A_2305, %swap3A_2306, %swap3A_2307], %add3A_2297 {strides = array<i32>} : memref<2x8x2048xf32, #tpu.memory_space<vmem>>, vector<16xf32>,
      %swap3A_2309 = arith.constant 0 : i32
      %swap3A_2310 = arith.constant 2 : i32
      %swap3A_2311 = arith.index_cast %swap3A_2309 : i32 to index
      %swap3A_2312 = arith.index_cast %swap3A_2310 : i32 to index
      %swap3A_2313 = arith.index_cast %multiple_of3A : i32 to index
      %swap3A_2314 = tpu.vector_load %arg9[%swap3A_2311, %swap3A_2312, %swap3A_2313] {strides = array<i32>} : memref<2x8x2048xf32, #tpu.memory_space<vmem>>, vector<16xf32>,
      tpu.vector_store %arg9[%swap3A_2311, %swap3A_2312, %swap3A_2313], %add3A_2297 {strides = array<i32>} : memref<2x8x2048xf32, #tpu.memory_space<vmem>>, vector<16xf32>,
      %swap3A_2315 = arith.constant 0 : i32
      %swap3A_2316 = arith.constant 3 : i32
      %swap3A_2317 = arith.index_cast %swap3A_2315 : i32 to index
      %swap3A_2318 = arith.index_cast %swap3A_2316 : i32 to index
      %swap3A_2319 = arith.index_cast %multiple_of3A : i32 to index
      %swap3A_2320 = tpu.vector_load %arg9[%swap3A_2317, %swap3A_2318, %swap3A_2319] {strides = array<i32>} : memref<2x8x2048xf32, #tpu.memory_space<vmem>>, vector<16xf32>,
      tpu.vector_store %arg9[%swap3A_2317, %swap3A_2318, %swap3A_2319], %add3A_2297 {strides = array<i32>} : memref<2x8x2048xf32, #tpu.memory_space<vmem>>, vector<16xf32>,
      %swap3A_2321 = arith.constant 0 : i32
      %swap3A_2322 = arith.constant 4 : i32
      %swap3A_2323 = arith.index_cast %swap3A_2321 : i32 to index
      %swap3A_2324 = arith.index_cast %swap3A_2322 : i32 to index
      %swap3A_2325 = arith.index_cast %multiple_of3A : i32 to index
      %swap3A_2326 = tpu.vector_load %arg9[%swap3A_2323, %swap3A_2324, %swap3A_2325] {strides = array<i32>} : memref<2x8x2048xf32, #tpu.memory_space<vmem>>, vector<16xf32>,
      tpu.vector_store %arg9[%swap3A_2323, %swap3A_2324, %swap3A_2325], %add3A_2297 {strides = array<i32>} : memref<2x8x2048xf32, #tpu.memory_space<vmem>>, vector<16xf32>,
      %swap3A_2327 = arith.constant 0 : i32
      %swap3A_2328 = arith.constant 5 : i32
      %swap3A_2329 = arith.index_cast %swap3A_2327 : i32 to index
      %swap3A_2330 = arith.index_cast %swap3A_2328 : i32 to index
      %swap3A_2331 = arith.index_cast %multiple_of3A : i32 to index
      %swap3A_2332 = tpu.vector_load %arg9[%swap3A_2329, %swap3A_2330, %swap3A_2331] {strides = array<i32>} : memref<2x8x2048xf32, #tpu.memory_space<vmem>>, vector<16xf32>,
      tpu.vector_store %arg9[%swap3A_2329, %swap3A_2330, %swap3A_2331], %add3A_2297 {strides = array<i32>} : memref<2x8x2048xf32, #tpu.memory_space<vmem>>, vector<16xf32>,
      %swap3A_2333 = arith.constant 0 : i32
      %swap3A_2334 = arith.constant 6 : i32
      %swap3A_2335 = arith.index_cast %swap3A_2333 : i32 to index
      %swap3A_2336 = arith.index_cast %swap3A_2334 : i32 to index
      %swap3A_2337 = arith.index_cast %multiple_of3A : i32 to index
      %swap3A_2338 = tpu.vector_load %arg9[%swap3A_2335, %swap3A_2336, %swap3A_2337] {strides = array<i32>} : memref<2x8x2048xf32, #tpu.memory_space<vmem>>, vector<16xf32>,
      tpu.vector_store %arg9[%swap3A_2335, %swap3A_2336, %swap3A_2337], %add3A_2297 {strides = array<i32>} : memref<2x8x2048xf32, #tpu.memory_space<vmem>>, vector<16xf32>,
      %swap3A_2339 = arith.constant 0 : i32
      %swap3A_2340 = arith.constant 7 : i32
      %swap3A_2341 = arith.index_cast %swap3A_2339 : i32 to index
      %swap3A_2342 = arith.index_cast %swap3A_2340 : i32 to index
      %swap3A_2343 = arith.index_cast %multiple_of3A : i32 to index
      %swap3A_2344 = tpu.vector_load %arg9[%swap3A_2341, %swap3A_2342, %swap3A_2343] {strides = array<i32>} : memref<2x8x2048xf32, #tpu.memory_space<vmem>>, vector<16xf32>,
      tpu.vector_store %arg9[%swap3A_2341, %swap3A_2342, %swap3A_2343], %add3A_2297 {strides = array<i32>} : memref<2x8x2048xf32, #tpu.memory_space<vmem>>, vector<16xf32>,
    }
    %scan3A_9 = arith.constant 128 : i32
    %dma_start3A = arith.constant 0 : i32
    %dma_start3A_10 = arith.constant 0 : i32
    %dma_start3A_11 = arith.constant 0 : i32
    %dma_start3A_12 = tpu.memref_slice %arg9[%dma_start3A, %dma_start3A_10, %dma_start3A_11] : memref<2x8x2048xf32, #tpu.memory_space<vmem>> -> memref<1x8x2048xf32, #tpu.memory_space<vmem>>
    %dma_start3A_13 = tpu.memref_squeeze %dma_start3A_12 : memref<1x8x2048xf32, #tpu.memory_space<vmem>> -> memref<8x2048xf32, #tpu.memory_space<vmem>>
    %dma_start3A_14 = arith.constant 0 : i32
    %dma_start3A_15 = arith.constant 0 : i32
    %dma_start3A_16 = tpu.memref_slice %arg5[%add3A_4, %dma_start3A_14, %dma_start3A_15] : memref<256x64x2048xf32, #tpu.memory_space<hbm>> -> memref<1x8x2048xf32, #tpu.memory_space<hbm>>
    %dma_start3A_17 = tpu.memref_squeeze %dma_start3A_16 : memref<1x8x2048xf32, #tpu.memory_space<hbm>> -> memref<8x2048xf32, #tpu.memory_space<hbm>>
    %dma_start3A_18 = arith.constant 0 : i32
    %dma_start3A_19 = arith.constant 0 : i32
    %dma_start3A_20 = tpu.memref_slice %arg5[%add3A_4, %dma_start3A_18, %dma_start3A_19] : memref<256x64x2048xf32, #tpu.memory_space<hbm>> -> memref<1x8x2048xf32, #tpu.memory_space<hbm>>
    %dma_start3A_21 = tpu.memref_squeeze %dma_start3A_20 : memref<1x8x2048xf32, #tpu.memory_space<hbm>> -> memref<8x2048xf32, #tpu.memory_space<hbm>>
    %dma_start3A_22 = arith.constant 0 : i32
    %dma_start3A_23 = arith.constant 0 : i32
    %dma_start3A_24 = tpu.memref_slice %arg9[%dma_start3A, %dma_start3A_22, %dma_start3A_23] : memref<2x8x2048xf32, #tpu.memory_space<vmem>> -> memref<1x8x2048xf32, #tpu.memory_space<vmem>>
    %dma_start3A_25 = tpu.memref_squeeze %dma_start3A_24 : memref<1x8x2048xf32, #tpu.memory_space<vmem>> -> memref<8x2048xf32, #tpu.memory_space<vmem>>
    tpu.enqueue_dma source(%dma_start3A_25 : memref<8x2048xf32, #tpu.memory_space<vmem>>) target(%dma_start3A_21 : memref<8x2048xf32, #tpu.memory_space<hbm>>) target_semaphore(%arg10 : memref<!tpu.dma_semaphore, #tpu.memory_space<semaphore_mem>>)
    %dma_start3A_26 = arith.constant 0 : i32
    %dma_start3A_27 = arith.constant 0 : i32
    %dma_start3A_28 = arith.constant 0 : i32
    %dma_start3A_29 = tpu.memref_slice %arg9[%dma_start3A_26, %dma_start3A_27, %dma_start3A_28] : memref<2x8x2048xf32, #tpu.memory_space<vmem>> -> memref<1x8x2048xf32, #tpu.memory_space<vmem>>
    %dma_start3A_30 = tpu.memref_squeeze %dma_start3A_29 : memref<1x8x2048xf32, #tpu.memory_space<vmem>> -> memref<8x2048xf32, #tpu.memory_space<vmem>>
    %dma_start3A_31 = arith.constant 8 : i32
    %dma_start3A_32 = arith.constant 0 : i32
    %dma_start3A_33 = tpu.memref_slice %arg5[%add3A_4, %dma_start3A_31, %dma_start3A_32] : memref<256x64x2048xf32, #tpu.memory_space<hbm>> -> memref<1x8x2048xf32, #tpu.memory_space<hbm>>
    %dma_start3A_34 = tpu.memref_squeeze %dma_start3A_33 : memref<1x8x2048xf32, #tpu.memory_space<hbm>> -> memref<8x2048xf32, #tpu.memory_space<hbm>>
    %dma_start3A_35 = arith.constant 8 : i32
    %dma_start3A_36 = arith.constant 0 : i32
    %dma_start3A_37 = tpu.memref_slice %arg5[%add3A_4, %dma_start3A_35, %dma_start3A_36] : memref<256x64x2048xf32, #tpu.memory_space<hbm>> -> memref<1x8x2048xf32, #tpu.memory_space<hbm>>
    %dma_start3A_38 = tpu.memref_squeeze %dma_start3A_37 : memref<1x8x2048xf32, #tpu.memory_space<hbm>> -> memref<8x2048xf32, #tpu.memory_space<hbm>>
    %dma_start3A_39 = arith.constant 0 : i32
    %dma_start3A_40 = arith.constant 0 : i32
    %dma_start3A_41 = tpu.memref_slice %arg9[%dma_start3A_26, %dma_start3A_39, %dma_start3A_40] : memref<2x8x2048xf32, #tpu.memory_space<vmem>> -> memref<1x8x2048xf32, #tpu.memory_space<vmem>>
    %dma_start3A_42 = tpu.memref_squeeze %dma_start3A_41 : memref<1x8x2048xf32, #tpu.memory_space<vmem>> -> memref<8x2048xf32, #tpu.memory_space<vmem>>
    tpu.enqueue_dma source(%dma_start3A_42 : memref<8x2048xf32, #tpu.memory_space<vmem>>) target(%dma_start3A_38 : memref<8x2048xf32, #tpu.memory_space<hbm>>) target_semaphore(%arg10 : memref<!tpu.dma_semaphore, #tpu.memory_space<semaphore_mem>>)
    %dma_start3A_43 = arith.constant 0 : i32
    %dma_start3A_44 = arith.constant 0 : i32
    %dma_start3A_45 = arith.constant 0 : i32
    %dma_start3A_46 = tpu.memref_slice %arg9[%dma_start3A_43, %dma_start3A_44, %dma_start3A_45] : memref<2x8x2048xf32, #tpu.memory_space<vmem>> -> memref<1x8x2048xf32, #tpu.memory_space<vmem>>
    %dma_start3A_47 = tpu.memref_squeeze %dma_start3A_46 : memref<1x8x2048xf32, #tpu.memory_space<vmem>> -> memref<8x2048xf32, #tpu.memory_space<vmem>>
    %dma_start3A_48 = arith.constant 16 : i32
    %dma_start3A_49 = arith.constant 0 : i32
    %dma_start3A_50 = tpu.memref_slice %arg5[%add3A_4, %dma_start3A_48, %dma_start3A_49] : memref<256x64x2048xf32, #tpu.memory_space<hbm>> -> memref<1x8x2048xf32, #tpu.memory_space<hbm>>
    %dma_start3A_51 = tpu.memref_squeeze %dma_start3A_50 : memref<1x8x2048xf32, #tpu.memory_space<hbm>> -> memref<8x2048xf32, #tpu.memory_space<hbm>>
    %dma_start3A_52 = arith.constant 16 : i32
    %dma_start3A_53 = arith.constant 0 : i32
    %dma_start3A_54 = tpu.memref_slice %arg5[%add3A_4, %dma_start3A_52, %dma_start3A_53] : memref<256x64x2048xf32, #tpu.memory_space<hbm>> -> memref<1x8x2048xf32, #tpu.memory_space<hbm>>
    %dma_start3A_55 = tpu.memref_squeeze %dma_start3A_54 : memref<1x8x2048xf32, #tpu.memory_space<hbm>> -> memref<8x2048xf32, #tpu.memory_space<hbm>>
    %dma_start3A_56 = arith.constant 0 : i32
    %dma_start3A_57 = arith.constant 0 : i32
    %dma_start3A_58 = tpu.memref_slice %arg9[%dma_start3A_43, %dma_start3A_56, %dma_start3A_57] : memref<2x8x2048xf32, #tpu.memory_space<vmem>> -> memref<1x8x2048xf32, #tpu.memory_space<vmem>>
    %dma_start3A_59 = tpu.memref_squeeze %dma_start3A_58 : memref<1x8x2048xf32, #tpu.memory_space<vmem>> -> memref<8x2048xf32, #tpu.memory_space<vmem>>
    tpu.enqueue_dma source(%dma_start3A_59 : memref<8x2048xf32, #tpu.memory_space<vmem>>) target(%dma_start3A_55 : memref<8x2048xf32, #tpu.memory_space<hbm>>) target_semaphore(%arg10 : memref<!tpu.dma_semaphore, #tpu.memory_space<semaphore_mem>>)
    %dma_start3A_60 = arith.constant 0 : i32
    %dma_start3A_61 = arith.constant 0 : i32
    %dma_start3A_62 = arith.constant 0 : i32
    %dma_start3A_63 = tpu.memref_slice %arg9[%dma_start3A_60, %dma_start3A_61, %dma_start3A_62] : memref<2x8x2048xf32, #tpu.memory_space<vmem>> -> memref<1x8x2048xf32, #tpu.memory_space<vmem>>
    %dma_start3A_64 = tpu.memref_squeeze %dma_start3A_63 : memref<1x8x2048xf32, #tpu.memory_space<vmem>> -> memref<8x2048xf32, #tpu.memory_space<vmem>>
    %dma_start3A_65 = arith.constant 24 : i32
    %dma_start3A_66 = arith.constant 0 : i32
    %dma_start3A_67 = tpu.memref_slice %arg5[%add3A_4, %dma_start3A_65, %dma_start3A_66] : memref<256x64x2048xf32, #tpu.memory_space<hbm>> -> memref<1x8x2048xf32, #tpu.memory_space<hbm>>
    %dma_start3A_68 = tpu.memref_squeeze %dma_start3A_67 : memref<1x8x2048xf32, #tpu.memory_space<hbm>> -> memref<8x2048xf32, #tpu.memory_space<hbm>>
    %dma_start3A_69 = arith.constant 24 : i32
    %dma_start3A_70 = arith.constant 0 : i32
    %dma_start3A_71 = tpu.memref_slice %arg5[%add3A_4, %dma_start3A_69, %dma_start3A_70] : memref<256x64x2048xf32, #tpu.memory_space<hbm>> -> memref<1x8x2048xf32, #tpu.memory_space<hbm>>
    %dma_start3A_72 = tpu.memref_squeeze %dma_start3A_71 : memref<1x8x2048xf32, #tpu.memory_space<hbm>> -> memref<8x2048xf32, #tpu.memory_space<hbm>>
    %dma_start3A_73 = arith.constant 0 : i32
    %dma_start3A_74 = arith.constant 0 : i32
    %dma_start3A_75 = tpu.memref_slice %arg9[%dma_start3A_60, %dma_start3A_73, %dma_start3A_74] : memref<2x8x2048xf32, #tpu.memory_space<vmem>> -> memref<1x8x2048xf32, #tpu.memory_space<vmem>>
    %dma_start3A_76 = tpu.memref_squeeze %dma_start3A_75 : memref<1x8x2048xf32, #tpu.memory_space<vmem>> -> memref<8x2048xf32, #tpu.memory_space<vmem>>
    tpu.enqueue_dma source(%dma_start3A_76 : memref<8x2048xf32, #tpu.memory_space<vmem>>) target(%dma_start3A_72 : memref<8x2048xf32, #tpu.memory_space<hbm>>) target_semaphore(%arg10 : memref<!tpu.dma_semaphore, #tpu.memory_space<semaphore_mem>>)
    %dma_start3A_77 = arith.constant 0 : i32
    %dma_start3A_78 = arith.constant 0 : i32
    %dma_start3A_79 = arith.constant 0 : i32
    %dma_start3A_80 = tpu.memref_slice %arg9[%dma_start3A_77, %dma_start3A_78, %dma_start3A_79] : memref<2x8x2048xf32, #tpu.memory_space<vmem>> -> memref<1x8x2048xf32, #tpu.memory_space<vmem>>
    %dma_start3A_81 = tpu.memref_squeeze %dma_start3A_80 : memref<1x8x2048xf32, #tpu.memory_space<vmem>> -> memref<8x2048xf32, #tpu.memory_space<vmem>>
    %dma_start3A_82 = arith.constant 32 : i32
    %dma_start3A_83 = arith.constant 0 : i32
    %dma_start3A_84 = tpu.memref_slice %arg5[%add3A_4, %dma_start3A_82, %dma_start3A_83] : memref<256x64x2048xf32, #tpu.memory_space<hbm>> -> memref<1x8x2048xf32, #tpu.memory_space<hbm>>
    %dma_start3A_85 = tpu.memref_squeeze %dma_start3A_84 : memref<1x8x2048xf32, #tpu.memory_space<hbm>> -> memref<8x2048xf32, #tpu.memory_space<hbm>>
    %dma_start3A_86 = arith.constant 32 : i32
    %dma_start3A_87 = arith.constant 0 : i32
    %dma_start3A_88 = tpu.memref_slice %arg5[%add3A_4, %dma_start3A_86, %dma_start3A_87] : memref<256x64x2048xf32, #tpu.memory_space<hbm>> -> memref<1x8x2048xf32, #tpu.memory_space<hbm>>
    %dma_start3A_89 = tpu.memref_squeeze %dma_start3A_88 : memref<1x8x2048xf32, #tpu.memory_space<hbm>> -> memref<8x2048xf32, #tpu.memory_space<hbm>>
    %dma_start3A_90 = arith.constant 0 : i32
    %dma_start3A_91 = arith.constant 0 : i32
    %dma_start3A_92 = tpu.memref_slice %arg9[%dma_start3A_77, %dma_start3A_90, %dma_start3A_91] : memref<2x8x2048xf32, #tpu.memory_space<vmem>> -> memref<1x8x2048xf32, #tpu.memory_space<vmem>>
    %dma_start3A_93 = tpu.memref_squeeze %dma_start3A_92 : memref<1x8x2048xf32, #tpu.memory_space<vmem>> -> memref<8x2048xf32, #tpu.memory_space<vmem>>
    tpu.enqueue_dma source(%dma_start3A_93 : memref<8x2048xf32, #tpu.memory_space<vmem>>) target(%dma_start3A_89 : memref<8x2048xf32, #tpu.memory_space<hbm>>) target_semaphore(%arg10 : memref<!tpu.dma_semaphore, #tpu.memory_space<semaphore_mem>>)
    %dma_start3A_94 = arith.constant 0 : i32
    %dma_start3A_95 = arith.constant 0 : i32
    %dma_start3A_96 = arith.constant 0 : i32
    %dma_start3A_97 = tpu.memref_slice %arg9[%dma_start3A_94, %dma_start3A_95, %dma_start3A_96] : memref<2x8x2048xf32, #tpu.memory_space<vmem>> -> memref<1x8x2048xf32, #tpu.memory_space<vmem>>
    %dma_start3A_98 = tpu.memref_squeeze %dma_start3A_97 : memref<1x8x2048xf32, #tpu.memory_space<vmem>> -> memref<8x2048xf32, #tpu.memory_space<vmem>>
    %dma_start3A_99 = arith.constant 40 : i32
    %dma_start3A_100 = arith.constant 0 : i32
    %dma_start3A_101 = tpu.memref_slice %arg5[%add3A_4, %dma_start3A_99, %dma_start3A_100] : memref<256x64x2048xf32, #tpu.memory_space<hbm>> -> memref<1x8x2048xf32, #tpu.memory_space<hbm>>
    %dma_start3A_102 = tpu.memref_squeeze %dma_start3A_101 : memref<1x8x2048xf32, #tpu.memory_space<hbm>> -> memref<8x2048xf32, #tpu.memory_space<hbm>>
    %dma_start3A_103 = arith.constant 40 : i32
    %dma_start3A_104 = arith.constant 0 : i32
    %dma_start3A_105 = tpu.memref_slice %arg5[%add3A_4, %dma_start3A_103, %dma_start3A_104] : memref<256x64x2048xf32, #tpu.memory_space<hbm>> -> memref<1x8x2048xf32, #tpu.memory_space<hbm>>
    %dma_start3A_106 = tpu.memref_squeeze %dma_start3A_105 : memref<1x8x2048xf32, #tpu.memory_space<hbm>> -> memref<8x2048xf32, #tpu.memory_space<hbm>>
    %dma_start3A_107 = arith.constant 0 : i32
    %dma_start3A_108 = arith.constant 0 : i32
    %dma_start3A_109 = tpu.memref_slice %arg9[%dma_start3A_94, %dma_start3A_107, %dma_start3A_108] : memref<2x8x2048xf32, #tpu.memory_space<vmem>> -> memref<1x8x2048xf32, #tpu.memory_space<vmem>>
    %dma_start3A_110 = tpu.memref_squeeze %dma_start3A_109 : memref<1x8x2048xf32, #tpu.memory_space<vmem>> -> memref<8x2048xf32, #tpu.memory_space<vmem>>
    tpu.enqueue_dma source(%dma_start3A_110 : memref<8x2048xf32, #tpu.memory_space<vmem>>) target(%dma_start3A_106 : memref<8x2048xf32, #tpu.memory_space<hbm>>) target_semaphore(%arg10 : memref<!tpu.dma_semaphore, #tpu.memory_space<semaphore_mem>>)
    %dma_start3A_111 = arith.constant 0 : i32
    %dma_start3A_112 = arith.constant 0 : i32
    %dma_start3A_113 = arith.constant 0 : i32
    %dma_start3A_114 = tpu.memref_slice %arg9[%dma_start3A_111, %dma_start3A_112, %dma_start3A_113] : memref<2x8x2048xf32, #tpu.memory_space<vmem>> -> memref<1x8x2048xf32, #tpu.memory_space<vmem>>
    %dma_start3A_115 = tpu.memref_squeeze %dma_start3A_114 : memref<1x8x2048xf32, #tpu.memory_space<vmem>> -> memref<8x2048xf32, #tpu.memory_space<vmem>>
    %dma_start3A_116 = arith.constant 48 : i32
    %dma_start3A_117 = arith.constant 0 : i32
    %dma_start3A_118 = tpu.memref_slice %arg5[%add3A_4, %dma_start3A_116, %dma_start3A_117] : memref<256x64x2048xf32, #tpu.memory_space<hbm>> -> memref<1x8x2048xf32, #tpu.memory_space<hbm>>
    %dma_start3A_119 = tpu.memref_squeeze %dma_start3A_118 : memref<1x8x2048xf32, #tpu.memory_space<hbm>> -> memref<8x2048xf32, #tpu.memory_space<hbm>>
    %dma_start3A_120 = arith.constant 48 : i32
    %dma_start3A_121 = arith.constant 0 : i32
    %dma_start3A_122 = tpu.memref_slice %arg5[%add3A_4, %dma_start3A_120, %dma_start3A_121] : memref<256x64x2048xf32, #tpu.memory_space<hbm>> -> memref<1x8x2048xf32, #tpu.memory_space<hbm>>
    %dma_start3A_123 = tpu.memref_squeeze %dma_start3A_122 : memref<1x8x2048xf32, #tpu.memory_space<hbm>> -> memref<8x2048xf32, #tpu.memory_space<hbm>>
    %dma_start3A_124 = arith.constant 0 : i32
    %dma_start3A_125 = arith.constant 0 : i32
    %dma_start3A_126 = tpu.memref_slice %arg9[%dma_start3A_111, %dma_start3A_124, %dma_start3A_125] : memref<2x8x2048xf32, #tpu.memory_space<vmem>> -> memref<1x8x2048xf32, #tpu.memory_space<vmem>>
    %dma_start3A_127 = tpu.memref_squeeze %dma_start3A_126 : memref<1x8x2048xf32, #tpu.memory_space<vmem>> -> memref<8x2048xf32, #tpu.memory_space<vmem>>
    tpu.enqueue_dma source(%dma_start3A_127 : memref<8x2048xf32, #tpu.memory_space<vmem>>) target(%dma_start3A_123 : memref<8x2048xf32, #tpu.memory_space<hbm>>) target_semaphore(%arg10 : memref<!tpu.dma_semaphore, #tpu.memory_space<semaphore_mem>>)
    %dma_start3A_128 = arith.constant 0 : i32
    %dma_start3A_129 = arith.constant 0 : i32
    %dma_start3A_130 = arith.constant 0 : i32
    %dma_start3A_131 = tpu.memref_slice %arg9[%dma_start3A_128, %dma_start3A_129, %dma_start3A_130] : memref<2x8x2048xf32, #tpu.memory_space<vmem>> -> memref<1x8x2048xf32, #tpu.memory_space<vmem>>
    %dma_start3A_132 = tpu.memref_squeeze %dma_start3A_131 : memref<1x8x2048xf32, #tpu.memory_space<vmem>> -> memref<8x2048xf32, #tpu.memory_space<vmem>>
    %dma_start3A_133 = arith.constant 56 : i32
    %dma_start3A_134 = arith.constant 0 : i32
    %dma_start3A_135 = tpu.memref_slice %arg5[%add3A_4, %dma_start3A_133, %dma_start3A_134] : memref<256x64x2048xf32, #tpu.memory_space<hbm>> -> memref<1x8x2048xf32, #tpu.memory_space<hbm>>
    %dma_start3A_136 = tpu.memref_squeeze %dma_start3A_135 : memref<1x8x2048xf32, #tpu.memory_space<hbm>> -> memref<8x2048xf32, #tpu.memory_space<hbm>>
    %dma_start3A_137 = arith.constant 56 : i32
    %dma_start3A_138 = arith.constant 0 : i32
    %dma_start3A_139 = tpu.memref_slice %arg5[%add3A_4, %dma_start3A_137, %dma_start3A_138] : memref<256x64x2048xf32, #tpu.memory_space<hbm>> -> memref<1x8x2048xf32, #tpu.memory_space<hbm>>
    %dma_start3A_140 = tpu.memref_squeeze %dma_start3A_139 : memref<1x8x2048xf32, #tpu.memory_space<hbm>> -> memref<8x2048xf32, #tpu.memory_space<hbm>>
    %dma_start3A_141 = arith.constant 0 : i32
    %dma_start3A_142 = arith.constant 0 : i32
    %dma_start3A_143 = tpu.memref_slice %arg9[%dma_start3A_128, %dma_start3A_141, %dma_start3A_142] : memref<2x8x2048xf32, #tpu.memory_space<vmem>> -> memref<1x8x2048xf32, #tpu.memory_space<vmem>>
    %dma_start3A_144 = tpu.memref_squeeze %dma_start3A_143 : memref<1x8x2048xf32, #tpu.memory_space<vmem>> -> memref<8x2048xf32, #tpu.memory_space<vmem>>
    tpu.enqueue_dma source(%dma_start3A_144 : memref<8x2048xf32, #tpu.memory_space<vmem>>) target(%dma_start3A_140 : memref<8x2048xf32, #tpu.memory_space<hbm>>) target_semaphore(%arg10 : memref<!tpu.dma_semaphore, #tpu.memory_space<semaphore_mem>>)
    %mul3A_145 = arith.constant 8 : i32
    %mul3A_146 = arith.muli %add3A, %mul3A_145 : i32
    %add3A_147 = arith.constant 1 : i32
    %add3A_148 = arith.addi %mul3A_146, %add3A_147 : i32
    "tpu.region"() ({
      %run_scoped3A = tpu.sem_alloc : memref<!tpu.dma_semaphore, #tpu.memory_space<semaphore_mem>>
      %dma_start3A_2254 = arith.constant 0 : i32
      %dma_start3A_2255 = arith.constant 0 : i32
      %dma_start3A_2256 = tpu.memref_slice %arg2[%add3A_148, %dma_start3A_2254, %dma_start3A_2255] : memref<256x256x256xf32, #tpu.memory_space<hbm>> -> memref<1x256x256xf32, #tpu.memory_space<hbm>>
      %dma_start3A_2257 = tpu.memref_squeeze %dma_start3A_2256 : memref<1x256x256xf32, #tpu.memory_space<hbm>> -> memref<256x256xf32, #tpu.memory_space<hbm>>
      %dma_start3A_2258 = arith.constant 0 : i32
      %dma_start3A_2259 = arith.constant 0 : i32
      %dma_start3A_2260 = tpu.memref_slice %arg2[%add3A_148, %dma_start3A_2258, %dma_start3A_2259] : memref<256x256x256xf32, #tpu.memory_space<hbm>> -> memref<1x256x256xf32, #tpu.memory_space<hbm>>
      %dma_start3A_2261 = tpu.memref_squeeze %dma_start3A_2260 : memref<1x256x256xf32, #tpu.memory_space<hbm>> -> memref<256x256xf32, #tpu.memory_space<hbm>>
      tpu.enqueue_dma source(%dma_start3A_2261 : memref<256x256xf32, #tpu.memory_space<hbm>>) target(%arg6 : memref<256x256xf32, #tpu.memory_space<vmem>>) target_semaphore(%run_scoped3A : memref<!tpu.dma_semaphore, #tpu.memory_space<semaphore_mem>>)
      %dma_wait3A_2262 = arith.constant 0 : i32
      %dma_wait3A_2263 = arith.constant 0 : i32
      %dma_wait3A_2264 = tpu.memref_slice %arg2[%add3A_148, %dma_wait3A_2262, %dma_wait3A_2263] : memref<256x256x256xf32, #tpu.memory_space<hbm>> -> memref<1x256x256xf32, #tpu.memory_space<hbm>>
      %dma_wait3A_2265 = tpu.memref_squeeze %dma_wait3A_2264 : memref<1x256x256xf32, #tpu.memory_space<hbm>> -> memref<256x256xf32, #tpu.memory_space<hbm>>
      %dma_wait3A_2266 = arith.constant 0 : i32
      %dma_wait3A_2267 = arith.constant 0 : i32
      %dma_wait3A_2268 = tpu.memref_slice %arg2[%add3A_148, %dma_wait3A_2266, %dma_wait3A_2267] : memref<256x256x256xf32, #tpu.memory_space<hbm>> -> memref<1x256x256xf32, #tpu.memory_space<hbm>>
      %dma_wait3A_2269 = tpu.memref_squeeze %dma_wait3A_2268 : memref<1x256x256xf32, #tpu.memory_space<hbm>> -> memref<256x256xf32, #tpu.memory_space<hbm>>
      tpu.wait_dma2 semaphore(%run_scoped3A : memref<!tpu.dma_semaphore, #tpu.memory_space<semaphore_mem>>) src(%dma_wait3A_2269 : memref<256x256xf32, #tpu.memory_space<hbm>>) dst(%arg6 : memref<256x256xf32, #tpu.memory_space<vmem>>)
      tpu.yield
    }) : () -> ()
    %scan3A_149 = arith.constant 0 : i32
    %scan3A_150 = arith.constant 0 : i32
    %scan3A_151 = arith.constant 128 : i32
    %scan3A_152 = arith.addi %scan3A_150, %scan3A_151 : i32
    %scan3A_153 = arith.constant 1 : i32
    scf.for %scan3A_2254 = %scan3A_150 to %scan3A_152 step %scan3A_153  : i32 {
      %mul3A_2255 = arith.constant 16 : i32
      %mul3A_2256 = arith.muli %scan3A_2254, %mul3A_2255 : i32
      %multiple_of3A = tpu.assume_multiple %mul3A_2256, 16 : i32
      %get3A = arith.constant 0 : i32
      %get3A_2257 = arith.index_cast %get3A : i32 to index
      %get3A_2258 = arith.index_cast %multiple_of3A : i32 to index
      %get3A_2259 = tpu.vector_load %arg7[%get3A_2257, %get3A_2258] {strides = array<i32>} : memref<4x2048xi32, #tpu.memory_space<vmem>>, vector<16xi32>,
      %get3A_2260 = arith.constant 1 : i32
      %get3A_2261 = arith.index_cast %get3A_2260 : i32 to index
      %get3A_2262 = arith.index_cast %multiple_of3A : i32 to index
      %get3A_2263 = tpu.vector_load %arg7[%get3A_2261, %get3A_2262] {strides = array<i32>} : memref<4x2048xi32, #tpu.memory_space<vmem>>, vector<16xi32>,
      %get3A_2264 = arith.constant 2 : i32
      %get3A_2265 = arith.index_cast %get3A_2264 : i32 to index
      %get3A_2266 = arith.index_cast %multiple_of3A : i32 to index
      %get3A_2267 = tpu.vector_load %arg7[%get3A_2265, %get3A_2266] {strides = array<i32>} : memref<4x2048xi32, #tpu.memory_space<vmem>>, vector<16xi32>,
      %get3A_2268 = arith.constant 3 : i32
      %get3A_2269 = arith.index_cast %get3A_2268 : i32 to index
      %get3A_2270 = arith.index_cast %multiple_of3A : i32 to index
      %get3A_2271 = tpu.vector_load %arg7[%get3A_2269, %get3A_2270] {strides = array<i32>} : memref<4x2048xi32, #tpu.memory_space<vmem>>, vector<16xi32>,
      %gather3A = tpu.vector_load_idx %arg6[%get3A_2259, %get3A_2267] : memref<256x256xf32, #tpu.memory_space<vmem>>[vector<16xi32>, vector<16xi32>], vector<16xf32>,
      %gather3A_2272 = tpu.vector_load_idx %arg6[%get3A_2259, %get3A_2271] : memref<256x256xf32, #tpu.memory_space<vmem>>[vector<16xi32>, vector<16xi32>], vector<16xf32>,
      %gather3A_2273 = tpu.vector_load_idx %arg6[%get3A_2263, %get3A_2267] : memref<256x256xf32, #tpu.memory_space<vmem>>[vector<16xi32>, vector<16xi32>], vector<16xf32>,
      %gather3A_2274 = tpu.vector_load_idx %arg6[%get3A_2263, %get3A_2271] : memref<256x256xf32, #tpu.memory_space<vmem>>[vector<16xi32>, vector<16xi32>], vector<16xf32>,
      %get3A_2275 = arith.constant 0 : i32
      %get3A_2276 = arith.index_cast %get3A_2275 : i32 to index
      %get3A_2277 = arith.index_cast %multiple_of3A : i32 to index
      %get3A_2278 = tpu.vector_load %arg8[%get3A_2276, %get3A_2277] {strides = array<i32>} : memref<4x2048xf32, #tpu.memory_space<vmem>>, vector<16xf32>,
      %mul3A_2279 = arith.mulf %gather3A, %get3A_2278 : vector<16xf32>
      %get3A_2280 = arith.constant 1 : i32
      %get3A_2281 = arith.index_cast %get3A_2280 : i32 to index
      %get3A_2282 = arith.index_cast %multiple_of3A : i32 to index
      %get3A_2283 = tpu.vector_load %arg8[%get3A_2281, %get3A_2282] {strides = array<i32>} : memref<4x2048xf32, #tpu.memory_space<vmem>>, vector<16xf32>,
      %mul3A_2284 = arith.mulf %gather3A_2272, %get3A_2283 : vector<16xf32>
      %add3A_2285 = arith.addf %mul3A_2279, %mul3A_2284 : vector<16xf32>
      %get3A_2286 = arith.constant 2 : i32
      %get3A_2287 = arith.index_cast %get3A_2286 : i32 to index
      %get3A_2288 = arith.index_cast %multiple_of3A : i32 to index
      %get3A_2289 = tpu.vector_load %arg8[%get3A_2287, %get3A_2288] {strides = array<i32>} : memref<4x2048xf32, #tpu.memory_space<vmem>>, vector<16xf32>,
      %mul3A_2290 = arith.mulf %gather3A_2273, %get3A_2289 : vector<16xf32>
      %add3A_2291 = arith.addf %add3A_2285, %mul3A_2290 : vector<16xf32>
      %get3A_2292 = arith.constant 3 : i32
      %get3A_2293 = arith.index_cast %get3A_2292 : i32 to index
      %get3A_2294 = arith.index_cast %multiple_of3A : i32 to index
      %get3A_2295 = tpu.vector_load %arg8[%get3A_2293, %get3A_2294] {strides = array<i32>} : memref<4x2048xf32, #tpu.memory_space<vmem>>, vector<16xf32>,
      %mul3A_2296 = arith.mulf %gather3A_2274, %get3A_2295 : vector<16xf32>
      %add3A_2297 = arith.addf %add3A_2291, %mul3A_2296 : vector<16xf32>
      %swap3A = arith.constant 1 : i32
      %swap3A_2298 = arith.constant 0 : i32
      %swap3A_2299 = arith.index_cast %swap3A : i32 to index
      %swap3A_2300 = arith.index_cast %swap3A_2298 : i32 to index
      %swap3A_2301 = arith.index_cast %multiple_of3A : i32 to index
      %swap3A_2302 = tpu.vector_load %arg9[%swap3A_2299, %swap3A_2300, %swap3A_2301] {strides = array<i32>} : memref<2x8x2048xf32, #tpu.memory_space<vmem>>, vector<16xf32>,
      tpu.vector_store %arg9[%swap3A_2299, %swap3A_2300, %swap3A_2301], %add3A_2297 {strides = array<i32>} : memref<2x8x2048xf32, #tpu.memory_space<vmem>>, vector<16xf32>,
      %swap3A_2303 = arith.constant 1 : i32
      %swap3A_2304 = arith.constant 1 : i32
      %swap3A_2305 = arith.index_cast %swap3A_2303 : i32 to index
      %swap3A_2306 = arith.index_cast %swap3A_2304 : i32 to index
      %swap3A_2307 = arith.index_cast %multiple_of3A : i32 to index
      %swap3A_2308 = tpu.vector_load %arg9[%swap3A_2305, %swap3A_2306, %swap3A_2307] {strides = array<i32>} : memref<2x8x2048xf32, #tpu.memory_space<vmem>>, vector<16xf32>,
      tpu.vector_store %arg9[%swap3A_2305, %swap3A_2306, %swap3A_2307], %add3A_2297 {strides = array<i32>} : memref<2x8x2048xf32, #tpu.memory_space<vmem>>, vector<16xf32>,
      %swap3A_2309 = arith.constant 1 : i32
      %swap3A_2310 = arith.constant 2 : i32
      %swap3A_2311 = arith.index_cast %swap3A_2309 : i32 to index
      %swap3A_2312 = arith.index_cast %swap3A_2310 : i32 to index
      %swap3A_2313 = arith.index_cast %multiple_of3A : i32 to index
      %swap3A_2314 = tpu.vector_load %arg9[%swap3A_2311, %swap3A_2312, %swap3A_2313] {strides = array<i32>} : memref<2x8x2048xf32, #tpu.memory_space<vmem>>, vector<16xf32>,
      tpu.vector_store %arg9[%swap3A_2311, %swap3A_2312, %swap3A_2313], %add3A_2297 {strides = array<i32>} : memref<2x8x2048xf32, #tpu.memory_space<vmem>>, vector<16xf32>,
      %swap3A_2315 = arith.constant 1 : i32
      %swap3A_2316 = arith.constant 3 : i32
      %swap3A_2317 = arith.index_cast %swap3A_2315 : i32 to index
      %swap3A_2318 = arith.index_cast %swap3A_2316 : i32 to index
      %swap3A_2319 = arith.index_cast %multiple_of3A : i32 to index
      %swap3A_2320 = tpu.vector_load %arg9[%swap3A_2317, %swap3A_2318, %swap3A_2319] {strides = array<i32>} : memref<2x8x2048xf32, #tpu.memory_space<vmem>>, vector<16xf32>,
      tpu.vector_store %arg9[%swap3A_2317, %swap3A_2318, %swap3A_2319], %add3A_2297 {strides = array<i32>} : memref<2x8x2048xf32, #tpu.memory_space<vmem>>, vector<16xf32>,
      %swap3A_2321 = arith.constant 1 : i32
      %swap3A_2322 = arith.constant 4 : i32
      %swap3A_2323 = arith.index_cast %swap3A_2321 : i32 to index
      %swap3A_2324 = arith.index_cast %swap3A_2322 : i32 to index
      %swap3A_2325 = arith.index_cast %multiple_of3A : i32 to index
      %swap3A_2326 = tpu.vector_load %arg9[%swap3A_2323, %swap3A_2324, %swap3A_2325] {strides = array<i32>} : memref<2x8x2048xf32, #tpu.memory_space<vmem>>, vector<16xf32>,
      tpu.vector_store %arg9[%swap3A_2323, %swap3A_2324, %swap3A_2325], %add3A_2297 {strides = array<i32>} : memref<2x8x2048xf32, #tpu.memory_space<vmem>>, vector<16xf32>,
      %swap3A_2327 = arith.constant 1 : i32
      %swap3A_2328 = arith.constant 5 : i32
      %swap3A_2329 = arith.index_cast %swap3A_2327 : i32 to index
      %swap3A_2330 = arith.index_cast %swap3A_2328 : i32 to index
      %swap3A_2331 = arith.index_cast %multiple_of3A : i32 to index
      %swap3A_2332 = tpu.vector_load %arg9[%swap3A_2329, %swap3A_2330, %swap3A_2331] {strides = array<i32>} : memref<2x8x2048xf32, #tpu.memory_space<vmem>>, vector<16xf32>,
      tpu.vector_store %arg9[%swap3A_2329, %swap3A_2330, %swap3A_2331], %add3A_2297 {strides = array<i32>} : memref<2x8x2048xf32, #tpu.memory_space<vmem>>, vector<16xf32>,
      %swap3A_2333 = arith.constant 1 : i32
      %swap3A_2334 = arith.constant 6 : i32
      %swap3A_2335 = arith.index_cast %swap3A_2333 : i32 to index
      %swap3A_2336 = arith.index_cast %swap3A_2334 : i32 to index
      %swap3A_2337 = arith.index_cast %multiple_of3A : i32 to index
      %swap3A_2338 = tpu.vector_load %arg9[%swap3A_2335, %swap3A_2336, %swap3A_2337] {strides = array<i32>} : memref<2x8x2048xf32, #tpu.memory_space<vmem>>, vector<16xf32>,
      tpu.vector_store %arg9[%swap3A_2335, %swap3A_2336, %swap3A_2337], %add3A_2297 {strides = array<i32>} : memref<2x8x2048xf32, #tpu.memory_space<vmem>>, vector<16xf32>,
      %swap3A_2339 = arith.constant 1 : i32
      %swap3A_2340 = arith.constant 7 : i32
      %swap3A_2341 = arith.index_cast %swap3A_2339 : i32 to index
      %swap3A_2342 = arith.index_cast %swap3A_2340 : i32 to index
      %swap3A_2343 = arith.index_cast %multiple_of3A : i32 to index
      %swap3A_2344 = tpu.vector_load %arg9[%swap3A_2341, %swap3A_2342, %swap3A_2343] {strides = array<i32>} : memref<2x8x2048xf32, #tpu.memory_space<vmem>>, vector<16xf32>,
      tpu.vector_store %arg9[%swap3A_2341, %swap3A_2342, %swap3A_2343], %add3A_2297 {strides = array<i32>} : memref<2x8x2048xf32, #tpu.memory_space<vmem>>, vector<16xf32>,
    }
    %scan3A_154 = arith.constant 128 : i32
    %dma_start3A_155 = arith.constant 1 : i32
    %dma_start3A_156 = arith.constant 0 : i32
    %dma_start3A_157 = arith.constant 0 : i32
    %dma_start3A_158 = tpu.memref_slice %arg9[%dma_start3A_155, %dma_start3A_156, %dma_start3A_157] : memref<2x8x2048xf32, #tpu.memory_space<vmem>> -> memref<1x8x2048xf32, #tpu.memory_space<vmem>>
    %dma_start3A_159 = tpu.memref_squeeze %dma_start3A_158 : memref<1x8x2048xf32, #tpu.memory_space<vmem>> -> memref<8x2048xf32, #tpu.memory_space<vmem>>
    %dma_start3A_160 = arith.constant 0 : i32
    %dma_start3A_161 = arith.constant 0 : i32
    %dma_start3A_162 = tpu.memref_slice %arg5[%add3A_148, %dma_start3A_160, %dma_start3A_161] : memref<256x64x2048xf32, #tpu.memory_space<hbm>> -> memref<1x8x2048xf32, #tpu.memory_space<hbm>>
    %dma_start3A_163 = tpu.memref_squeeze %dma_start3A_162 : memref<1x8x2048xf32, #tpu.memory_space<hbm>> -> memref<8x2048xf32, #tpu.memory_space<hbm>>
    %dma_start3A_164 = arith.constant 0 : i32
    %dma_start3A_165 = arith.constant 0 : i32
    %dma_start3A_166 = tpu.memref_slice %arg5[%add3A_148, %dma_start3A_164, %dma_start3A_165] : memref<256x64x2048xf32, #tpu.memory_space<hbm>> -> memref<1x8x2048xf32, #tpu.memory_space<hbm>>
    %dma_start3A_167 = tpu.memref_squeeze %dma_start3A_166 : memref<1x8x2048xf32, #tpu.memory_space<hbm>> -> memref<8x2048xf32, #tpu.memory_space<hbm>>
    %dma_start3A_168 = arith.constant 0 : i32
    %dma_start3A_169 = arith.constant 0 : i32
    %dma_start3A_170 = tpu.memref_slice %arg9[%dma_start3A_155, %dma_start3A_168, %dma_start3A_169] : memref<2x8x2048xf32, #tpu.memory_space<vmem>> -> memref<1x8x2048xf32, #tpu.memory_space<vmem>>
    %dma_start3A_171 = tpu.memref_squeeze %dma_start3A_170 : memref<1x8x2048xf32, #tpu.memory_space<vmem>> -> memref<8x2048xf32, #tpu.memory_space<vmem>>
    tpu.enqueue_dma source(%dma_start3A_171 : memref<8x2048xf32, #tpu.memory_space<vmem>>) target(%dma_start3A_167 : memref<8x2048xf32, #tpu.memory_space<hbm>>) target_semaphore(%arg11 : memref<!tpu.dma_semaphore, #tpu.memory_space<semaphore_mem>>)
    %dma_start3A_172 = arith.constant 1 : i32
    %dma_start3A_173 = arith.constant 0 : i32
    %dma_start3A_174 = arith.constant 0 : i32
    %dma_start3A_175 = tpu.memref_slice %arg9[%dma_start3A_172, %dma_start3A_173, %dma_start3A_174] : memref<2x8x2048xf32, #tpu.memory_space<vmem>> -> memref<1x8x2048xf32, #tpu.memory_space<vmem>>
    %dma_start3A_176 = tpu.memref_squeeze %dma_start3A_175 : memref<1x8x2048xf32, #tpu.memory_space<vmem>> -> memref<8x2048xf32, #tpu.memory_space<vmem>>
    %dma_start3A_177 = arith.constant 8 : i32
    %dma_start3A_178 = arith.constant 0 : i32
    %dma_start3A_179 = tpu.memref_slice %arg5[%add3A_148, %dma_start3A_177, %dma_start3A_178] : memref<256x64x2048xf32, #tpu.memory_space<hbm>> -> memref<1x8x2048xf32, #tpu.memory_space<hbm>>
    %dma_start3A_180 = tpu.memref_squeeze %dma_start3A_179 : memref<1x8x2048xf32, #tpu.memory_space<hbm>> -> memref<8x2048xf32, #tpu.memory_space<hbm>>
    %dma_start3A_181 = arith.constant 8 : i32
    %dma_start3A_182 = arith.constant 0 : i32
    %dma_start3A_183 = tpu.memref_slice %arg5[%add3A_148, %dma_start3A_181, %dma_start3A_182] : memref<256x64x2048xf32, #tpu.memory_space<hbm>> -> memref<1x8x2048xf32, #tpu.memory_space<hbm>>
    %dma_start3A_184 = tpu.memref_squeeze %dma_start3A_183 : memref<1x8x2048xf32, #tpu.memory_space<hbm>> -> memref<8x2048xf32, #tpu.memory_space<hbm>>
    %dma_start3A_185 = arith.constant 0 : i32
    %dma_start3A_186 = arith.constant 0 : i32
    %dma_start3A_187 = tpu.memref_slice %arg9[%dma_start3A_172, %dma_start3A_185, %dma_start3A_186] : memref<2x8x2048xf32, #tpu.memory_space<vmem>> -> memref<1x8x2048xf32, #tpu.memory_space<vmem>>
    %dma_start3A_188 = tpu.memref_squeeze %dma_start3A_187 : memref<1x8x2048xf32, #tpu.memory_space<vmem>> -> memref<8x2048xf32, #tpu.memory_space<vmem>>
    tpu.enqueue_dma source(%dma_start3A_188 : memref<8x2048xf32, #tpu.memory_space<vmem>>) target(%dma_start3A_184 : memref<8x2048xf32, #tpu.memory_space<hbm>>) target_semaphore(%arg11 : memref<!tpu.dma_semaphore, #tpu.memory_space<semaphore_mem>>)
    %dma_start3A_189 = arith.constant 1 : i32
    %dma_start3A_190 = arith.constant 0 : i32
    %dma_start3A_191 = arith.constant 0 : i32
    %dma_start3A_192 = tpu.memref_slice %arg9[%dma_start3A_189, %dma_start3A_190, %dma_start3A_191] : memref<2x8x2048xf32, #tpu.memory_space<vmem>> -> memref<1x8x2048xf32, #tpu.memory_space<vmem>>
    %dma_start3A_193 = tpu.memref_squeeze %dma_start3A_192 : memref<1x8x2048xf32, #tpu.memory_space<vmem>> -> memref<8x2048xf32, #tpu.memory_space<vmem>>
    %dma_start3A_194 = arith.constant 16 : i32
    %dma_start3A_195 = arith.constant 0 : i32
    %dma_start3A_196 = tpu.memref_slice %arg5[%add3A_148, %dma_start3A_194, %dma_start3A_195] : memref<256x64x2048xf32, #tpu.memory_space<hbm>> -> memref<1x8x2048xf32, #tpu.memory_space<hbm>>
    %dma_start3A_197 = tpu.memref_squeeze %dma_start3A_196 : memref<1x8x2048xf32, #tpu.memory_space<hbm>> -> memref<8x2048xf32, #tpu.memory_space<hbm>>
    %dma_start3A_198 = arith.constant 16 : i32
    %dma_start3A_199 = arith.constant 0 : i32
    %dma_start3A_200 = tpu.memref_slice %arg5[%add3A_148, %dma_start3A_198, %dma_start3A_199] : memref<256x64x2048xf32, #tpu.memory_space<hbm>> -> memref<1x8x2048xf32, #tpu.memory_space<hbm>>
    %dma_start3A_201 = tpu.memref_squeeze %dma_start3A_200 : memref<1x8x2048xf32, #tpu.memory_space<hbm>> -> memref<8x2048xf32, #tpu.memory_space<hbm>>
    %dma_start3A_202 = arith.constant 0 : i32
    %dma_start3A_203 = arith.constant 0 : i32
    %dma_start3A_204 = tpu.memref_slice %arg9[%dma_start3A_189, %dma_start3A_202, %dma_start3A_203] : memref<2x8x2048xf32, #tpu.memory_space<vmem>> -> memref<1x8x2048xf32, #tpu.memory_space<vmem>>
    %dma_start3A_205 = tpu.memref_squeeze %dma_start3A_204 : memref<1x8x2048xf32, #tpu.memory_space<vmem>> -> memref<8x2048xf32, #tpu.memory_space<vmem>>
    tpu.enqueue_dma source(%dma_start3A_205 : memref<8x2048xf32, #tpu.memory_space<vmem>>) target(%dma_start3A_201 : memref<8x2048xf32, #tpu.memory_space<hbm>>) target_semaphore(%arg11 : memref<!tpu.dma_semaphore, #tpu.memory_space<semaphore_mem>>)
    %dma_start3A_206 = arith.constant 1 : i32
    %dma_start3A_207 = arith.constant 0 : i32
    %dma_start3A_208 = arith.constant 0 : i32
    %dma_start3A_209 = tpu.memref_slice %arg9[%dma_start3A_206, %dma_start3A_207, %dma_start3A_208] : memref<2x8x2048xf32, #tpu.memory_space<vmem>> -> memref<1x8x2048xf32, #tpu.memory_space<vmem>>
    %dma_start3A_210 = tpu.memref_squeeze %dma_start3A_209 : memref<1x8x2048xf32, #tpu.memory_space<vmem>> -> memref<8x2048xf32, #tpu.memory_space<vmem>>
    %dma_start3A_211 = arith.constant 24 : i32
    %dma_start3A_212 = arith.constant 0 : i32
    %dma_start3A_213 = tpu.memref_slice %arg5[%add3A_148, %dma_start3A_211, %dma_start3A_212] : memref<256x64x2048xf32, #tpu.memory_space<hbm>> -> memref<1x8x2048xf32, #tpu.memory_space<hbm>>
    %dma_start3A_214 = tpu.memref_squeeze %dma_start3A_213 : memref<1x8x2048xf32, #tpu.memory_space<hbm>> -> memref<8x2048xf32, #tpu.memory_space<hbm>>
    %dma_start3A_215 = arith.constant 24 : i32
    %dma_start3A_216 = arith.constant 0 : i32
    %dma_start3A_217 = tpu.memref_slice %arg5[%add3A_148, %dma_start3A_215, %dma_start3A_216] : memref<256x64x2048xf32, #tpu.memory_space<hbm>> -> memref<1x8x2048xf32, #tpu.memory_space<hbm>>
    %dma_start3A_218 = tpu.memref_squeeze %dma_start3A_217 : memref<1x8x2048xf32, #tpu.memory_space<hbm>> -> memref<8x2048xf32, #tpu.memory_space<hbm>>
    %dma_start3A_219 = arith.constant 0 : i32
    %dma_start3A_220 = arith.constant 0 : i32
    %dma_start3A_221 = tpu.memref_slice %arg9[%dma_start3A_206, %dma_start3A_219, %dma_start3A_220] : memref<2x8x2048xf32, #tpu.memory_space<vmem>> -> memref<1x8x2048xf32, #tpu.memory_space<vmem>>
    %dma_start3A_222 = tpu.memref_squeeze %dma_start3A_221 : memref<1x8x2048xf32, #tpu.memory_space<vmem>> -> memref<8x2048xf32, #tpu.memory_space<vmem>>
    tpu.enqueue_dma source(%dma_start3A_222 : memref<8x2048xf32, #tpu.memory_space<vmem>>) target(%dma_start3A_218 : memref<8x2048xf32, #tpu.memory_space<hbm>>) target_semaphore(%arg11 : memref<!tpu.dma_semaphore, #tpu.memory_space<semaphore_mem>>)
    %dma_start3A_223 = arith.constant 1 : i32
    %dma_start3A_224 = arith.constant 0 : i32
    %dma_start3A_225 = arith.constant 0 : i32
    %dma_start3A_226 = tpu.memref_slice %arg9[%dma_start3A_223, %dma_start3A_224, %dma_start3A_225] : memref<2x8x2048xf32, #tpu.memory_space<vmem>> -> memref<1x8x2048xf32, #tpu.memory_space<vmem>>
    %dma_start3A_227 = tpu.memref_squeeze %dma_start3A_226 : memref<1x8x2048xf32, #tpu.memory_space<vmem>> -> memref<8x2048xf32, #tpu.memory_space<vmem>>
    %dma_start3A_228 = arith.constant 32 : i32
    %dma_start3A_229 = arith.constant 0 : i32
    %dma_start3A_230 = tpu.memref_slice %arg5[%add3A_148, %dma_start3A_228, %dma_start3A_229] : memref<256x64x2048xf32, #tpu.memory_space<hbm>> -> memref<1x8x2048xf32, #tpu.memory_space<hbm>>
    %dma_start3A_231 = tpu.memref_squeeze %dma_start3A_230 : memref<1x8x2048xf32, #tpu.memory_space<hbm>> -> memref<8x2048xf32, #tpu.memory_space<hbm>>
    %dma_start3A_232 = arith.constant 32 : i32
    %dma_start3A_233 = arith.constant 0 : i32
    %dma_start3A_234 = tpu.memref_slice %arg5[%add3A_148, %dma_start3A_232, %dma_start3A_233] : memref<256x64x2048xf32, #tpu.memory_space<hbm>> -> memref<1x8x2048xf32, #tpu.memory_space<hbm>>
    %dma_start3A_235 = tpu.memref_squeeze %dma_start3A_234 : memref<1x8x2048xf32, #tpu.memory_space<hbm>> -> memref<8x2048xf32, #tpu.memory_space<hbm>>
    %dma_start3A_236 = arith.constant 0 : i32
    %dma_start3A_237 = arith.constant 0 : i32
    %dma_start3A_238 = tpu.memref_slice %arg9[%dma_start3A_223, %dma_start3A_236, %dma_start3A_237] : memref<2x8x2048xf32, #tpu.memory_space<vmem>> -> memref<1x8x2048xf32, #tpu.memory_space<vmem>>
    %dma_start3A_239 = tpu.memref_squeeze %dma_start3A_238 : memref<1x8x2048xf32, #tpu.memory_space<vmem>> -> memref<8x2048xf32, #tpu.memory_space<vmem>>
    tpu.enqueue_dma source(%dma_start3A_239 : memref<8x2048xf32, #tpu.memory_space<vmem>>) target(%dma_start3A_235 : memref<8x2048xf32, #tpu.memory_space<hbm>>) target_semaphore(%arg11 : memref<!tpu.dma_semaphore, #tpu.memory_space<semaphore_mem>>)
    %dma_start3A_240 = arith.constant 1 : i32
    %dma_start3A_241 = arith.constant 0 : i32
    %dma_start3A_242 = arith.constant 0 : i32
    %dma_start3A_243 = tpu.memref_slice %arg9[%dma_start3A_240, %dma_start3A_241, %dma_start3A_242] : memref<2x8x2048xf32, #tpu.memory_space<vmem>> -> memref<1x8x2048xf32, #tpu.memory_space<vmem>>
    %dma_start3A_244 = tpu.memref_squeeze %dma_start3A_243 : memref<1x8x2048xf32, #tpu.memory_space<vmem>> -> memref<8x2048xf32, #tpu.memory_space<vmem>>
    %dma_start3A_245 = arith.constant 40 : i32
    %dma_start3A_246 = arith.constant 0 : i32
    %dma_start3A_247 = tpu.memref_slice %arg5[%add3A_148, %dma_start3A_245, %dma_start3A_246] : memref<256x64x2048xf32, #tpu.memory_space<hbm>> -> memref<1x8x2048xf32, #tpu.memory_space<hbm>>
    %dma_start3A_248 = tpu.memref_squeeze %dma_start3A_247 : memref<1x8x2048xf32, #tpu.memory_space<hbm>> -> memref<8x2048xf32, #tpu.memory_space<hbm>>
    %dma_start3A_249 = arith.constant 40 : i32
    %dma_start3A_250 = arith.constant 0 : i32
    %dma_start3A_251 = tpu.memref_slice %arg5[%add3A_148, %dma_start3A_249, %dma_start3A_250] : memref<256x64x2048xf32, #tpu.memory_space<hbm>> -> memref<1x8x2048xf32, #tpu.memory_space<hbm>>
    %dma_start3A_252 = tpu.memref_squeeze %dma_start3A_251 : memref<1x8x2048xf32, #tpu.memory_space<hbm>> -> memref<8x2048xf32, #tpu.memory_space<hbm>>
    %dma_start3A_253 = arith.constant 0 : i32
    %dma_start3A_254 = arith.constant 0 : i32
    %dma_start3A_255 = tpu.memref_slice %arg9[%dma_start3A_240, %dma_start3A_253, %dma_start3A_254] : memref<2x8x2048xf32, #tpu.memory_space<vmem>> -> memref<1x8x2048xf32, #tpu.memory_space<vmem>>
    %dma_start3A_256 = tpu.memref_squeeze %dma_start3A_255 : memref<1x8x2048xf32, #tpu.memory_space<vmem>> -> memref<8x2048xf32, #tpu.memory_space<vmem>>
    tpu.enqueue_dma source(%dma_start3A_256 : memref<8x2048xf32, #tpu.memory_space<vmem>>) target(%dma_start3A_252 : memref<8x2048xf32, #tpu.memory_space<hbm>>) target_semaphore(%arg11 : memref<!tpu.dma_semaphore, #tpu.memory_space<semaphore_mem>>)
    %dma_start3A_257 = arith.constant 1 : i32
    %dma_start3A_258 = arith.constant 0 : i32
    %dma_start3A_259 = arith.constant 0 : i32
    %dma_start3A_260 = tpu.memref_slice %arg9[%dma_start3A_257, %dma_start3A_258, %dma_start3A_259] : memref<2x8x2048xf32, #tpu.memory_space<vmem>> -> memref<1x8x2048xf32, #tpu.memory_space<vmem>>
    %dma_start3A_261 = tpu.memref_squeeze %dma_start3A_260 : memref<1x8x2048xf32, #tpu.memory_space<vmem>> -> memref<8x2048xf32, #tpu.memory_space<vmem>>
    %dma_start3A_262 = arith.constant 48 : i32
    %dma_start3A_263 = arith.constant 0 : i32
    %dma_start3A_264 = tpu.memref_slice %arg5[%add3A_148, %dma_start3A_262, %dma_start3A_263] : memref<256x64x2048xf32, #tpu.memory_space<hbm>> -> memref<1x8x2048xf32, #tpu.memory_space<hbm>>
    %dma_start3A_265 = tpu.memref_squeeze %dma_start3A_264 : memref<1x8x2048xf32, #tpu.memory_space<hbm>> -> memref<8x2048xf32, #tpu.memory_space<hbm>>
    %dma_start3A_266 = arith.constant 48 : i32
    %dma_start3A_267 = arith.constant 0 : i32
    %dma_start3A_268 = tpu.memref_slice %arg5[%add3A_148, %dma_start3A_266, %dma_start3A_267] : memref<256x64x2048xf32, #tpu.memory_space<hbm>> -> memref<1x8x2048xf32, #tpu.memory_space<hbm>>
    %dma_start3A_269 = tpu.memref_squeeze %dma_start3A_268 : memref<1x8x2048xf32, #tpu.memory_space<hbm>> -> memref<8x2048xf32, #tpu.memory_space<hbm>>
    %dma_start3A_270 = arith.constant 0 : i32
    %dma_start3A_271 = arith.constant 0 : i32
    %dma_start3A_272 = tpu.memref_slice %arg9[%dma_start3A_257, %dma_start3A_270, %dma_start3A_271] : memref<2x8x2048xf32, #tpu.memory_space<vmem>> -> memref<1x8x2048xf32, #tpu.memory_space<vmem>>
    %dma_start3A_273 = tpu.memref_squeeze %dma_start3A_272 : memref<1x8x2048xf32, #tpu.memory_space<vmem>> -> memref<8x2048xf32, #tpu.memory_space<vmem>>
    tpu.enqueue_dma source(%dma_start3A_273 : memref<8x2048xf32, #tpu.memory_space<vmem>>) target(%dma_start3A_269 : memref<8x2048xf32, #tpu.memory_space<hbm>>) target_semaphore(%arg11 : memref<!tpu.dma_semaphore, #tpu.memory_space<semaphore_mem>>)
    %dma_start3A_274 = arith.constant 1 : i32
    %dma_start3A_275 = arith.constant 0 : i32
    %dma_start3A_276 = arith.constant 0 : i32
    %dma_start3A_277 = tpu.memref_slice %arg9[%dma_start3A_274, %dma_start3A_275, %dma_start3A_276] : memref<2x8x2048xf32, #tpu.memory_space<vmem>> -> memref<1x8x2048xf32, #tpu.memory_space<vmem>>
    %dma_start3A_278 = tpu.memref_squeeze %dma_start3A_277 : memref<1x8x2048xf32, #tpu.memory_space<vmem>> -> memref<8x2048xf32, #tpu.memory_space<vmem>>
    %dma_start3A_279 = arith.constant 56 : i32
    %dma_start3A_280 = arith.constant 0 : i32
    %dma_start3A_281 = tpu.memref_slice %arg5[%add3A_148, %dma_start3A_279, %dma_start3A_280] : memref<256x64x2048xf32, #tpu.memory_space<hbm>> -> memref<1x8x2048xf32, #tpu.memory_space<hbm>>
    %dma_start3A_282 = tpu.memref_squeeze %dma_start3A_281 : memref<1x8x2048xf32, #tpu.memory_space<hbm>> -> memref<8x2048xf32, #tpu.memory_space<hbm>>
    %dma_start3A_283 = arith.constant 56 : i32
    %dma_start3A_284 = arith.constant 0 : i32
    %dma_start3A_285 = tpu.memref_slice %arg5[%add3A_148, %dma_start3A_283, %dma_start3A_284] : memref<256x64x2048xf32, #tpu.memory_space<hbm>> -> memref<1x8x2048xf32, #tpu.memory_space<hbm>>
    %dma_start3A_286 = tpu.memref_squeeze %dma_start3A_285 : memref<1x8x2048xf32, #tpu.memory_space<hbm>> -> memref<8x2048xf32, #tpu.memory_space<hbm>>
    %dma_start3A_287 = arith.constant 0 : i32
    %dma_start3A_288 = arith.constant 0 : i32
    %dma_start3A_289 = tpu.memref_slice %arg9[%dma_start3A_274, %dma_start3A_287, %dma_start3A_288] : memref<2x8x2048xf32, #tpu.memory_space<vmem>> -> memref<1x8x2048xf32, #tpu.memory_space<vmem>>
    %dma_start3A_290 = tpu.memref_squeeze %dma_start3A_289 : memref<1x8x2048xf32, #tpu.memory_space<vmem>> -> memref<8x2048xf32, #tpu.memory_space<vmem>>
    tpu.enqueue_dma source(%dma_start3A_290 : memref<8x2048xf32, #tpu.memory_space<vmem>>) target(%dma_start3A_286 : memref<8x2048xf32, #tpu.memory_space<hbm>>) target_semaphore(%arg11 : memref<!tpu.dma_semaphore, #tpu.memory_space<semaphore_mem>>)
    %mul3A_291 = arith.constant 8 : i32
    %mul3A_292 = arith.muli %add3A, %mul3A_291 : i32
    %add3A_293 = arith.constant 2 : i32
    %add3A_294 = arith.addi %mul3A_292, %add3A_293 : i32
    "tpu.region"() ({
      %run_scoped3A = tpu.sem_alloc : memref<!tpu.dma_semaphore, #tpu.memory_space<semaphore_mem>>
      %dma_start3A_2254 = arith.constant 0 : i32
      %dma_start3A_2255 = arith.constant 0 : i32
      %dma_start3A_2256 = tpu.memref_slice %arg2[%add3A_294, %dma_start3A_2254, %dma_start3A_2255] : memref<256x256x256xf32, #tpu.memory_space<hbm>> -> memref<1x256x256xf32, #tpu.memory_space<hbm>>
      %dma_start3A_2257 = tpu.memref_squeeze %dma_start3A_2256 : memref<1x256x256xf32, #tpu.memory_space<hbm>> -> memref<256x256xf32, #tpu.memory_space<hbm>>
      %dma_start3A_2258 = arith.constant 0 : i32
      %dma_start3A_2259 = arith.constant 0 : i32
      %dma_start3A_2260 = tpu.memref_slice %arg2[%add3A_294, %dma_start3A_2258, %dma_start3A_2259] : memref<256x256x256xf32, #tpu.memory_space<hbm>> -> memref<1x256x256xf32, #tpu.memory_space<hbm>>
      %dma_start3A_2261 = tpu.memref_squeeze %dma_start3A_2260 : memref<1x256x256xf32, #tpu.memory_space<hbm>> -> memref<256x256xf32, #tpu.memory_space<hbm>>
      tpu.enqueue_dma source(%dma_start3A_2261 : memref<256x256xf32, #tpu.memory_space<hbm>>) target(%arg6 : memref<256x256xf32, #tpu.memory_space<vmem>>) target_semaphore(%run_scoped3A : memref<!tpu.dma_semaphore, #tpu.memory_space<semaphore_mem>>)
      %dma_wait3A_2262 = arith.constant 0 : i32
      %dma_wait3A_2263 = arith.constant 0 : i32
      %dma_wait3A_2264 = tpu.memref_slice %arg2[%add3A_294, %dma_wait3A_2262, %dma_wait3A_2263] : memref<256x256x256xf32, #tpu.memory_space<hbm>> -> memref<1x256x256xf32, #tpu.memory_space<hbm>>
      %dma_wait3A_2265 = tpu.memref_squeeze %dma_wait3A_2264 : memref<1x256x256xf32, #tpu.memory_space<hbm>> -> memref<256x256xf32, #tpu.memory_space<hbm>>
      %dma_wait3A_2266 = arith.constant 0 : i32
      %dma_wait3A_2267 = arith.constant 0 : i32
      %dma_wait3A_2268 = tpu.memref_slice %arg2[%add3A_294, %dma_wait3A_2266, %dma_wait3A_2267] : memref<256x256x256xf32, #tpu.memory_space<hbm>> -> memref<1x256x256xf32, #tpu.memory_space<hbm>>
      %dma_wait3A_2269 = tpu.memref_squeeze %dma_wait3A_2268 : memref<1x256x256xf32, #tpu.memory_space<hbm>> -> memref<256x256xf32, #tpu.memory_space<hbm>>
      tpu.wait_dma2 semaphore(%run_scoped3A : memref<!tpu.dma_semaphore, #tpu.memory_space<semaphore_mem>>) src(%dma_wait3A_2269 : memref<256x256xf32, #tpu.memory_space<hbm>>) dst(%arg6 : memref<256x256xf32, #tpu.memory_space<vmem>>)
      tpu.yield
    }) : () -> ()
    %dma_wait3A = arith.constant 0 : i32
    %dma_wait3A_295 = arith.constant 0 : i32
    %dma_wait3A_296 = arith.constant 0 : i32
    %dma_wait3A_297 = tpu.memref_slice %arg9[%dma_wait3A, %dma_wait3A_295, %dma_wait3A_296] : memref<2x8x2048xf32, #tpu.memory_space<vmem>> -> memref<1x8x2048xf32, #tpu.memory_space<vmem>>
    %dma_wait3A_298 = tpu.memref_squeeze %dma_wait3A_297 : memref<1x8x2048xf32, #tpu.memory_space<vmem>> -> memref<8x2048xf32, #tpu.memory_space<vmem>>
    %dma_wait3A_299 = arith.constant 0 : i32
    %dma_wait3A_300 = arith.constant 0 : i32
    %dma_wait3A_301 = tpu.memref_slice %arg5[%add3A_4, %dma_wait3A_299, %dma_wait3A_300] : memref<256x64x2048xf32, #tpu.memory_space<hbm>> -> memref<1x8x2048xf32, #tpu.memory_space<hbm>>
    %dma_wait3A_302 = tpu.memref_squeeze %dma_wait3A_301 : memref<1x8x2048xf32, #tpu.memory_space<hbm>> -> memref<8x2048xf32, #tpu.memory_space<hbm>>
    %dma_wait3A_303 = arith.constant 0 : i32
    %dma_wait3A_304 = arith.constant 0 : i32
    %dma_wait3A_305 = tpu.memref_slice %arg5[%add3A_4, %dma_wait3A_303, %dma_wait3A_304] : memref<256x64x2048xf32, #tpu.memory_space<hbm>> -> memref<1x8x2048xf32, #tpu.memory_space<hbm>>
    %dma_wait3A_306 = tpu.memref_squeeze %dma_wait3A_305 : memref<1x8x2048xf32, #tpu.memory_space<hbm>> -> memref<8x2048xf32, #tpu.memory_space<hbm>>
    %dma_wait3A_307 = arith.constant 0 : i32
    %dma_wait3A_308 = arith.constant 0 : i32
    %dma_wait3A_309 = tpu.memref_slice %arg9[%dma_wait3A, %dma_wait3A_307, %dma_wait3A_308] : memref<2x8x2048xf32, #tpu.memory_space<vmem>> -> memref<1x8x2048xf32, #tpu.memory_space<vmem>>
    %dma_wait3A_310 = tpu.memref_squeeze %dma_wait3A_309 : memref<1x8x2048xf32, #tpu.memory_space<vmem>> -> memref<8x2048xf32, #tpu.memory_space<vmem>>
    tpu.wait_dma2 semaphore(%arg10 : memref<!tpu.dma_semaphore, #tpu.memory_space<semaphore_mem>>) src(%dma_wait3A_310 : memref<8x2048xf32, #tpu.memory_space<vmem>>) dst(%dma_wait3A_306 : memref<8x2048xf32, #tpu.memory_space<hbm>>)
    %dma_wait3A_311 = arith.constant 0 : i32
    %dma_wait3A_312 = arith.constant 0 : i32
    %dma_wait3A_313 = arith.constant 0 : i32
    %dma_wait3A_314 = tpu.memref_slice %arg9[%dma_wait3A_311, %dma_wait3A_312, %dma_wait3A_313] : memref<2x8x2048xf32, #tpu.memory_space<vmem>> -> memref<1x8x2048xf32, #tpu.memory_space<vmem>>
    %dma_wait3A_315 = tpu.memref_squeeze %dma_wait3A_314 : memref<1x8x2048xf32, #tpu.memory_space<vmem>> -> memref<8x2048xf32, #tpu.memory_space<vmem>>
    %dma_wait3A_316 = arith.constant 8 : i32
    %dma_wait3A_317 = arith.constant 0 : i32
    %dma_wait3A_318 = tpu.memref_slice %arg5[%add3A_4, %dma_wait3A_316, %dma_wait3A_317] : memref<256x64x2048xf32, #tpu.memory_space<hbm>> -> memref<1x8x2048xf32, #tpu.memory_space<hbm>>
    %dma_wait3A_319 = tpu.memref_squeeze %dma_wait3A_318 : memref<1x8x2048xf32, #tpu.memory_space<hbm>> -> memref<8x2048xf32, #tpu.memory_space<hbm>>
    %dma_wait3A_320 = arith.constant 8 : i32
    %dma_wait3A_321 = arith.constant 0 : i32
    %dma_wait3A_322 = tpu.memref_slice %arg5[%add3A_4, %dma_wait3A_320, %dma_wait3A_321] : memref<256x64x2048xf32, #tpu.memory_space<hbm>> -> memref<1x8x2048xf32, #tpu.memory_space<hbm>>
    %dma_wait3A_323 = tpu.memref_squeeze %dma_wait3A_322 : memref<1x8x2048xf32, #tpu.memory_space<hbm>> -> memref<8x2048xf32, #tpu.memory_space<hbm>>
    %dma_wait3A_324 = arith.constant 0 : i32
    %dma_wait3A_325 = arith.constant 0 : i32
    %dma_wait3A_326 = tpu.memref_slice %arg9[%dma_wait3A_311, %dma_wait3A_324, %dma_wait3A_325] : memref<2x8x2048xf32, #tpu.memory_space<vmem>> -> memref<1x8x2048xf32, #tpu.memory_space<vmem>>
    %dma_wait3A_327 = tpu.memref_squeeze %dma_wait3A_326 : memref<1x8x2048xf32, #tpu.memory_space<vmem>> -> memref<8x2048xf32, #tpu.memory_space<vmem>>
    tpu.wait_dma2 semaphore(%arg10 : memref<!tpu.dma_semaphore, #tpu.memory_space<semaphore_mem>>) src(%dma_wait3A_327 : memref<8x2048xf32, #tpu.memory_space<vmem>>) dst(%dma_wait3A_323 : memref<8x2048xf32, #tpu.memory_space<hbm>>)
    %dma_wait3A_328 = arith.constant 0 : i32
    %dma_wait3A_329 = arith.constant 0 : i32
    %dma_wait3A_330 = arith.constant 0 : i32
    %dma_wait3A_331 = tpu.memref_slice %arg9[%dma_wait3A_328, %dma_wait3A_329, %dma_wait3A_330] : memref<2x8x2048xf32, #tpu.memory_space<vmem>> -> memref<1x8x2048xf32, #tpu.memory_space<vmem>>
    %dma_wait3A_332 = tpu.memref_squeeze %dma_wait3A_331 : memref<1x8x2048xf32, #tpu.memory_space<vmem>> -> memref<8x2048xf32, #tpu.memory_space<vmem>>
    %dma_wait3A_333 = arith.constant 16 : i32
    %dma_wait3A_334 = arith.constant 0 : i32
    %dma_wait3A_335 = tpu.memref_slice %arg5[%add3A_4, %dma_wait3A_333, %dma_wait3A_334] : memref<256x64x2048xf32, #tpu.memory_space<hbm>> -> memref<1x8x2048xf32, #tpu.memory_space<hbm>>
    %dma_wait3A_336 = tpu.memref_squeeze %dma_wait3A_335 : memref<1x8x2048xf32, #tpu.memory_space<hbm>> -> memref<8x2048xf32, #tpu.memory_space<hbm>>
    %dma_wait3A_337 = arith.constant 16 : i32
    %dma_wait3A_338 = arith.constant 0 : i32
    %dma_wait3A_339 = tpu.memref_slice %arg5[%add3A_4, %dma_wait3A_337, %dma_wait3A_338] : memref<256x64x2048xf32, #tpu.memory_space<hbm>> -> memref<1x8x2048xf32, #tpu.memory_space<hbm>>
    %dma_wait3A_340 = tpu.memref_squeeze %dma_wait3A_339 : memref<1x8x2048xf32, #tpu.memory_space<hbm>> -> memref<8x2048xf32, #tpu.memory_space<hbm>>
    %dma_wait3A_341 = arith.constant 0 : i32
    %dma_wait3A_342 = arith.constant 0 : i32
    %dma_wait3A_343 = tpu.memref_slice %arg9[%dma_wait3A_328, %dma_wait3A_341, %dma_wait3A_342] : memref<2x8x2048xf32, #tpu.memory_space<vmem>> -> memref<1x8x2048xf32, #tpu.memory_space<vmem>>
    %dma_wait3A_344 = tpu.memref_squeeze %dma_wait3A_343 : memref<1x8x2048xf32, #tpu.memory_space<vmem>> -> memref<8x2048xf32, #tpu.memory_space<vmem>>
    tpu.wait_dma2 semaphore(%arg10 : memref<!tpu.dma_semaphore, #tpu.memory_space<semaphore_mem>>) src(%dma_wait3A_344 : memref<8x2048xf32, #tpu.memory_space<vmem>>) dst(%dma_wait3A_340 : memref<8x2048xf32, #tpu.memory_space<hbm>>)
    %dma_wait3A_345 = arith.constant 0 : i32
    %dma_wait3A_346 = arith.constant 0 : i32
    %dma_wait3A_347 = arith.constant 0 : i32
    %dma_wait3A_348 = tpu.memref_slice %arg9[%dma_wait3A_345, %dma_wait3A_346, %dma_wait3A_347] : memref<2x8x2048xf32, #tpu.memory_space<vmem>> -> memref<1x8x2048xf32, #tpu.memory_space<vmem>>
    %dma_wait3A_349 = tpu.memref_squeeze %dma_wait3A_348 : memref<1x8x2048xf32, #tpu.memory_space<vmem>> -> memref<8x2048xf32, #tpu.memory_space<vmem>>
    %dma_wait3A_350 = arith.constant 24 : i32
    %dma_wait3A_351 = arith.constant 0 : i32
    %dma_wait3A_352 = tpu.memref_slice %arg5[%add3A_4, %dma_wait3A_350, %dma_wait3A_351] : memref<256x64x2048xf32, #tpu.memory_space<hbm>> -> memref<1x8x2048xf32, #tpu.memory_space<hbm>>
    %dma_wait3A_353 = tpu.memref_squeeze %dma_wait3A_352 : memref<1x8x2048xf32, #tpu.memory_space<hbm>> -> memref<8x2048xf32, #tpu.memory_space<hbm>>
    %dma_wait3A_354 = arith.constant 24 : i32
    %dma_wait3A_355 = arith.constant 0 : i32
    %dma_wait3A_356 = tpu.memref_slice %arg5[%add3A_4, %dma_wait3A_354, %dma_wait3A_355] : memref<256x64x2048xf32, #tpu.memory_space<hbm>> -> memref<1x8x2048xf32, #tpu.memory_space<hbm>>
    %dma_wait3A_357 = tpu.memref_squeeze %dma_wait3A_356 : memref<1x8x2048xf32, #tpu.memory_space<hbm>> -> memref<8x2048xf32, #tpu.memory_space<hbm>>
    %dma_wait3A_358 = arith.constant 0 : i32
    %dma_wait3A_359 = arith.constant 0 : i32
    %dma_wait3A_360 = tpu.memref_slice %arg9[%dma_wait3A_345, %dma_wait3A_358, %dma_wait3A_359] : memref<2x8x2048xf32, #tpu.memory_space<vmem>> -> memref<1x8x2048xf32, #tpu.memory_space<vmem>>
    %dma_wait3A_361 = tpu.memref_squeeze %dma_wait3A_360 : memref<1x8x2048xf32, #tpu.memory_space<vmem>> -> memref<8x2048xf32, #tpu.memory_space<vmem>>
    tpu.wait_dma2 semaphore(%arg10 : memref<!tpu.dma_semaphore, #tpu.memory_space<semaphore_mem>>) src(%dma_wait3A_361 : memref<8x2048xf32, #tpu.memory_space<vmem>>) dst(%dma_wait3A_357 : memref<8x2048xf32, #tpu.memory_space<hbm>>)
    %dma_wait3A_362 = arith.constant 0 : i32
    %dma_wait3A_363 = arith.constant 0 : i32
    %dma_wait3A_364 = arith.constant 0 : i32
    %dma_wait3A_365 = tpu.memref_slice %arg9[%dma_wait3A_362, %dma_wait3A_363, %dma_wait3A_364] : memref<2x8x2048xf32, #tpu.memory_space<vmem>> -> memref<1x8x2048xf32, #tpu.memory_space<vmem>>
    %dma_wait3A_366 = tpu.memref_squeeze %dma_wait3A_365 : memref<1x8x2048xf32, #tpu.memory_space<vmem>> -> memref<8x2048xf32, #tpu.memory_space<vmem>>
    %dma_wait3A_367 = arith.constant 32 : i32
    %dma_wait3A_368 = arith.constant 0 : i32
    %dma_wait3A_369 = tpu.memref_slice %arg5[%add3A_4, %dma_wait3A_367, %dma_wait3A_368] : memref<256x64x2048xf32, #tpu.memory_space<hbm>> -> memref<1x8x2048xf32, #tpu.memory_space<hbm>>
    %dma_wait3A_370 = tpu.memref_squeeze %dma_wait3A_369 : memref<1x8x2048xf32, #tpu.memory_space<hbm>> -> memref<8x2048xf32, #tpu.memory_space<hbm>>
    %dma_wait3A_371 = arith.constant 32 : i32
    %dma_wait3A_372 = arith.constant 0 : i32
    %dma_wait3A_373 = tpu.memref_slice %arg5[%add3A_4, %dma_wait3A_371, %dma_wait3A_372] : memref<256x64x2048xf32, #tpu.memory_space<hbm>> -> memref<1x8x2048xf32, #tpu.memory_space<hbm>>
    %dma_wait3A_374 = tpu.memref_squeeze %dma_wait3A_373 : memref<1x8x2048xf32, #tpu.memory_space<hbm>> -> memref<8x2048xf32, #tpu.memory_space<hbm>>
    %dma_wait3A_375 = arith.constant 0 : i32
    %dma_wait3A_376 = arith.constant 0 : i32
    %dma_wait3A_377 = tpu.memref_slice %arg9[%dma_wait3A_362, %dma_wait3A_375, %dma_wait3A_376] : memref<2x8x2048xf32, #tpu.memory_space<vmem>> -> memref<1x8x2048xf32, #tpu.memory_space<vmem>>
    %dma_wait3A_378 = tpu.memref_squeeze %dma_wait3A_377 : memref<1x8x2048xf32, #tpu.memory_space<vmem>> -> memref<8x2048xf32, #tpu.memory_space<vmem>>
    tpu.wait_dma2 semaphore(%arg10 : memref<!tpu.dma_semaphore, #tpu.memory_space<semaphore_mem>>) src(%dma_wait3A_378 : memref<8x2048xf32, #tpu.memory_space<vmem>>) dst(%dma_wait3A_374 : memref<8x2048xf32, #tpu.memory_space<hbm>>)
    %dma_wait3A_379 = arith.constant 0 : i32
    %dma_wait3A_380 = arith.constant 0 : i32
    %dma_wait3A_381 = arith.constant 0 : i32
    %dma_wait3A_382 = tpu.memref_slice %arg9[%dma_wait3A_379, %dma_wait3A_380, %dma_wait3A_381] : memref<2x8x2048xf32, #tpu.memory_space<vmem>> -> memref<1x8x2048xf32, #tpu.memory_space<vmem>>
    %dma_wait3A_383 = tpu.memref_squeeze %dma_wait3A_382 : memref<1x8x2048xf32, #tpu.memory_space<vmem>> -> memref<8x2048xf32, #tpu.memory_space<vmem>>
    %dma_wait3A_384 = arith.constant 40 : i32
    %dma_wait3A_385 = arith.constant 0 : i32
    %dma_wait3A_386 = tpu.memref_slice %arg5[%add3A_4, %dma_wait3A_384, %dma_wait3A_385] : memref<256x64x2048xf32, #tpu.memory_space<hbm>> -> memref<1x8x2048xf32, #tpu.memory_space<hbm>>
    %dma_wait3A_387 = tpu.memref_squeeze %dma_wait3A_386 : memref<1x8x2048xf32, #tpu.memory_space<hbm>> -> memref<8x2048xf32, #tpu.memory_space<hbm>>
    %dma_wait3A_388 = arith.constant 40 : i32
    %dma_wait3A_389 = arith.constant 0 : i32
    %dma_wait3A_390 = tpu.memref_slice %arg5[%add3A_4, %dma_wait3A_388, %dma_wait3A_389] : memref<256x64x2048xf32, #tpu.memory_space<hbm>> -> memref<1x8x2048xf32, #tpu.memory_space<hbm>>
    %dma_wait3A_391 = tpu.memref_squeeze %dma_wait3A_390 : memref<1x8x2048xf32, #tpu.memory_space<hbm>> -> memref<8x2048xf32, #tpu.memory_space<hbm>>
    %dma_wait3A_392 = arith.constant 0 : i32
    %dma_wait3A_393 = arith.constant 0 : i32
    %dma_wait3A_394 = tpu.memref_slice %arg9[%dma_wait3A_379, %dma_wait3A_392, %dma_wait3A_393] : memref<2x8x2048xf32, #tpu.memory_space<vmem>> -> memref<1x8x2048xf32, #tpu.memory_space<vmem>>
    %dma_wait3A_395 = tpu.memref_squeeze %dma_wait3A_394 : memref<1x8x2048xf32, #tpu.memory_space<vmem>> -> memref<8x2048xf32, #tpu.memory_space<vmem>>
    tpu.wait_dma2 semaphore(%arg10 : memref<!tpu.dma_semaphore, #tpu.memory_space<semaphore_mem>>) src(%dma_wait3A_395 : memref<8x2048xf32, #tpu.memory_space<vmem>>) dst(%dma_wait3A_391 : memref<8x2048xf32, #tpu.memory_space<hbm>>)
    %dma_wait3A_396 = arith.constant 0 : i32
    %dma_wait3A_397 = arith.constant 0 : i32
    %dma_wait3A_398 = arith.constant 0 : i32
    %dma_wait3A_399 = tpu.memref_slice %arg9[%dma_wait3A_396, %dma_wait3A_397, %dma_wait3A_398] : memref<2x8x2048xf32, #tpu.memory_space<vmem>> -> memref<1x8x2048xf32, #tpu.memory_space<vmem>>
    %dma_wait3A_400 = tpu.memref_squeeze %dma_wait3A_399 : memref<1x8x2048xf32, #tpu.memory_space<vmem>> -> memref<8x2048xf32, #tpu.memory_space<vmem>>
    %dma_wait3A_401 = arith.constant 48 : i32
    %dma_wait3A_402 = arith.constant 0 : i32
    %dma_wait3A_403 = tpu.memref_slice %arg5[%add3A_4, %dma_wait3A_401, %dma_wait3A_402] : memref<256x64x2048xf32, #tpu.memory_space<hbm>> -> memref<1x8x2048xf32, #tpu.memory_space<hbm>>
    %dma_wait3A_404 = tpu.memref_squeeze %dma_wait3A_403 : memref<1x8x2048xf32, #tpu.memory_space<hbm>> -> memref<8x2048xf32, #tpu.memory_space<hbm>>
    %dma_wait3A_405 = arith.constant 48 : i32
    %dma_wait3A_406 = arith.constant 0 : i32
    %dma_wait3A_407 = tpu.memref_slice %arg5[%add3A_4, %dma_wait3A_405, %dma_wait3A_406] : memref<256x64x2048xf32, #tpu.memory_space<hbm>> -> memref<1x8x2048xf32, #tpu.memory_space<hbm>>
    %dma_wait3A_408 = tpu.memref_squeeze %dma_wait3A_407 : memref<1x8x2048xf32, #tpu.memory_space<hbm>> -> memref<8x2048xf32, #tpu.memory_space<hbm>>
    %dma_wait3A_409 = arith.constant 0 : i32
    %dma_wait3A_410 = arith.constant 0 : i32
    %dma_wait3A_411 = tpu.memref_slice %arg9[%dma_wait3A_396, %dma_wait3A_409, %dma_wait3A_410] : memref<2x8x2048xf32, #tpu.memory_space<vmem>> -> memref<1x8x2048xf32, #tpu.memory_space<vmem>>
    %dma_wait3A_412 = tpu.memref_squeeze %dma_wait3A_411 : memref<1x8x2048xf32, #tpu.memory_space<vmem>> -> memref<8x2048xf32, #tpu.memory_space<vmem>>
    tpu.wait_dma2 semaphore(%arg10 : memref<!tpu.dma_semaphore, #tpu.memory_space<semaphore_mem>>) src(%dma_wait3A_412 : memref<8x2048xf32, #tpu.memory_space<vmem>>) dst(%dma_wait3A_408 : memref<8x2048xf32, #tpu.memory_space<hbm>>)
    %dma_wait3A_413 = arith.constant 0 : i32
    %dma_wait3A_414 = arith.constant 0 : i32
    %dma_wait3A_415 = arith.constant 0 : i32
    %dma_wait3A_416 = tpu.memref_slice %arg9[%dma_wait3A_413, %dma_wait3A_414, %dma_wait3A_415] : memref<2x8x2048xf32, #tpu.memory_space<vmem>> -> memref<1x8x2048xf32, #tpu.memory_space<vmem>>
    %dma_wait3A_417 = tpu.memref_squeeze %dma_wait3A_416 : memref<1x8x2048xf32, #tpu.memory_space<vmem>> -> memref<8x2048xf32, #tpu.memory_space<vmem>>
    %dma_wait3A_418 = arith.constant 56 : i32
    %dma_wait3A_419 = arith.constant 0 : i32
    %dma_wait3A_420 = tpu.memref_slice %arg5[%add3A_4, %dma_wait3A_418, %dma_wait3A_419] : memref<256x64x2048xf32, #tpu.memory_space<hbm>> -> memref<1x8x2048xf32, #tpu.memory_space<hbm>>
    %dma_wait3A_421 = tpu.memref_squeeze %dma_wait3A_420 : memref<1x8x2048xf32, #tpu.memory_space<hbm>> -> memref<8x2048xf32, #tpu.memory_space<hbm>>
    %dma_wait3A_422 = arith.constant 56 : i32
    %dma_wait3A_423 = arith.constant 0 : i32
    %dma_wait3A_424 = tpu.memref_slice %arg5[%add3A_4, %dma_wait3A_422, %dma_wait3A_423] : memref<256x64x2048xf32, #tpu.memory_space<hbm>> -> memref<1x8x2048xf32, #tpu.memory_space<hbm>>
    %dma_wait3A_425 = tpu.memref_squeeze %dma_wait3A_424 : memref<1x8x2048xf32, #tpu.memory_space<hbm>> -> memref<8x2048xf32, #tpu.memory_space<hbm>>
    %dma_wait3A_426 = arith.constant 0 : i32
    %dma_wait3A_427 = arith.constant 0 : i32
    %dma_wait3A_428 = tpu.memref_slice %arg9[%dma_wait3A_413, %dma_wait3A_426, %dma_wait3A_427] : memref<2x8x2048xf32, #tpu.memory_space<vmem>> -> memref<1x8x2048xf32, #tpu.memory_space<vmem>>
    %dma_wait3A_429 = tpu.memref_squeeze %dma_wait3A_428 : memref<1x8x2048xf32, #tpu.memory_space<vmem>> -> memref<8x2048xf32, #tpu.memory_space<vmem>>
    tpu.wait_dma2 semaphore(%arg10 : memref<!tpu.dma_semaphore, #tpu.memory_space<semaphore_mem>>) src(%dma_wait3A_429 : memref<8x2048xf32, #tpu.memory_space<vmem>>) dst(%dma_wait3A_425 : memref<8x2048xf32, #tpu.memory_space<hbm>>)
    %scan3A_430 = arith.constant 0 : i32
    %scan3A_431 = arith.constant 0 : i32
    %scan3A_432 = arith.constant 128 : i32
    %scan3A_433 = arith.addi %scan3A_431, %scan3A_432 : i32
    %scan3A_434 = arith.constant 1 : i32
    scf.for %scan3A_2254 = %scan3A_431 to %scan3A_433 step %scan3A_434  : i32 {
      %mul3A_2255 = arith.constant 16 : i32
      %mul3A_2256 = arith.muli %scan3A_2254, %mul3A_2255 : i32
      %multiple_of3A = tpu.assume_multiple %mul3A_2256, 16 : i32
      %get3A = arith.constant 0 : i32
      %get3A_2257 = arith.index_cast %get3A : i32 to index
      %get3A_2258 = arith.index_cast %multiple_of3A : i32 to index
      %get3A_2259 = tpu.vector_load %arg7[%get3A_2257, %get3A_2258] {strides = array<i32>} : memref<4x2048xi32, #tpu.memory_space<vmem>>, vector<16xi32>,
      %get3A_2260 = arith.constant 1 : i32
      %get3A_2261 = arith.index_cast %get3A_2260 : i32 to index
      %get3A_2262 = arith.index_cast %multiple_of3A : i32 to index
      %get3A_2263 = tpu.vector_load %arg7[%get3A_2261, %get3A_2262] {strides = array<i32>} : memref<4x2048xi32, #tpu.memory_space<vmem>>, vector<16xi32>,
      %get3A_2264 = arith.constant 2 : i32
      %get3A_2265 = arith.index_cast %get3A_2264 : i32 to index
      %get3A_2266 = arith.index_cast %multiple_of3A : i32 to index
      %get3A_2267 = tpu.vector_load %arg7[%get3A_2265, %get3A_2266] {strides = array<i32>} : memref<4x2048xi32, #tpu.memory_space<vmem>>, vector<16xi32>,
      %get3A_2268 = arith.constant 3 : i32
      %get3A_2269 = arith.index_cast %get3A_2268 : i32 to index
      %get3A_2270 = arith.index_cast %multiple_of3A : i32 to index
      %get3A_2271 = tpu.vector_load %arg7[%get3A_2269, %get3A_2270] {strides = array<i32>} : memref<4x2048xi32, #tpu.memory_space<vmem>>, vector<16xi32>,
      %gather3A = tpu.vector_load_idx %arg6[%get3A_2259, %get3A_2267] : memref<256x256xf32, #tpu.memory_space<vmem>>[vector<16xi32>, vector<16xi32>], vector<16xf32>,
      %gather3A_2272 = tpu.vector_load_idx %arg6[%get3A_2259, %get3A_2271] : memref<256x256xf32, #tpu.memory_space<vmem>>[vector<16xi32>, vector<16xi32>], vector<16xf32>,
      %gather3A_2273 = tpu.vector_load_idx %arg6[%get3A_2263, %get3A_2267] : memref<256x256xf32, #tpu.memory_space<vmem>>[vector<16xi32>, vector<16xi32>], vector<16xf32>,
      %gather3A_2274 = tpu.vector_load_idx %arg6[%get3A_2263, %get3A_2271] : memref<256x256xf32, #tpu.memory_space<vmem>>[vector<16xi32>, vector<16xi32>], vector<16xf32>,
      %get3A_2275 = arith.constant 0 : i32
      %get3A_2276 = arith.index_cast %get3A_2275 : i32 to index
      %get3A_2277 = arith.index_cast %multiple_of3A : i32 to index
      %get3A_2278 = tpu.vector_load %arg8[%get3A_2276, %get3A_2277] {strides = array<i32>} : memref<4x2048xf32, #tpu.memory_space<vmem>>, vector<16xf32>,
      %mul3A_2279 = arith.mulf %gather3A, %get3A_2278 : vector<16xf32>
      %get3A_2280 = arith.constant 1 : i32
      %get3A_2281 = arith.index_cast %get3A_2280 : i32 to index
      %get3A_2282 = arith.index_cast %multiple_of3A : i32 to index
      %get3A_2283 = tpu.vector_load %arg8[%get3A_2281, %get3A_2282] {strides = array<i32>} : memref<4x2048xf32, #tpu.memory_space<vmem>>, vector<16xf32>,
      %mul3A_2284 = arith.mulf %gather3A_2272, %get3A_2283 : vector<16xf32>
      %add3A_2285 = arith.addf %mul3A_2279, %mul3A_2284 : vector<16xf32>
      %get3A_2286 = arith.constant 2 : i32
      %get3A_2287 = arith.index_cast %get3A_2286 : i32 to index
      %get3A_2288 = arith.index_cast %multiple_of3A : i32 to index
      %get3A_2289 = tpu.vector_load %arg8[%get3A_2287, %get3A_2288] {strides = array<i32>} : memref<4x2048xf32, #tpu.memory_space<vmem>>, vector<16xf32>,
      %mul3A_2290 = arith.mulf %gather3A_2273, %get3A_2289 : vector<16xf32>
      %add3A_2291 = arith.addf %add3A_2285, %mul3A_2290 : vector<16xf32>
      %get3A_2292 = arith.constant 3 : i32
      %get3A_2293 = arith.index_cast %get3A_2292 : i32 to index
      %get3A_2294 = arith.index_cast %multiple_of3A : i32 to index
      %get3A_2295 = tpu.vector_load %arg8[%get3A_2293, %get3A_2294] {strides = array<i32>} : memref<4x2048xf32, #tpu.memory_space<vmem>>, vector<16xf32>,
      %mul3A_2296 = arith.mulf %gather3A_2274, %get3A_2295 : vector<16xf32>
      %add3A_2297 = arith.addf %add3A_2291, %mul3A_2296 : vector<16xf32>
      %swap3A = arith.constant 0 : i32
      %swap3A_2298 = arith.constant 0 : i32
      %swap3A_2299 = arith.index_cast %swap3A : i32 to index
      %swap3A_2300 = arith.index_cast %swap3A_2298 : i32 to index
      %swap3A_2301 = arith.index_cast %multiple_of3A : i32 to index
      %swap3A_2302 = tpu.vector_load %arg9[%swap3A_2299, %swap3A_2300, %swap3A_2301] {strides = array<i32>} : memref<2x8x2048xf32, #tpu.memory_space<vmem>>, vector<16xf32>,
      tpu.vector_store %arg9[%swap3A_2299, %swap3A_2300, %swap3A_2301], %add3A_2297 {strides = array<i32>} : memref<2x8x2048xf32, #tpu.memory_space<vmem>>, vector<16xf32>,
      %swap3A_2303 = arith.constant 0 : i32
      %swap3A_2304 = arith.constant 1 : i32
      %swap3A_2305 = arith.index_cast %swap3A_2303 : i32 to index
      %swap3A_2306 = arith.index_cast %swap3A_2304 : i32 to index
      %swap3A_2307 = arith.index_cast %multiple_of3A : i32 to index
      %swap3A_2308 = tpu.vector_load %arg9[%swap3A_2305, %swap3A_2306, %swap3A_2307] {strides = array<i32>} : memref<2x8x2048xf32, #tpu.memory_space<vmem>>, vector<16xf32>,
      tpu.vector_store %arg9[%swap3A_2305, %swap3A_2306, %swap3A_2307], %add3A_2297 {strides = array<i32>} : memref<2x8x2048xf32, #tpu.memory_space<vmem>>, vector<16xf32>,
      %swap3A_2309 = arith.constant 0 : i32
      %swap3A_2310 = arith.constant 2 : i32
      %swap3A_2311 = arith.index_cast %swap3A_2309 : i32 to index
      %swap3A_2312 = arith.index_cast %swap3A_2310 : i32 to index
      %swap3A_2313 = arith.index_cast %multiple_of3A : i32 to index
      %swap3A_2314 = tpu.vector_load %arg9[%swap3A_2311, %swap3A_2312, %swap3A_2313] {strides = array<i32>} : memref<2x8x2048xf32, #tpu.memory_space<vmem>>, vector<16xf32>,
      tpu.vector_store %arg9[%swap3A_2311, %swap3A_2312, %swap3A_2313], %add3A_2297 {strides = array<i32>} : memref<2x8x2048xf32, #tpu.memory_space<vmem>>, vector<16xf32>,
      %swap3A_2315 = arith.constant 0 : i32
      %swap3A_2316 = arith.constant 3 : i32
      %swap3A_2317 = arith.index_cast %swap3A_2315 : i32 to index
      %swap3A_2318 = arith.index_cast %swap3A_2316 : i32 to index
      %swap3A_2319 = arith.index_cast %multiple_of3A : i32 to index
      %swap3A_2320 = tpu.vector_load %arg9[%swap3A_2317, %swap3A_2318, %swap3A_2319] {strides = array<i32>} : memref<2x8x2048xf32, #tpu.memory_space<vmem>>, vector<16xf32>,
      tpu.vector_store %arg9[%swap3A_2317, %swap3A_2318, %swap3A_2319], %add3A_2297 {strides = array<i32>} : memref<2x8x2048xf32, #tpu.memory_space<vmem>>, vector<16xf32>,
      %swap3A_2321 = arith.constant 0 : i32
      %swap3A_2322 = arith.constant 4 : i32
      %swap3A_2323 = arith.index_cast %swap3A_2321 : i32 to index
      %swap3A_2324 = arith.index_cast %swap3A_2322 : i32 to index
      %swap3A_2325 = arith.index_cast %multiple_of3A : i32 to index
      %swap3A_2326 = tpu.vector_load %arg9[%swap3A_2323, %swap3A_2324, %swap3A_2325] {strides = array<i32>} : memref<2x8x2048xf32, #tpu.memory_space<vmem>>, vector<16xf32>,
      tpu.vector_store %arg9[%swap3A_2323, %swap3A_2324, %swap3A_2325], %add3A_2297 {strides = array<i32>} : memref<2x8x2048xf32, #tpu.memory_space<vmem>>, vector<16xf32>,
      %swap3A_2327 = arith.constant 0 : i32
      %swap3A_2328 = arith.constant 5 : i32
      %swap3A_2329 = arith.index_cast %swap3A_2327 : i32 to index
      %swap3A_2330 = arith.index_cast %swap3A_2328 : i32 to index
      %swap3A_2331 = arith.index_cast %multiple_of3A : i32 to index
      %swap3A_2332 = tpu.vector_load %arg9[%swap3A_2329, %swap3A_2330, %swap3A_2331] {strides = array<i32>} : memref<2x8x2048xf32, #tpu.memory_space<vmem>>, vector<16xf32>,
      tpu.vector_store %arg9[%swap3A_2329, %swap3A_2330, %swap3A_2331], %add3A_2297 {strides = array<i32>} : memref<2x8x2048xf32, #tpu.memory_space<vmem>>, vector<16xf32>,
      %swap3A_2333 = arith.constant 0 : i32
      %swap3A_2334 = arith.constant 6 : i32
      %swap3A_2335 = arith.index_cast %swap3A_2333 : i32 to index
      %swap3A_2336 = arith.index_cast %swap3A_2334 : i32 to index
      %swap3A_2337 = arith.index_cast %multiple_of3A : i32 to index
      %swap3A_2338 = tpu.vector_load %arg9[%swap3A_2335, %swap3A_2336, %swap3A_2337] {strides = array<i32>} : memref<2x8x2048xf32, #tpu.memory_space<vmem>>, vector<16xf32>,
      tpu.vector_store %arg9[%swap3A_2335, %swap3A_2336, %swap3A_2337], %add3A_2297 {strides = array<i32>} : memref<2x8x2048xf32, #tpu.memory_space<vmem>>, vector<16xf32>,
      %swap3A_2339 = arith.constant 0 : i32
      %swap3A_2340 = arith.constant 7 : i32
      %swap3A_2341 = arith.index_cast %swap3A_2339 : i32 to index
      %swap3A_2342 = arith.index_cast %swap3A_2340 : i32 to index
      %swap3A_2343 = arith.index_cast %multiple_of3A : i32 to index
      %swap3A_2344 = tpu.vector_load %arg9[%swap3A_2341, %swap3A_2342, %swap3A_2343] {strides = array<i32>} : memref<2x8x2048xf32, #tpu.memory_space<vmem>>, vector<16xf32>,
      tpu.vector_store %arg9[%swap3A_2341, %swap3A_2342, %swap3A_2343], %add3A_2297 {strides = array<i32>} : memref<2x8x2048xf32, #tpu.memory_space<vmem>>, vector<16xf32>,
    }
    %scan3A_435 = arith.constant 128 : i32
    %dma_start3A_436 = arith.constant 0 : i32
    %dma_start3A_437 = arith.constant 0 : i32
    %dma_start3A_438 = arith.constant 0 : i32
    %dma_start3A_439 = tpu.memref_slice %arg9[%dma_start3A_436, %dma_start3A_437, %dma_start3A_438] : memref<2x8x2048xf32, #tpu.memory_space<vmem>> -> memref<1x8x2048xf32, #tpu.memory_space<vmem>>
    %dma_start3A_440 = tpu.memref_squeeze %dma_start3A_439 : memref<1x8x2048xf32, #tpu.memory_space<vmem>> -> memref<8x2048xf32, #tpu.memory_space<vmem>>
    %dma_start3A_441 = arith.constant 0 : i32
    %dma_start3A_442 = arith.constant 0 : i32
    %dma_start3A_443 = tpu.memref_slice %arg5[%add3A_294, %dma_start3A_441, %dma_start3A_442] : memref<256x64x2048xf32, #tpu.memory_space<hbm>> -> memref<1x8x2048xf32, #tpu.memory_space<hbm>>
    %dma_start3A_444 = tpu.memref_squeeze %dma_start3A_443 : memref<1x8x2048xf32, #tpu.memory_space<hbm>> -> memref<8x2048xf32, #tpu.memory_space<hbm>>
    %dma_start3A_445 = arith.constant 0 : i32
    %dma_start3A_446 = arith.constant 0 : i32
    %dma_start3A_447 = tpu.memref_slice %arg5[%add3A_294, %dma_start3A_445, %dma_start3A_446] : memref<256x64x2048xf32, #tpu.memory_space<hbm>> -> memref<1x8x2048xf32, #tpu.memory_space<hbm>>
    %dma_start3A_448 = tpu.memref_squeeze %dma_start3A_447 : memref<1x8x2048xf32, #tpu.memory_space<hbm>> -> memref<8x2048xf32, #tpu.memory_space<hbm>>
    %dma_start3A_449 = arith.constant 0 : i32
    %dma_start3A_450 = arith.constant 0 : i32
    %dma_start3A_451 = tpu.memref_slice %arg9[%dma_start3A_436, %dma_start3A_449, %dma_start3A_450] : memref<2x8x2048xf32, #tpu.memory_space<vmem>> -> memref<1x8x2048xf32, #tpu.memory_space<vmem>>
    %dma_start3A_452 = tpu.memref_squeeze %dma_start3A_451 : memref<1x8x2048xf32, #tpu.memory_space<vmem>> -> memref<8x2048xf32, #tpu.memory_space<vmem>>
    tpu.enqueue_dma source(%dma_start3A_452 : memref<8x2048xf32, #tpu.memory_space<vmem>>) target(%dma_start3A_448 : memref<8x2048xf32, #tpu.memory_space<hbm>>) target_semaphore(%arg10 : memref<!tpu.dma_semaphore, #tpu.memory_space<semaphore_mem>>)
    %dma_start3A_453 = arith.constant 0 : i32
    %dma_start3A_454 = arith.constant 0 : i32
    %dma_start3A_455 = arith.constant 0 : i32
    %dma_start3A_456 = tpu.memref_slice %arg9[%dma_start3A_453, %dma_start3A_454, %dma_start3A_455] : memref<2x8x2048xf32, #tpu.memory_space<vmem>> -> memref<1x8x2048xf32, #tpu.memory_space<vmem>>
    %dma_start3A_457 = tpu.memref_squeeze %dma_start3A_456 : memref<1x8x2048xf32, #tpu.memory_space<vmem>> -> memref<8x2048xf32, #tpu.memory_space<vmem>>
    %dma_start3A_458 = arith.constant 8 : i32
    %dma_start3A_459 = arith.constant 0 : i32
    %dma_start3A_460 = tpu.memref_slice %arg5[%add3A_294, %dma_start3A_458, %dma_start3A_459] : memref<256x64x2048xf32, #tpu.memory_space<hbm>> -> memref<1x8x2048xf32, #tpu.memory_space<hbm>>
    %dma_start3A_461 = tpu.memref_squeeze %dma_start3A_460 : memref<1x8x2048xf32, #tpu.memory_space<hbm>> -> memref<8x2048xf32, #tpu.memory_space<hbm>>
    %dma_start3A_462 = arith.constant 8 : i32
    %dma_start3A_463 = arith.constant 0 : i32
    %dma_start3A_464 = tpu.memref_slice %arg5[%add3A_294, %dma_start3A_462, %dma_start3A_463] : memref<256x64x2048xf32, #tpu.memory_space<hbm>> -> memref<1x8x2048xf32, #tpu.memory_space<hbm>>
    %dma_start3A_465 = tpu.memref_squeeze %dma_start3A_464 : memref<1x8x2048xf32, #tpu.memory_space<hbm>> -> memref<8x2048xf32, #tpu.memory_space<hbm>>
    %dma_start3A_466 = arith.constant 0 : i32
    %dma_start3A_467 = arith.constant 0 : i32
    %dma_start3A_468 = tpu.memref_slice %arg9[%dma_start3A_453, %dma_start3A_466, %dma_start3A_467] : memref<2x8x2048xf32, #tpu.memory_space<vmem>> -> memref<1x8x2048xf32, #tpu.memory_space<vmem>>
    %dma_start3A_469 = tpu.memref_squeeze %dma_start3A_468 : memref<1x8x2048xf32, #tpu.memory_space<vmem>> -> memref<8x2048xf32, #tpu.memory_space<vmem>>
    tpu.enqueue_dma source(%dma_start3A_469 : memref<8x2048xf32, #tpu.memory_space<vmem>>) target(%dma_start3A_465 : memref<8x2048xf32, #tpu.memory_space<hbm>>) target_semaphore(%arg10 : memref<!tpu.dma_semaphore, #tpu.memory_space<semaphore_mem>>)
    %dma_start3A_470 = arith.constant 0 : i32
    %dma_start3A_471 = arith.constant 0 : i32
    %dma_start3A_472 = arith.constant 0 : i32
    %dma_start3A_473 = tpu.memref_slice %arg9[%dma_start3A_470, %dma_start3A_471, %dma_start3A_472] : memref<2x8x2048xf32, #tpu.memory_space<vmem>> -> memref<1x8x2048xf32, #tpu.memory_space<vmem>>
    %dma_start3A_474 = tpu.memref_squeeze %dma_start3A_473 : memref<1x8x2048xf32, #tpu.memory_space<vmem>> -> memref<8x2048xf32, #tpu.memory_space<vmem>>
    %dma_start3A_475 = arith.constant 16 : i32
    %dma_start3A_476 = arith.constant 0 : i32
    %dma_start3A_477 = tpu.memref_slice %arg5[%add3A_294, %dma_start3A_475, %dma_start3A_476] : memref<256x64x2048xf32, #tpu.memory_space<hbm>> -> memref<1x8x2048xf32, #tpu.memory_space<hbm>>
    %dma_start3A_478 = tpu.memref_squeeze %dma_start3A_477 : memref<1x8x2048xf32, #tpu.memory_space<hbm>> -> memref<8x2048xf32, #tpu.memory_space<hbm>>
    %dma_start3A_479 = arith.constant 16 : i32
    %dma_start3A_480 = arith.constant 0 : i32
    %dma_start3A_481 = tpu.memref_slice %arg5[%add3A_294, %dma_start3A_479, %dma_start3A_480] : memref<256x64x2048xf32, #tpu.memory_space<hbm>> -> memref<1x8x2048xf32, #tpu.memory_space<hbm>>
    %dma_start3A_482 = tpu.memref_squeeze %dma_start3A_481 : memref<1x8x2048xf32, #tpu.memory_space<hbm>> -> memref<8x2048xf32, #tpu.memory_space<hbm>>
    %dma_start3A_483 = arith.constant 0 : i32
    %dma_start3A_484 = arith.constant 0 : i32
    %dma_start3A_485 = tpu.memref_slice %arg9[%dma_start3A_470, %dma_start3A_483, %dma_start3A_484] : memref<2x8x2048xf32, #tpu.memory_space<vmem>> -> memref<1x8x2048xf32, #tpu.memory_space<vmem>>
    %dma_start3A_486 = tpu.memref_squeeze %dma_start3A_485 : memref<1x8x2048xf32, #tpu.memory_space<vmem>> -> memref<8x2048xf32, #tpu.memory_space<vmem>>
    tpu.enqueue_dma source(%dma_start3A_486 : memref<8x2048xf32, #tpu.memory_space<vmem>>) target(%dma_start3A_482 : memref<8x2048xf32, #tpu.memory_space<hbm>>) target_semaphore(%arg10 : memref<!tpu.dma_semaphore, #tpu.memory_space<semaphore_mem>>)
    %dma_start3A_487 = arith.constant 0 : i32
    %dma_start3A_488 = arith.constant 0 : i32
    %dma_start3A_489 = arith.constant 0 : i32
    %dma_start3A_490 = tpu.memref_slice %arg9[%dma_start3A_487, %dma_start3A_488, %dma_start3A_489] : memref<2x8x2048xf32, #tpu.memory_space<vmem>> -> memref<1x8x2048xf32, #tpu.memory_space<vmem>>
    %dma_start3A_491 = tpu.memref_squeeze %dma_start3A_490 : memref<1x8x2048xf32, #tpu.memory_space<vmem>> -> memref<8x2048xf32, #tpu.memory_space<vmem>>
    %dma_start3A_492 = arith.constant 24 : i32
    %dma_start3A_493 = arith.constant 0 : i32
    %dma_start3A_494 = tpu.memref_slice %arg5[%add3A_294, %dma_start3A_492, %dma_start3A_493] : memref<256x64x2048xf32, #tpu.memory_space<hbm>> -> memref<1x8x2048xf32, #tpu.memory_space<hbm>>
    %dma_start3A_495 = tpu.memref_squeeze %dma_start3A_494 : memref<1x8x2048xf32, #tpu.memory_space<hbm>> -> memref<8x2048xf32, #tpu.memory_space<hbm>>
    %dma_start3A_496 = arith.constant 24 : i32
    %dma_start3A_497 = arith.constant 0 : i32
    %dma_start3A_498 = tpu.memref_slice %arg5[%add3A_294, %dma_start3A_496, %dma_start3A_497] : memref<256x64x2048xf32, #tpu.memory_space<hbm>> -> memref<1x8x2048xf32, #tpu.memory_space<hbm>>
    %dma_start3A_499 = tpu.memref_squeeze %dma_start3A_498 : memref<1x8x2048xf32, #tpu.memory_space<hbm>> -> memref<8x2048xf32, #tpu.memory_space<hbm>>
    %dma_start3A_500 = arith.constant 0 : i32
    %dma_start3A_501 = arith.constant 0 : i32
    %dma_start3A_502 = tpu.memref_slice %arg9[%dma_start3A_487, %dma_start3A_500, %dma_start3A_501] : memref<2x8x2048xf32, #tpu.memory_space<vmem>> -> memref<1x8x2048xf32, #tpu.memory_space<vmem>>
    %dma_start3A_503 = tpu.memref_squeeze %dma_start3A_502 : memref<1x8x2048xf32, #tpu.memory_space<vmem>> -> memref<8x2048xf32, #tpu.memory_space<vmem>>
    tpu.enqueue_dma source(%dma_start3A_503 : memref<8x2048xf32, #tpu.memory_space<vmem>>) target(%dma_start3A_499 : memref<8x2048xf32, #tpu.memory_space<hbm>>) target_semaphore(%arg10 : memref<!tpu.dma_semaphore, #tpu.memory_space<semaphore_mem>>)
    %dma_start3A_504 = arith.constant 0 : i32
    %dma_start3A_505 = arith.constant 0 : i32
    %dma_start3A_506 = arith.constant 0 : i32
    %dma_start3A_507 = tpu.memref_slice %arg9[%dma_start3A_504, %dma_start3A_505, %dma_start3A_506] : memref<2x8x2048xf32, #tpu.memory_space<vmem>> -> memref<1x8x2048xf32, #tpu.memory_space<vmem>>
    %dma_start3A_508 = tpu.memref_squeeze %dma_start3A_507 : memref<1x8x2048xf32, #tpu.memory_space<vmem>> -> memref<8x2048xf32, #tpu.memory_space<vmem>>
    %dma_start3A_509 = arith.constant 32 : i32
    %dma_start3A_510 = arith.constant 0 : i32
    %dma_start3A_511 = tpu.memref_slice %arg5[%add3A_294, %dma_start3A_509, %dma_start3A_510] : memref<256x64x2048xf32, #tpu.memory_space<hbm>> -> memref<1x8x2048xf32, #tpu.memory_space<hbm>>
    %dma_start3A_512 = tpu.memref_squeeze %dma_start3A_511 : memref<1x8x2048xf32, #tpu.memory_space<hbm>> -> memref<8x2048xf32, #tpu.memory_space<hbm>>
    %dma_start3A_513 = arith.constant 32 : i32
    %dma_start3A_514 = arith.constant 0 : i32
    %dma_start3A_515 = tpu.memref_slice %arg5[%add3A_294, %dma_start3A_513, %dma_start3A_514] : memref<256x64x2048xf32, #tpu.memory_space<hbm>> -> memref<1x8x2048xf32, #tpu.memory_space<hbm>>
    %dma_start3A_516 = tpu.memref_squeeze %dma_start3A_515 : memref<1x8x2048xf32, #tpu.memory_space<hbm>> -> memref<8x2048xf32, #tpu.memory_space<hbm>>
    %dma_start3A_517 = arith.constant 0 : i32
    %dma_start3A_518 = arith.constant 0 : i32
    %dma_start3A_519 = tpu.memref_slice %arg9[%dma_start3A_504, %dma_start3A_517, %dma_start3A_518] : memref<2x8x2048xf32, #tpu.memory_space<vmem>> -> memref<1x8x2048xf32, #tpu.memory_space<vmem>>
    %dma_start3A_520 = tpu.memref_squeeze %dma_start3A_519 : memref<1x8x2048xf32, #tpu.memory_space<vmem>> -> memref<8x2048xf32, #tpu.memory_space<vmem>>
    tpu.enqueue_dma source(%dma_start3A_520 : memref<8x2048xf32, #tpu.memory_space<vmem>>) target(%dma_start3A_516 : memref<8x2048xf32, #tpu.memory_space<hbm>>) target_semaphore(%arg10 : memref<!tpu.dma_semaphore, #tpu.memory_space<semaphore_mem>>)
    %dma_start3A_521 = arith.constant 0 : i32
    %dma_start3A_522 = arith.constant 0 : i32
    %dma_start3A_523 = arith.constant 0 : i32
    %dma_start3A_524 = tpu.memref_slice %arg9[%dma_start3A_521, %dma_start3A_522, %dma_start3A_523] : memref<2x8x2048xf32, #tpu.memory_space<vmem>> -> memref<1x8x2048xf32, #tpu.memory_space<vmem>>
    %dma_start3A_525 = tpu.memref_squeeze %dma_start3A_524 : memref<1x8x2048xf32, #tpu.memory_space<vmem>> -> memref<8x2048xf32, #tpu.memory_space<vmem>>
    %dma_start3A_526 = arith.constant 40 : i32
    %dma_start3A_527 = arith.constant 0 : i32
    %dma_start3A_528 = tpu.memref_slice %arg5[%add3A_294, %dma_start3A_526, %dma_start3A_527] : memref<256x64x2048xf32, #tpu.memory_space<hbm>> -> memref<1x8x2048xf32, #tpu.memory_space<hbm>>
    %dma_start3A_529 = tpu.memref_squeeze %dma_start3A_528 : memref<1x8x2048xf32, #tpu.memory_space<hbm>> -> memref<8x2048xf32, #tpu.memory_space<hbm>>
    %dma_start3A_530 = arith.constant 40 : i32
    %dma_start3A_531 = arith.constant 0 : i32
    %dma_start3A_532 = tpu.memref_slice %arg5[%add3A_294, %dma_start3A_530, %dma_start3A_531] : memref<256x64x2048xf32, #tpu.memory_space<hbm>> -> memref<1x8x2048xf32, #tpu.memory_space<hbm>>
    %dma_start3A_533 = tpu.memref_squeeze %dma_start3A_532 : memref<1x8x2048xf32, #tpu.memory_space<hbm>> -> memref<8x2048xf32, #tpu.memory_space<hbm>>
    %dma_start3A_534 = arith.constant 0 : i32
    %dma_start3A_535 = arith.constant 0 : i32
    %dma_start3A_536 = tpu.memref_slice %arg9[%dma_start3A_521, %dma_start3A_534, %dma_start3A_535] : memref<2x8x2048xf32, #tpu.memory_space<vmem>> -> memref<1x8x2048xf32, #tpu.memory_space<vmem>>
    %dma_start3A_537 = tpu.memref_squeeze %dma_start3A_536 : memref<1x8x2048xf32, #tpu.memory_space<vmem>> -> memref<8x2048xf32, #tpu.memory_space<vmem>>
    tpu.enqueue_dma source(%dma_start3A_537 : memref<8x2048xf32, #tpu.memory_space<vmem>>) target(%dma_start3A_533 : memref<8x2048xf32, #tpu.memory_space<hbm>>) target_semaphore(%arg10 : memref<!tpu.dma_semaphore, #tpu.memory_space<semaphore_mem>>)
    %dma_start3A_538 = arith.constant 0 : i32
    %dma_start3A_539 = arith.constant 0 : i32
    %dma_start3A_540 = arith.constant 0 : i32
    %dma_start3A_541 = tpu.memref_slice %arg9[%dma_start3A_538, %dma_start3A_539, %dma_start3A_540] : memref<2x8x2048xf32, #tpu.memory_space<vmem>> -> memref<1x8x2048xf32, #tpu.memory_space<vmem>>
    %dma_start3A_542 = tpu.memref_squeeze %dma_start3A_541 : memref<1x8x2048xf32, #tpu.memory_space<vmem>> -> memref<8x2048xf32, #tpu.memory_space<vmem>>
    %dma_start3A_543 = arith.constant 48 : i32
    %dma_start3A_544 = arith.constant 0 : i32
    %dma_start3A_545 = tpu.memref_slice %arg5[%add3A_294, %dma_start3A_543, %dma_start3A_544] : memref<256x64x2048xf32, #tpu.memory_space<hbm>> -> memref<1x8x2048xf32, #tpu.memory_space<hbm>>
    %dma_start3A_546 = tpu.memref_squeeze %dma_start3A_545 : memref<1x8x2048xf32, #tpu.memory_space<hbm>> -> memref<8x2048xf32, #tpu.memory_space<hbm>>
    %dma_start3A_547 = arith.constant 48 : i32
    %dma_start3A_548 = arith.constant 0 : i32
    %dma_start3A_549 = tpu.memref_slice %arg5[%add3A_294, %dma_start3A_547, %dma_start3A_548] : memref<256x64x2048xf32, #tpu.memory_space<hbm>> -> memref<1x8x2048xf32, #tpu.memory_space<hbm>>
    %dma_start3A_550 = tpu.memref_squeeze %dma_start3A_549 : memref<1x8x2048xf32, #tpu.memory_space<hbm>> -> memref<8x2048xf32, #tpu.memory_space<hbm>>
    %dma_start3A_551 = arith.constant 0 : i32
    %dma_start3A_552 = arith.constant 0 : i32
    %dma_start3A_553 = tpu.memref_slice %arg9[%dma_start3A_538, %dma_start3A_551, %dma_start3A_552] : memref<2x8x2048xf32, #tpu.memory_space<vmem>> -> memref<1x8x2048xf32, #tpu.memory_space<vmem>>
    %dma_start3A_554 = tpu.memref_squeeze %dma_start3A_553 : memref<1x8x2048xf32, #tpu.memory_space<vmem>> -> memref<8x2048xf32, #tpu.memory_space<vmem>>
    tpu.enqueue_dma source(%dma_start3A_554 : memref<8x2048xf32, #tpu.memory_space<vmem>>) target(%dma_start3A_550 : memref<8x2048xf32, #tpu.memory_space<hbm>>) target_semaphore(%arg10 : memref<!tpu.dma_semaphore, #tpu.memory_space<semaphore_mem>>)
    %dma_start3A_555 = arith.constant 0 : i32
    %dma_start3A_556 = arith.constant 0 : i32
    %dma_start3A_557 = arith.constant 0 : i32
    %dma_start3A_558 = tpu.memref_slice %arg9[%dma_start3A_555, %dma_start3A_556, %dma_start3A_557] : memref<2x8x2048xf32, #tpu.memory_space<vmem>> -> memref<1x8x2048xf32, #tpu.memory_space<vmem>>
    %dma_start3A_559 = tpu.memref_squeeze %dma_start3A_558 : memref<1x8x2048xf32, #tpu.memory_space<vmem>> -> memref<8x2048xf32, #tpu.memory_space<vmem>>
    %dma_start3A_560 = arith.constant 56 : i32
    %dma_start3A_561 = arith.constant 0 : i32
    %dma_start3A_562 = tpu.memref_slice %arg5[%add3A_294, %dma_start3A_560, %dma_start3A_561] : memref<256x64x2048xf32, #tpu.memory_space<hbm>> -> memref<1x8x2048xf32, #tpu.memory_space<hbm>>
    %dma_start3A_563 = tpu.memref_squeeze %dma_start3A_562 : memref<1x8x2048xf32, #tpu.memory_space<hbm>> -> memref<8x2048xf32, #tpu.memory_space<hbm>>
    %dma_start3A_564 = arith.constant 56 : i32
    %dma_start3A_565 = arith.constant 0 : i32
    %dma_start3A_566 = tpu.memref_slice %arg5[%add3A_294, %dma_start3A_564, %dma_start3A_565] : memref<256x64x2048xf32, #tpu.memory_space<hbm>> -> memref<1x8x2048xf32, #tpu.memory_space<hbm>>
    %dma_start3A_567 = tpu.memref_squeeze %dma_start3A_566 : memref<1x8x2048xf32, #tpu.memory_space<hbm>> -> memref<8x2048xf32, #tpu.memory_space<hbm>>
    %dma_start3A_568 = arith.constant 0 : i32
    %dma_start3A_569 = arith.constant 0 : i32
    %dma_start3A_570 = tpu.memref_slice %arg9[%dma_start3A_555, %dma_start3A_568, %dma_start3A_569] : memref<2x8x2048xf32, #tpu.memory_space<vmem>> -> memref<1x8x2048xf32, #tpu.memory_space<vmem>>
    %dma_start3A_571 = tpu.memref_squeeze %dma_start3A_570 : memref<1x8x2048xf32, #tpu.memory_space<vmem>> -> memref<8x2048xf32, #tpu.memory_space<vmem>>
    tpu.enqueue_dma source(%dma_start3A_571 : memref<8x2048xf32, #tpu.memory_space<vmem>>) target(%dma_start3A_567 : memref<8x2048xf32, #tpu.memory_space<hbm>>) target_semaphore(%arg10 : memref<!tpu.dma_semaphore, #tpu.memory_space<semaphore_mem>>)
    %mul3A_572 = arith.constant 8 : i32
    %mul3A_573 = arith.muli %add3A, %mul3A_572 : i32
    %add3A_574 = arith.constant 3 : i32
    %add3A_575 = arith.addi %mul3A_573, %add3A_574 : i32
    "tpu.region"() ({
      %run_scoped3A = tpu.sem_alloc : memref<!tpu.dma_semaphore, #tpu.memory_space<semaphore_mem>>
      %dma_start3A_2254 = arith.constant 0 : i32
      %dma_start3A_2255 = arith.constant 0 : i32
      %dma_start3A_2256 = tpu.memref_slice %arg2[%add3A_575, %dma_start3A_2254, %dma_start3A_2255] : memref<256x256x256xf32, #tpu.memory_space<hbm>> -> memref<1x256x256xf32, #tpu.memory_space<hbm>>
      %dma_start3A_2257 = tpu.memref_squeeze %dma_start3A_2256 : memref<1x256x256xf32, #tpu.memory_space<hbm>> -> memref<256x256xf32, #tpu.memory_space<hbm>>
      %dma_start3A_2258 = arith.constant 0 : i32
      %dma_start3A_2259 = arith.constant 0 : i32
      %dma_start3A_2260 = tpu.memref_slice %arg2[%add3A_575, %dma_start3A_2258, %dma_start3A_2259] : memref<256x256x256xf32, #tpu.memory_space<hbm>> -> memref<1x256x256xf32, #tpu.memory_space<hbm>>
      %dma_start3A_2261 = tpu.memref_squeeze %dma_start3A_2260 : memref<1x256x256xf32, #tpu.memory_space<hbm>> -> memref<256x256xf32, #tpu.memory_space<hbm>>
      tpu.enqueue_dma source(%dma_start3A_2261 : memref<256x256xf32, #tpu.memory_space<hbm>>) target(%arg6 : memref<256x256xf32, #tpu.memory_space<vmem>>) target_semaphore(%run_scoped3A : memref<!tpu.dma_semaphore, #tpu.memory_space<semaphore_mem>>)
      %dma_wait3A_2262 = arith.constant 0 : i32
      %dma_wait3A_2263 = arith.constant 0 : i32
      %dma_wait3A_2264 = tpu.memref_slice %arg2[%add3A_575, %dma_wait3A_2262, %dma_wait3A_2263] : memref<256x256x256xf32, #tpu.memory_space<hbm>> -> memref<1x256x256xf32, #tpu.memory_space<hbm>>
      %dma_wait3A_2265 = tpu.memref_squeeze %dma_wait3A_2264 : memref<1x256x256xf32, #tpu.memory_space<hbm>> -> memref<256x256xf32, #tpu.memory_space<hbm>>
      %dma_wait3A_2266 = arith.constant 0 : i32
      %dma_wait3A_2267 = arith.constant 0 : i32
      %dma_wait3A_2268 = tpu.memref_slice %arg2[%add3A_575, %dma_wait3A_2266, %dma_wait3A_2267] : memref<256x256x256xf32, #tpu.memory_space<hbm>> -> memref<1x256x256xf32, #tpu.memory_space<hbm>>
      %dma_wait3A_2269 = tpu.memref_squeeze %dma_wait3A_2268 : memref<1x256x256xf32, #tpu.memory_space<hbm>> -> memref<256x256xf32, #tpu.memory_space<hbm>>
      tpu.wait_dma2 semaphore(%run_scoped3A : memref<!tpu.dma_semaphore, #tpu.memory_space<semaphore_mem>>) src(%dma_wait3A_2269 : memref<256x256xf32, #tpu.memory_space<hbm>>) dst(%arg6 : memref<256x256xf32, #tpu.memory_space<vmem>>)
      tpu.yield
    }) : () -> ()
    %dma_wait3A_576 = arith.constant 1 : i32
    %dma_wait3A_577 = arith.constant 0 : i32
    %dma_wait3A_578 = arith.constant 0 : i32
    %dma_wait3A_579 = tpu.memref_slice %arg9[%dma_wait3A_576, %dma_wait3A_577, %dma_wait3A_578] : memref<2x8x2048xf32, #tpu.memory_space<vmem>> -> memref<1x8x2048xf32, #tpu.memory_space<vmem>>
    %dma_wait3A_580 = tpu.memref_squeeze %dma_wait3A_579 : memref<1x8x2048xf32, #tpu.memory_space<vmem>> -> memref<8x2048xf32, #tpu.memory_space<vmem>>
    %dma_wait3A_581 = arith.constant 0 : i32
    %dma_wait3A_582 = arith.constant 0 : i32
    %dma_wait3A_583 = tpu.memref_slice %arg5[%add3A_148, %dma_wait3A_581, %dma_wait3A_582] : memref<256x64x2048xf32, #tpu.memory_space<hbm>> -> memref<1x8x2048xf32, #tpu.memory_space<hbm>>
    %dma_wait3A_584 = tpu.memref_squeeze %dma_wait3A_583 : memref<1x8x2048xf32, #tpu.memory_space<hbm>> -> memref<8x2048xf32, #tpu.memory_space<hbm>>
    %dma_wait3A_585 = arith.constant 0 : i32
    %dma_wait3A_586 = arith.constant 0 : i32
    %dma_wait3A_587 = tpu.memref_slice %arg5[%add3A_148, %dma_wait3A_585, %dma_wait3A_586] : memref<256x64x2048xf32, #tpu.memory_space<hbm>> -> memref<1x8x2048xf32, #tpu.memory_space<hbm>>
    %dma_wait3A_588 = tpu.memref_squeeze %dma_wait3A_587 : memref<1x8x2048xf32, #tpu.memory_space<hbm>> -> memref<8x2048xf32, #tpu.memory_space<hbm>>
    %dma_wait3A_589 = arith.constant 0 : i32
    %dma_wait3A_590 = arith.constant 0 : i32
    %dma_wait3A_591 = tpu.memref_slice %arg9[%dma_wait3A_576, %dma_wait3A_589, %dma_wait3A_590] : memref<2x8x2048xf32, #tpu.memory_space<vmem>> -> memref<1x8x2048xf32, #tpu.memory_space<vmem>>
    %dma_wait3A_592 = tpu.memref_squeeze %dma_wait3A_591 : memref<1x8x2048xf32, #tpu.memory_space<vmem>> -> memref<8x2048xf32, #tpu.memory_space<vmem>>
    tpu.wait_dma2 semaphore(%arg11 : memref<!tpu.dma_semaphore, #tpu.memory_space<semaphore_mem>>) src(%dma_wait3A_592 : memref<8x2048xf32, #tpu.memory_space<vmem>>) dst(%dma_wait3A_588 : memref<8x2048xf32, #tpu.memory_space<hbm>>)
    %dma_wait3A_593 = arith.constant 1 : i32
    %dma_wait3A_594 = arith.constant 0 : i32
    %dma_wait3A_595 = arith.constant 0 : i32
    %dma_wait3A_596 = tpu.memref_slice %arg9[%dma_wait3A_593, %dma_wait3A_594, %dma_wait3A_595] : memref<2x8x2048xf32, #tpu.memory_space<vmem>> -> memref<1x8x2048xf32, #tpu.memory_space<vmem>>
    %dma_wait3A_597 = tpu.memref_squeeze %dma_wait3A_596 : memref<1x8x2048xf32, #tpu.memory_space<vmem>> -> memref<8x2048xf32, #tpu.memory_space<vmem>>
    %dma_wait3A_598 = arith.constant 8 : i32
    %dma_wait3A_599 = arith.constant 0 : i32
    %dma_wait3A_600 = tpu.memref_slice %arg5[%add3A_148, %dma_wait3A_598, %dma_wait3A_599] : memref<256x64x2048xf32, #tpu.memory_space<hbm>> -> memref<1x8x2048xf32, #tpu.memory_space<hbm>>
    %dma_wait3A_601 = tpu.memref_squeeze %dma_wait3A_600 : memref<1x8x2048xf32, #tpu.memory_space<hbm>> -> memref<8x2048xf32, #tpu.memory_space<hbm>>
    %dma_wait3A_602 = arith.constant 8 : i32
    %dma_wait3A_603 = arith.constant 0 : i32
    %dma_wait3A_604 = tpu.memref_slice %arg5[%add3A_148, %dma_wait3A_602, %dma_wait3A_603] : memref<256x64x2048xf32, #tpu.memory_space<hbm>> -> memref<1x8x2048xf32, #tpu.memory_space<hbm>>
    %dma_wait3A_605 = tpu.memref_squeeze %dma_wait3A_604 : memref<1x8x2048xf32, #tpu.memory_space<hbm>> -> memref<8x2048xf32, #tpu.memory_space<hbm>>
    %dma_wait3A_606 = arith.constant 0 : i32
    %dma_wait3A_607 = arith.constant 0 : i32
    %dma_wait3A_608 = tpu.memref_slice %arg9[%dma_wait3A_593, %dma_wait3A_606, %dma_wait3A_607] : memref<2x8x2048xf32, #tpu.memory_space<vmem>> -> memref<1x8x2048xf32, #tpu.memory_space<vmem>>
    %dma_wait3A_609 = tpu.memref_squeeze %dma_wait3A_608 : memref<1x8x2048xf32, #tpu.memory_space<vmem>> -> memref<8x2048xf32, #tpu.memory_space<vmem>>
    tpu.wait_dma2 semaphore(%arg11 : memref<!tpu.dma_semaphore, #tpu.memory_space<semaphore_mem>>) src(%dma_wait3A_609 : memref<8x2048xf32, #tpu.memory_space<vmem>>) dst(%dma_wait3A_605 : memref<8x2048xf32, #tpu.memory_space<hbm>>)
    %dma_wait3A_610 = arith.constant 1 : i32
    %dma_wait3A_611 = arith.constant 0 : i32
    %dma_wait3A_612 = arith.constant 0 : i32
    %dma_wait3A_613 = tpu.memref_slice %arg9[%dma_wait3A_610, %dma_wait3A_611, %dma_wait3A_612] : memref<2x8x2048xf32, #tpu.memory_space<vmem>> -> memref<1x8x2048xf32, #tpu.memory_space<vmem>>
    %dma_wait3A_614 = tpu.memref_squeeze %dma_wait3A_613 : memref<1x8x2048xf32, #tpu.memory_space<vmem>> -> memref<8x2048xf32, #tpu.memory_space<vmem>>
    %dma_wait3A_615 = arith.constant 16 : i32
    %dma_wait3A_616 = arith.constant 0 : i32
    %dma_wait3A_617 = tpu.memref_slice %arg5[%add3A_148, %dma_wait3A_615, %dma_wait3A_616] : memref<256x64x2048xf32, #tpu.memory_space<hbm>> -> memref<1x8x2048xf32, #tpu.memory_space<hbm>>
    %dma_wait3A_618 = tpu.memref_squeeze %dma_wait3A_617 : memref<1x8x2048xf32, #tpu.memory_space<hbm>> -> memref<8x2048xf32, #tpu.memory_space<hbm>>
    %dma_wait3A_619 = arith.constant 16 : i32
    %dma_wait3A_620 = arith.constant 0 : i32
    %dma_wait3A_621 = tpu.memref_slice %arg5[%add3A_148, %dma_wait3A_619, %dma_wait3A_620] : memref<256x64x2048xf32, #tpu.memory_space<hbm>> -> memref<1x8x2048xf32, #tpu.memory_space<hbm>>
    %dma_wait3A_622 = tpu.memref_squeeze %dma_wait3A_621 : memref<1x8x2048xf32, #tpu.memory_space<hbm>> -> memref<8x2048xf32, #tpu.memory_space<hbm>>
    %dma_wait3A_623 = arith.constant 0 : i32
    %dma_wait3A_624 = arith.constant 0 : i32
    %dma_wait3A_625 = tpu.memref_slice %arg9[%dma_wait3A_610, %dma_wait3A_623, %dma_wait3A_624] : memref<2x8x2048xf32, #tpu.memory_space<vmem>> -> memref<1x8x2048xf32, #tpu.memory_space<vmem>>
    %dma_wait3A_626 = tpu.memref_squeeze %dma_wait3A_625 : memref<1x8x2048xf32, #tpu.memory_space<vmem>> -> memref<8x2048xf32, #tpu.memory_space<vmem>>
    tpu.wait_dma2 semaphore(%arg11 : memref<!tpu.dma_semaphore, #tpu.memory_space<semaphore_mem>>) src(%dma_wait3A_626 : memref<8x2048xf32, #tpu.memory_space<vmem>>) dst(%dma_wait3A_622 : memref<8x2048xf32, #tpu.memory_space<hbm>>)
    %dma_wait3A_627 = arith.constant 1 : i32
    %dma_wait3A_628 = arith.constant 0 : i32
    %dma_wait3A_629 = arith.constant 0 : i32
    %dma_wait3A_630 = tpu.memref_slice %arg9[%dma_wait3A_627, %dma_wait3A_628, %dma_wait3A_629] : memref<2x8x2048xf32, #tpu.memory_space<vmem>> -> memref<1x8x2048xf32, #tpu.memory_space<vmem>>
    %dma_wait3A_631 = tpu.memref_squeeze %dma_wait3A_630 : memref<1x8x2048xf32, #tpu.memory_space<vmem>> -> memref<8x2048xf32, #tpu.memory_space<vmem>>
    %dma_wait3A_632 = arith.constant 24 : i32
    %dma_wait3A_633 = arith.constant 0 : i32
    %dma_wait3A_634 = tpu.memref_slice %arg5[%add3A_148, %dma_wait3A_632, %dma_wait3A_633] : memref<256x64x2048xf32, #tpu.memory_space<hbm>> -> memref<1x8x2048xf32, #tpu.memory_space<hbm>>
    %dma_wait3A_635 = tpu.memref_squeeze %dma_wait3A_634 : memref<1x8x2048xf32, #tpu.memory_space<hbm>> -> memref<8x2048xf32, #tpu.memory_space<hbm>>
    %dma_wait3A_636 = arith.constant 24 : i32
    %dma_wait3A_637 = arith.constant 0 : i32
    %dma_wait3A_638 = tpu.memref_slice %arg5[%add3A_148, %dma_wait3A_636, %dma_wait3A_637] : memref<256x64x2048xf32, #tpu.memory_space<hbm>> -> memref<1x8x2048xf32, #tpu.memory_space<hbm>>
    %dma_wait3A_639 = tpu.memref_squeeze %dma_wait3A_638 : memref<1x8x2048xf32, #tpu.memory_space<hbm>> -> memref<8x2048xf32, #tpu.memory_space<hbm>>
    %dma_wait3A_640 = arith.constant 0 : i32
    %dma_wait3A_641 = arith.constant 0 : i32
    %dma_wait3A_642 = tpu.memref_slice %arg9[%dma_wait3A_627, %dma_wait3A_640, %dma_wait3A_641] : memref<2x8x2048xf32, #tpu.memory_space<vmem>> -> memref<1x8x2048xf32, #tpu.memory_space<vmem>>
    %dma_wait3A_643 = tpu.memref_squeeze %dma_wait3A_642 : memref<1x8x2048xf32, #tpu.memory_space<vmem>> -> memref<8x2048xf32, #tpu.memory_space<vmem>>
    tpu.wait_dma2 semaphore(%arg11 : memref<!tpu.dma_semaphore, #tpu.memory_space<semaphore_mem>>) src(%dma_wait3A_643 : memref<8x2048xf32, #tpu.memory_space<vmem>>) dst(%dma_wait3A_639 : memref<8x2048xf32, #tpu.memory_space<hbm>>)
    %dma_wait3A_644 = arith.constant 1 : i32
    %dma_wait3A_645 = arith.constant 0 : i32
    %dma_wait3A_646 = arith.constant 0 : i32
    %dma_wait3A_647 = tpu.memref_slice %arg9[%dma_wait3A_644, %dma_wait3A_645, %dma_wait3A_646] : memref<2x8x2048xf32, #tpu.memory_space<vmem>> -> memref<1x8x2048xf32, #tpu.memory_space<vmem>>
    %dma_wait3A_648 = tpu.memref_squeeze %dma_wait3A_647 : memref<1x8x2048xf32, #tpu.memory_space<vmem>> -> memref<8x2048xf32, #tpu.memory_space<vmem>>
    %dma_wait3A_649 = arith.constant 32 : i32
    %dma_wait3A_650 = arith.constant 0 : i32
    %dma_wait3A_651 = tpu.memref_slice %arg5[%add3A_148, %dma_wait3A_649, %dma_wait3A_650] : memref<256x64x2048xf32, #tpu.memory_space<hbm>> -> memref<1x8x2048xf32, #tpu.memory_space<hbm>>
    %dma_wait3A_652 = tpu.memref_squeeze %dma_wait3A_651 : memref<1x8x2048xf32, #tpu.memory_space<hbm>> -> memref<8x2048xf32, #tpu.memory_space<hbm>>
    %dma_wait3A_653 = arith.constant 32 : i32
    %dma_wait3A_654 = arith.constant 0 : i32
    %dma_wait3A_655 = tpu.memref_slice %arg5[%add3A_148, %dma_wait3A_653, %dma_wait3A_654] : memref<256x64x2048xf32, #tpu.memory_space<hbm>> -> memref<1x8x2048xf32, #tpu.memory_space<hbm>>
    %dma_wait3A_656 = tpu.memref_squeeze %dma_wait3A_655 : memref<1x8x2048xf32, #tpu.memory_space<hbm>> -> memref<8x2048xf32, #tpu.memory_space<hbm>>
    %dma_wait3A_657 = arith.constant 0 : i32
    %dma_wait3A_658 = arith.constant 0 : i32
    %dma_wait3A_659 = tpu.memref_slice %arg9[%dma_wait3A_644, %dma_wait3A_657, %dma_wait3A_658] : memref<2x8x2048xf32, #tpu.memory_space<vmem>> -> memref<1x8x2048xf32, #tpu.memory_space<vmem>>
    %dma_wait3A_660 = tpu.memref_squeeze %dma_wait3A_659 : memref<1x8x2048xf32, #tpu.memory_space<vmem>> -> memref<8x2048xf32, #tpu.memory_space<vmem>>
    tpu.wait_dma2 semaphore(%arg11 : memref<!tpu.dma_semaphore, #tpu.memory_space<semaphore_mem>>) src(%dma_wait3A_660 : memref<8x2048xf32, #tpu.memory_space<vmem>>) dst(%dma_wait3A_656 : memref<8x2048xf32, #tpu.memory_space<hbm>>)
    %dma_wait3A_661 = arith.constant 1 : i32
    %dma_wait3A_662 = arith.constant 0 : i32
    %dma_wait3A_663 = arith.constant 0 : i32
    %dma_wait3A_664 = tpu.memref_slice %arg9[%dma_wait3A_661, %dma_wait3A_662, %dma_wait3A_663] : memref<2x8x2048xf32, #tpu.memory_space<vmem>> -> memref<1x8x2048xf32, #tpu.memory_space<vmem>>
    %dma_wait3A_665 = tpu.memref_squeeze %dma_wait3A_664 : memref<1x8x2048xf32, #tpu.memory_space<vmem>> -> memref<8x2048xf32, #tpu.memory_space<vmem>>
    %dma_wait3A_666 = arith.constant 40 : i32
    %dma_wait3A_667 = arith.constant 0 : i32
    %dma_wait3A_668 = tpu.memref_slice %arg5[%add3A_148, %dma_wait3A_666, %dma_wait3A_667] : memref<256x64x2048xf32, #tpu.memory_space<hbm>> -> memref<1x8x2048xf32, #tpu.memory_space<hbm>>
    %dma_wait3A_669 = tpu.memref_squeeze %dma_wait3A_668 : memref<1x8x2048xf32, #tpu.memory_space<hbm>> -> memref<8x2048xf32, #tpu.memory_space<hbm>>
    %dma_wait3A_670 = arith.constant 40 : i32
    %dma_wait3A_671 = arith.constant 0 : i32
    %dma_wait3A_672 = tpu.memref_slice %arg5[%add3A_148, %dma_wait3A_670, %dma_wait3A_671] : memref<256x64x2048xf32, #tpu.memory_space<hbm>> -> memref<1x8x2048xf32, #tpu.memory_space<hbm>>
    %dma_wait3A_673 = tpu.memref_squeeze %dma_wait3A_672 : memref<1x8x2048xf32, #tpu.memory_space<hbm>> -> memref<8x2048xf32, #tpu.memory_space<hbm>>
    %dma_wait3A_674 = arith.constant 0 : i32
    %dma_wait3A_675 = arith.constant 0 : i32
    %dma_wait3A_676 = tpu.memref_slice %arg9[%dma_wait3A_661, %dma_wait3A_674, %dma_wait3A_675] : memref<2x8x2048xf32, #tpu.memory_space<vmem>> -> memref<1x8x2048xf32, #tpu.memory_space<vmem>>
    %dma_wait3A_677 = tpu.memref_squeeze %dma_wait3A_676 : memref<1x8x2048xf32, #tpu.memory_space<vmem>> -> memref<8x2048xf32, #tpu.memory_space<vmem>>
    tpu.wait_dma2 semaphore(%arg11 : memref<!tpu.dma_semaphore, #tpu.memory_space<semaphore_mem>>) src(%dma_wait3A_677 : memref<8x2048xf32, #tpu.memory_space<vmem>>) dst(%dma_wait3A_673 : memref<8x2048xf32, #tpu.memory_space<hbm>>)
    %dma_wait3A_678 = arith.constant 1 : i32
    %dma_wait3A_679 = arith.constant 0 : i32
    %dma_wait3A_680 = arith.constant 0 : i32
    %dma_wait3A_681 = tpu.memref_slice %arg9[%dma_wait3A_678, %dma_wait3A_679, %dma_wait3A_680] : memref<2x8x2048xf32, #tpu.memory_space<vmem>> -> memref<1x8x2048xf32, #tpu.memory_space<vmem>>
    %dma_wait3A_682 = tpu.memref_squeeze %dma_wait3A_681 : memref<1x8x2048xf32, #tpu.memory_space<vmem>> -> memref<8x2048xf32, #tpu.memory_space<vmem>>
    %dma_wait3A_683 = arith.constant 48 : i32
    %dma_wait3A_684 = arith.constant 0 : i32
    %dma_wait3A_685 = tpu.memref_slice %arg5[%add3A_148, %dma_wait3A_683, %dma_wait3A_684] : memref<256x64x2048xf32, #tpu.memory_space<hbm>> -> memref<1x8x2048xf32, #tpu.memory_space<hbm>>
    %dma_wait3A_686 = tpu.memref_squeeze %dma_wait3A_685 : memref<1x8x2048xf32, #tpu.memory_space<hbm>> -> memref<8x2048xf32, #tpu.memory_space<hbm>>
    %dma_wait3A_687 = arith.constant 48 : i32
    %dma_wait3A_688 = arith.constant 0 : i32
    %dma_wait3A_689 = tpu.memref_slice %arg5[%add3A_148, %dma_wait3A_687, %dma_wait3A_688] : memref<256x64x2048xf32, #tpu.memory_space<hbm>> -> memref<1x8x2048xf32, #tpu.memory_space<hbm>>
    %dma_wait3A_690 = tpu.memref_squeeze %dma_wait3A_689 : memref<1x8x2048xf32, #tpu.memory_space<hbm>> -> memref<8x2048xf32, #tpu.memory_space<hbm>>
    %dma_wait3A_691 = arith.constant 0 : i32
    %dma_wait3A_692 = arith.constant 0 : i32
    %dma_wait3A_693 = tpu.memref_slice %arg9[%dma_wait3A_678, %dma_wait3A_691, %dma_wait3A_692] : memref<2x8x2048xf32, #tpu.memory_space<vmem>> -> memref<1x8x2048xf32, #tpu.memory_space<vmem>>
    %dma_wait3A_694 = tpu.memref_squeeze %dma_wait3A_693 : memref<1x8x2048xf32, #tpu.memory_space<vmem>> -> memref<8x2048xf32, #tpu.memory_space<vmem>>
    tpu.wait_dma2 semaphore(%arg11 : memref<!tpu.dma_semaphore, #tpu.memory_space<semaphore_mem>>) src(%dma_wait3A_694 : memref<8x2048xf32, #tpu.memory_space<vmem>>) dst(%dma_wait3A_690 : memref<8x2048xf32, #tpu.memory_space<hbm>>)
    %dma_wait3A_695 = arith.constant 1 : i32
    %dma_wait3A_696 = arith.constant 0 : i32
    %dma_wait3A_697 = arith.constant 0 : i32
    %dma_wait3A_698 = tpu.memref_slice %arg9[%dma_wait3A_695, %dma_wait3A_696, %dma_wait3A_697] : memref<2x8x2048xf32, #tpu.memory_space<vmem>> -> memref<1x8x2048xf32, #tpu.memory_space<vmem>>
    %dma_wait3A_699 = tpu.memref_squeeze %dma_wait3A_698 : memref<1x8x2048xf32, #tpu.memory_space<vmem>> -> memref<8x2048xf32, #tpu.memory_space<vmem>>
    %dma_wait3A_700 = arith.constant 56 : i32
    %dma_wait3A_701 = arith.constant 0 : i32
    %dma_wait3A_702 = tpu.memref_slice %arg5[%add3A_148, %dma_wait3A_700, %dma_wait3A_701] : memref<256x64x2048xf32, #tpu.memory_space<hbm>> -> memref<1x8x2048xf32, #tpu.memory_space<hbm>>
    %dma_wait3A_703 = tpu.memref_squeeze %dma_wait3A_702 : memref<1x8x2048xf32, #tpu.memory_space<hbm>> -> memref<8x2048xf32, #tpu.memory_space<hbm>>
    %dma_wait3A_704 = arith.constant 56 : i32
    %dma_wait3A_705 = arith.constant 0 : i32
    %dma_wait3A_706 = tpu.memref_slice %arg5[%add3A_148, %dma_wait3A_704, %dma_wait3A_705] : memref<256x64x2048xf32, #tpu.memory_space<hbm>> -> memref<1x8x2048xf32, #tpu.memory_space<hbm>>
    %dma_wait3A_707 = tpu.memref_squeeze %dma_wait3A_706 : memref<1x8x2048xf32, #tpu.memory_space<hbm>> -> memref<8x2048xf32, #tpu.memory_space<hbm>>
    %dma_wait3A_708 = arith.constant 0 : i32
    %dma_wait3A_709 = arith.constant 0 : i32
    %dma_wait3A_710 = tpu.memref_slice %arg9[%dma_wait3A_695, %dma_wait3A_708, %dma_wait3A_709] : memref<2x8x2048xf32, #tpu.memory_space<vmem>> -> memref<1x8x2048xf32, #tpu.memory_space<vmem>>
    %dma_wait3A_711 = tpu.memref_squeeze %dma_wait3A_710 : memref<1x8x2048xf32, #tpu.memory_space<vmem>> -> memref<8x2048xf32, #tpu.memory_space<vmem>>
    tpu.wait_dma2 semaphore(%arg11 : memref<!tpu.dma_semaphore, #tpu.memory_space<semaphore_mem>>) src(%dma_wait3A_711 : memref<8x2048xf32, #tpu.memory_space<vmem>>) dst(%dma_wait3A_707 : memref<8x2048xf32, #tpu.memory_space<hbm>>)
    %scan3A_712 = arith.constant 0 : i32
    %scan3A_713 = arith.constant 0 : i32
    %scan3A_714 = arith.constant 128 : i32
    %scan3A_715 = arith.addi %scan3A_713, %scan3A_714 : i32
    %scan3A_716 = arith.constant 1 : i32
    scf.for %scan3A_2254 = %scan3A_713 to %scan3A_715 step %scan3A_716  : i32 {
      %mul3A_2255 = arith.constant 16 : i32
      %mul3A_2256 = arith.muli %scan3A_2254, %mul3A_2255 : i32
      %multiple_of3A = tpu.assume_multiple %mul3A_2256, 16 : i32
      %get3A = arith.constant 0 : i32
      %get3A_2257 = arith.index_cast %get3A : i32 to index
      %get3A_2258 = arith.index_cast %multiple_of3A : i32 to index
      %get3A_2259 = tpu.vector_load %arg7[%get3A_2257, %get3A_2258] {strides = array<i32>} : memref<4x2048xi32, #tpu.memory_space<vmem>>, vector<16xi32>,
      %get3A_2260 = arith.constant 1 : i32
      %get3A_2261 = arith.index_cast %get3A_2260 : i32 to index
      %get3A_2262 = arith.index_cast %multiple_of3A : i32 to index
      %get3A_2263 = tpu.vector_load %arg7[%get3A_2261, %get3A_2262] {strides = array<i32>} : memref<4x2048xi32, #tpu.memory_space<vmem>>, vector<16xi32>,
      %get3A_2264 = arith.constant 2 : i32
      %get3A_2265 = arith.index_cast %get3A_2264 : i32 to index
      %get3A_2266 = arith.index_cast %multiple_of3A : i32 to index
      %get3A_2267 = tpu.vector_load %arg7[%get3A_2265, %get3A_2266] {strides = array<i32>} : memref<4x2048xi32, #tpu.memory_space<vmem>>, vector<16xi32>,
      %get3A_2268 = arith.constant 3 : i32
      %get3A_2269 = arith.index_cast %get3A_2268 : i32 to index
      %get3A_2270 = arith.index_cast %multiple_of3A : i32 to index
      %get3A_2271 = tpu.vector_load %arg7[%get3A_2269, %get3A_2270] {strides = array<i32>} : memref<4x2048xi32, #tpu.memory_space<vmem>>, vector<16xi32>,
      %gather3A = tpu.vector_load_idx %arg6[%get3A_2259, %get3A_2267] : memref<256x256xf32, #tpu.memory_space<vmem>>[vector<16xi32>, vector<16xi32>], vector<16xf32>,
      %gather3A_2272 = tpu.vector_load_idx %arg6[%get3A_2259, %get3A_2271] : memref<256x256xf32, #tpu.memory_space<vmem>>[vector<16xi32>, vector<16xi32>], vector<16xf32>,
      %gather3A_2273 = tpu.vector_load_idx %arg6[%get3A_2263, %get3A_2267] : memref<256x256xf32, #tpu.memory_space<vmem>>[vector<16xi32>, vector<16xi32>], vector<16xf32>,
      %gather3A_2274 = tpu.vector_load_idx %arg6[%get3A_2263, %get3A_2271] : memref<256x256xf32, #tpu.memory_space<vmem>>[vector<16xi32>, vector<16xi32>], vector<16xf32>,
      %get3A_2275 = arith.constant 0 : i32
      %get3A_2276 = arith.index_cast %get3A_2275 : i32 to index
      %get3A_2277 = arith.index_cast %multiple_of3A : i32 to index
      %get3A_2278 = tpu.vector_load %arg8[%get3A_2276, %get3A_2277] {strides = array<i32>} : memref<4x2048xf32, #tpu.memory_space<vmem>>, vector<16xf32>,
      %mul3A_2279 = arith.mulf %gather3A, %get3A_2278 : vector<16xf32>
      %get3A_2280 = arith.constant 1 : i32
      %get3A_2281 = arith.index_cast %get3A_2280 : i32 to index
      %get3A_2282 = arith.index_cast %multiple_of3A : i32 to index
      %get3A_2283 = tpu.vector_load %arg8[%get3A_2281, %get3A_2282] {strides = array<i32>} : memref<4x2048xf32, #tpu.memory_space<vmem>>, vector<16xf32>,
      %mul3A_2284 = arith.mulf %gather3A_2272, %get3A_2283 : vector<16xf32>
      %add3A_2285 = arith.addf %mul3A_2279, %mul3A_2284 : vector<16xf32>
      %get3A_2286 = arith.constant 2 : i32
      %get3A_2287 = arith.index_cast %get3A_2286 : i32 to index
      %get3A_2288 = arith.index_cast %multiple_of3A : i32 to index
      %get3A_2289 = tpu.vector_load %arg8[%get3A_2287, %get3A_2288] {strides = array<i32>} : memref<4x2048xf32, #tpu.memory_space<vmem>>, vector<16xf32>,
      %mul3A_2290 = arith.mulf %gather3A_2273, %get3A_2289 : vector<16xf32>
      %add3A_2291 = arith.addf %add3A_2285, %mul3A_2290 : vector<16xf32>
      %get3A_2292 = arith.constant 3 : i32
      %get3A_2293 = arith.index_cast %get3A_2292 : i32 to index
      %get3A_2294 = arith.index_cast %multiple_of3A : i32 to index
      %get3A_2295 = tpu.vector_load %arg8[%get3A_2293, %get3A_2294] {strides = array<i32>} : memref<4x2048xf32, #tpu.memory_space<vmem>>, vector<16xf32>,
      %mul3A_2296 = arith.mulf %gather3A_2274, %get3A_2295 : vector<16xf32>
      %add3A_2297 = arith.addf %add3A_2291, %mul3A_2296 : vector<16xf32>
      %swap3A = arith.constant 1 : i32
      %swap3A_2298 = arith.constant 0 : i32
      %swap3A_2299 = arith.index_cast %swap3A : i32 to index
      %swap3A_2300 = arith.index_cast %swap3A_2298 : i32 to index
      %swap3A_2301 = arith.index_cast %multiple_of3A : i32 to index
      %swap3A_2302 = tpu.vector_load %arg9[%swap3A_2299, %swap3A_2300, %swap3A_2301] {strides = array<i32>} : memref<2x8x2048xf32, #tpu.memory_space<vmem>>, vector<16xf32>,
      tpu.vector_store %arg9[%swap3A_2299, %swap3A_2300, %swap3A_2301], %add3A_2297 {strides = array<i32>} : memref<2x8x2048xf32, #tpu.memory_space<vmem>>, vector<16xf32>,
      %swap3A_2303 = arith.constant 1 : i32
      %swap3A_2304 = arith.constant 1 : i32
      %swap3A_2305 = arith.index_cast %swap3A_2303 : i32 to index
      %swap3A_2306 = arith.index_cast %swap3A_2304 : i32 to index
      %swap3A_2307 = arith.index_cast %multiple_of3A : i32 to index
      %swap3A_2308 = tpu.vector_load %arg9[%swap3A_2305, %swap3A_2306, %swap3A_2307] {strides = array<i32>} : memref<2x8x2048xf32, #tpu.memory_space<vmem>>, vector<16xf32>,
      tpu.vector_store %arg9[%swap3A_2305, %swap3A_2306, %swap3A_2307], %add3A_2297 {strides = array<i32>} : memref<2x8x2048xf32, #tpu.memory_space<vmem>>, vector<16xf32>,
      %swap3A_2309 = arith.constant 1 : i32
      %swap3A_2310 = arith.constant 2 : i32
      %swap3A_2311 = arith.index_cast %swap3A_2309 : i32 to index
      %swap3A_2312 = arith.index_cast %swap3A_2310 : i32 to index
      %swap3A_2313 = arith.index_cast %multiple_of3A : i32 to index
      %swap3A_2314 = tpu.vector_load %arg9[%swap3A_2311, %swap3A_2312, %swap3A_2313] {strides = array<i32>} : memref<2x8x2048xf32, #tpu.memory_space<vmem>>, vector<16xf32>,
      tpu.vector_store %arg9[%swap3A_2311, %swap3A_2312, %swap3A_2313], %add3A_2297 {strides = array<i32>} : memref<2x8x2048xf32, #tpu.memory_space<vmem>>, vector<16xf32>,
      %swap3A_2315 = arith.constant 1 : i32
      %swap3A_2316 = arith.constant 3 : i32
      %swap3A_2317 = arith.index_cast %swap3A_2315 : i32 to index
      %swap3A_2318 = arith.index_cast %swap3A_2316 : i32 to index
      %swap3A_2319 = arith.index_cast %multiple_of3A : i32 to index
      %swap3A_2320 = tpu.vector_load %arg9[%swap3A_2317, %swap3A_2318, %swap3A_2319] {strides = array<i32>} : memref<2x8x2048xf32, #tpu.memory_space<vmem>>, vector<16xf32>,
      tpu.vector_store %arg9[%swap3A_2317, %swap3A_2318, %swap3A_2319], %add3A_2297 {strides = array<i32>} : memref<2x8x2048xf32, #tpu.memory_space<vmem>>, vector<16xf32>,
      %swap3A_2321 = arith.constant 1 : i32
      %swap3A_2322 = arith.constant 4 : i32
      %swap3A_2323 = arith.index_cast %swap3A_2321 : i32 to index
      %swap3A_2324 = arith.index_cast %swap3A_2322 : i32 to index
      %swap3A_2325 = arith.index_cast %multiple_of3A : i32 to index
      %swap3A_2326 = tpu.vector_load %arg9[%swap3A_2323, %swap3A_2324, %swap3A_2325] {strides = array<i32>} : memref<2x8x2048xf32, #tpu.memory_space<vmem>>, vector<16xf32>,
      tpu.vector_store %arg9[%swap3A_2323, %swap3A_2324, %swap3A_2325], %add3A_2297 {strides = array<i32>} : memref<2x8x2048xf32, #tpu.memory_space<vmem>>, vector<16xf32>,
      %swap3A_2327 = arith.constant 1 : i32
      %swap3A_2328 = arith.constant 5 : i32
      %swap3A_2329 = arith.index_cast %swap3A_2327 : i32 to index
      %swap3A_2330 = arith.index_cast %swap3A_2328 : i32 to index
      %swap3A_2331 = arith.index_cast %multiple_of3A : i32 to index
      %swap3A_2332 = tpu.vector_load %arg9[%swap3A_2329, %swap3A_2330, %swap3A_2331] {strides = array<i32>} : memref<2x8x2048xf32, #tpu.memory_space<vmem>>, vector<16xf32>,
      tpu.vector_store %arg9[%swap3A_2329, %swap3A_2330, %swap3A_2331], %add3A_2297 {strides = array<i32>} : memref<2x8x2048xf32, #tpu.memory_space<vmem>>, vector<16xf32>,
      %swap3A_2333 = arith.constant 1 : i32
      %swap3A_2334 = arith.constant 6 : i32
      %swap3A_2335 = arith.index_cast %swap3A_2333 : i32 to index
      %swap3A_2336 = arith.index_cast %swap3A_2334 : i32 to index
      %swap3A_2337 = arith.index_cast %multiple_of3A : i32 to index
      %swap3A_2338 = tpu.vector_load %arg9[%swap3A_2335, %swap3A_2336, %swap3A_2337] {strides = array<i32>} : memref<2x8x2048xf32, #tpu.memory_space<vmem>>, vector<16xf32>,
      tpu.vector_store %arg9[%swap3A_2335, %swap3A_2336, %swap3A_2337], %add3A_2297 {strides = array<i32>} : memref<2x8x2048xf32, #tpu.memory_space<vmem>>, vector<16xf32>,
      %swap3A_2339 = arith.constant 1 : i32
      %swap3A_2340 = arith.constant 7 : i32
      %swap3A_2341 = arith.index_cast %swap3A_2339 : i32 to index
      %swap3A_2342 = arith.index_cast %swap3A_2340 : i32 to index
      %swap3A_2343 = arith.index_cast %multiple_of3A : i32 to index
      %swap3A_2344 = tpu.vector_load %arg9[%swap3A_2341, %swap3A_2342, %swap3A_2343] {strides = array<i32>} : memref<2x8x2048xf32, #tpu.memory_space<vmem>>, vector<16xf32>,
      tpu.vector_store %arg9[%swap3A_2341, %swap3A_2342, %swap3A_2343], %add3A_2297 {strides = array<i32>} : memref<2x8x2048xf32, #tpu.memory_space<vmem>>, vector<16xf32>,
    }
    %scan3A_717 = arith.constant 128 : i32
    %dma_start3A_718 = arith.constant 1 : i32
    %dma_start3A_719 = arith.constant 0 : i32
    %dma_start3A_720 = arith.constant 0 : i32
    %dma_start3A_721 = tpu.memref_slice %arg9[%dma_start3A_718, %dma_start3A_719, %dma_start3A_720] : memref<2x8x2048xf32, #tpu.memory_space<vmem>> -> memref<1x8x2048xf32, #tpu.memory_space<vmem>>
    %dma_start3A_722 = tpu.memref_squeeze %dma_start3A_721 : memref<1x8x2048xf32, #tpu.memory_space<vmem>> -> memref<8x2048xf32, #tpu.memory_space<vmem>>
    %dma_start3A_723 = arith.constant 0 : i32
    %dma_start3A_724 = arith.constant 0 : i32
    %dma_start3A_725 = tpu.memref_slice %arg5[%add3A_575, %dma_start3A_723, %dma_start3A_724] : memref<256x64x2048xf32, #tpu.memory_space<hbm>> -> memref<1x8x2048xf32, #tpu.memory_space<hbm>>
    %dma_start3A_726 = tpu.memref_squeeze %dma_start3A_725 : memref<1x8x2048xf32, #tpu.memory_space<hbm>> -> memref<8x2048xf32, #tpu.memory_space<hbm>>
    %dma_start3A_727 = arith.constant 0 : i32
    %dma_start3A_728 = arith.constant 0 : i32
    %dma_start3A_729 = tpu.memref_slice %arg5[%add3A_575, %dma_start3A_727, %dma_start3A_728] : memref<256x64x2048xf32, #tpu.memory_space<hbm>> -> memref<1x8x2048xf32, #tpu.memory_space<hbm>>
    %dma_start3A_730 = tpu.memref_squeeze %dma_start3A_729 : memref<1x8x2048xf32, #tpu.memory_space<hbm>> -> memref<8x2048xf32, #tpu.memory_space<hbm>>
    %dma_start3A_731 = arith.constant 0 : i32
    %dma_start3A_732 = arith.constant 0 : i32
    %dma_start3A_733 = tpu.memref_slice %arg9[%dma_start3A_718, %dma_start3A_731, %dma_start3A_732] : memref<2x8x2048xf32, #tpu.memory_space<vmem>> -> memref<1x8x2048xf32, #tpu.memory_space<vmem>>
    %dma_start3A_734 = tpu.memref_squeeze %dma_start3A_733 : memref<1x8x2048xf32, #tpu.memory_space<vmem>> -> memref<8x2048xf32, #tpu.memory_space<vmem>>
    tpu.enqueue_dma source(%dma_start3A_734 : memref<8x2048xf32, #tpu.memory_space<vmem>>) target(%dma_start3A_730 : memref<8x2048xf32, #tpu.memory_space<hbm>>) target_semaphore(%arg11 : memref<!tpu.dma_semaphore, #tpu.memory_space<semaphore_mem>>)
    %dma_start3A_735 = arith.constant 1 : i32
    %dma_start3A_736 = arith.constant 0 : i32
    %dma_start3A_737 = arith.constant 0 : i32
    %dma_start3A_738 = tpu.memref_slice %arg9[%dma_start3A_735, %dma_start3A_736, %dma_start3A_737] : memref<2x8x2048xf32, #tpu.memory_space<vmem>> -> memref<1x8x2048xf32, #tpu.memory_space<vmem>>
    %dma_start3A_739 = tpu.memref_squeeze %dma_start3A_738 : memref<1x8x2048xf32, #tpu.memory_space<vmem>> -> memref<8x2048xf32, #tpu.memory_space<vmem>>
    %dma_start3A_740 = arith.constant 8 : i32
    %dma_start3A_741 = arith.constant 0 : i32
    %dma_start3A_742 = tpu.memref_slice %arg5[%add3A_575, %dma_start3A_740, %dma_start3A_741] : memref<256x64x2048xf32, #tpu.memory_space<hbm>> -> memref<1x8x2048xf32, #tpu.memory_space<hbm>>
    %dma_start3A_743 = tpu.memref_squeeze %dma_start3A_742 : memref<1x8x2048xf32, #tpu.memory_space<hbm>> -> memref<8x2048xf32, #tpu.memory_space<hbm>>
    %dma_start3A_744 = arith.constant 8 : i32
    %dma_start3A_745 = arith.constant 0 : i32
    %dma_start3A_746 = tpu.memref_slice %arg5[%add3A_575, %dma_start3A_744, %dma_start3A_745] : memref<256x64x2048xf32, #tpu.memory_space<hbm>> -> memref<1x8x2048xf32, #tpu.memory_space<hbm>>
    %dma_start3A_747 = tpu.memref_squeeze %dma_start3A_746 : memref<1x8x2048xf32, #tpu.memory_space<hbm>> -> memref<8x2048xf32, #tpu.memory_space<hbm>>
    %dma_start3A_748 = arith.constant 0 : i32
    %dma_start3A_749 = arith.constant 0 : i32
    %dma_start3A_750 = tpu.memref_slice %arg9[%dma_start3A_735, %dma_start3A_748, %dma_start3A_749] : memref<2x8x2048xf32, #tpu.memory_space<vmem>> -> memref<1x8x2048xf32, #tpu.memory_space<vmem>>
    %dma_start3A_751 = tpu.memref_squeeze %dma_start3A_750 : memref<1x8x2048xf32, #tpu.memory_space<vmem>> -> memref<8x2048xf32, #tpu.memory_space<vmem>>
    tpu.enqueue_dma source(%dma_start3A_751 : memref<8x2048xf32, #tpu.memory_space<vmem>>) target(%dma_start3A_747 : memref<8x2048xf32, #tpu.memory_space<hbm>>) target_semaphore(%arg11 : memref<!tpu.dma_semaphore, #tpu.memory_space<semaphore_mem>>)
    %dma_start3A_752 = arith.constant 1 : i32
    %dma_start3A_753 = arith.constant 0 : i32
    %dma_start3A_754 = arith.constant 0 : i32
    %dma_start3A_755 = tpu.memref_slice %arg9[%dma_start3A_752, %dma_start3A_753, %dma_start3A_754] : memref<2x8x2048xf32, #tpu.memory_space<vmem>> -> memref<1x8x2048xf32, #tpu.memory_space<vmem>>
    %dma_start3A_756 = tpu.memref_squeeze %dma_start3A_755 : memref<1x8x2048xf32, #tpu.memory_space<vmem>> -> memref<8x2048xf32, #tpu.memory_space<vmem>>
    %dma_start3A_757 = arith.constant 16 : i32
    %dma_start3A_758 = arith.constant 0 : i32
    %dma_start3A_759 = tpu.memref_slice %arg5[%add3A_575, %dma_start3A_757, %dma_start3A_758] : memref<256x64x2048xf32, #tpu.memory_space<hbm>> -> memref<1x8x2048xf32, #tpu.memory_space<hbm>>
    %dma_start3A_760 = tpu.memref_squeeze %dma_start3A_759 : memref<1x8x2048xf32, #tpu.memory_space<hbm>> -> memref<8x2048xf32, #tpu.memory_space<hbm>>
    %dma_start3A_761 = arith.constant 16 : i32
    %dma_start3A_762 = arith.constant 0 : i32
    %dma_start3A_763 = tpu.memref_slice %arg5[%add3A_575, %dma_start3A_761, %dma_start3A_762] : memref<256x64x2048xf32, #tpu.memory_space<hbm>> -> memref<1x8x2048xf32, #tpu.memory_space<hbm>>
    %dma_start3A_764 = tpu.memref_squeeze %dma_start3A_763 : memref<1x8x2048xf32, #tpu.memory_space<hbm>> -> memref<8x2048xf32, #tpu.memory_space<hbm>>
    %dma_start3A_765 = arith.constant 0 : i32
    %dma_start3A_766 = arith.constant 0 : i32
    %dma_start3A_767 = tpu.memref_slice %arg9[%dma_start3A_752, %dma_start3A_765, %dma_start3A_766] : memref<2x8x2048xf32, #tpu.memory_space<vmem>> -> memref<1x8x2048xf32, #tpu.memory_space<vmem>>
    %dma_start3A_768 = tpu.memref_squeeze %dma_start3A_767 : memref<1x8x2048xf32, #tpu.memory_space<vmem>> -> memref<8x2048xf32, #tpu.memory_space<vmem>>
    tpu.enqueue_dma source(%dma_start3A_768 : memref<8x2048xf32, #tpu.memory_space<vmem>>) target(%dma_start3A_764 : memref<8x2048xf32, #tpu.memory_space<hbm>>) target_semaphore(%arg11 : memref<!tpu.dma_semaphore, #tpu.memory_space<semaphore_mem>>)
    %dma_start3A_769 = arith.constant 1 : i32
    %dma_start3A_770 = arith.constant 0 : i32
    %dma_start3A_771 = arith.constant 0 : i32
    %dma_start3A_772 = tpu.memref_slice %arg9[%dma_start3A_769, %dma_start3A_770, %dma_start3A_771] : memref<2x8x2048xf32, #tpu.memory_space<vmem>> -> memref<1x8x2048xf32, #tpu.memory_space<vmem>>
    %dma_start3A_773 = tpu.memref_squeeze %dma_start3A_772 : memref<1x8x2048xf32, #tpu.memory_space<vmem>> -> memref<8x2048xf32, #tpu.memory_space<vmem>>
    %dma_start3A_774 = arith.constant 24 : i32
    %dma_start3A_775 = arith.constant 0 : i32
    %dma_start3A_776 = tpu.memref_slice %arg5[%add3A_575, %dma_start3A_774, %dma_start3A_775] : memref<256x64x2048xf32, #tpu.memory_space<hbm>> -> memref<1x8x2048xf32, #tpu.memory_space<hbm>>
    %dma_start3A_777 = tpu.memref_squeeze %dma_start3A_776 : memref<1x8x2048xf32, #tpu.memory_space<hbm>> -> memref<8x2048xf32, #tpu.memory_space<hbm>>
    %dma_start3A_778 = arith.constant 24 : i32
    %dma_start3A_779 = arith.constant 0 : i32
    %dma_start3A_780 = tpu.memref_slice %arg5[%add3A_575, %dma_start3A_778, %dma_start3A_779] : memref<256x64x2048xf32, #tpu.memory_space<hbm>> -> memref<1x8x2048xf32, #tpu.memory_space<hbm>>
    %dma_start3A_781 = tpu.memref_squeeze %dma_start3A_780 : memref<1x8x2048xf32, #tpu.memory_space<hbm>> -> memref<8x2048xf32, #tpu.memory_space<hbm>>
    %dma_start3A_782 = arith.constant 0 : i32
    %dma_start3A_783 = arith.constant 0 : i32
    %dma_start3A_784 = tpu.memref_slice %arg9[%dma_start3A_769, %dma_start3A_782, %dma_start3A_783] : memref<2x8x2048xf32, #tpu.memory_space<vmem>> -> memref<1x8x2048xf32, #tpu.memory_space<vmem>>
    %dma_start3A_785 = tpu.memref_squeeze %dma_start3A_784 : memref<1x8x2048xf32, #tpu.memory_space<vmem>> -> memref<8x2048xf32, #tpu.memory_space<vmem>>
    tpu.enqueue_dma source(%dma_start3A_785 : memref<8x2048xf32, #tpu.memory_space<vmem>>) target(%dma_start3A_781 : memref<8x2048xf32, #tpu.memory_space<hbm>>) target_semaphore(%arg11 : memref<!tpu.dma_semaphore, #tpu.memory_space<semaphore_mem>>)
    %dma_start3A_786 = arith.constant 1 : i32
    %dma_start3A_787 = arith.constant 0 : i32
    %dma_start3A_788 = arith.constant 0 : i32
    %dma_start3A_789 = tpu.memref_slice %arg9[%dma_start3A_786, %dma_start3A_787, %dma_start3A_788] : memref<2x8x2048xf32, #tpu.memory_space<vmem>> -> memref<1x8x2048xf32, #tpu.memory_space<vmem>>
    %dma_start3A_790 = tpu.memref_squeeze %dma_start3A_789 : memref<1x8x2048xf32, #tpu.memory_space<vmem>> -> memref<8x2048xf32, #tpu.memory_space<vmem>>
    %dma_start3A_791 = arith.constant 32 : i32
    %dma_start3A_792 = arith.constant 0 : i32
    %dma_start3A_793 = tpu.memref_slice %arg5[%add3A_575, %dma_start3A_791, %dma_start3A_792] : memref<256x64x2048xf32, #tpu.memory_space<hbm>> -> memref<1x8x2048xf32, #tpu.memory_space<hbm>>
    %dma_start3A_794 = tpu.memref_squeeze %dma_start3A_793 : memref<1x8x2048xf32, #tpu.memory_space<hbm>> -> memref<8x2048xf32, #tpu.memory_space<hbm>>
    %dma_start3A_795 = arith.constant 32 : i32
    %dma_start3A_796 = arith.constant 0 : i32
    %dma_start3A_797 = tpu.memref_slice %arg5[%add3A_575, %dma_start3A_795, %dma_start3A_796] : memref<256x64x2048xf32, #tpu.memory_space<hbm>> -> memref<1x8x2048xf32, #tpu.memory_space<hbm>>
    %dma_start3A_798 = tpu.memref_squeeze %dma_start3A_797 : memref<1x8x2048xf32, #tpu.memory_space<hbm>> -> memref<8x2048xf32, #tpu.memory_space<hbm>>
    %dma_start3A_799 = arith.constant 0 : i32
    %dma_start3A_800 = arith.constant 0 : i32
    %dma_start3A_801 = tpu.memref_slice %arg9[%dma_start3A_786, %dma_start3A_799, %dma_start3A_800] : memref<2x8x2048xf32, #tpu.memory_space<vmem>> -> memref<1x8x2048xf32, #tpu.memory_space<vmem>>
    %dma_start3A_802 = tpu.memref_squeeze %dma_start3A_801 : memref<1x8x2048xf32, #tpu.memory_space<vmem>> -> memref<8x2048xf32, #tpu.memory_space<vmem>>
    tpu.enqueue_dma source(%dma_start3A_802 : memref<8x2048xf32, #tpu.memory_space<vmem>>) target(%dma_start3A_798 : memref<8x2048xf32, #tpu.memory_space<hbm>>) target_semaphore(%arg11 : memref<!tpu.dma_semaphore, #tpu.memory_space<semaphore_mem>>)
    %dma_start3A_803 = arith.constant 1 : i32
    %dma_start3A_804 = arith.constant 0 : i32
    %dma_start3A_805 = arith.constant 0 : i32
    %dma_start3A_806 = tpu.memref_slice %arg9[%dma_start3A_803, %dma_start3A_804, %dma_start3A_805] : memref<2x8x2048xf32, #tpu.memory_space<vmem>> -> memref<1x8x2048xf32, #tpu.memory_space<vmem>>
    %dma_start3A_807 = tpu.memref_squeeze %dma_start3A_806 : memref<1x8x2048xf32, #tpu.memory_space<vmem>> -> memref<8x2048xf32, #tpu.memory_space<vmem>>
    %dma_start3A_808 = arith.constant 40 : i32
    %dma_start3A_809 = arith.constant 0 : i32
    %dma_start3A_810 = tpu.memref_slice %arg5[%add3A_575, %dma_start3A_808, %dma_start3A_809] : memref<256x64x2048xf32, #tpu.memory_space<hbm>> -> memref<1x8x2048xf32, #tpu.memory_space<hbm>>
    %dma_start3A_811 = tpu.memref_squeeze %dma_start3A_810 : memref<1x8x2048xf32, #tpu.memory_space<hbm>> -> memref<8x2048xf32, #tpu.memory_space<hbm>>
    %dma_start3A_812 = arith.constant 40 : i32
    %dma_start3A_813 = arith.constant 0 : i32
    %dma_start3A_814 = tpu.memref_slice %arg5[%add3A_575, %dma_start3A_812, %dma_start3A_813] : memref<256x64x2048xf32, #tpu.memory_space<hbm>> -> memref<1x8x2048xf32, #tpu.memory_space<hbm>>
    %dma_start3A_815 = tpu.memref_squeeze %dma_start3A_814 : memref<1x8x2048xf32, #tpu.memory_space<hbm>> -> memref<8x2048xf32, #tpu.memory_space<hbm>>
    %dma_start3A_816 = arith.constant 0 : i32
    %dma_start3A_817 = arith.constant 0 : i32
    %dma_start3A_818 = tpu.memref_slice %arg9[%dma_start3A_803, %dma_start3A_816, %dma_start3A_817] : memref<2x8x2048xf32, #tpu.memory_space<vmem>> -> memref<1x8x2048xf32, #tpu.memory_space<vmem>>
    %dma_start3A_819 = tpu.memref_squeeze %dma_start3A_818 : memref<1x8x2048xf32, #tpu.memory_space<vmem>> -> memref<8x2048xf32, #tpu.memory_space<vmem>>
    tpu.enqueue_dma source(%dma_start3A_819 : memref<8x2048xf32, #tpu.memory_space<vmem>>) target(%dma_start3A_815 : memref<8x2048xf32, #tpu.memory_space<hbm>>) target_semaphore(%arg11 : memref<!tpu.dma_semaphore, #tpu.memory_space<semaphore_mem>>)
    %dma_start3A_820 = arith.constant 1 : i32
    %dma_start3A_821 = arith.constant 0 : i32
    %dma_start3A_822 = arith.constant 0 : i32
    %dma_start3A_823 = tpu.memref_slice %arg9[%dma_start3A_820, %dma_start3A_821, %dma_start3A_822] : memref<2x8x2048xf32, #tpu.memory_space<vmem>> -> memref<1x8x2048xf32, #tpu.memory_space<vmem>>
    %dma_start3A_824 = tpu.memref_squeeze %dma_start3A_823 : memref<1x8x2048xf32, #tpu.memory_space<vmem>> -> memref<8x2048xf32, #tpu.memory_space<vmem>>
    %dma_start3A_825 = arith.constant 48 : i32
    %dma_start3A_826 = arith.constant 0 : i32
    %dma_start3A_827 = tpu.memref_slice %arg5[%add3A_575, %dma_start3A_825, %dma_start3A_826] : memref<256x64x2048xf32, #tpu.memory_space<hbm>> -> memref<1x8x2048xf32, #tpu.memory_space<hbm>>
    %dma_start3A_828 = tpu.memref_squeeze %dma_start3A_827 : memref<1x8x2048xf32, #tpu.memory_space<hbm>> -> memref<8x2048xf32, #tpu.memory_space<hbm>>
    %dma_start3A_829 = arith.constant 48 : i32
    %dma_start3A_830 = arith.constant 0 : i32
    %dma_start3A_831 = tpu.memref_slice %arg5[%add3A_575, %dma_start3A_829, %dma_start3A_830] : memref<256x64x2048xf32, #tpu.memory_space<hbm>> -> memref<1x8x2048xf32, #tpu.memory_space<hbm>>
    %dma_start3A_832 = tpu.memref_squeeze %dma_start3A_831 : memref<1x8x2048xf32, #tpu.memory_space<hbm>> -> memref<8x2048xf32, #tpu.memory_space<hbm>>
    %dma_start3A_833 = arith.constant 0 : i32
    %dma_start3A_834 = arith.constant 0 : i32
    %dma_start3A_835 = tpu.memref_slice %arg9[%dma_start3A_820, %dma_start3A_833, %dma_start3A_834] : memref<2x8x2048xf32, #tpu.memory_space<vmem>> -> memref<1x8x2048xf32, #tpu.memory_space<vmem>>
    %dma_start3A_836 = tpu.memref_squeeze %dma_start3A_835 : memref<1x8x2048xf32, #tpu.memory_space<vmem>> -> memref<8x2048xf32, #tpu.memory_space<vmem>>
    tpu.enqueue_dma source(%dma_start3A_836 : memref<8x2048xf32, #tpu.memory_space<vmem>>) target(%dma_start3A_832 : memref<8x2048xf32, #tpu.memory_space<hbm>>) target_semaphore(%arg11 : memref<!tpu.dma_semaphore, #tpu.memory_space<semaphore_mem>>)
    %dma_start3A_837 = arith.constant 1 : i32
    %dma_start3A_838 = arith.constant 0 : i32
    %dma_start3A_839 = arith.constant 0 : i32
    %dma_start3A_840 = tpu.memref_slice %arg9[%dma_start3A_837, %dma_start3A_838, %dma_start3A_839] : memref<2x8x2048xf32, #tpu.memory_space<vmem>> -> memref<1x8x2048xf32, #tpu.memory_space<vmem>>
    %dma_start3A_841 = tpu.memref_squeeze %dma_start3A_840 : memref<1x8x2048xf32, #tpu.memory_space<vmem>> -> memref<8x2048xf32, #tpu.memory_space<vmem>>
    %dma_start3A_842 = arith.constant 56 : i32
    %dma_start3A_843 = arith.constant 0 : i32
    %dma_start3A_844 = tpu.memref_slice %arg5[%add3A_575, %dma_start3A_842, %dma_start3A_843] : memref<256x64x2048xf32, #tpu.memory_space<hbm>> -> memref<1x8x2048xf32, #tpu.memory_space<hbm>>
    %dma_start3A_845 = tpu.memref_squeeze %dma_start3A_844 : memref<1x8x2048xf32, #tpu.memory_space<hbm>> -> memref<8x2048xf32, #tpu.memory_space<hbm>>
    %dma_start3A_846 = arith.constant 56 : i32
    %dma_start3A_847 = arith.constant 0 : i32
    %dma_start3A_848 = tpu.memref_slice %arg5[%add3A_575, %dma_start3A_846, %dma_start3A_847] : memref<256x64x2048xf32, #tpu.memory_space<hbm>> -> memref<1x8x2048xf32, #tpu.memory_space<hbm>>
    %dma_start3A_849 = tpu.memref_squeeze %dma_start3A_848 : memref<1x8x2048xf32, #tpu.memory_space<hbm>> -> memref<8x2048xf32, #tpu.memory_space<hbm>>
    %dma_start3A_850 = arith.constant 0 : i32
    %dma_start3A_851 = arith.constant 0 : i32
    %dma_start3A_852 = tpu.memref_slice %arg9[%dma_start3A_837, %dma_start3A_850, %dma_start3A_851] : memref<2x8x2048xf32, #tpu.memory_space<vmem>> -> memref<1x8x2048xf32, #tpu.memory_space<vmem>>
    %dma_start3A_853 = tpu.memref_squeeze %dma_start3A_852 : memref<1x8x2048xf32, #tpu.memory_space<vmem>> -> memref<8x2048xf32, #tpu.memory_space<vmem>>
    tpu.enqueue_dma source(%dma_start3A_853 : memref<8x2048xf32, #tpu.memory_space<vmem>>) target(%dma_start3A_849 : memref<8x2048xf32, #tpu.memory_space<hbm>>) target_semaphore(%arg11 : memref<!tpu.dma_semaphore, #tpu.memory_space<semaphore_mem>>)
    %mul3A_854 = arith.constant 8 : i32
    %mul3A_855 = arith.muli %add3A, %mul3A_854 : i32
    %add3A_856 = arith.constant 4 : i32
    %add3A_857 = arith.addi %mul3A_855, %add3A_856 : i32
    "tpu.region"() ({
      %run_scoped3A = tpu.sem_alloc : memref<!tpu.dma_semaphore, #tpu.memory_space<semaphore_mem>>
      %dma_start3A_2254 = arith.constant 0 : i32
      %dma_start3A_2255 = arith.constant 0 : i32
      %dma_start3A_2256 = tpu.memref_slice %arg2[%add3A_857, %dma_start3A_2254, %dma_start3A_2255] : memref<256x256x256xf32, #tpu.memory_space<hbm>> -> memref<1x256x256xf32, #tpu.memory_space<hbm>>
      %dma_start3A_2257 = tpu.memref_squeeze %dma_start3A_2256 : memref<1x256x256xf32, #tpu.memory_space<hbm>> -> memref<256x256xf32, #tpu.memory_space<hbm>>
      %dma_start3A_2258 = arith.constant 0 : i32
      %dma_start3A_2259 = arith.constant 0 : i32
      %dma_start3A_2260 = tpu.memref_slice %arg2[%add3A_857, %dma_start3A_2258, %dma_start3A_2259] : memref<256x256x256xf32, #tpu.memory_space<hbm>> -> memref<1x256x256xf32, #tpu.memory_space<hbm>>
      %dma_start3A_2261 = tpu.memref_squeeze %dma_start3A_2260 : memref<1x256x256xf32, #tpu.memory_space<hbm>> -> memref<256x256xf32, #tpu.memory_space<hbm>>
      tpu.enqueue_dma source(%dma_start3A_2261 : memref<256x256xf32, #tpu.memory_space<hbm>>) target(%arg6 : memref<256x256xf32, #tpu.memory_space<vmem>>) target_semaphore(%run_scoped3A : memref<!tpu.dma_semaphore, #tpu.memory_space<semaphore_mem>>)
      %dma_wait3A_2262 = arith.constant 0 : i32
      %dma_wait3A_2263 = arith.constant 0 : i32
      %dma_wait3A_2264 = tpu.memref_slice %arg2[%add3A_857, %dma_wait3A_2262, %dma_wait3A_2263] : memref<256x256x256xf32, #tpu.memory_space<hbm>> -> memref<1x256x256xf32, #tpu.memory_space<hbm>>
      %dma_wait3A_2265 = tpu.memref_squeeze %dma_wait3A_2264 : memref<1x256x256xf32, #tpu.memory_space<hbm>> -> memref<256x256xf32, #tpu.memory_space<hbm>>
      %dma_wait3A_2266 = arith.constant 0 : i32
      %dma_wait3A_2267 = arith.constant 0 : i32
      %dma_wait3A_2268 = tpu.memref_slice %arg2[%add3A_857, %dma_wait3A_2266, %dma_wait3A_2267] : memref<256x256x256xf32, #tpu.memory_space<hbm>> -> memref<1x256x256xf32, #tpu.memory_space<hbm>>
      %dma_wait3A_2269 = tpu.memref_squeeze %dma_wait3A_2268 : memref<1x256x256xf32, #tpu.memory_space<hbm>> -> memref<256x256xf32, #tpu.memory_space<hbm>>
      tpu.wait_dma2 semaphore(%run_scoped3A : memref<!tpu.dma_semaphore, #tpu.memory_space<semaphore_mem>>) src(%dma_wait3A_2269 : memref<256x256xf32, #tpu.memory_space<hbm>>) dst(%arg6 : memref<256x256xf32, #tpu.memory_space<vmem>>)
      tpu.yield
    }) : () -> ()
    %dma_wait3A_858 = arith.constant 0 : i32
    %dma_wait3A_859 = arith.constant 0 : i32
    %dma_wait3A_860 = arith.constant 0 : i32
    %dma_wait3A_861 = tpu.memref_slice %arg9[%dma_wait3A_858, %dma_wait3A_859, %dma_wait3A_860] : memref<2x8x2048xf32, #tpu.memory_space<vmem>> -> memref<1x8x2048xf32, #tpu.memory_space<vmem>>
    %dma_wait3A_862 = tpu.memref_squeeze %dma_wait3A_861 : memref<1x8x2048xf32, #tpu.memory_space<vmem>> -> memref<8x2048xf32, #tpu.memory_space<vmem>>
    %dma_wait3A_863 = arith.constant 0 : i32
    %dma_wait3A_864 = arith.constant 0 : i32
    %dma_wait3A_865 = tpu.memref_slice %arg5[%add3A_294, %dma_wait3A_863, %dma_wait3A_864] : memref<256x64x2048xf32, #tpu.memory_space<hbm>> -> memref<1x8x2048xf32, #tpu.memory_space<hbm>>
    %dma_wait3A_866 = tpu.memref_squeeze %dma_wait3A_865 : memref<1x8x2048xf32, #tpu.memory_space<hbm>> -> memref<8x2048xf32, #tpu.memory_space<hbm>>
    %dma_wait3A_867 = arith.constant 0 : i32
    %dma_wait3A_868 = arith.constant 0 : i32
    %dma_wait3A_869 = tpu.memref_slice %arg5[%add3A_294, %dma_wait3A_867, %dma_wait3A_868] : memref<256x64x2048xf32, #tpu.memory_space<hbm>> -> memref<1x8x2048xf32, #tpu.memory_space<hbm>>
    %dma_wait3A_870 = tpu.memref_squeeze %dma_wait3A_869 : memref<1x8x2048xf32, #tpu.memory_space<hbm>> -> memref<8x2048xf32, #tpu.memory_space<hbm>>
    %dma_wait3A_871 = arith.constant 0 : i32
    %dma_wait3A_872 = arith.constant 0 : i32
    %dma_wait3A_873 = tpu.memref_slice %arg9[%dma_wait3A_858, %dma_wait3A_871, %dma_wait3A_872] : memref<2x8x2048xf32, #tpu.memory_space<vmem>> -> memref<1x8x2048xf32, #tpu.memory_space<vmem>>
    %dma_wait3A_874 = tpu.memref_squeeze %dma_wait3A_873 : memref<1x8x2048xf32, #tpu.memory_space<vmem>> -> memref<8x2048xf32, #tpu.memory_space<vmem>>
    tpu.wait_dma2 semaphore(%arg10 : memref<!tpu.dma_semaphore, #tpu.memory_space<semaphore_mem>>) src(%dma_wait3A_874 : memref<8x2048xf32, #tpu.memory_space<vmem>>) dst(%dma_wait3A_870 : memref<8x2048xf32, #tpu.memory_space<hbm>>)
    %dma_wait3A_875 = arith.constant 0 : i32
    %dma_wait3A_876 = arith.constant 0 : i32
    %dma_wait3A_877 = arith.constant 0 : i32
    %dma_wait3A_878 = tpu.memref_slice %arg9[%dma_wait3A_875, %dma_wait3A_876, %dma_wait3A_877] : memref<2x8x2048xf32, #tpu.memory_space<vmem>> -> memref<1x8x2048xf32, #tpu.memory_space<vmem>>
    %dma_wait3A_879 = tpu.memref_squeeze %dma_wait3A_878 : memref<1x8x2048xf32, #tpu.memory_space<vmem>> -> memref<8x2048xf32, #tpu.memory_space<vmem>>
    %dma_wait3A_880 = arith.constant 8 : i32
    %dma_wait3A_881 = arith.constant 0 : i32
    %dma_wait3A_882 = tpu.memref_slice %arg5[%add3A_294, %dma_wait3A_880, %dma_wait3A_881] : memref<256x64x2048xf32, #tpu.memory_space<hbm>> -> memref<1x8x2048xf32, #tpu.memory_space<hbm>>
    %dma_wait3A_883 = tpu.memref_squeeze %dma_wait3A_882 : memref<1x8x2048xf32, #tpu.memory_space<hbm>> -> memref<8x2048xf32, #tpu.memory_space<hbm>>
    %dma_wait3A_884 = arith.constant 8 : i32
    %dma_wait3A_885 = arith.constant 0 : i32
    %dma_wait3A_886 = tpu.memref_slice %arg5[%add3A_294, %dma_wait3A_884, %dma_wait3A_885] : memref<256x64x2048xf32, #tpu.memory_space<hbm>> -> memref<1x8x2048xf32, #tpu.memory_space<hbm>>
    %dma_wait3A_887 = tpu.memref_squeeze %dma_wait3A_886 : memref<1x8x2048xf32, #tpu.memory_space<hbm>> -> memref<8x2048xf32, #tpu.memory_space<hbm>>
    %dma_wait3A_888 = arith.constant 0 : i32
    %dma_wait3A_889 = arith.constant 0 : i32
    %dma_wait3A_890 = tpu.memref_slice %arg9[%dma_wait3A_875, %dma_wait3A_888, %dma_wait3A_889] : memref<2x8x2048xf32, #tpu.memory_space<vmem>> -> memref<1x8x2048xf32, #tpu.memory_space<vmem>>
    %dma_wait3A_891 = tpu.memref_squeeze %dma_wait3A_890 : memref<1x8x2048xf32, #tpu.memory_space<vmem>> -> memref<8x2048xf32, #tpu.memory_space<vmem>>
    tpu.wait_dma2 semaphore(%arg10 : memref<!tpu.dma_semaphore, #tpu.memory_space<semaphore_mem>>) src(%dma_wait3A_891 : memref<8x2048xf32, #tpu.memory_space<vmem>>) dst(%dma_wait3A_887 : memref<8x2048xf32, #tpu.memory_space<hbm>>)
    %dma_wait3A_892 = arith.constant 0 : i32
    %dma_wait3A_893 = arith.constant 0 : i32
    %dma_wait3A_894 = arith.constant 0 : i32
    %dma_wait3A_895 = tpu.memref_slice %arg9[%dma_wait3A_892, %dma_wait3A_893, %dma_wait3A_894] : memref<2x8x2048xf32, #tpu.memory_space<vmem>> -> memref<1x8x2048xf32, #tpu.memory_space<vmem>>
    %dma_wait3A_896 = tpu.memref_squeeze %dma_wait3A_895 : memref<1x8x2048xf32, #tpu.memory_space<vmem>> -> memref<8x2048xf32, #tpu.memory_space<vmem>>
    %dma_wait3A_897 = arith.constant 16 : i32
    %dma_wait3A_898 = arith.constant 0 : i32
    %dma_wait3A_899 = tpu.memref_slice %arg5[%add3A_294, %dma_wait3A_897, %dma_wait3A_898] : memref<256x64x2048xf32, #tpu.memory_space<hbm>> -> memref<1x8x2048xf32, #tpu.memory_space<hbm>>
    %dma_wait3A_900 = tpu.memref_squeeze %dma_wait3A_899 : memref<1x8x2048xf32, #tpu.memory_space<hbm>> -> memref<8x2048xf32, #tpu.memory_space<hbm>>
    %dma_wait3A_901 = arith.constant 16 : i32
    %dma_wait3A_902 = arith.constant 0 : i32
    %dma_wait3A_903 = tpu.memref_slice %arg5[%add3A_294, %dma_wait3A_901, %dma_wait3A_902] : memref<256x64x2048xf32, #tpu.memory_space<hbm>> -> memref<1x8x2048xf32, #tpu.memory_space<hbm>>
    %dma_wait3A_904 = tpu.memref_squeeze %dma_wait3A_903 : memref<1x8x2048xf32, #tpu.memory_space<hbm>> -> memref<8x2048xf32, #tpu.memory_space<hbm>>
    %dma_wait3A_905 = arith.constant 0 : i32
    %dma_wait3A_906 = arith.constant 0 : i32
    %dma_wait3A_907 = tpu.memref_slice %arg9[%dma_wait3A_892, %dma_wait3A_905, %dma_wait3A_906] : memref<2x8x2048xf32, #tpu.memory_space<vmem>> -> memref<1x8x2048xf32, #tpu.memory_space<vmem>>
    %dma_wait3A_908 = tpu.memref_squeeze %dma_wait3A_907 : memref<1x8x2048xf32, #tpu.memory_space<vmem>> -> memref<8x2048xf32, #tpu.memory_space<vmem>>
    tpu.wait_dma2 semaphore(%arg10 : memref<!tpu.dma_semaphore, #tpu.memory_space<semaphore_mem>>) src(%dma_wait3A_908 : memref<8x2048xf32, #tpu.memory_space<vmem>>) dst(%dma_wait3A_904 : memref<8x2048xf32, #tpu.memory_space<hbm>>)
    %dma_wait3A_909 = arith.constant 0 : i32
    %dma_wait3A_910 = arith.constant 0 : i32
    %dma_wait3A_911 = arith.constant 0 : i32
    %dma_wait3A_912 = tpu.memref_slice %arg9[%dma_wait3A_909, %dma_wait3A_910, %dma_wait3A_911] : memref<2x8x2048xf32, #tpu.memory_space<vmem>> -> memref<1x8x2048xf32, #tpu.memory_space<vmem>>
    %dma_wait3A_913 = tpu.memref_squeeze %dma_wait3A_912 : memref<1x8x2048xf32, #tpu.memory_space<vmem>> -> memref<8x2048xf32, #tpu.memory_space<vmem>>
    %dma_wait3A_914 = arith.constant 24 : i32
    %dma_wait3A_915 = arith.constant 0 : i32
    %dma_wait3A_916 = tpu.memref_slice %arg5[%add3A_294, %dma_wait3A_914, %dma_wait3A_915] : memref<256x64x2048xf32, #tpu.memory_space<hbm>> -> memref<1x8x2048xf32, #tpu.memory_space<hbm>>
    %dma_wait3A_917 = tpu.memref_squeeze %dma_wait3A_916 : memref<1x8x2048xf32, #tpu.memory_space<hbm>> -> memref<8x2048xf32, #tpu.memory_space<hbm>>
    %dma_wait3A_918 = arith.constant 24 : i32
    %dma_wait3A_919 = arith.constant 0 : i32
    %dma_wait3A_920 = tpu.memref_slice %arg5[%add3A_294, %dma_wait3A_918, %dma_wait3A_919] : memref<256x64x2048xf32, #tpu.memory_space<hbm>> -> memref<1x8x2048xf32, #tpu.memory_space<hbm>>
    %dma_wait3A_921 = tpu.memref_squeeze %dma_wait3A_920 : memref<1x8x2048xf32, #tpu.memory_space<hbm>> -> memref<8x2048xf32, #tpu.memory_space<hbm>>
    %dma_wait3A_922 = arith.constant 0 : i32
    %dma_wait3A_923 = arith.constant 0 : i32
    %dma_wait3A_924 = tpu.memref_slice %arg9[%dma_wait3A_909, %dma_wait3A_922, %dma_wait3A_923] : memref<2x8x2048xf32, #tpu.memory_space<vmem>> -> memref<1x8x2048xf32, #tpu.memory_space<vmem>>
    %dma_wait3A_925 = tpu.memref_squeeze %dma_wait3A_924 : memref<1x8x2048xf32, #tpu.memory_space<vmem>> -> memref<8x2048xf32, #tpu.memory_space<vmem>>
    tpu.wait_dma2 semaphore(%arg10 : memref<!tpu.dma_semaphore, #tpu.memory_space<semaphore_mem>>) src(%dma_wait3A_925 : memref<8x2048xf32, #tpu.memory_space<vmem>>) dst(%dma_wait3A_921 : memref<8x2048xf32, #tpu.memory_space<hbm>>)
    %dma_wait3A_926 = arith.constant 0 : i32
    %dma_wait3A_927 = arith.constant 0 : i32
    %dma_wait3A_928 = arith.constant 0 : i32
    %dma_wait3A_929 = tpu.memref_slice %arg9[%dma_wait3A_926, %dma_wait3A_927, %dma_wait3A_928] : memref<2x8x2048xf32, #tpu.memory_space<vmem>> -> memref<1x8x2048xf32, #tpu.memory_space<vmem>>
    %dma_wait3A_930 = tpu.memref_squeeze %dma_wait3A_929 : memref<1x8x2048xf32, #tpu.memory_space<vmem>> -> memref<8x2048xf32, #tpu.memory_space<vmem>>
    %dma_wait3A_931 = arith.constant 32 : i32
    %dma_wait3A_932 = arith.constant 0 : i32
    %dma_wait3A_933 = tpu.memref_slice %arg5[%add3A_294, %dma_wait3A_931, %dma_wait3A_932] : memref<256x64x2048xf32, #tpu.memory_space<hbm>> -> memref<1x8x2048xf32, #tpu.memory_space<hbm>>
    %dma_wait3A_934 = tpu.memref_squeeze %dma_wait3A_933 : memref<1x8x2048xf32, #tpu.memory_space<hbm>> -> memref<8x2048xf32, #tpu.memory_space<hbm>>
    %dma_wait3A_935 = arith.constant 32 : i32
    %dma_wait3A_936 = arith.constant 0 : i32
    %dma_wait3A_937 = tpu.memref_slice %arg5[%add3A_294, %dma_wait3A_935, %dma_wait3A_936] : memref<256x64x2048xf32, #tpu.memory_space<hbm>> -> memref<1x8x2048xf32, #tpu.memory_space<hbm>>
    %dma_wait3A_938 = tpu.memref_squeeze %dma_wait3A_937 : memref<1x8x2048xf32, #tpu.memory_space<hbm>> -> memref<8x2048xf32, #tpu.memory_space<hbm>>
    %dma_wait3A_939 = arith.constant 0 : i32
    %dma_wait3A_940 = arith.constant 0 : i32
    %dma_wait3A_941 = tpu.memref_slice %arg9[%dma_wait3A_926, %dma_wait3A_939, %dma_wait3A_940] : memref<2x8x2048xf32, #tpu.memory_space<vmem>> -> memref<1x8x2048xf32, #tpu.memory_space<vmem>>
    %dma_wait3A_942 = tpu.memref_squeeze %dma_wait3A_941 : memref<1x8x2048xf32, #tpu.memory_space<vmem>> -> memref<8x2048xf32, #tpu.memory_space<vmem>>
    tpu.wait_dma2 semaphore(%arg10 : memref<!tpu.dma_semaphore, #tpu.memory_space<semaphore_mem>>) src(%dma_wait3A_942 : memref<8x2048xf32, #tpu.memory_space<vmem>>) dst(%dma_wait3A_938 : memref<8x2048xf32, #tpu.memory_space<hbm>>)
    %dma_wait3A_943 = arith.constant 0 : i32
    %dma_wait3A_944 = arith.constant 0 : i32
    %dma_wait3A_945 = arith.constant 0 : i32
    %dma_wait3A_946 = tpu.memref_slice %arg9[%dma_wait3A_943, %dma_wait3A_944, %dma_wait3A_945] : memref<2x8x2048xf32, #tpu.memory_space<vmem>> -> memref<1x8x2048xf32, #tpu.memory_space<vmem>>
    %dma_wait3A_947 = tpu.memref_squeeze %dma_wait3A_946 : memref<1x8x2048xf32, #tpu.memory_space<vmem>> -> memref<8x2048xf32, #tpu.memory_space<vmem>>
    %dma_wait3A_948 = arith.constant 40 : i32
    %dma_wait3A_949 = arith.constant 0 : i32
    %dma_wait3A_950 = tpu.memref_slice %arg5[%add3A_294, %dma_wait3A_948, %dma_wait3A_949] : memref<256x64x2048xf32, #tpu.memory_space<hbm>> -> memref<1x8x2048xf32, #tpu.memory_space<hbm>>
    %dma_wait3A_951 = tpu.memref_squeeze %dma_wait3A_950 : memref<1x8x2048xf32, #tpu.memory_space<hbm>> -> memref<8x2048xf32, #tpu.memory_space<hbm>>
    %dma_wait3A_952 = arith.constant 40 : i32
    %dma_wait3A_953 = arith.constant 0 : i32
    %dma_wait3A_954 = tpu.memref_slice %arg5[%add3A_294, %dma_wait3A_952, %dma_wait3A_953] : memref<256x64x2048xf32, #tpu.memory_space<hbm>> -> memref<1x8x2048xf32, #tpu.memory_space<hbm>>
    %dma_wait3A_955 = tpu.memref_squeeze %dma_wait3A_954 : memref<1x8x2048xf32, #tpu.memory_space<hbm>> -> memref<8x2048xf32, #tpu.memory_space<hbm>>
    %dma_wait3A_956 = arith.constant 0 : i32
    %dma_wait3A_957 = arith.constant 0 : i32
    %dma_wait3A_958 = tpu.memref_slice %arg9[%dma_wait3A_943, %dma_wait3A_956, %dma_wait3A_957] : memref<2x8x2048xf32, #tpu.memory_space<vmem>> -> memref<1x8x2048xf32, #tpu.memory_space<vmem>>
    %dma_wait3A_959 = tpu.memref_squeeze %dma_wait3A_958 : memref<1x8x2048xf32, #tpu.memory_space<vmem>> -> memref<8x2048xf32, #tpu.memory_space<vmem>>
    tpu.wait_dma2 semaphore(%arg10 : memref<!tpu.dma_semaphore, #tpu.memory_space<semaphore_mem>>) src(%dma_wait3A_959 : memref<8x2048xf32, #tpu.memory_space<vmem>>) dst(%dma_wait3A_955 : memref<8x2048xf32, #tpu.memory_space<hbm>>)
    %dma_wait3A_960 = arith.constant 0 : i32
    %dma_wait3A_961 = arith.constant 0 : i32
    %dma_wait3A_962 = arith.constant 0 : i32
    %dma_wait3A_963 = tpu.memref_slice %arg9[%dma_wait3A_960, %dma_wait3A_961, %dma_wait3A_962] : memref<2x8x2048xf32, #tpu.memory_space<vmem>> -> memref<1x8x2048xf32, #tpu.memory_space<vmem>>
    %dma_wait3A_964 = tpu.memref_squeeze %dma_wait3A_963 : memref<1x8x2048xf32, #tpu.memory_space<vmem>> -> memref<8x2048xf32, #tpu.memory_space<vmem>>
    %dma_wait3A_965 = arith.constant 48 : i32
    %dma_wait3A_966 = arith.constant 0 : i32
    %dma_wait3A_967 = tpu.memref_slice %arg5[%add3A_294, %dma_wait3A_965, %dma_wait3A_966] : memref<256x64x2048xf32, #tpu.memory_space<hbm>> -> memref<1x8x2048xf32, #tpu.memory_space<hbm>>
    %dma_wait3A_968 = tpu.memref_squeeze %dma_wait3A_967 : memref<1x8x2048xf32, #tpu.memory_space<hbm>> -> memref<8x2048xf32, #tpu.memory_space<hbm>>
    %dma_wait3A_969 = arith.constant 48 : i32
    %dma_wait3A_970 = arith.constant 0 : i32
    %dma_wait3A_971 = tpu.memref_slice %arg5[%add3A_294, %dma_wait3A_969, %dma_wait3A_970] : memref<256x64x2048xf32, #tpu.memory_space<hbm>> -> memref<1x8x2048xf32, #tpu.memory_space<hbm>>
    %dma_wait3A_972 = tpu.memref_squeeze %dma_wait3A_971 : memref<1x8x2048xf32, #tpu.memory_space<hbm>> -> memref<8x2048xf32, #tpu.memory_space<hbm>>
    %dma_wait3A_973 = arith.constant 0 : i32
    %dma_wait3A_974 = arith.constant 0 : i32
    %dma_wait3A_975 = tpu.memref_slice %arg9[%dma_wait3A_960, %dma_wait3A_973, %dma_wait3A_974] : memref<2x8x2048xf32, #tpu.memory_space<vmem>> -> memref<1x8x2048xf32, #tpu.memory_space<vmem>>
    %dma_wait3A_976 = tpu.memref_squeeze %dma_wait3A_975 : memref<1x8x2048xf32, #tpu.memory_space<vmem>> -> memref<8x2048xf32, #tpu.memory_space<vmem>>
    tpu.wait_dma2 semaphore(%arg10 : memref<!tpu.dma_semaphore, #tpu.memory_space<semaphore_mem>>) src(%dma_wait3A_976 : memref<8x2048xf32, #tpu.memory_space<vmem>>) dst(%dma_wait3A_972 : memref<8x2048xf32, #tpu.memory_space<hbm>>)
    %dma_wait3A_977 = arith.constant 0 : i32
    %dma_wait3A_978 = arith.constant 0 : i32
    %dma_wait3A_979 = arith.constant 0 : i32
    %dma_wait3A_980 = tpu.memref_slice %arg9[%dma_wait3A_977, %dma_wait3A_978, %dma_wait3A_979] : memref<2x8x2048xf32, #tpu.memory_space<vmem>> -> memref<1x8x2048xf32, #tpu.memory_space<vmem>>
    %dma_wait3A_981 = tpu.memref_squeeze %dma_wait3A_980 : memref<1x8x2048xf32, #tpu.memory_space<vmem>> -> memref<8x2048xf32, #tpu.memory_space<vmem>>
    %dma_wait3A_982 = arith.constant 56 : i32
    %dma_wait3A_983 = arith.constant 0 : i32
    %dma_wait3A_984 = tpu.memref_slice %arg5[%add3A_294, %dma_wait3A_982, %dma_wait3A_983] : memref<256x64x2048xf32, #tpu.memory_space<hbm>> -> memref<1x8x2048xf32, #tpu.memory_space<hbm>>
    %dma_wait3A_985 = tpu.memref_squeeze %dma_wait3A_984 : memref<1x8x2048xf32, #tpu.memory_space<hbm>> -> memref<8x2048xf32, #tpu.memory_space<hbm>>
    %dma_wait3A_986 = arith.constant 56 : i32
    %dma_wait3A_987 = arith.constant 0 : i32
    %dma_wait3A_988 = tpu.memref_slice %arg5[%add3A_294, %dma_wait3A_986, %dma_wait3A_987] : memref<256x64x2048xf32, #tpu.memory_space<hbm>> -> memref<1x8x2048xf32, #tpu.memory_space<hbm>>
    %dma_wait3A_989 = tpu.memref_squeeze %dma_wait3A_988 : memref<1x8x2048xf32, #tpu.memory_space<hbm>> -> memref<8x2048xf32, #tpu.memory_space<hbm>>
    %dma_wait3A_990 = arith.constant 0 : i32
    %dma_wait3A_991 = arith.constant 0 : i32
    %dma_wait3A_992 = tpu.memref_slice %arg9[%dma_wait3A_977, %dma_wait3A_990, %dma_wait3A_991] : memref<2x8x2048xf32, #tpu.memory_space<vmem>> -> memref<1x8x2048xf32, #tpu.memory_space<vmem>>
    %dma_wait3A_993 = tpu.memref_squeeze %dma_wait3A_992 : memref<1x8x2048xf32, #tpu.memory_space<vmem>> -> memref<8x2048xf32, #tpu.memory_space<vmem>>
    tpu.wait_dma2 semaphore(%arg10 : memref<!tpu.dma_semaphore, #tpu.memory_space<semaphore_mem>>) src(%dma_wait3A_993 : memref<8x2048xf32, #tpu.memory_space<vmem>>) dst(%dma_wait3A_989 : memref<8x2048xf32, #tpu.memory_space<hbm>>)
    %scan3A_994 = arith.constant 0 : i32
    %scan3A_995 = arith.constant 0 : i32
    %scan3A_996 = arith.constant 128 : i32
    %scan3A_997 = arith.addi %scan3A_995, %scan3A_996 : i32
    %scan3A_998 = arith.constant 1 : i32
    scf.for %scan3A_2254 = %scan3A_995 to %scan3A_997 step %scan3A_998  : i32 {
      %mul3A_2255 = arith.constant 16 : i32
      %mul3A_2256 = arith.muli %scan3A_2254, %mul3A_2255 : i32
      %multiple_of3A = tpu.assume_multiple %mul3A_2256, 16 : i32
      %get3A = arith.constant 0 : i32
      %get3A_2257 = arith.index_cast %get3A : i32 to index
      %get3A_2258 = arith.index_cast %multiple_of3A : i32 to index
      %get3A_2259 = tpu.vector_load %arg7[%get3A_2257, %get3A_2258] {strides = array<i32>} : memref<4x2048xi32, #tpu.memory_space<vmem>>, vector<16xi32>,
      %get3A_2260 = arith.constant 1 : i32
      %get3A_2261 = arith.index_cast %get3A_2260 : i32 to index
      %get3A_2262 = arith.index_cast %multiple_of3A : i32 to index
      %get3A_2263 = tpu.vector_load %arg7[%get3A_2261, %get3A_2262] {strides = array<i32>} : memref<4x2048xi32, #tpu.memory_space<vmem>>, vector<16xi32>,
      %get3A_2264 = arith.constant 2 : i32
      %get3A_2265 = arith.index_cast %get3A_2264 : i32 to index
      %get3A_2266 = arith.index_cast %multiple_of3A : i32 to index
      %get3A_2267 = tpu.vector_load %arg7[%get3A_2265, %get3A_2266] {strides = array<i32>} : memref<4x2048xi32, #tpu.memory_space<vmem>>, vector<16xi32>,
      %get3A_2268 = arith.constant 3 : i32
      %get3A_2269 = arith.index_cast %get3A_2268 : i32 to index
      %get3A_2270 = arith.index_cast %multiple_of3A : i32 to index
      %get3A_2271 = tpu.vector_load %arg7[%get3A_2269, %get3A_2270] {strides = array<i32>} : memref<4x2048xi32, #tpu.memory_space<vmem>>, vector<16xi32>,
      %gather3A = tpu.vector_load_idx %arg6[%get3A_2259, %get3A_2267] : memref<256x256xf32, #tpu.memory_space<vmem>>[vector<16xi32>, vector<16xi32>], vector<16xf32>,
      %gather3A_2272 = tpu.vector_load_idx %arg6[%get3A_2259, %get3A_2271] : memref<256x256xf32, #tpu.memory_space<vmem>>[vector<16xi32>, vector<16xi32>], vector<16xf32>,
      %gather3A_2273 = tpu.vector_load_idx %arg6[%get3A_2263, %get3A_2267] : memref<256x256xf32, #tpu.memory_space<vmem>>[vector<16xi32>, vector<16xi32>], vector<16xf32>,
      %gather3A_2274 = tpu.vector_load_idx %arg6[%get3A_2263, %get3A_2271] : memref<256x256xf32, #tpu.memory_space<vmem>>[vector<16xi32>, vector<16xi32>], vector<16xf32>,
      %get3A_2275 = arith.constant 0 : i32
      %get3A_2276 = arith.index_cast %get3A_2275 : i32 to index
      %get3A_2277 = arith.index_cast %multiple_of3A : i32 to index
      %get3A_2278 = tpu.vector_load %arg8[%get3A_2276, %get3A_2277] {strides = array<i32>} : memref<4x2048xf32, #tpu.memory_space<vmem>>, vector<16xf32>,
      %mul3A_2279 = arith.mulf %gather3A, %get3A_2278 : vector<16xf32>
      %get3A_2280 = arith.constant 1 : i32
      %get3A_2281 = arith.index_cast %get3A_2280 : i32 to index
      %get3A_2282 = arith.index_cast %multiple_of3A : i32 to index
      %get3A_2283 = tpu.vector_load %arg8[%get3A_2281, %get3A_2282] {strides = array<i32>} : memref<4x2048xf32, #tpu.memory_space<vmem>>, vector<16xf32>,
      %mul3A_2284 = arith.mulf %gather3A_2272, %get3A_2283 : vector<16xf32>
      %add3A_2285 = arith.addf %mul3A_2279, %mul3A_2284 : vector<16xf32>
      %get3A_2286 = arith.constant 2 : i32
      %get3A_2287 = arith.index_cast %get3A_2286 : i32 to index
      %get3A_2288 = arith.index_cast %multiple_of3A : i32 to index
      %get3A_2289 = tpu.vector_load %arg8[%get3A_2287, %get3A_2288] {strides = array<i32>} : memref<4x2048xf32, #tpu.memory_space<vmem>>, vector<16xf32>,
      %mul3A_2290 = arith.mulf %gather3A_2273, %get3A_2289 : vector<16xf32>
      %add3A_2291 = arith.addf %add3A_2285, %mul3A_2290 : vector<16xf32>
      %get3A_2292 = arith.constant 3 : i32
      %get3A_2293 = arith.index_cast %get3A_2292 : i32 to index
      %get3A_2294 = arith.index_cast %multiple_of3A : i32 to index
      %get3A_2295 = tpu.vector_load %arg8[%get3A_2293, %get3A_2294] {strides = array<i32>} : memref<4x2048xf32, #tpu.memory_space<vmem>>, vector<16xf32>,
      %mul3A_2296 = arith.mulf %gather3A_2274, %get3A_2295 : vector<16xf32>
      %add3A_2297 = arith.addf %add3A_2291, %mul3A_2296 : vector<16xf32>
      %swap3A = arith.constant 0 : i32
      %swap3A_2298 = arith.constant 0 : i32
      %swap3A_2299 = arith.index_cast %swap3A : i32 to index
      %swap3A_2300 = arith.index_cast %swap3A_2298 : i32 to index
      %swap3A_2301 = arith.index_cast %multiple_of3A : i32 to index
      %swap3A_2302 = tpu.vector_load %arg9[%swap3A_2299, %swap3A_2300, %swap3A_2301] {strides = array<i32>} : memref<2x8x2048xf32, #tpu.memory_space<vmem>>, vector<16xf32>,
      tpu.vector_store %arg9[%swap3A_2299, %swap3A_2300, %swap3A_2301], %add3A_2297 {strides = array<i32>} : memref<2x8x2048xf32, #tpu.memory_space<vmem>>, vector<16xf32>,
      %swap3A_2303 = arith.constant 0 : i32
      %swap3A_2304 = arith.constant 1 : i32
      %swap3A_2305 = arith.index_cast %swap3A_2303 : i32 to index
      %swap3A_2306 = arith.index_cast %swap3A_2304 : i32 to index
      %swap3A_2307 = arith.index_cast %multiple_of3A : i32 to index
      %swap3A_2308 = tpu.vector_load %arg9[%swap3A_2305, %swap3A_2306, %swap3A_2307] {strides = array<i32>} : memref<2x8x2048xf32, #tpu.memory_space<vmem>>, vector<16xf32>,
      tpu.vector_store %arg9[%swap3A_2305, %swap3A_2306, %swap3A_2307], %add3A_2297 {strides = array<i32>} : memref<2x8x2048xf32, #tpu.memory_space<vmem>>, vector<16xf32>,
      %swap3A_2309 = arith.constant 0 : i32
      %swap3A_2310 = arith.constant 2 : i32
      %swap3A_2311 = arith.index_cast %swap3A_2309 : i32 to index
      %swap3A_2312 = arith.index_cast %swap3A_2310 : i32 to index
      %swap3A_2313 = arith.index_cast %multiple_of3A : i32 to index
      %swap3A_2314 = tpu.vector_load %arg9[%swap3A_2311, %swap3A_2312, %swap3A_2313] {strides = array<i32>} : memref<2x8x2048xf32, #tpu.memory_space<vmem>>, vector<16xf32>,
      tpu.vector_store %arg9[%swap3A_2311, %swap3A_2312, %swap3A_2313], %add3A_2297 {strides = array<i32>} : memref<2x8x2048xf32, #tpu.memory_space<vmem>>, vector<16xf32>,
      %swap3A_2315 = arith.constant 0 : i32
      %swap3A_2316 = arith.constant 3 : i32
      %swap3A_2317 = arith.index_cast %swap3A_2315 : i32 to index
      %swap3A_2318 = arith.index_cast %swap3A_2316 : i32 to index
      %swap3A_2319 = arith.index_cast %multiple_of3A : i32 to index
      %swap3A_2320 = tpu.vector_load %arg9[%swap3A_2317, %swap3A_2318, %swap3A_2319] {strides = array<i32>} : memref<2x8x2048xf32, #tpu.memory_space<vmem>>, vector<16xf32>,
      tpu.vector_store %arg9[%swap3A_2317, %swap3A_2318, %swap3A_2319], %add3A_2297 {strides = array<i32>} : memref<2x8x2048xf32, #tpu.memory_space<vmem>>, vector<16xf32>,
      %swap3A_2321 = arith.constant 0 : i32
      %swap3A_2322 = arith.constant 4 : i32
      %swap3A_2323 = arith.index_cast %swap3A_2321 : i32 to index
      %swap3A_2324 = arith.index_cast %swap3A_2322 : i32 to index
      %swap3A_2325 = arith.index_cast %multiple_of3A : i32 to index
      %swap3A_2326 = tpu.vector_load %arg9[%swap3A_2323, %swap3A_2324, %swap3A_2325] {strides = array<i32>} : memref<2x8x2048xf32, #tpu.memory_space<vmem>>, vector<16xf32>,
      tpu.vector_store %arg9[%swap3A_2323, %swap3A_2324, %swap3A_2325], %add3A_2297 {strides = array<i32>} : memref<2x8x2048xf32, #tpu.memory_space<vmem>>, vector<16xf32>,
      %swap3A_2327 = arith.constant 0 : i32
      %swap3A_2328 = arith.constant 5 : i32
      %swap3A_2329 = arith.index_cast %swap3A_2327 : i32 to index
      %swap3A_2330 = arith.index_cast %swap3A_2328 : i32 to index
      %swap3A_2331 = arith.index_cast %multiple_of3A : i32 to index
      %swap3A_2332 = tpu.vector_load %arg9[%swap3A_2329, %swap3A_2330, %swap3A_2331] {strides = array<i32>} : memref<2x8x2048xf32, #tpu.memory_space<vmem>>, vector<16xf32>,
      tpu.vector_store %arg9[%swap3A_2329, %swap3A_2330, %swap3A_2331], %add3A_2297 {strides = array<i32>} : memref<2x8x2048xf32, #tpu.memory_space<vmem>>, vector<16xf32>,
      %swap3A_2333 = arith.constant 0 : i32
      %swap3A_2334 = arith.constant 6 : i32
      %swap3A_2335 = arith.index_cast %swap3A_2333 : i32 to index
      %swap3A_2336 = arith.index_cast %swap3A_2334 : i32 to index
      %swap3A_2337 = arith.index_cast %multiple_of3A : i32 to index
      %swap3A_2338 = tpu.vector_load %arg9[%swap3A_2335, %swap3A_2336, %swap3A_2337] {strides = array<i32>} : memref<2x8x2048xf32, #tpu.memory_space<vmem>>, vector<16xf32>,
      tpu.vector_store %arg9[%swap3A_2335, %swap3A_2336, %swap3A_2337], %add3A_2297 {strides = array<i32>} : memref<2x8x2048xf32, #tpu.memory_space<vmem>>, vector<16xf32>,
      %swap3A_2339 = arith.constant 0 : i32
      %swap3A_2340 = arith.constant 7 : i32
      %swap3A_2341 = arith.index_cast %swap3A_2339 : i32 to index
      %swap3A_2342 = arith.index_cast %swap3A_2340 : i32 to index
      %swap3A_2343 = arith.index_cast %multiple_of3A : i32 to index
      %swap3A_2344 = tpu.vector_load %arg9[%swap3A_2341, %swap3A_2342, %swap3A_2343] {strides = array<i32>} : memref<2x8x2048xf32, #tpu.memory_space<vmem>>, vector<16xf32>,
      tpu.vector_store %arg9[%swap3A_2341, %swap3A_2342, %swap3A_2343], %add3A_2297 {strides = array<i32>} : memref<2x8x2048xf32, #tpu.memory_space<vmem>>, vector<16xf32>,
    }
    %scan3A_999 = arith.constant 128 : i32
    %dma_start3A_1000 = arith.constant 0 : i32
    %dma_start3A_1001 = arith.constant 0 : i32
    %dma_start3A_1002 = arith.constant 0 : i32
    %dma_start3A_1003 = tpu.memref_slice %arg9[%dma_start3A_1000, %dma_start3A_1001, %dma_start3A_1002] : memref<2x8x2048xf32, #tpu.memory_space<vmem>> -> memref<1x8x2048xf32, #tpu.memory_space<vmem>>
    %dma_start3A_1004 = tpu.memref_squeeze %dma_start3A_1003 : memref<1x8x2048xf32, #tpu.memory_space<vmem>> -> memref<8x2048xf32, #tpu.memory_space<vmem>>
    %dma_start3A_1005 = arith.constant 0 : i32
    %dma_start3A_1006 = arith.constant 0 : i32
    %dma_start3A_1007 = tpu.memref_slice %arg5[%add3A_857, %dma_start3A_1005, %dma_start3A_1006] : memref<256x64x2048xf32, #tpu.memory_space<hbm>> -> memref<1x8x2048xf32, #tpu.memory_space<hbm>>
    %dma_start3A_1008 = tpu.memref_squeeze %dma_start3A_1007 : memref<1x8x2048xf32, #tpu.memory_space<hbm>> -> memref<8x2048xf32, #tpu.memory_space<hbm>>
    %dma_start3A_1009 = arith.constant 0 : i32
    %dma_start3A_1010 = arith.constant 0 : i32
    %dma_start3A_1011 = tpu.memref_slice %arg5[%add3A_857, %dma_start3A_1009, %dma_start3A_1010] : memref<256x64x2048xf32, #tpu.memory_space<hbm>> -> memref<1x8x2048xf32, #tpu.memory_space<hbm>>
    %dma_start3A_1012 = tpu.memref_squeeze %dma_start3A_1011 : memref<1x8x2048xf32, #tpu.memory_space<hbm>> -> memref<8x2048xf32, #tpu.memory_space<hbm>>
    %dma_start3A_1013 = arith.constant 0 : i32
    %dma_start3A_1014 = arith.constant 0 : i32
    %dma_start3A_1015 = tpu.memref_slice %arg9[%dma_start3A_1000, %dma_start3A_1013, %dma_start3A_1014] : memref<2x8x2048xf32, #tpu.memory_space<vmem>> -> memref<1x8x2048xf32, #tpu.memory_space<vmem>>
    %dma_start3A_1016 = tpu.memref_squeeze %dma_start3A_1015 : memref<1x8x2048xf32, #tpu.memory_space<vmem>> -> memref<8x2048xf32, #tpu.memory_space<vmem>>
    tpu.enqueue_dma source(%dma_start3A_1016 : memref<8x2048xf32, #tpu.memory_space<vmem>>) target(%dma_start3A_1012 : memref<8x2048xf32, #tpu.memory_space<hbm>>) target_semaphore(%arg10 : memref<!tpu.dma_semaphore, #tpu.memory_space<semaphore_mem>>)
    %dma_start3A_1017 = arith.constant 0 : i32
    %dma_start3A_1018 = arith.constant 0 : i32
    %dma_start3A_1019 = arith.constant 0 : i32
    %dma_start3A_1020 = tpu.memref_slice %arg9[%dma_start3A_1017, %dma_start3A_1018, %dma_start3A_1019] : memref<2x8x2048xf32, #tpu.memory_space<vmem>> -> memref<1x8x2048xf32, #tpu.memory_space<vmem>>
    %dma_start3A_1021 = tpu.memref_squeeze %dma_start3A_1020 : memref<1x8x2048xf32, #tpu.memory_space<vmem>> -> memref<8x2048xf32, #tpu.memory_space<vmem>>
    %dma_start3A_1022 = arith.constant 8 : i32
    %dma_start3A_1023 = arith.constant 0 : i32
    %dma_start3A_1024 = tpu.memref_slice %arg5[%add3A_857, %dma_start3A_1022, %dma_start3A_1023] : memref<256x64x2048xf32, #tpu.memory_space<hbm>> -> memref<1x8x2048xf32, #tpu.memory_space<hbm>>
    %dma_start3A_1025 = tpu.memref_squeeze %dma_start3A_1024 : memref<1x8x2048xf32, #tpu.memory_space<hbm>> -> memref<8x2048xf32, #tpu.memory_space<hbm>>
    %dma_start3A_1026 = arith.constant 8 : i32
    %dma_start3A_1027 = arith.constant 0 : i32
    %dma_start3A_1028 = tpu.memref_slice %arg5[%add3A_857, %dma_start3A_1026, %dma_start3A_1027] : memref<256x64x2048xf32, #tpu.memory_space<hbm>> -> memref<1x8x2048xf32, #tpu.memory_space<hbm>>
    %dma_start3A_1029 = tpu.memref_squeeze %dma_start3A_1028 : memref<1x8x2048xf32, #tpu.memory_space<hbm>> -> memref<8x2048xf32, #tpu.memory_space<hbm>>
    %dma_start3A_1030 = arith.constant 0 : i32
    %dma_start3A_1031 = arith.constant 0 : i32
    %dma_start3A_1032 = tpu.memref_slice %arg9[%dma_start3A_1017, %dma_start3A_1030, %dma_start3A_1031] : memref<2x8x2048xf32, #tpu.memory_space<vmem>> -> memref<1x8x2048xf32, #tpu.memory_space<vmem>>
    %dma_start3A_1033 = tpu.memref_squeeze %dma_start3A_1032 : memref<1x8x2048xf32, #tpu.memory_space<vmem>> -> memref<8x2048xf32, #tpu.memory_space<vmem>>
    tpu.enqueue_dma source(%dma_start3A_1033 : memref<8x2048xf32, #tpu.memory_space<vmem>>) target(%dma_start3A_1029 : memref<8x2048xf32, #tpu.memory_space<hbm>>) target_semaphore(%arg10 : memref<!tpu.dma_semaphore, #tpu.memory_space<semaphore_mem>>)
    %dma_start3A_1034 = arith.constant 0 : i32
    %dma_start3A_1035 = arith.constant 0 : i32
    %dma_start3A_1036 = arith.constant 0 : i32
    %dma_start3A_1037 = tpu.memref_slice %arg9[%dma_start3A_1034, %dma_start3A_1035, %dma_start3A_1036] : memref<2x8x2048xf32, #tpu.memory_space<vmem>> -> memref<1x8x2048xf32, #tpu.memory_space<vmem>>
    %dma_start3A_1038 = tpu.memref_squeeze %dma_start3A_1037 : memref<1x8x2048xf32, #tpu.memory_space<vmem>> -> memref<8x2048xf32, #tpu.memory_space<vmem>>
    %dma_start3A_1039 = arith.constant 16 : i32
    %dma_start3A_1040 = arith.constant 0 : i32
    %dma_start3A_1041 = tpu.memref_slice %arg5[%add3A_857, %dma_start3A_1039, %dma_start3A_1040] : memref<256x64x2048xf32, #tpu.memory_space<hbm>> -> memref<1x8x2048xf32, #tpu.memory_space<hbm>>
    %dma_start3A_1042 = tpu.memref_squeeze %dma_start3A_1041 : memref<1x8x2048xf32, #tpu.memory_space<hbm>> -> memref<8x2048xf32, #tpu.memory_space<hbm>>
    %dma_start3A_1043 = arith.constant 16 : i32
    %dma_start3A_1044 = arith.constant 0 : i32
    %dma_start3A_1045 = tpu.memref_slice %arg5[%add3A_857, %dma_start3A_1043, %dma_start3A_1044] : memref<256x64x2048xf32, #tpu.memory_space<hbm>> -> memref<1x8x2048xf32, #tpu.memory_space<hbm>>
    %dma_start3A_1046 = tpu.memref_squeeze %dma_start3A_1045 : memref<1x8x2048xf32, #tpu.memory_space<hbm>> -> memref<8x2048xf32, #tpu.memory_space<hbm>>
    %dma_start3A_1047 = arith.constant 0 : i32
    %dma_start3A_1048 = arith.constant 0 : i32
    %dma_start3A_1049 = tpu.memref_slice %arg9[%dma_start3A_1034, %dma_start3A_1047, %dma_start3A_1048] : memref<2x8x2048xf32, #tpu.memory_space<vmem>> -> memref<1x8x2048xf32, #tpu.memory_space<vmem>>
    %dma_start3A_1050 = tpu.memref_squeeze %dma_start3A_1049 : memref<1x8x2048xf32, #tpu.memory_space<vmem>> -> memref<8x2048xf32, #tpu.memory_space<vmem>>
    tpu.enqueue_dma source(%dma_start3A_1050 : memref<8x2048xf32, #tpu.memory_space<vmem>>) target(%dma_start3A_1046 : memref<8x2048xf32, #tpu.memory_space<hbm>>) target_semaphore(%arg10 : memref<!tpu.dma_semaphore, #tpu.memory_space<semaphore_mem>>)
    %dma_start3A_1051 = arith.constant 0 : i32
    %dma_start3A_1052 = arith.constant 0 : i32
    %dma_start3A_1053 = arith.constant 0 : i32
    %dma_start3A_1054 = tpu.memref_slice %arg9[%dma_start3A_1051, %dma_start3A_1052, %dma_start3A_1053] : memref<2x8x2048xf32, #tpu.memory_space<vmem>> -> memref<1x8x2048xf32, #tpu.memory_space<vmem>>
    %dma_start3A_1055 = tpu.memref_squeeze %dma_start3A_1054 : memref<1x8x2048xf32, #tpu.memory_space<vmem>> -> memref<8x2048xf32, #tpu.memory_space<vmem>>
    %dma_start3A_1056 = arith.constant 24 : i32
    %dma_start3A_1057 = arith.constant 0 : i32
    %dma_start3A_1058 = tpu.memref_slice %arg5[%add3A_857, %dma_start3A_1056, %dma_start3A_1057] : memref<256x64x2048xf32, #tpu.memory_space<hbm>> -> memref<1x8x2048xf32, #tpu.memory_space<hbm>>
    %dma_start3A_1059 = tpu.memref_squeeze %dma_start3A_1058 : memref<1x8x2048xf32, #tpu.memory_space<hbm>> -> memref<8x2048xf32, #tpu.memory_space<hbm>>
    %dma_start3A_1060 = arith.constant 24 : i32
    %dma_start3A_1061 = arith.constant 0 : i32
    %dma_start3A_1062 = tpu.memref_slice %arg5[%add3A_857, %dma_start3A_1060, %dma_start3A_1061] : memref<256x64x2048xf32, #tpu.memory_space<hbm>> -> memref<1x8x2048xf32, #tpu.memory_space<hbm>>
    %dma_start3A_1063 = tpu.memref_squeeze %dma_start3A_1062 : memref<1x8x2048xf32, #tpu.memory_space<hbm>> -> memref<8x2048xf32, #tpu.memory_space<hbm>>
    %dma_start3A_1064 = arith.constant 0 : i32
    %dma_start3A_1065 = arith.constant 0 : i32
    %dma_start3A_1066 = tpu.memref_slice %arg9[%dma_start3A_1051, %dma_start3A_1064, %dma_start3A_1065] : memref<2x8x2048xf32, #tpu.memory_space<vmem>> -> memref<1x8x2048xf32, #tpu.memory_space<vmem>>
    %dma_start3A_1067 = tpu.memref_squeeze %dma_start3A_1066 : memref<1x8x2048xf32, #tpu.memory_space<vmem>> -> memref<8x2048xf32, #tpu.memory_space<vmem>>
    tpu.enqueue_dma source(%dma_start3A_1067 : memref<8x2048xf32, #tpu.memory_space<vmem>>) target(%dma_start3A_1063 : memref<8x2048xf32, #tpu.memory_space<hbm>>) target_semaphore(%arg10 : memref<!tpu.dma_semaphore, #tpu.memory_space<semaphore_mem>>)
    %dma_start3A_1068 = arith.constant 0 : i32
    %dma_start3A_1069 = arith.constant 0 : i32
    %dma_start3A_1070 = arith.constant 0 : i32
    %dma_start3A_1071 = tpu.memref_slice %arg9[%dma_start3A_1068, %dma_start3A_1069, %dma_start3A_1070] : memref<2x8x2048xf32, #tpu.memory_space<vmem>> -> memref<1x8x2048xf32, #tpu.memory_space<vmem>>
    %dma_start3A_1072 = tpu.memref_squeeze %dma_start3A_1071 : memref<1x8x2048xf32, #tpu.memory_space<vmem>> -> memref<8x2048xf32, #tpu.memory_space<vmem>>
    %dma_start3A_1073 = arith.constant 32 : i32
    %dma_start3A_1074 = arith.constant 0 : i32
    %dma_start3A_1075 = tpu.memref_slice %arg5[%add3A_857, %dma_start3A_1073, %dma_start3A_1074] : memref<256x64x2048xf32, #tpu.memory_space<hbm>> -> memref<1x8x2048xf32, #tpu.memory_space<hbm>>
    %dma_start3A_1076 = tpu.memref_squeeze %dma_start3A_1075 : memref<1x8x2048xf32, #tpu.memory_space<hbm>> -> memref<8x2048xf32, #tpu.memory_space<hbm>>
    %dma_start3A_1077 = arith.constant 32 : i32
    %dma_start3A_1078 = arith.constant 0 : i32
    %dma_start3A_1079 = tpu.memref_slice %arg5[%add3A_857, %dma_start3A_1077, %dma_start3A_1078] : memref<256x64x2048xf32, #tpu.memory_space<hbm>> -> memref<1x8x2048xf32, #tpu.memory_space<hbm>>
    %dma_start3A_1080 = tpu.memref_squeeze %dma_start3A_1079 : memref<1x8x2048xf32, #tpu.memory_space<hbm>> -> memref<8x2048xf32, #tpu.memory_space<hbm>>
    %dma_start3A_1081 = arith.constant 0 : i32
    %dma_start3A_1082 = arith.constant 0 : i32
    %dma_start3A_1083 = tpu.memref_slice %arg9[%dma_start3A_1068, %dma_start3A_1081, %dma_start3A_1082] : memref<2x8x2048xf32, #tpu.memory_space<vmem>> -> memref<1x8x2048xf32, #tpu.memory_space<vmem>>
    %dma_start3A_1084 = tpu.memref_squeeze %dma_start3A_1083 : memref<1x8x2048xf32, #tpu.memory_space<vmem>> -> memref<8x2048xf32, #tpu.memory_space<vmem>>
    tpu.enqueue_dma source(%dma_start3A_1084 : memref<8x2048xf32, #tpu.memory_space<vmem>>) target(%dma_start3A_1080 : memref<8x2048xf32, #tpu.memory_space<hbm>>) target_semaphore(%arg10 : memref<!tpu.dma_semaphore, #tpu.memory_space<semaphore_mem>>)
    %dma_start3A_1085 = arith.constant 0 : i32
    %dma_start3A_1086 = arith.constant 0 : i32
    %dma_start3A_1087 = arith.constant 0 : i32
    %dma_start3A_1088 = tpu.memref_slice %arg9[%dma_start3A_1085, %dma_start3A_1086, %dma_start3A_1087] : memref<2x8x2048xf32, #tpu.memory_space<vmem>> -> memref<1x8x2048xf32, #tpu.memory_space<vmem>>
    %dma_start3A_1089 = tpu.memref_squeeze %dma_start3A_1088 : memref<1x8x2048xf32, #tpu.memory_space<vmem>> -> memref<8x2048xf32, #tpu.memory_space<vmem>>
    %dma_start3A_1090 = arith.constant 40 : i32
    %dma_start3A_1091 = arith.constant 0 : i32
    %dma_start3A_1092 = tpu.memref_slice %arg5[%add3A_857, %dma_start3A_1090, %dma_start3A_1091] : memref<256x64x2048xf32, #tpu.memory_space<hbm>> -> memref<1x8x2048xf32, #tpu.memory_space<hbm>>
    %dma_start3A_1093 = tpu.memref_squeeze %dma_start3A_1092 : memref<1x8x2048xf32, #tpu.memory_space<hbm>> -> memref<8x2048xf32, #tpu.memory_space<hbm>>
    %dma_start3A_1094 = arith.constant 40 : i32
    %dma_start3A_1095 = arith.constant 0 : i32
    %dma_start3A_1096 = tpu.memref_slice %arg5[%add3A_857, %dma_start3A_1094, %dma_start3A_1095] : memref<256x64x2048xf32, #tpu.memory_space<hbm>> -> memref<1x8x2048xf32, #tpu.memory_space<hbm>>
    %dma_start3A_1097 = tpu.memref_squeeze %dma_start3A_1096 : memref<1x8x2048xf32, #tpu.memory_space<hbm>> -> memref<8x2048xf32, #tpu.memory_space<hbm>>
    %dma_start3A_1098 = arith.constant 0 : i32
    %dma_start3A_1099 = arith.constant 0 : i32
    %dma_start3A_1100 = tpu.memref_slice %arg9[%dma_start3A_1085, %dma_start3A_1098, %dma_start3A_1099] : memref<2x8x2048xf32, #tpu.memory_space<vmem>> -> memref<1x8x2048xf32, #tpu.memory_space<vmem>>
    %dma_start3A_1101 = tpu.memref_squeeze %dma_start3A_1100 : memref<1x8x2048xf32, #tpu.memory_space<vmem>> -> memref<8x2048xf32, #tpu.memory_space<vmem>>
    tpu.enqueue_dma source(%dma_start3A_1101 : memref<8x2048xf32, #tpu.memory_space<vmem>>) target(%dma_start3A_1097 : memref<8x2048xf32, #tpu.memory_space<hbm>>) target_semaphore(%arg10 : memref<!tpu.dma_semaphore, #tpu.memory_space<semaphore_mem>>)
    %dma_start3A_1102 = arith.constant 0 : i32
    %dma_start3A_1103 = arith.constant 0 : i32
    %dma_start3A_1104 = arith.constant 0 : i32
    %dma_start3A_1105 = tpu.memref_slice %arg9[%dma_start3A_1102, %dma_start3A_1103, %dma_start3A_1104] : memref<2x8x2048xf32, #tpu.memory_space<vmem>> -> memref<1x8x2048xf32, #tpu.memory_space<vmem>>
    %dma_start3A_1106 = tpu.memref_squeeze %dma_start3A_1105 : memref<1x8x2048xf32, #tpu.memory_space<vmem>> -> memref<8x2048xf32, #tpu.memory_space<vmem>>
    %dma_start3A_1107 = arith.constant 48 : i32
    %dma_start3A_1108 = arith.constant 0 : i32
    %dma_start3A_1109 = tpu.memref_slice %arg5[%add3A_857, %dma_start3A_1107, %dma_start3A_1108] : memref<256x64x2048xf32, #tpu.memory_space<hbm>> -> memref<1x8x2048xf32, #tpu.memory_space<hbm>>
    %dma_start3A_1110 = tpu.memref_squeeze %dma_start3A_1109 : memref<1x8x2048xf32, #tpu.memory_space<hbm>> -> memref<8x2048xf32, #tpu.memory_space<hbm>>
    %dma_start3A_1111 = arith.constant 48 : i32
    %dma_start3A_1112 = arith.constant 0 : i32
    %dma_start3A_1113 = tpu.memref_slice %arg5[%add3A_857, %dma_start3A_1111, %dma_start3A_1112] : memref<256x64x2048xf32, #tpu.memory_space<hbm>> -> memref<1x8x2048xf32, #tpu.memory_space<hbm>>
    %dma_start3A_1114 = tpu.memref_squeeze %dma_start3A_1113 : memref<1x8x2048xf32, #tpu.memory_space<hbm>> -> memref<8x2048xf32, #tpu.memory_space<hbm>>
    %dma_start3A_1115 = arith.constant 0 : i32
    %dma_start3A_1116 = arith.constant 0 : i32
    %dma_start3A_1117 = tpu.memref_slice %arg9[%dma_start3A_1102, %dma_start3A_1115, %dma_start3A_1116] : memref<2x8x2048xf32, #tpu.memory_space<vmem>> -> memref<1x8x2048xf32, #tpu.memory_space<vmem>>
    %dma_start3A_1118 = tpu.memref_squeeze %dma_start3A_1117 : memref<1x8x2048xf32, #tpu.memory_space<vmem>> -> memref<8x2048xf32, #tpu.memory_space<vmem>>
    tpu.enqueue_dma source(%dma_start3A_1118 : memref<8x2048xf32, #tpu.memory_space<vmem>>) target(%dma_start3A_1114 : memref<8x2048xf32, #tpu.memory_space<hbm>>) target_semaphore(%arg10 : memref<!tpu.dma_semaphore, #tpu.memory_space<semaphore_mem>>)
    %dma_start3A_1119 = arith.constant 0 : i32
    %dma_start3A_1120 = arith.constant 0 : i32
    %dma_start3A_1121 = arith.constant 0 : i32
    %dma_start3A_1122 = tpu.memref_slice %arg9[%dma_start3A_1119, %dma_start3A_1120, %dma_start3A_1121] : memref<2x8x2048xf32, #tpu.memory_space<vmem>> -> memref<1x8x2048xf32, #tpu.memory_space<vmem>>
    %dma_start3A_1123 = tpu.memref_squeeze %dma_start3A_1122 : memref<1x8x2048xf32, #tpu.memory_space<vmem>> -> memref<8x2048xf32, #tpu.memory_space<vmem>>
    %dma_start3A_1124 = arith.constant 56 : i32
    %dma_start3A_1125 = arith.constant 0 : i32
    %dma_start3A_1126 = tpu.memref_slice %arg5[%add3A_857, %dma_start3A_1124, %dma_start3A_1125] : memref<256x64x2048xf32, #tpu.memory_space<hbm>> -> memref<1x8x2048xf32, #tpu.memory_space<hbm>>
    %dma_start3A_1127 = tpu.memref_squeeze %dma_start3A_1126 : memref<1x8x2048xf32, #tpu.memory_space<hbm>> -> memref<8x2048xf32, #tpu.memory_space<hbm>>
    %dma_start3A_1128 = arith.constant 56 : i32
    %dma_start3A_1129 = arith.constant 0 : i32
    %dma_start3A_1130 = tpu.memref_slice %arg5[%add3A_857, %dma_start3A_1128, %dma_start3A_1129] : memref<256x64x2048xf32, #tpu.memory_space<hbm>> -> memref<1x8x2048xf32, #tpu.memory_space<hbm>>
    %dma_start3A_1131 = tpu.memref_squeeze %dma_start3A_1130 : memref<1x8x2048xf32, #tpu.memory_space<hbm>> -> memref<8x2048xf32, #tpu.memory_space<hbm>>
    %dma_start3A_1132 = arith.constant 0 : i32
    %dma_start3A_1133 = arith.constant 0 : i32
    %dma_start3A_1134 = tpu.memref_slice %arg9[%dma_start3A_1119, %dma_start3A_1132, %dma_start3A_1133] : memref<2x8x2048xf32, #tpu.memory_space<vmem>> -> memref<1x8x2048xf32, #tpu.memory_space<vmem>>
    %dma_start3A_1135 = tpu.memref_squeeze %dma_start3A_1134 : memref<1x8x2048xf32, #tpu.memory_space<vmem>> -> memref<8x2048xf32, #tpu.memory_space<vmem>>
    tpu.enqueue_dma source(%dma_start3A_1135 : memref<8x2048xf32, #tpu.memory_space<vmem>>) target(%dma_start3A_1131 : memref<8x2048xf32, #tpu.memory_space<hbm>>) target_semaphore(%arg10 : memref<!tpu.dma_semaphore, #tpu.memory_space<semaphore_mem>>)
    %mul3A_1136 = arith.constant 8 : i32
    %mul3A_1137 = arith.muli %add3A, %mul3A_1136 : i32
    %add3A_1138 = arith.constant 5 : i32
    %add3A_1139 = arith.addi %mul3A_1137, %add3A_1138 : i32
    "tpu.region"() ({
      %run_scoped3A = tpu.sem_alloc : memref<!tpu.dma_semaphore, #tpu.memory_space<semaphore_mem>>
      %dma_start3A_2254 = arith.constant 0 : i32
      %dma_start3A_2255 = arith.constant 0 : i32
      %dma_start3A_2256 = tpu.memref_slice %arg2[%add3A_1139, %dma_start3A_2254, %dma_start3A_2255] : memref<256x256x256xf32, #tpu.memory_space<hbm>> -> memref<1x256x256xf32, #tpu.memory_space<hbm>>
      %dma_start3A_2257 = tpu.memref_squeeze %dma_start3A_2256 : memref<1x256x256xf32, #tpu.memory_space<hbm>> -> memref<256x256xf32, #tpu.memory_space<hbm>>
      %dma_start3A_2258 = arith.constant 0 : i32
      %dma_start3A_2259 = arith.constant 0 : i32
      %dma_start3A_2260 = tpu.memref_slice %arg2[%add3A_1139, %dma_start3A_2258, %dma_start3A_2259] : memref<256x256x256xf32, #tpu.memory_space<hbm>> -> memref<1x256x256xf32, #tpu.memory_space<hbm>>
      %dma_start3A_2261 = tpu.memref_squeeze %dma_start3A_2260 : memref<1x256x256xf32, #tpu.memory_space<hbm>> -> memref<256x256xf32, #tpu.memory_space<hbm>>
      tpu.enqueue_dma source(%dma_start3A_2261 : memref<256x256xf32, #tpu.memory_space<hbm>>) target(%arg6 : memref<256x256xf32, #tpu.memory_space<vmem>>) target_semaphore(%run_scoped3A : memref<!tpu.dma_semaphore, #tpu.memory_space<semaphore_mem>>)
      %dma_wait3A_2262 = arith.constant 0 : i32
      %dma_wait3A_2263 = arith.constant 0 : i32
      %dma_wait3A_2264 = tpu.memref_slice %arg2[%add3A_1139, %dma_wait3A_2262, %dma_wait3A_2263] : memref<256x256x256xf32, #tpu.memory_space<hbm>> -> memref<1x256x256xf32, #tpu.memory_space<hbm>>
      %dma_wait3A_2265 = tpu.memref_squeeze %dma_wait3A_2264 : memref<1x256x256xf32, #tpu.memory_space<hbm>> -> memref<256x256xf32, #tpu.memory_space<hbm>>
      %dma_wait3A_2266 = arith.constant 0 : i32
      %dma_wait3A_2267 = arith.constant 0 : i32
      %dma_wait3A_2268 = tpu.memref_slice %arg2[%add3A_1139, %dma_wait3A_2266, %dma_wait3A_2267] : memref<256x256x256xf32, #tpu.memory_space<hbm>> -> memref<1x256x256xf32, #tpu.memory_space<hbm>>
      %dma_wait3A_2269 = tpu.memref_squeeze %dma_wait3A_2268 : memref<1x256x256xf32, #tpu.memory_space<hbm>> -> memref<256x256xf32, #tpu.memory_space<hbm>>
      tpu.wait_dma2 semaphore(%run_scoped3A : memref<!tpu.dma_semaphore, #tpu.memory_space<semaphore_mem>>) src(%dma_wait3A_2269 : memref<256x256xf32, #tpu.memory_space<hbm>>) dst(%arg6 : memref<256x256xf32, #tpu.memory_space<vmem>>)
      tpu.yield
    }) : () -> ()
    %dma_wait3A_1140 = arith.constant 1 : i32
    %dma_wait3A_1141 = arith.constant 0 : i32
    %dma_wait3A_1142 = arith.constant 0 : i32
    %dma_wait3A_1143 = tpu.memref_slice %arg9[%dma_wait3A_1140, %dma_wait3A_1141, %dma_wait3A_1142] : memref<2x8x2048xf32, #tpu.memory_space<vmem>> -> memref<1x8x2048xf32, #tpu.memory_space<vmem>>
    %dma_wait3A_1144 = tpu.memref_squeeze %dma_wait3A_1143 : memref<1x8x2048xf32, #tpu.memory_space<vmem>> -> memref<8x2048xf32, #tpu.memory_space<vmem>>
    %dma_wait3A_1145 = arith.constant 0 : i32
    %dma_wait3A_1146 = arith.constant 0 : i32
    %dma_wait3A_1147 = tpu.memref_slice %arg5[%add3A_575, %dma_wait3A_1145, %dma_wait3A_1146] : memref<256x64x2048xf32, #tpu.memory_space<hbm>> -> memref<1x8x2048xf32, #tpu.memory_space<hbm>>
    %dma_wait3A_1148 = tpu.memref_squeeze %dma_wait3A_1147 : memref<1x8x2048xf32, #tpu.memory_space<hbm>> -> memref<8x2048xf32, #tpu.memory_space<hbm>>
    %dma_wait3A_1149 = arith.constant 0 : i32
    %dma_wait3A_1150 = arith.constant 0 : i32
    %dma_wait3A_1151 = tpu.memref_slice %arg5[%add3A_575, %dma_wait3A_1149, %dma_wait3A_1150] : memref<256x64x2048xf32, #tpu.memory_space<hbm>> -> memref<1x8x2048xf32, #tpu.memory_space<hbm>>
    %dma_wait3A_1152 = tpu.memref_squeeze %dma_wait3A_1151 : memref<1x8x2048xf32, #tpu.memory_space<hbm>> -> memref<8x2048xf32, #tpu.memory_space<hbm>>
    %dma_wait3A_1153 = arith.constant 0 : i32
    %dma_wait3A_1154 = arith.constant 0 : i32
    %dma_wait3A_1155 = tpu.memref_slice %arg9[%dma_wait3A_1140, %dma_wait3A_1153, %dma_wait3A_1154] : memref<2x8x2048xf32, #tpu.memory_space<vmem>> -> memref<1x8x2048xf32, #tpu.memory_space<vmem>>
    %dma_wait3A_1156 = tpu.memref_squeeze %dma_wait3A_1155 : memref<1x8x2048xf32, #tpu.memory_space<vmem>> -> memref<8x2048xf32, #tpu.memory_space<vmem>>
    tpu.wait_dma2 semaphore(%arg11 : memref<!tpu.dma_semaphore, #tpu.memory_space<semaphore_mem>>) src(%dma_wait3A_1156 : memref<8x2048xf32, #tpu.memory_space<vmem>>) dst(%dma_wait3A_1152 : memref<8x2048xf32, #tpu.memory_space<hbm>>)
    %dma_wait3A_1157 = arith.constant 1 : i32
    %dma_wait3A_1158 = arith.constant 0 : i32
    %dma_wait3A_1159 = arith.constant 0 : i32
    %dma_wait3A_1160 = tpu.memref_slice %arg9[%dma_wait3A_1157, %dma_wait3A_1158, %dma_wait3A_1159] : memref<2x8x2048xf32, #tpu.memory_space<vmem>> -> memref<1x8x2048xf32, #tpu.memory_space<vmem>>
    %dma_wait3A_1161 = tpu.memref_squeeze %dma_wait3A_1160 : memref<1x8x2048xf32, #tpu.memory_space<vmem>> -> memref<8x2048xf32, #tpu.memory_space<vmem>>
    %dma_wait3A_1162 = arith.constant 8 : i32
    %dma_wait3A_1163 = arith.constant 0 : i32
    %dma_wait3A_1164 = tpu.memref_slice %arg5[%add3A_575, %dma_wait3A_1162, %dma_wait3A_1163] : memref<256x64x2048xf32, #tpu.memory_space<hbm>> -> memref<1x8x2048xf32, #tpu.memory_space<hbm>>
    %dma_wait3A_1165 = tpu.memref_squeeze %dma_wait3A_1164 : memref<1x8x2048xf32, #tpu.memory_space<hbm>> -> memref<8x2048xf32, #tpu.memory_space<hbm>>
    %dma_wait3A_1166 = arith.constant 8 : i32
    %dma_wait3A_1167 = arith.constant 0 : i32
    %dma_wait3A_1168 = tpu.memref_slice %arg5[%add3A_575, %dma_wait3A_1166, %dma_wait3A_1167] : memref<256x64x2048xf32, #tpu.memory_space<hbm>> -> memref<1x8x2048xf32, #tpu.memory_space<hbm>>
    %dma_wait3A_1169 = tpu.memref_squeeze %dma_wait3A_1168 : memref<1x8x2048xf32, #tpu.memory_space<hbm>> -> memref<8x2048xf32, #tpu.memory_space<hbm>>
    %dma_wait3A_1170 = arith.constant 0 : i32
    %dma_wait3A_1171 = arith.constant 0 : i32
    %dma_wait3A_1172 = tpu.memref_slice %arg9[%dma_wait3A_1157, %dma_wait3A_1170, %dma_wait3A_1171] : memref<2x8x2048xf32, #tpu.memory_space<vmem>> -> memref<1x8x2048xf32, #tpu.memory_space<vmem>>
    %dma_wait3A_1173 = tpu.memref_squeeze %dma_wait3A_1172 : memref<1x8x2048xf32, #tpu.memory_space<vmem>> -> memref<8x2048xf32, #tpu.memory_space<vmem>>
    tpu.wait_dma2 semaphore(%arg11 : memref<!tpu.dma_semaphore, #tpu.memory_space<semaphore_mem>>) src(%dma_wait3A_1173 : memref<8x2048xf32, #tpu.memory_space<vmem>>) dst(%dma_wait3A_1169 : memref<8x2048xf32, #tpu.memory_space<hbm>>)
    %dma_wait3A_1174 = arith.constant 1 : i32
    %dma_wait3A_1175 = arith.constant 0 : i32
    %dma_wait3A_1176 = arith.constant 0 : i32
    %dma_wait3A_1177 = tpu.memref_slice %arg9[%dma_wait3A_1174, %dma_wait3A_1175, %dma_wait3A_1176] : memref<2x8x2048xf32, #tpu.memory_space<vmem>> -> memref<1x8x2048xf32, #tpu.memory_space<vmem>>
    %dma_wait3A_1178 = tpu.memref_squeeze %dma_wait3A_1177 : memref<1x8x2048xf32, #tpu.memory_space<vmem>> -> memref<8x2048xf32, #tpu.memory_space<vmem>>
    %dma_wait3A_1179 = arith.constant 16 : i32
    %dma_wait3A_1180 = arith.constant 0 : i32
    %dma_wait3A_1181 = tpu.memref_slice %arg5[%add3A_575, %dma_wait3A_1179, %dma_wait3A_1180] : memref<256x64x2048xf32, #tpu.memory_space<hbm>> -> memref<1x8x2048xf32, #tpu.memory_space<hbm>>
    %dma_wait3A_1182 = tpu.memref_squeeze %dma_wait3A_1181 : memref<1x8x2048xf32, #tpu.memory_space<hbm>> -> memref<8x2048xf32, #tpu.memory_space<hbm>>
    %dma_wait3A_1183 = arith.constant 16 : i32
    %dma_wait3A_1184 = arith.constant 0 : i32
    %dma_wait3A_1185 = tpu.memref_slice %arg5[%add3A_575, %dma_wait3A_1183, %dma_wait3A_1184] : memref<256x64x2048xf32, #tpu.memory_space<hbm>> -> memref<1x8x2048xf32, #tpu.memory_space<hbm>>
    %dma_wait3A_1186 = tpu.memref_squeeze %dma_wait3A_1185 : memref<1x8x2048xf32, #tpu.memory_space<hbm>> -> memref<8x2048xf32, #tpu.memory_space<hbm>>
    %dma_wait3A_1187 = arith.constant 0 : i32
    %dma_wait3A_1188 = arith.constant 0 : i32
    %dma_wait3A_1189 = tpu.memref_slice %arg9[%dma_wait3A_1174, %dma_wait3A_1187, %dma_wait3A_1188] : memref<2x8x2048xf32, #tpu.memory_space<vmem>> -> memref<1x8x2048xf32, #tpu.memory_space<vmem>>
    %dma_wait3A_1190 = tpu.memref_squeeze %dma_wait3A_1189 : memref<1x8x2048xf32, #tpu.memory_space<vmem>> -> memref<8x2048xf32, #tpu.memory_space<vmem>>
    tpu.wait_dma2 semaphore(%arg11 : memref<!tpu.dma_semaphore, #tpu.memory_space<semaphore_mem>>) src(%dma_wait3A_1190 : memref<8x2048xf32, #tpu.memory_space<vmem>>) dst(%dma_wait3A_1186 : memref<8x2048xf32, #tpu.memory_space<hbm>>)
    %dma_wait3A_1191 = arith.constant 1 : i32
    %dma_wait3A_1192 = arith.constant 0 : i32
    %dma_wait3A_1193 = arith.constant 0 : i32
    %dma_wait3A_1194 = tpu.memref_slice %arg9[%dma_wait3A_1191, %dma_wait3A_1192, %dma_wait3A_1193] : memref<2x8x2048xf32, #tpu.memory_space<vmem>> -> memref<1x8x2048xf32, #tpu.memory_space<vmem>>
    %dma_wait3A_1195 = tpu.memref_squeeze %dma_wait3A_1194 : memref<1x8x2048xf32, #tpu.memory_space<vmem>> -> memref<8x2048xf32, #tpu.memory_space<vmem>>
    %dma_wait3A_1196 = arith.constant 24 : i32
    %dma_wait3A_1197 = arith.constant 0 : i32
    %dma_wait3A_1198 = tpu.memref_slice %arg5[%add3A_575, %dma_wait3A_1196, %dma_wait3A_1197] : memref<256x64x2048xf32, #tpu.memory_space<hbm>> -> memref<1x8x2048xf32, #tpu.memory_space<hbm>>
    %dma_wait3A_1199 = tpu.memref_squeeze %dma_wait3A_1198 : memref<1x8x2048xf32, #tpu.memory_space<hbm>> -> memref<8x2048xf32, #tpu.memory_space<hbm>>
    %dma_wait3A_1200 = arith.constant 24 : i32
    %dma_wait3A_1201 = arith.constant 0 : i32
    %dma_wait3A_1202 = tpu.memref_slice %arg5[%add3A_575, %dma_wait3A_1200, %dma_wait3A_1201] : memref<256x64x2048xf32, #tpu.memory_space<hbm>> -> memref<1x8x2048xf32, #tpu.memory_space<hbm>>
    %dma_wait3A_1203 = tpu.memref_squeeze %dma_wait3A_1202 : memref<1x8x2048xf32, #tpu.memory_space<hbm>> -> memref<8x2048xf32, #tpu.memory_space<hbm>>
    %dma_wait3A_1204 = arith.constant 0 : i32
    %dma_wait3A_1205 = arith.constant 0 : i32
    %dma_wait3A_1206 = tpu.memref_slice %arg9[%dma_wait3A_1191, %dma_wait3A_1204, %dma_wait3A_1205] : memref<2x8x2048xf32, #tpu.memory_space<vmem>> -> memref<1x8x2048xf32, #tpu.memory_space<vmem>>
    %dma_wait3A_1207 = tpu.memref_squeeze %dma_wait3A_1206 : memref<1x8x2048xf32, #tpu.memory_space<vmem>> -> memref<8x2048xf32, #tpu.memory_space<vmem>>
    tpu.wait_dma2 semaphore(%arg11 : memref<!tpu.dma_semaphore, #tpu.memory_space<semaphore_mem>>) src(%dma_wait3A_1207 : memref<8x2048xf32, #tpu.memory_space<vmem>>) dst(%dma_wait3A_1203 : memref<8x2048xf32, #tpu.memory_space<hbm>>)
    %dma_wait3A_1208 = arith.constant 1 : i32
    %dma_wait3A_1209 = arith.constant 0 : i32
    %dma_wait3A_1210 = arith.constant 0 : i32
    %dma_wait3A_1211 = tpu.memref_slice %arg9[%dma_wait3A_1208, %dma_wait3A_1209, %dma_wait3A_1210] : memref<2x8x2048xf32, #tpu.memory_space<vmem>> -> memref<1x8x2048xf32, #tpu.memory_space<vmem>>
    %dma_wait3A_1212 = tpu.memref_squeeze %dma_wait3A_1211 : memref<1x8x2048xf32, #tpu.memory_space<vmem>> -> memref<8x2048xf32, #tpu.memory_space<vmem>>
    %dma_wait3A_1213 = arith.constant 32 : i32
    %dma_wait3A_1214 = arith.constant 0 : i32
    %dma_wait3A_1215 = tpu.memref_slice %arg5[%add3A_575, %dma_wait3A_1213, %dma_wait3A_1214] : memref<256x64x2048xf32, #tpu.memory_space<hbm>> -> memref<1x8x2048xf32, #tpu.memory_space<hbm>>
    %dma_wait3A_1216 = tpu.memref_squeeze %dma_wait3A_1215 : memref<1x8x2048xf32, #tpu.memory_space<hbm>> -> memref<8x2048xf32, #tpu.memory_space<hbm>>
    %dma_wait3A_1217 = arith.constant 32 : i32
    %dma_wait3A_1218 = arith.constant 0 : i32
    %dma_wait3A_1219 = tpu.memref_slice %arg5[%add3A_575, %dma_wait3A_1217, %dma_wait3A_1218] : memref<256x64x2048xf32, #tpu.memory_space<hbm>> -> memref<1x8x2048xf32, #tpu.memory_space<hbm>>
    %dma_wait3A_1220 = tpu.memref_squeeze %dma_wait3A_1219 : memref<1x8x2048xf32, #tpu.memory_space<hbm>> -> memref<8x2048xf32, #tpu.memory_space<hbm>>
    %dma_wait3A_1221 = arith.constant 0 : i32
    %dma_wait3A_1222 = arith.constant 0 : i32
    %dma_wait3A_1223 = tpu.memref_slice %arg9[%dma_wait3A_1208, %dma_wait3A_1221, %dma_wait3A_1222] : memref<2x8x2048xf32, #tpu.memory_space<vmem>> -> memref<1x8x2048xf32, #tpu.memory_space<vmem>>
    %dma_wait3A_1224 = tpu.memref_squeeze %dma_wait3A_1223 : memref<1x8x2048xf32, #tpu.memory_space<vmem>> -> memref<8x2048xf32, #tpu.memory_space<vmem>>
    tpu.wait_dma2 semaphore(%arg11 : memref<!tpu.dma_semaphore, #tpu.memory_space<semaphore_mem>>) src(%dma_wait3A_1224 : memref<8x2048xf32, #tpu.memory_space<vmem>>) dst(%dma_wait3A_1220 : memref<8x2048xf32, #tpu.memory_space<hbm>>)
    %dma_wait3A_1225 = arith.constant 1 : i32
    %dma_wait3A_1226 = arith.constant 0 : i32
    %dma_wait3A_1227 = arith.constant 0 : i32
    %dma_wait3A_1228 = tpu.memref_slice %arg9[%dma_wait3A_1225, %dma_wait3A_1226, %dma_wait3A_1227] : memref<2x8x2048xf32, #tpu.memory_space<vmem>> -> memref<1x8x2048xf32, #tpu.memory_space<vmem>>
    %dma_wait3A_1229 = tpu.memref_squeeze %dma_wait3A_1228 : memref<1x8x2048xf32, #tpu.memory_space<vmem>> -> memref<8x2048xf32, #tpu.memory_space<vmem>>
    %dma_wait3A_1230 = arith.constant 40 : i32
    %dma_wait3A_1231 = arith.constant 0 : i32
    %dma_wait3A_1232 = tpu.memref_slice %arg5[%add3A_575, %dma_wait3A_1230, %dma_wait3A_1231] : memref<256x64x2048xf32, #tpu.memory_space<hbm>> -> memref<1x8x2048xf32, #tpu.memory_space<hbm>>
    %dma_wait3A_1233 = tpu.memref_squeeze %dma_wait3A_1232 : memref<1x8x2048xf32, #tpu.memory_space<hbm>> -> memref<8x2048xf32, #tpu.memory_space<hbm>>
    %dma_wait3A_1234 = arith.constant 40 : i32
    %dma_wait3A_1235 = arith.constant 0 : i32
    %dma_wait3A_1236 = tpu.memref_slice %arg5[%add3A_575, %dma_wait3A_1234, %dma_wait3A_1235] : memref<256x64x2048xf32, #tpu.memory_space<hbm>> -> memref<1x8x2048xf32, #tpu.memory_space<hbm>>
    %dma_wait3A_1237 = tpu.memref_squeeze %dma_wait3A_1236 : memref<1x8x2048xf32, #tpu.memory_space<hbm>> -> memref<8x2048xf32, #tpu.memory_space<hbm>>
    %dma_wait3A_1238 = arith.constant 0 : i32
    %dma_wait3A_1239 = arith.constant 0 : i32
    %dma_wait3A_1240 = tpu.memref_slice %arg9[%dma_wait3A_1225, %dma_wait3A_1238, %dma_wait3A_1239] : memref<2x8x2048xf32, #tpu.memory_space<vmem>> -> memref<1x8x2048xf32, #tpu.memory_space<vmem>>
    %dma_wait3A_1241 = tpu.memref_squeeze %dma_wait3A_1240 : memref<1x8x2048xf32, #tpu.memory_space<vmem>> -> memref<8x2048xf32, #tpu.memory_space<vmem>>
    tpu.wait_dma2 semaphore(%arg11 : memref<!tpu.dma_semaphore, #tpu.memory_space<semaphore_mem>>) src(%dma_wait3A_1241 : memref<8x2048xf32, #tpu.memory_space<vmem>>) dst(%dma_wait3A_1237 : memref<8x2048xf32, #tpu.memory_space<hbm>>)
    %dma_wait3A_1242 = arith.constant 1 : i32
    %dma_wait3A_1243 = arith.constant 0 : i32
    %dma_wait3A_1244 = arith.constant 0 : i32
    %dma_wait3A_1245 = tpu.memref_slice %arg9[%dma_wait3A_1242, %dma_wait3A_1243, %dma_wait3A_1244] : memref<2x8x2048xf32, #tpu.memory_space<vmem>> -> memref<1x8x2048xf32, #tpu.memory_space<vmem>>
    %dma_wait3A_1246 = tpu.memref_squeeze %dma_wait3A_1245 : memref<1x8x2048xf32, #tpu.memory_space<vmem>> -> memref<8x2048xf32, #tpu.memory_space<vmem>>
    %dma_wait3A_1247 = arith.constant 48 : i32
    %dma_wait3A_1248 = arith.constant 0 : i32
    %dma_wait3A_1249 = tpu.memref_slice %arg5[%add3A_575, %dma_wait3A_1247, %dma_wait3A_1248] : memref<256x64x2048xf32, #tpu.memory_space<hbm>> -> memref<1x8x2048xf32, #tpu.memory_space<hbm>>
    %dma_wait3A_1250 = tpu.memref_squeeze %dma_wait3A_1249 : memref<1x8x2048xf32, #tpu.memory_space<hbm>> -> memref<8x2048xf32, #tpu.memory_space<hbm>>
    %dma_wait3A_1251 = arith.constant 48 : i32
    %dma_wait3A_1252 = arith.constant 0 : i32
    %dma_wait3A_1253 = tpu.memref_slice %arg5[%add3A_575, %dma_wait3A_1251, %dma_wait3A_1252] : memref<256x64x2048xf32, #tpu.memory_space<hbm>> -> memref<1x8x2048xf32, #tpu.memory_space<hbm>>
    %dma_wait3A_1254 = tpu.memref_squeeze %dma_wait3A_1253 : memref<1x8x2048xf32, #tpu.memory_space<hbm>> -> memref<8x2048xf32, #tpu.memory_space<hbm>>
    %dma_wait3A_1255 = arith.constant 0 : i32
    %dma_wait3A_1256 = arith.constant 0 : i32
    %dma_wait3A_1257 = tpu.memref_slice %arg9[%dma_wait3A_1242, %dma_wait3A_1255, %dma_wait3A_1256] : memref<2x8x2048xf32, #tpu.memory_space<vmem>> -> memref<1x8x2048xf32, #tpu.memory_space<vmem>>
    %dma_wait3A_1258 = tpu.memref_squeeze %dma_wait3A_1257 : memref<1x8x2048xf32, #tpu.memory_space<vmem>> -> memref<8x2048xf32, #tpu.memory_space<vmem>>
    tpu.wait_dma2 semaphore(%arg11 : memref<!tpu.dma_semaphore, #tpu.memory_space<semaphore_mem>>) src(%dma_wait3A_1258 : memref<8x2048xf32, #tpu.memory_space<vmem>>) dst(%dma_wait3A_1254 : memref<8x2048xf32, #tpu.memory_space<hbm>>)
    %dma_wait3A_1259 = arith.constant 1 : i32
    %dma_wait3A_1260 = arith.constant 0 : i32
    %dma_wait3A_1261 = arith.constant 0 : i32
    %dma_wait3A_1262 = tpu.memref_slice %arg9[%dma_wait3A_1259, %dma_wait3A_1260, %dma_wait3A_1261] : memref<2x8x2048xf32, #tpu.memory_space<vmem>> -> memref<1x8x2048xf32, #tpu.memory_space<vmem>>
    %dma_wait3A_1263 = tpu.memref_squeeze %dma_wait3A_1262 : memref<1x8x2048xf32, #tpu.memory_space<vmem>> -> memref<8x2048xf32, #tpu.memory_space<vmem>>
    %dma_wait3A_1264 = arith.constant 56 : i32
    %dma_wait3A_1265 = arith.constant 0 : i32
    %dma_wait3A_1266 = tpu.memref_slice %arg5[%add3A_575, %dma_wait3A_1264, %dma_wait3A_1265] : memref<256x64x2048xf32, #tpu.memory_space<hbm>> -> memref<1x8x2048xf32, #tpu.memory_space<hbm>>
    %dma_wait3A_1267 = tpu.memref_squeeze %dma_wait3A_1266 : memref<1x8x2048xf32, #tpu.memory_space<hbm>> -> memref<8x2048xf32, #tpu.memory_space<hbm>>
    %dma_wait3A_1268 = arith.constant 56 : i32
    %dma_wait3A_1269 = arith.constant 0 : i32
    %dma_wait3A_1270 = tpu.memref_slice %arg5[%add3A_575, %dma_wait3A_1268, %dma_wait3A_1269] : memref<256x64x2048xf32, #tpu.memory_space<hbm>> -> memref<1x8x2048xf32, #tpu.memory_space<hbm>>
    %dma_wait3A_1271 = tpu.memref_squeeze %dma_wait3A_1270 : memref<1x8x2048xf32, #tpu.memory_space<hbm>> -> memref<8x2048xf32, #tpu.memory_space<hbm>>
    %dma_wait3A_1272 = arith.constant 0 : i32
    %dma_wait3A_1273 = arith.constant 0 : i32
    %dma_wait3A_1274 = tpu.memref_slice %arg9[%dma_wait3A_1259, %dma_wait3A_1272, %dma_wait3A_1273] : memref<2x8x2048xf32, #tpu.memory_space<vmem>> -> memref<1x8x2048xf32, #tpu.memory_space<vmem>>
    %dma_wait3A_1275 = tpu.memref_squeeze %dma_wait3A_1274 : memref<1x8x2048xf32, #tpu.memory_space<vmem>> -> memref<8x2048xf32, #tpu.memory_space<vmem>>
    tpu.wait_dma2 semaphore(%arg11 : memref<!tpu.dma_semaphore, #tpu.memory_space<semaphore_mem>>) src(%dma_wait3A_1275 : memref<8x2048xf32, #tpu.memory_space<vmem>>) dst(%dma_wait3A_1271 : memref<8x2048xf32, #tpu.memory_space<hbm>>)
    %scan3A_1276 = arith.constant 0 : i32
    %scan3A_1277 = arith.constant 0 : i32
    %scan3A_1278 = arith.constant 128 : i32
    %scan3A_1279 = arith.addi %scan3A_1277, %scan3A_1278 : i32
    %scan3A_1280 = arith.constant 1 : i32
    scf.for %scan3A_2254 = %scan3A_1277 to %scan3A_1279 step %scan3A_1280  : i32 {
      %mul3A_2255 = arith.constant 16 : i32
      %mul3A_2256 = arith.muli %scan3A_2254, %mul3A_2255 : i32
      %multiple_of3A = tpu.assume_multiple %mul3A_2256, 16 : i32
      %get3A = arith.constant 0 : i32
      %get3A_2257 = arith.index_cast %get3A : i32 to index
      %get3A_2258 = arith.index_cast %multiple_of3A : i32 to index
      %get3A_2259 = tpu.vector_load %arg7[%get3A_2257, %get3A_2258] {strides = array<i32>} : memref<4x2048xi32, #tpu.memory_space<vmem>>, vector<16xi32>,
      %get3A_2260 = arith.constant 1 : i32
      %get3A_2261 = arith.index_cast %get3A_2260 : i32 to index
      %get3A_2262 = arith.index_cast %multiple_of3A : i32 to index
      %get3A_2263 = tpu.vector_load %arg7[%get3A_2261, %get3A_2262] {strides = array<i32>} : memref<4x2048xi32, #tpu.memory_space<vmem>>, vector<16xi32>,
      %get3A_2264 = arith.constant 2 : i32
      %get3A_2265 = arith.index_cast %get3A_2264 : i32 to index
      %get3A_2266 = arith.index_cast %multiple_of3A : i32 to index
      %get3A_2267 = tpu.vector_load %arg7[%get3A_2265, %get3A_2266] {strides = array<i32>} : memref<4x2048xi32, #tpu.memory_space<vmem>>, vector<16xi32>,
      %get3A_2268 = arith.constant 3 : i32
      %get3A_2269 = arith.index_cast %get3A_2268 : i32 to index
      %get3A_2270 = arith.index_cast %multiple_of3A : i32 to index
      %get3A_2271 = tpu.vector_load %arg7[%get3A_2269, %get3A_2270] {strides = array<i32>} : memref<4x2048xi32, #tpu.memory_space<vmem>>, vector<16xi32>,
      %gather3A = tpu.vector_load_idx %arg6[%get3A_2259, %get3A_2267] : memref<256x256xf32, #tpu.memory_space<vmem>>[vector<16xi32>, vector<16xi32>], vector<16xf32>,
      %gather3A_2272 = tpu.vector_load_idx %arg6[%get3A_2259, %get3A_2271] : memref<256x256xf32, #tpu.memory_space<vmem>>[vector<16xi32>, vector<16xi32>], vector<16xf32>,
      %gather3A_2273 = tpu.vector_load_idx %arg6[%get3A_2263, %get3A_2267] : memref<256x256xf32, #tpu.memory_space<vmem>>[vector<16xi32>, vector<16xi32>], vector<16xf32>,
      %gather3A_2274 = tpu.vector_load_idx %arg6[%get3A_2263, %get3A_2271] : memref<256x256xf32, #tpu.memory_space<vmem>>[vector<16xi32>, vector<16xi32>], vector<16xf32>,
      %get3A_2275 = arith.constant 0 : i32
      %get3A_2276 = arith.index_cast %get3A_2275 : i32 to index
      %get3A_2277 = arith.index_cast %multiple_of3A : i32 to index
      %get3A_2278 = tpu.vector_load %arg8[%get3A_2276, %get3A_2277] {strides = array<i32>} : memref<4x2048xf32, #tpu.memory_space<vmem>>, vector<16xf32>,
      %mul3A_2279 = arith.mulf %gather3A, %get3A_2278 : vector<16xf32>
      %get3A_2280 = arith.constant 1 : i32
      %get3A_2281 = arith.index_cast %get3A_2280 : i32 to index
      %get3A_2282 = arith.index_cast %multiple_of3A : i32 to index
      %get3A_2283 = tpu.vector_load %arg8[%get3A_2281, %get3A_2282] {strides = array<i32>} : memref<4x2048xf32, #tpu.memory_space<vmem>>, vector<16xf32>,
      %mul3A_2284 = arith.mulf %gather3A_2272, %get3A_2283 : vector<16xf32>
      %add3A_2285 = arith.addf %mul3A_2279, %mul3A_2284 : vector<16xf32>
      %get3A_2286 = arith.constant 2 : i32
      %get3A_2287 = arith.index_cast %get3A_2286 : i32 to index
      %get3A_2288 = arith.index_cast %multiple_of3A : i32 to index
      %get3A_2289 = tpu.vector_load %arg8[%get3A_2287, %get3A_2288] {strides = array<i32>} : memref<4x2048xf32, #tpu.memory_space<vmem>>, vector<16xf32>,
      %mul3A_2290 = arith.mulf %gather3A_2273, %get3A_2289 : vector<16xf32>
      %add3A_2291 = arith.addf %add3A_2285, %mul3A_2290 : vector<16xf32>
      %get3A_2292 = arith.constant 3 : i32
      %get3A_2293 = arith.index_cast %get3A_2292 : i32 to index
      %get3A_2294 = arith.index_cast %multiple_of3A : i32 to index
      %get3A_2295 = tpu.vector_load %arg8[%get3A_2293, %get3A_2294] {strides = array<i32>} : memref<4x2048xf32, #tpu.memory_space<vmem>>, vector<16xf32>,
      %mul3A_2296 = arith.mulf %gather3A_2274, %get3A_2295 : vector<16xf32>
      %add3A_2297 = arith.addf %add3A_2291, %mul3A_2296 : vector<16xf32>
      %swap3A = arith.constant 1 : i32
      %swap3A_2298 = arith.constant 0 : i32
      %swap3A_2299 = arith.index_cast %swap3A : i32 to index
      %swap3A_2300 = arith.index_cast %swap3A_2298 : i32 to index
      %swap3A_2301 = arith.index_cast %multiple_of3A : i32 to index
      %swap3A_2302 = tpu.vector_load %arg9[%swap3A_2299, %swap3A_2300, %swap3A_2301] {strides = array<i32>} : memref<2x8x2048xf32, #tpu.memory_space<vmem>>, vector<16xf32>,
      tpu.vector_store %arg9[%swap3A_2299, %swap3A_2300, %swap3A_2301], %add3A_2297 {strides = array<i32>} : memref<2x8x2048xf32, #tpu.memory_space<vmem>>, vector<16xf32>,
      %swap3A_2303 = arith.constant 1 : i32
      %swap3A_2304 = arith.constant 1 : i32
      %swap3A_2305 = arith.index_cast %swap3A_2303 : i32 to index
      %swap3A_2306 = arith.index_cast %swap3A_2304 : i32 to index
      %swap3A_2307 = arith.index_cast %multiple_of3A : i32 to index
      %swap3A_2308 = tpu.vector_load %arg9[%swap3A_2305, %swap3A_2306, %swap3A_2307] {strides = array<i32>} : memref<2x8x2048xf32, #tpu.memory_space<vmem>>, vector<16xf32>,
      tpu.vector_store %arg9[%swap3A_2305, %swap3A_2306, %swap3A_2307], %add3A_2297 {strides = array<i32>} : memref<2x8x2048xf32, #tpu.memory_space<vmem>>, vector<16xf32>,
      %swap3A_2309 = arith.constant 1 : i32
      %swap3A_2310 = arith.constant 2 : i32
      %swap3A_2311 = arith.index_cast %swap3A_2309 : i32 to index
      %swap3A_2312 = arith.index_cast %swap3A_2310 : i32 to index
      %swap3A_2313 = arith.index_cast %multiple_of3A : i32 to index
      %swap3A_2314 = tpu.vector_load %arg9[%swap3A_2311, %swap3A_2312, %swap3A_2313] {strides = array<i32>} : memref<2x8x2048xf32, #tpu.memory_space<vmem>>, vector<16xf32>,
      tpu.vector_store %arg9[%swap3A_2311, %swap3A_2312, %swap3A_2313], %add3A_2297 {strides = array<i32>} : memref<2x8x2048xf32, #tpu.memory_space<vmem>>, vector<16xf32>,
      %swap3A_2315 = arith.constant 1 : i32
      %swap3A_2316 = arith.constant 3 : i32
      %swap3A_2317 = arith.index_cast %swap3A_2315 : i32 to index
      %swap3A_2318 = arith.index_cast %swap3A_2316 : i32 to index
      %swap3A_2319 = arith.index_cast %multiple_of3A : i32 to index
      %swap3A_2320 = tpu.vector_load %arg9[%swap3A_2317, %swap3A_2318, %swap3A_2319] {strides = array<i32>} : memref<2x8x2048xf32, #tpu.memory_space<vmem>>, vector<16xf32>,
      tpu.vector_store %arg9[%swap3A_2317, %swap3A_2318, %swap3A_2319], %add3A_2297 {strides = array<i32>} : memref<2x8x2048xf32, #tpu.memory_space<vmem>>, vector<16xf32>,
      %swap3A_2321 = arith.constant 1 : i32
      %swap3A_2322 = arith.constant 4 : i32
      %swap3A_2323 = arith.index_cast %swap3A_2321 : i32 to index
      %swap3A_2324 = arith.index_cast %swap3A_2322 : i32 to index
      %swap3A_2325 = arith.index_cast %multiple_of3A : i32 to index
      %swap3A_2326 = tpu.vector_load %arg9[%swap3A_2323, %swap3A_2324, %swap3A_2325] {strides = array<i32>} : memref<2x8x2048xf32, #tpu.memory_space<vmem>>, vector<16xf32>,
      tpu.vector_store %arg9[%swap3A_2323, %swap3A_2324, %swap3A_2325], %add3A_2297 {strides = array<i32>} : memref<2x8x2048xf32, #tpu.memory_space<vmem>>, vector<16xf32>,
      %swap3A_2327 = arith.constant 1 : i32
      %swap3A_2328 = arith.constant 5 : i32
      %swap3A_2329 = arith.index_cast %swap3A_2327 : i32 to index
      %swap3A_2330 = arith.index_cast %swap3A_2328 : i32 to index
      %swap3A_2331 = arith.index_cast %multiple_of3A : i32 to index
      %swap3A_2332 = tpu.vector_load %arg9[%swap3A_2329, %swap3A_2330, %swap3A_2331] {strides = array<i32>} : memref<2x8x2048xf32, #tpu.memory_space<vmem>>, vector<16xf32>,
      tpu.vector_store %arg9[%swap3A_2329, %swap3A_2330, %swap3A_2331], %add3A_2297 {strides = array<i32>} : memref<2x8x2048xf32, #tpu.memory_space<vmem>>, vector<16xf32>,
      %swap3A_2333 = arith.constant 1 : i32
      %swap3A_2334 = arith.constant 6 : i32
      %swap3A_2335 = arith.index_cast %swap3A_2333 : i32 to index
      %swap3A_2336 = arith.index_cast %swap3A_2334 : i32 to index
      %swap3A_2337 = arith.index_cast %multiple_of3A : i32 to index
      %swap3A_2338 = tpu.vector_load %arg9[%swap3A_2335, %swap3A_2336, %swap3A_2337] {strides = array<i32>} : memref<2x8x2048xf32, #tpu.memory_space<vmem>>, vector<16xf32>,
      tpu.vector_store %arg9[%swap3A_2335, %swap3A_2336, %swap3A_2337], %add3A_2297 {strides = array<i32>} : memref<2x8x2048xf32, #tpu.memory_space<vmem>>, vector<16xf32>,
      %swap3A_2339 = arith.constant 1 : i32
      %swap3A_2340 = arith.constant 7 : i32
      %swap3A_2341 = arith.index_cast %swap3A_2339 : i32 to index
      %swap3A_2342 = arith.index_cast %swap3A_2340 : i32 to index
      %swap3A_2343 = arith.index_cast %multiple_of3A : i32 to index
      %swap3A_2344 = tpu.vector_load %arg9[%swap3A_2341, %swap3A_2342, %swap3A_2343] {strides = array<i32>} : memref<2x8x2048xf32, #tpu.memory_space<vmem>>, vector<16xf32>,
      tpu.vector_store %arg9[%swap3A_2341, %swap3A_2342, %swap3A_2343], %add3A_2297 {strides = array<i32>} : memref<2x8x2048xf32, #tpu.memory_space<vmem>>, vector<16xf32>,
    }
    %scan3A_1281 = arith.constant 128 : i32
    %dma_start3A_1282 = arith.constant 1 : i32
    %dma_start3A_1283 = arith.constant 0 : i32
    %dma_start3A_1284 = arith.constant 0 : i32
    %dma_start3A_1285 = tpu.memref_slice %arg9[%dma_start3A_1282, %dma_start3A_1283, %dma_start3A_1284] : memref<2x8x2048xf32, #tpu.memory_space<vmem>> -> memref<1x8x2048xf32, #tpu.memory_space<vmem>>
    %dma_start3A_1286 = tpu.memref_squeeze %dma_start3A_1285 : memref<1x8x2048xf32, #tpu.memory_space<vmem>> -> memref<8x2048xf32, #tpu.memory_space<vmem>>
    %dma_start3A_1287 = arith.constant 0 : i32
    %dma_start3A_1288 = arith.constant 0 : i32
    %dma_start3A_1289 = tpu.memref_slice %arg5[%add3A_1139, %dma_start3A_1287, %dma_start3A_1288] : memref<256x64x2048xf32, #tpu.memory_space<hbm>> -> memref<1x8x2048xf32, #tpu.memory_space<hbm>>
    %dma_start3A_1290 = tpu.memref_squeeze %dma_start3A_1289 : memref<1x8x2048xf32, #tpu.memory_space<hbm>> -> memref<8x2048xf32, #tpu.memory_space<hbm>>
    %dma_start3A_1291 = arith.constant 0 : i32
    %dma_start3A_1292 = arith.constant 0 : i32
    %dma_start3A_1293 = tpu.memref_slice %arg5[%add3A_1139, %dma_start3A_1291, %dma_start3A_1292] : memref<256x64x2048xf32, #tpu.memory_space<hbm>> -> memref<1x8x2048xf32, #tpu.memory_space<hbm>>
    %dma_start3A_1294 = tpu.memref_squeeze %dma_start3A_1293 : memref<1x8x2048xf32, #tpu.memory_space<hbm>> -> memref<8x2048xf32, #tpu.memory_space<hbm>>
    %dma_start3A_1295 = arith.constant 0 : i32
    %dma_start3A_1296 = arith.constant 0 : i32
    %dma_start3A_1297 = tpu.memref_slice %arg9[%dma_start3A_1282, %dma_start3A_1295, %dma_start3A_1296] : memref<2x8x2048xf32, #tpu.memory_space<vmem>> -> memref<1x8x2048xf32, #tpu.memory_space<vmem>>
    %dma_start3A_1298 = tpu.memref_squeeze %dma_start3A_1297 : memref<1x8x2048xf32, #tpu.memory_space<vmem>> -> memref<8x2048xf32, #tpu.memory_space<vmem>>
    tpu.enqueue_dma source(%dma_start3A_1298 : memref<8x2048xf32, #tpu.memory_space<vmem>>) target(%dma_start3A_1294 : memref<8x2048xf32, #tpu.memory_space<hbm>>) target_semaphore(%arg11 : memref<!tpu.dma_semaphore, #tpu.memory_space<semaphore_mem>>)
    %dma_start3A_1299 = arith.constant 1 : i32
    %dma_start3A_1300 = arith.constant 0 : i32
    %dma_start3A_1301 = arith.constant 0 : i32
    %dma_start3A_1302 = tpu.memref_slice %arg9[%dma_start3A_1299, %dma_start3A_1300, %dma_start3A_1301] : memref<2x8x2048xf32, #tpu.memory_space<vmem>> -> memref<1x8x2048xf32, #tpu.memory_space<vmem>>
    %dma_start3A_1303 = tpu.memref_squeeze %dma_start3A_1302 : memref<1x8x2048xf32, #tpu.memory_space<vmem>> -> memref<8x2048xf32, #tpu.memory_space<vmem>>
    %dma_start3A_1304 = arith.constant 8 : i32
    %dma_start3A_1305 = arith.constant 0 : i32
    %dma_start3A_1306 = tpu.memref_slice %arg5[%add3A_1139, %dma_start3A_1304, %dma_start3A_1305] : memref<256x64x2048xf32, #tpu.memory_space<hbm>> -> memref<1x8x2048xf32, #tpu.memory_space<hbm>>
    %dma_start3A_1307 = tpu.memref_squeeze %dma_start3A_1306 : memref<1x8x2048xf32, #tpu.memory_space<hbm>> -> memref<8x2048xf32, #tpu.memory_space<hbm>>
    %dma_start3A_1308 = arith.constant 8 : i32
    %dma_start3A_1309 = arith.constant 0 : i32
    %dma_start3A_1310 = tpu.memref_slice %arg5[%add3A_1139, %dma_start3A_1308, %dma_start3A_1309] : memref<256x64x2048xf32, #tpu.memory_space<hbm>> -> memref<1x8x2048xf32, #tpu.memory_space<hbm>>
    %dma_start3A_1311 = tpu.memref_squeeze %dma_start3A_1310 : memref<1x8x2048xf32, #tpu.memory_space<hbm>> -> memref<8x2048xf32, #tpu.memory_space<hbm>>
    %dma_start3A_1312 = arith.constant 0 : i32
    %dma_start3A_1313 = arith.constant 0 : i32
    %dma_start3A_1314 = tpu.memref_slice %arg9[%dma_start3A_1299, %dma_start3A_1312, %dma_start3A_1313] : memref<2x8x2048xf32, #tpu.memory_space<vmem>> -> memref<1x8x2048xf32, #tpu.memory_space<vmem>>
    %dma_start3A_1315 = tpu.memref_squeeze %dma_start3A_1314 : memref<1x8x2048xf32, #tpu.memory_space<vmem>> -> memref<8x2048xf32, #tpu.memory_space<vmem>>
    tpu.enqueue_dma source(%dma_start3A_1315 : memref<8x2048xf32, #tpu.memory_space<vmem>>) target(%dma_start3A_1311 : memref<8x2048xf32, #tpu.memory_space<hbm>>) target_semaphore(%arg11 : memref<!tpu.dma_semaphore, #tpu.memory_space<semaphore_mem>>)
    %dma_start3A_1316 = arith.constant 1 : i32
    %dma_start3A_1317 = arith.constant 0 : i32
    %dma_start3A_1318 = arith.constant 0 : i32
    %dma_start3A_1319 = tpu.memref_slice %arg9[%dma_start3A_1316, %dma_start3A_1317, %dma_start3A_1318] : memref<2x8x2048xf32, #tpu.memory_space<vmem>> -> memref<1x8x2048xf32, #tpu.memory_space<vmem>>
    %dma_start3A_1320 = tpu.memref_squeeze %dma_start3A_1319 : memref<1x8x2048xf32, #tpu.memory_space<vmem>> -> memref<8x2048xf32, #tpu.memory_space<vmem>>
    %dma_start3A_1321 = arith.constant 16 : i32
    %dma_start3A_1322 = arith.constant 0 : i32
    %dma_start3A_1323 = tpu.memref_slice %arg5[%add3A_1139, %dma_start3A_1321, %dma_start3A_1322] : memref<256x64x2048xf32, #tpu.memory_space<hbm>> -> memref<1x8x2048xf32, #tpu.memory_space<hbm>>
    %dma_start3A_1324 = tpu.memref_squeeze %dma_start3A_1323 : memref<1x8x2048xf32, #tpu.memory_space<hbm>> -> memref<8x2048xf32, #tpu.memory_space<hbm>>
    %dma_start3A_1325 = arith.constant 16 : i32
    %dma_start3A_1326 = arith.constant 0 : i32
    %dma_start3A_1327 = tpu.memref_slice %arg5[%add3A_1139, %dma_start3A_1325, %dma_start3A_1326] : memref<256x64x2048xf32, #tpu.memory_space<hbm>> -> memref<1x8x2048xf32, #tpu.memory_space<hbm>>
    %dma_start3A_1328 = tpu.memref_squeeze %dma_start3A_1327 : memref<1x8x2048xf32, #tpu.memory_space<hbm>> -> memref<8x2048xf32, #tpu.memory_space<hbm>>
    %dma_start3A_1329 = arith.constant 0 : i32
    %dma_start3A_1330 = arith.constant 0 : i32
    %dma_start3A_1331 = tpu.memref_slice %arg9[%dma_start3A_1316, %dma_start3A_1329, %dma_start3A_1330] : memref<2x8x2048xf32, #tpu.memory_space<vmem>> -> memref<1x8x2048xf32, #tpu.memory_space<vmem>>
    %dma_start3A_1332 = tpu.memref_squeeze %dma_start3A_1331 : memref<1x8x2048xf32, #tpu.memory_space<vmem>> -> memref<8x2048xf32, #tpu.memory_space<vmem>>
    tpu.enqueue_dma source(%dma_start3A_1332 : memref<8x2048xf32, #tpu.memory_space<vmem>>) target(%dma_start3A_1328 : memref<8x2048xf32, #tpu.memory_space<hbm>>) target_semaphore(%arg11 : memref<!tpu.dma_semaphore, #tpu.memory_space<semaphore_mem>>)
    %dma_start3A_1333 = arith.constant 1 : i32
    %dma_start3A_1334 = arith.constant 0 : i32
    %dma_start3A_1335 = arith.constant 0 : i32
    %dma_start3A_1336 = tpu.memref_slice %arg9[%dma_start3A_1333, %dma_start3A_1334, %dma_start3A_1335] : memref<2x8x2048xf32, #tpu.memory_space<vmem>> -> memref<1x8x2048xf32, #tpu.memory_space<vmem>>
    %dma_start3A_1337 = tpu.memref_squeeze %dma_start3A_1336 : memref<1x8x2048xf32, #tpu.memory_space<vmem>> -> memref<8x2048xf32, #tpu.memory_space<vmem>>
    %dma_start3A_1338 = arith.constant 24 : i32
    %dma_start3A_1339 = arith.constant 0 : i32
    %dma_start3A_1340 = tpu.memref_slice %arg5[%add3A_1139, %dma_start3A_1338, %dma_start3A_1339] : memref<256x64x2048xf32, #tpu.memory_space<hbm>> -> memref<1x8x2048xf32, #tpu.memory_space<hbm>>
    %dma_start3A_1341 = tpu.memref_squeeze %dma_start3A_1340 : memref<1x8x2048xf32, #tpu.memory_space<hbm>> -> memref<8x2048xf32, #tpu.memory_space<hbm>>
    %dma_start3A_1342 = arith.constant 24 : i32
    %dma_start3A_1343 = arith.constant 0 : i32
    %dma_start3A_1344 = tpu.memref_slice %arg5[%add3A_1139, %dma_start3A_1342, %dma_start3A_1343] : memref<256x64x2048xf32, #tpu.memory_space<hbm>> -> memref<1x8x2048xf32, #tpu.memory_space<hbm>>
    %dma_start3A_1345 = tpu.memref_squeeze %dma_start3A_1344 : memref<1x8x2048xf32, #tpu.memory_space<hbm>> -> memref<8x2048xf32, #tpu.memory_space<hbm>>
    %dma_start3A_1346 = arith.constant 0 : i32
    %dma_start3A_1347 = arith.constant 0 : i32
    %dma_start3A_1348 = tpu.memref_slice %arg9[%dma_start3A_1333, %dma_start3A_1346, %dma_start3A_1347] : memref<2x8x2048xf32, #tpu.memory_space<vmem>> -> memref<1x8x2048xf32, #tpu.memory_space<vmem>>
    %dma_start3A_1349 = tpu.memref_squeeze %dma_start3A_1348 : memref<1x8x2048xf32, #tpu.memory_space<vmem>> -> memref<8x2048xf32, #tpu.memory_space<vmem>>
    tpu.enqueue_dma source(%dma_start3A_1349 : memref<8x2048xf32, #tpu.memory_space<vmem>>) target(%dma_start3A_1345 : memref<8x2048xf32, #tpu.memory_space<hbm>>) target_semaphore(%arg11 : memref<!tpu.dma_semaphore, #tpu.memory_space<semaphore_mem>>)
    %dma_start3A_1350 = arith.constant 1 : i32
    %dma_start3A_1351 = arith.constant 0 : i32
    %dma_start3A_1352 = arith.constant 0 : i32
    %dma_start3A_1353 = tpu.memref_slice %arg9[%dma_start3A_1350, %dma_start3A_1351, %dma_start3A_1352] : memref<2x8x2048xf32, #tpu.memory_space<vmem>> -> memref<1x8x2048xf32, #tpu.memory_space<vmem>>
    %dma_start3A_1354 = tpu.memref_squeeze %dma_start3A_1353 : memref<1x8x2048xf32, #tpu.memory_space<vmem>> -> memref<8x2048xf32, #tpu.memory_space<vmem>>
    %dma_start3A_1355 = arith.constant 32 : i32
    %dma_start3A_1356 = arith.constant 0 : i32
    %dma_start3A_1357 = tpu.memref_slice %arg5[%add3A_1139, %dma_start3A_1355, %dma_start3A_1356] : memref<256x64x2048xf32, #tpu.memory_space<hbm>> -> memref<1x8x2048xf32, #tpu.memory_space<hbm>>
    %dma_start3A_1358 = tpu.memref_squeeze %dma_start3A_1357 : memref<1x8x2048xf32, #tpu.memory_space<hbm>> -> memref<8x2048xf32, #tpu.memory_space<hbm>>
    %dma_start3A_1359 = arith.constant 32 : i32
    %dma_start3A_1360 = arith.constant 0 : i32
    %dma_start3A_1361 = tpu.memref_slice %arg5[%add3A_1139, %dma_start3A_1359, %dma_start3A_1360] : memref<256x64x2048xf32, #tpu.memory_space<hbm>> -> memref<1x8x2048xf32, #tpu.memory_space<hbm>>
    %dma_start3A_1362 = tpu.memref_squeeze %dma_start3A_1361 : memref<1x8x2048xf32, #tpu.memory_space<hbm>> -> memref<8x2048xf32, #tpu.memory_space<hbm>>
    %dma_start3A_1363 = arith.constant 0 : i32
    %dma_start3A_1364 = arith.constant 0 : i32
    %dma_start3A_1365 = tpu.memref_slice %arg9[%dma_start3A_1350, %dma_start3A_1363, %dma_start3A_1364] : memref<2x8x2048xf32, #tpu.memory_space<vmem>> -> memref<1x8x2048xf32, #tpu.memory_space<vmem>>
    %dma_start3A_1366 = tpu.memref_squeeze %dma_start3A_1365 : memref<1x8x2048xf32, #tpu.memory_space<vmem>> -> memref<8x2048xf32, #tpu.memory_space<vmem>>
    tpu.enqueue_dma source(%dma_start3A_1366 : memref<8x2048xf32, #tpu.memory_space<vmem>>) target(%dma_start3A_1362 : memref<8x2048xf32, #tpu.memory_space<hbm>>) target_semaphore(%arg11 : memref<!tpu.dma_semaphore, #tpu.memory_space<semaphore_mem>>)
    %dma_start3A_1367 = arith.constant 1 : i32
    %dma_start3A_1368 = arith.constant 0 : i32
    %dma_start3A_1369 = arith.constant 0 : i32
    %dma_start3A_1370 = tpu.memref_slice %arg9[%dma_start3A_1367, %dma_start3A_1368, %dma_start3A_1369] : memref<2x8x2048xf32, #tpu.memory_space<vmem>> -> memref<1x8x2048xf32, #tpu.memory_space<vmem>>
    %dma_start3A_1371 = tpu.memref_squeeze %dma_start3A_1370 : memref<1x8x2048xf32, #tpu.memory_space<vmem>> -> memref<8x2048xf32, #tpu.memory_space<vmem>>
    %dma_start3A_1372 = arith.constant 40 : i32
    %dma_start3A_1373 = arith.constant 0 : i32
    %dma_start3A_1374 = tpu.memref_slice %arg5[%add3A_1139, %dma_start3A_1372, %dma_start3A_1373] : memref<256x64x2048xf32, #tpu.memory_space<hbm>> -> memref<1x8x2048xf32, #tpu.memory_space<hbm>>
    %dma_start3A_1375 = tpu.memref_squeeze %dma_start3A_1374 : memref<1x8x2048xf32, #tpu.memory_space<hbm>> -> memref<8x2048xf32, #tpu.memory_space<hbm>>
    %dma_start3A_1376 = arith.constant 40 : i32
    %dma_start3A_1377 = arith.constant 0 : i32
    %dma_start3A_1378 = tpu.memref_slice %arg5[%add3A_1139, %dma_start3A_1376, %dma_start3A_1377] : memref<256x64x2048xf32, #tpu.memory_space<hbm>> -> memref<1x8x2048xf32, #tpu.memory_space<hbm>>
    %dma_start3A_1379 = tpu.memref_squeeze %dma_start3A_1378 : memref<1x8x2048xf32, #tpu.memory_space<hbm>> -> memref<8x2048xf32, #tpu.memory_space<hbm>>
    %dma_start3A_1380 = arith.constant 0 : i32
    %dma_start3A_1381 = arith.constant 0 : i32
    %dma_start3A_1382 = tpu.memref_slice %arg9[%dma_start3A_1367, %dma_start3A_1380, %dma_start3A_1381] : memref<2x8x2048xf32, #tpu.memory_space<vmem>> -> memref<1x8x2048xf32, #tpu.memory_space<vmem>>
    %dma_start3A_1383 = tpu.memref_squeeze %dma_start3A_1382 : memref<1x8x2048xf32, #tpu.memory_space<vmem>> -> memref<8x2048xf32, #tpu.memory_space<vmem>>
    tpu.enqueue_dma source(%dma_start3A_1383 : memref<8x2048xf32, #tpu.memory_space<vmem>>) target(%dma_start3A_1379 : memref<8x2048xf32, #tpu.memory_space<hbm>>) target_semaphore(%arg11 : memref<!tpu.dma_semaphore, #tpu.memory_space<semaphore_mem>>)
    %dma_start3A_1384 = arith.constant 1 : i32
    %dma_start3A_1385 = arith.constant 0 : i32
    %dma_start3A_1386 = arith.constant 0 : i32
    %dma_start3A_1387 = tpu.memref_slice %arg9[%dma_start3A_1384, %dma_start3A_1385, %dma_start3A_1386] : memref<2x8x2048xf32, #tpu.memory_space<vmem>> -> memref<1x8x2048xf32, #tpu.memory_space<vmem>>
    %dma_start3A_1388 = tpu.memref_squeeze %dma_start3A_1387 : memref<1x8x2048xf32, #tpu.memory_space<vmem>> -> memref<8x2048xf32, #tpu.memory_space<vmem>>
    %dma_start3A_1389 = arith.constant 48 : i32
    %dma_start3A_1390 = arith.constant 0 : i32
    %dma_start3A_1391 = tpu.memref_slice %arg5[%add3A_1139, %dma_start3A_1389, %dma_start3A_1390] : memref<256x64x2048xf32, #tpu.memory_space<hbm>> -> memref<1x8x2048xf32, #tpu.memory_space<hbm>>
    %dma_start3A_1392 = tpu.memref_squeeze %dma_start3A_1391 : memref<1x8x2048xf32, #tpu.memory_space<hbm>> -> memref<8x2048xf32, #tpu.memory_space<hbm>>
    %dma_start3A_1393 = arith.constant 48 : i32
    %dma_start3A_1394 = arith.constant 0 : i32
    %dma_start3A_1395 = tpu.memref_slice %arg5[%add3A_1139, %dma_start3A_1393, %dma_start3A_1394] : memref<256x64x2048xf32, #tpu.memory_space<hbm>> -> memref<1x8x2048xf32, #tpu.memory_space<hbm>>
    %dma_start3A_1396 = tpu.memref_squeeze %dma_start3A_1395 : memref<1x8x2048xf32, #tpu.memory_space<hbm>> -> memref<8x2048xf32, #tpu.memory_space<hbm>>
    %dma_start3A_1397 = arith.constant 0 : i32
    %dma_start3A_1398 = arith.constant 0 : i32
    %dma_start3A_1399 = tpu.memref_slice %arg9[%dma_start3A_1384, %dma_start3A_1397, %dma_start3A_1398] : memref<2x8x2048xf32, #tpu.memory_space<vmem>> -> memref<1x8x2048xf32, #tpu.memory_space<vmem>>
    %dma_start3A_1400 = tpu.memref_squeeze %dma_start3A_1399 : memref<1x8x2048xf32, #tpu.memory_space<vmem>> -> memref<8x2048xf32, #tpu.memory_space<vmem>>
    tpu.enqueue_dma source(%dma_start3A_1400 : memref<8x2048xf32, #tpu.memory_space<vmem>>) target(%dma_start3A_1396 : memref<8x2048xf32, #tpu.memory_space<hbm>>) target_semaphore(%arg11 : memref<!tpu.dma_semaphore, #tpu.memory_space<semaphore_mem>>)
    %dma_start3A_1401 = arith.constant 1 : i32
    %dma_start3A_1402 = arith.constant 0 : i32
    %dma_start3A_1403 = arith.constant 0 : i32
    %dma_start3A_1404 = tpu.memref_slice %arg9[%dma_start3A_1401, %dma_start3A_1402, %dma_start3A_1403] : memref<2x8x2048xf32, #tpu.memory_space<vmem>> -> memref<1x8x2048xf32, #tpu.memory_space<vmem>>
    %dma_start3A_1405 = tpu.memref_squeeze %dma_start3A_1404 : memref<1x8x2048xf32, #tpu.memory_space<vmem>> -> memref<8x2048xf32, #tpu.memory_space<vmem>>
    %dma_start3A_1406 = arith.constant 56 : i32
    %dma_start3A_1407 = arith.constant 0 : i32
    %dma_start3A_1408 = tpu.memref_slice %arg5[%add3A_1139, %dma_start3A_1406, %dma_start3A_1407] : memref<256x64x2048xf32, #tpu.memory_space<hbm>> -> memref<1x8x2048xf32, #tpu.memory_space<hbm>>
    %dma_start3A_1409 = tpu.memref_squeeze %dma_start3A_1408 : memref<1x8x2048xf32, #tpu.memory_space<hbm>> -> memref<8x2048xf32, #tpu.memory_space<hbm>>
    %dma_start3A_1410 = arith.constant 56 : i32
    %dma_start3A_1411 = arith.constant 0 : i32
    %dma_start3A_1412 = tpu.memref_slice %arg5[%add3A_1139, %dma_start3A_1410, %dma_start3A_1411] : memref<256x64x2048xf32, #tpu.memory_space<hbm>> -> memref<1x8x2048xf32, #tpu.memory_space<hbm>>
    %dma_start3A_1413 = tpu.memref_squeeze %dma_start3A_1412 : memref<1x8x2048xf32, #tpu.memory_space<hbm>> -> memref<8x2048xf32, #tpu.memory_space<hbm>>
    %dma_start3A_1414 = arith.constant 0 : i32
    %dma_start3A_1415 = arith.constant 0 : i32
    %dma_start3A_1416 = tpu.memref_slice %arg9[%dma_start3A_1401, %dma_start3A_1414, %dma_start3A_1415] : memref<2x8x2048xf32, #tpu.memory_space<vmem>> -> memref<1x8x2048xf32, #tpu.memory_space<vmem>>
    %dma_start3A_1417 = tpu.memref_squeeze %dma_start3A_1416 : memref<1x8x2048xf32, #tpu.memory_space<vmem>> -> memref<8x2048xf32, #tpu.memory_space<vmem>>
    tpu.enqueue_dma source(%dma_start3A_1417 : memref<8x2048xf32, #tpu.memory_space<vmem>>) target(%dma_start3A_1413 : memref<8x2048xf32, #tpu.memory_space<hbm>>) target_semaphore(%arg11 : memref<!tpu.dma_semaphore, #tpu.memory_space<semaphore_mem>>)
    %mul3A_1418 = arith.constant 8 : i32
    %mul3A_1419 = arith.muli %add3A, %mul3A_1418 : i32
    %add3A_1420 = arith.constant 6 : i32
    %add3A_1421 = arith.addi %mul3A_1419, %add3A_1420 : i32
    "tpu.region"() ({
      %run_scoped3A = tpu.sem_alloc : memref<!tpu.dma_semaphore, #tpu.memory_space<semaphore_mem>>
      %dma_start3A_2254 = arith.constant 0 : i32
      %dma_start3A_2255 = arith.constant 0 : i32
      %dma_start3A_2256 = tpu.memref_slice %arg2[%add3A_1421, %dma_start3A_2254, %dma_start3A_2255] : memref<256x256x256xf32, #tpu.memory_space<hbm>> -> memref<1x256x256xf32, #tpu.memory_space<hbm>>
      %dma_start3A_2257 = tpu.memref_squeeze %dma_start3A_2256 : memref<1x256x256xf32, #tpu.memory_space<hbm>> -> memref<256x256xf32, #tpu.memory_space<hbm>>
      %dma_start3A_2258 = arith.constant 0 : i32
      %dma_start3A_2259 = arith.constant 0 : i32
      %dma_start3A_2260 = tpu.memref_slice %arg2[%add3A_1421, %dma_start3A_2258, %dma_start3A_2259] : memref<256x256x256xf32, #tpu.memory_space<hbm>> -> memref<1x256x256xf32, #tpu.memory_space<hbm>>
      %dma_start3A_2261 = tpu.memref_squeeze %dma_start3A_2260 : memref<1x256x256xf32, #tpu.memory_space<hbm>> -> memref<256x256xf32, #tpu.memory_space<hbm>>
      tpu.enqueue_dma source(%dma_start3A_2261 : memref<256x256xf32, #tpu.memory_space<hbm>>) target(%arg6 : memref<256x256xf32, #tpu.memory_space<vmem>>) target_semaphore(%run_scoped3A : memref<!tpu.dma_semaphore, #tpu.memory_space<semaphore_mem>>)
      %dma_wait3A_2262 = arith.constant 0 : i32
      %dma_wait3A_2263 = arith.constant 0 : i32
      %dma_wait3A_2264 = tpu.memref_slice %arg2[%add3A_1421, %dma_wait3A_2262, %dma_wait3A_2263] : memref<256x256x256xf32, #tpu.memory_space<hbm>> -> memref<1x256x256xf32, #tpu.memory_space<hbm>>
      %dma_wait3A_2265 = tpu.memref_squeeze %dma_wait3A_2264 : memref<1x256x256xf32, #tpu.memory_space<hbm>> -> memref<256x256xf32, #tpu.memory_space<hbm>>
      %dma_wait3A_2266 = arith.constant 0 : i32
      %dma_wait3A_2267 = arith.constant 0 : i32
      %dma_wait3A_2268 = tpu.memref_slice %arg2[%add3A_1421, %dma_wait3A_2266, %dma_wait3A_2267] : memref<256x256x256xf32, #tpu.memory_space<hbm>> -> memref<1x256x256xf32, #tpu.memory_space<hbm>>
      %dma_wait3A_2269 = tpu.memref_squeeze %dma_wait3A_2268 : memref<1x256x256xf32, #tpu.memory_space<hbm>> -> memref<256x256xf32, #tpu.memory_space<hbm>>
      tpu.wait_dma2 semaphore(%run_scoped3A : memref<!tpu.dma_semaphore, #tpu.memory_space<semaphore_mem>>) src(%dma_wait3A_2269 : memref<256x256xf32, #tpu.memory_space<hbm>>) dst(%arg6 : memref<256x256xf32, #tpu.memory_space<vmem>>)
      tpu.yield
    }) : () -> ()
    %dma_wait3A_1422 = arith.constant 0 : i32
    %dma_wait3A_1423 = arith.constant 0 : i32
    %dma_wait3A_1424 = arith.constant 0 : i32
    %dma_wait3A_1425 = tpu.memref_slice %arg9[%dma_wait3A_1422, %dma_wait3A_1423, %dma_wait3A_1424] : memref<2x8x2048xf32, #tpu.memory_space<vmem>> -> memref<1x8x2048xf32, #tpu.memory_space<vmem>>
    %dma_wait3A_1426 = tpu.memref_squeeze %dma_wait3A_1425 : memref<1x8x2048xf32, #tpu.memory_space<vmem>> -> memref<8x2048xf32, #tpu.memory_space<vmem>>
    %dma_wait3A_1427 = arith.constant 0 : i32
    %dma_wait3A_1428 = arith.constant 0 : i32
    %dma_wait3A_1429 = tpu.memref_slice %arg5[%add3A_857, %dma_wait3A_1427, %dma_wait3A_1428] : memref<256x64x2048xf32, #tpu.memory_space<hbm>> -> memref<1x8x2048xf32, #tpu.memory_space<hbm>>
    %dma_wait3A_1430 = tpu.memref_squeeze %dma_wait3A_1429 : memref<1x8x2048xf32, #tpu.memory_space<hbm>> -> memref<8x2048xf32, #tpu.memory_space<hbm>>
    %dma_wait3A_1431 = arith.constant 0 : i32
    %dma_wait3A_1432 = arith.constant 0 : i32
    %dma_wait3A_1433 = tpu.memref_slice %arg5[%add3A_857, %dma_wait3A_1431, %dma_wait3A_1432] : memref<256x64x2048xf32, #tpu.memory_space<hbm>> -> memref<1x8x2048xf32, #tpu.memory_space<hbm>>
    %dma_wait3A_1434 = tpu.memref_squeeze %dma_wait3A_1433 : memref<1x8x2048xf32, #tpu.memory_space<hbm>> -> memref<8x2048xf32, #tpu.memory_space<hbm>>
    %dma_wait3A_1435 = arith.constant 0 : i32
    %dma_wait3A_1436 = arith.constant 0 : i32
    %dma_wait3A_1437 = tpu.memref_slice %arg9[%dma_wait3A_1422, %dma_wait3A_1435, %dma_wait3A_1436] : memref<2x8x2048xf32, #tpu.memory_space<vmem>> -> memref<1x8x2048xf32, #tpu.memory_space<vmem>>
    %dma_wait3A_1438 = tpu.memref_squeeze %dma_wait3A_1437 : memref<1x8x2048xf32, #tpu.memory_space<vmem>> -> memref<8x2048xf32, #tpu.memory_space<vmem>>
    tpu.wait_dma2 semaphore(%arg10 : memref<!tpu.dma_semaphore, #tpu.memory_space<semaphore_mem>>) src(%dma_wait3A_1438 : memref<8x2048xf32, #tpu.memory_space<vmem>>) dst(%dma_wait3A_1434 : memref<8x2048xf32, #tpu.memory_space<hbm>>)
    %dma_wait3A_1439 = arith.constant 0 : i32
    %dma_wait3A_1440 = arith.constant 0 : i32
    %dma_wait3A_1441 = arith.constant 0 : i32
    %dma_wait3A_1442 = tpu.memref_slice %arg9[%dma_wait3A_1439, %dma_wait3A_1440, %dma_wait3A_1441] : memref<2x8x2048xf32, #tpu.memory_space<vmem>> -> memref<1x8x2048xf32, #tpu.memory_space<vmem>>
    %dma_wait3A_1443 = tpu.memref_squeeze %dma_wait3A_1442 : memref<1x8x2048xf32, #tpu.memory_space<vmem>> -> memref<8x2048xf32, #tpu.memory_space<vmem>>
    %dma_wait3A_1444 = arith.constant 8 : i32
    %dma_wait3A_1445 = arith.constant 0 : i32
    %dma_wait3A_1446 = tpu.memref_slice %arg5[%add3A_857, %dma_wait3A_1444, %dma_wait3A_1445] : memref<256x64x2048xf32, #tpu.memory_space<hbm>> -> memref<1x8x2048xf32, #tpu.memory_space<hbm>>
    %dma_wait3A_1447 = tpu.memref_squeeze %dma_wait3A_1446 : memref<1x8x2048xf32, #tpu.memory_space<hbm>> -> memref<8x2048xf32, #tpu.memory_space<hbm>>
    %dma_wait3A_1448 = arith.constant 8 : i32
    %dma_wait3A_1449 = arith.constant 0 : i32
    %dma_wait3A_1450 = tpu.memref_slice %arg5[%add3A_857, %dma_wait3A_1448, %dma_wait3A_1449] : memref<256x64x2048xf32, #tpu.memory_space<hbm>> -> memref<1x8x2048xf32, #tpu.memory_space<hbm>>
    %dma_wait3A_1451 = tpu.memref_squeeze %dma_wait3A_1450 : memref<1x8x2048xf32, #tpu.memory_space<hbm>> -> memref<8x2048xf32, #tpu.memory_space<hbm>>
    %dma_wait3A_1452 = arith.constant 0 : i32
    %dma_wait3A_1453 = arith.constant 0 : i32
    %dma_wait3A_1454 = tpu.memref_slice %arg9[%dma_wait3A_1439, %dma_wait3A_1452, %dma_wait3A_1453] : memref<2x8x2048xf32, #tpu.memory_space<vmem>> -> memref<1x8x2048xf32, #tpu.memory_space<vmem>>
    %dma_wait3A_1455 = tpu.memref_squeeze %dma_wait3A_1454 : memref<1x8x2048xf32, #tpu.memory_space<vmem>> -> memref<8x2048xf32, #tpu.memory_space<vmem>>
    tpu.wait_dma2 semaphore(%arg10 : memref<!tpu.dma_semaphore, #tpu.memory_space<semaphore_mem>>) src(%dma_wait3A_1455 : memref<8x2048xf32, #tpu.memory_space<vmem>>) dst(%dma_wait3A_1451 : memref<8x2048xf32, #tpu.memory_space<hbm>>)
    %dma_wait3A_1456 = arith.constant 0 : i32
    %dma_wait3A_1457 = arith.constant 0 : i32
    %dma_wait3A_1458 = arith.constant 0 : i32
    %dma_wait3A_1459 = tpu.memref_slice %arg9[%dma_wait3A_1456, %dma_wait3A_1457, %dma_wait3A_1458] : memref<2x8x2048xf32, #tpu.memory_space<vmem>> -> memref<1x8x2048xf32, #tpu.memory_space<vmem>>
    %dma_wait3A_1460 = tpu.memref_squeeze %dma_wait3A_1459 : memref<1x8x2048xf32, #tpu.memory_space<vmem>> -> memref<8x2048xf32, #tpu.memory_space<vmem>>
    %dma_wait3A_1461 = arith.constant 16 : i32
    %dma_wait3A_1462 = arith.constant 0 : i32
    %dma_wait3A_1463 = tpu.memref_slice %arg5[%add3A_857, %dma_wait3A_1461, %dma_wait3A_1462] : memref<256x64x2048xf32, #tpu.memory_space<hbm>> -> memref<1x8x2048xf32, #tpu.memory_space<hbm>>
    %dma_wait3A_1464 = tpu.memref_squeeze %dma_wait3A_1463 : memref<1x8x2048xf32, #tpu.memory_space<hbm>> -> memref<8x2048xf32, #tpu.memory_space<hbm>>
    %dma_wait3A_1465 = arith.constant 16 : i32
    %dma_wait3A_1466 = arith.constant 0 : i32
    %dma_wait3A_1467 = tpu.memref_slice %arg5[%add3A_857, %dma_wait3A_1465, %dma_wait3A_1466] : memref<256x64x2048xf32, #tpu.memory_space<hbm>> -> memref<1x8x2048xf32, #tpu.memory_space<hbm>>
    %dma_wait3A_1468 = tpu.memref_squeeze %dma_wait3A_1467 : memref<1x8x2048xf32, #tpu.memory_space<hbm>> -> memref<8x2048xf32, #tpu.memory_space<hbm>>
    %dma_wait3A_1469 = arith.constant 0 : i32
    %dma_wait3A_1470 = arith.constant 0 : i32
    %dma_wait3A_1471 = tpu.memref_slice %arg9[%dma_wait3A_1456, %dma_wait3A_1469, %dma_wait3A_1470] : memref<2x8x2048xf32, #tpu.memory_space<vmem>> -> memref<1x8x2048xf32, #tpu.memory_space<vmem>>
    %dma_wait3A_1472 = tpu.memref_squeeze %dma_wait3A_1471 : memref<1x8x2048xf32, #tpu.memory_space<vmem>> -> memref<8x2048xf32, #tpu.memory_space<vmem>>
    tpu.wait_dma2 semaphore(%arg10 : memref<!tpu.dma_semaphore, #tpu.memory_space<semaphore_mem>>) src(%dma_wait3A_1472 : memref<8x2048xf32, #tpu.memory_space<vmem>>) dst(%dma_wait3A_1468 : memref<8x2048xf32, #tpu.memory_space<hbm>>)
    %dma_wait3A_1473 = arith.constant 0 : i32
    %dma_wait3A_1474 = arith.constant 0 : i32
    %dma_wait3A_1475 = arith.constant 0 : i32
    %dma_wait3A_1476 = tpu.memref_slice %arg9[%dma_wait3A_1473, %dma_wait3A_1474, %dma_wait3A_1475] : memref<2x8x2048xf32, #tpu.memory_space<vmem>> -> memref<1x8x2048xf32, #tpu.memory_space<vmem>>
    %dma_wait3A_1477 = tpu.memref_squeeze %dma_wait3A_1476 : memref<1x8x2048xf32, #tpu.memory_space<vmem>> -> memref<8x2048xf32, #tpu.memory_space<vmem>>
    %dma_wait3A_1478 = arith.constant 24 : i32
    %dma_wait3A_1479 = arith.constant 0 : i32
    %dma_wait3A_1480 = tpu.memref_slice %arg5[%add3A_857, %dma_wait3A_1478, %dma_wait3A_1479] : memref<256x64x2048xf32, #tpu.memory_space<hbm>> -> memref<1x8x2048xf32, #tpu.memory_space<hbm>>
    %dma_wait3A_1481 = tpu.memref_squeeze %dma_wait3A_1480 : memref<1x8x2048xf32, #tpu.memory_space<hbm>> -> memref<8x2048xf32, #tpu.memory_space<hbm>>
    %dma_wait3A_1482 = arith.constant 24 : i32
    %dma_wait3A_1483 = arith.constant 0 : i32
    %dma_wait3A_1484 = tpu.memref_slice %arg5[%add3A_857, %dma_wait3A_1482, %dma_wait3A_1483] : memref<256x64x2048xf32, #tpu.memory_space<hbm>> -> memref<1x8x2048xf32, #tpu.memory_space<hbm>>
    %dma_wait3A_1485 = tpu.memref_squeeze %dma_wait3A_1484 : memref<1x8x2048xf32, #tpu.memory_space<hbm>> -> memref<8x2048xf32, #tpu.memory_space<hbm>>
    %dma_wait3A_1486 = arith.constant 0 : i32
    %dma_wait3A_1487 = arith.constant 0 : i32
    %dma_wait3A_1488 = tpu.memref_slice %arg9[%dma_wait3A_1473, %dma_wait3A_1486, %dma_wait3A_1487] : memref<2x8x2048xf32, #tpu.memory_space<vmem>> -> memref<1x8x2048xf32, #tpu.memory_space<vmem>>
    %dma_wait3A_1489 = tpu.memref_squeeze %dma_wait3A_1488 : memref<1x8x2048xf32, #tpu.memory_space<vmem>> -> memref<8x2048xf32, #tpu.memory_space<vmem>>
    tpu.wait_dma2 semaphore(%arg10 : memref<!tpu.dma_semaphore, #tpu.memory_space<semaphore_mem>>) src(%dma_wait3A_1489 : memref<8x2048xf32, #tpu.memory_space<vmem>>) dst(%dma_wait3A_1485 : memref<8x2048xf32, #tpu.memory_space<hbm>>)
    %dma_wait3A_1490 = arith.constant 0 : i32
    %dma_wait3A_1491 = arith.constant 0 : i32
    %dma_wait3A_1492 = arith.constant 0 : i32
    %dma_wait3A_1493 = tpu.memref_slice %arg9[%dma_wait3A_1490, %dma_wait3A_1491, %dma_wait3A_1492] : memref<2x8x2048xf32, #tpu.memory_space<vmem>> -> memref<1x8x2048xf32, #tpu.memory_space<vmem>>
    %dma_wait3A_1494 = tpu.memref_squeeze %dma_wait3A_1493 : memref<1x8x2048xf32, #tpu.memory_space<vmem>> -> memref<8x2048xf32, #tpu.memory_space<vmem>>
    %dma_wait3A_1495 = arith.constant 32 : i32
    %dma_wait3A_1496 = arith.constant 0 : i32
    %dma_wait3A_1497 = tpu.memref_slice %arg5[%add3A_857, %dma_wait3A_1495, %dma_wait3A_1496] : memref<256x64x2048xf32, #tpu.memory_space<hbm>> -> memref<1x8x2048xf32, #tpu.memory_space<hbm>>
    %dma_wait3A_1498 = tpu.memref_squeeze %dma_wait3A_1497 : memref<1x8x2048xf32, #tpu.memory_space<hbm>> -> memref<8x2048xf32, #tpu.memory_space<hbm>>
    %dma_wait3A_1499 = arith.constant 32 : i32
    %dma_wait3A_1500 = arith.constant 0 : i32
    %dma_wait3A_1501 = tpu.memref_slice %arg5[%add3A_857, %dma_wait3A_1499, %dma_wait3A_1500] : memref<256x64x2048xf32, #tpu.memory_space<hbm>> -> memref<1x8x2048xf32, #tpu.memory_space<hbm>>
    %dma_wait3A_1502 = tpu.memref_squeeze %dma_wait3A_1501 : memref<1x8x2048xf32, #tpu.memory_space<hbm>> -> memref<8x2048xf32, #tpu.memory_space<hbm>>
    %dma_wait3A_1503 = arith.constant 0 : i32
    %dma_wait3A_1504 = arith.constant 0 : i32
    %dma_wait3A_1505 = tpu.memref_slice %arg9[%dma_wait3A_1490, %dma_wait3A_1503, %dma_wait3A_1504] : memref<2x8x2048xf32, #tpu.memory_space<vmem>> -> memref<1x8x2048xf32, #tpu.memory_space<vmem>>
    %dma_wait3A_1506 = tpu.memref_squeeze %dma_wait3A_1505 : memref<1x8x2048xf32, #tpu.memory_space<vmem>> -> memref<8x2048xf32, #tpu.memory_space<vmem>>
    tpu.wait_dma2 semaphore(%arg10 : memref<!tpu.dma_semaphore, #tpu.memory_space<semaphore_mem>>) src(%dma_wait3A_1506 : memref<8x2048xf32, #tpu.memory_space<vmem>>) dst(%dma_wait3A_1502 : memref<8x2048xf32, #tpu.memory_space<hbm>>)
    %dma_wait3A_1507 = arith.constant 0 : i32
    %dma_wait3A_1508 = arith.constant 0 : i32
    %dma_wait3A_1509 = arith.constant 0 : i32
    %dma_wait3A_1510 = tpu.memref_slice %arg9[%dma_wait3A_1507, %dma_wait3A_1508, %dma_wait3A_1509] : memref<2x8x2048xf32, #tpu.memory_space<vmem>> -> memref<1x8x2048xf32, #tpu.memory_space<vmem>>
    %dma_wait3A_1511 = tpu.memref_squeeze %dma_wait3A_1510 : memref<1x8x2048xf32, #tpu.memory_space<vmem>> -> memref<8x2048xf32, #tpu.memory_space<vmem>>
    %dma_wait3A_1512 = arith.constant 40 : i32
    %dma_wait3A_1513 = arith.constant 0 : i32
    %dma_wait3A_1514 = tpu.memref_slice %arg5[%add3A_857, %dma_wait3A_1512, %dma_wait3A_1513] : memref<256x64x2048xf32, #tpu.memory_space<hbm>> -> memref<1x8x2048xf32, #tpu.memory_space<hbm>>
    %dma_wait3A_1515 = tpu.memref_squeeze %dma_wait3A_1514 : memref<1x8x2048xf32, #tpu.memory_space<hbm>> -> memref<8x2048xf32, #tpu.memory_space<hbm>>
    %dma_wait3A_1516 = arith.constant 40 : i32
    %dma_wait3A_1517 = arith.constant 0 : i32
    %dma_wait3A_1518 = tpu.memref_slice %arg5[%add3A_857, %dma_wait3A_1516, %dma_wait3A_1517] : memref<256x64x2048xf32, #tpu.memory_space<hbm>> -> memref<1x8x2048xf32, #tpu.memory_space<hbm>>
    %dma_wait3A_1519 = tpu.memref_squeeze %dma_wait3A_1518 : memref<1x8x2048xf32, #tpu.memory_space<hbm>> -> memref<8x2048xf32, #tpu.memory_space<hbm>>
    %dma_wait3A_1520 = arith.constant 0 : i32
    %dma_wait3A_1521 = arith.constant 0 : i32
    %dma_wait3A_1522 = tpu.memref_slice %arg9[%dma_wait3A_1507, %dma_wait3A_1520, %dma_wait3A_1521] : memref<2x8x2048xf32, #tpu.memory_space<vmem>> -> memref<1x8x2048xf32, #tpu.memory_space<vmem>>
    %dma_wait3A_1523 = tpu.memref_squeeze %dma_wait3A_1522 : memref<1x8x2048xf32, #tpu.memory_space<vmem>> -> memref<8x2048xf32, #tpu.memory_space<vmem>>
    tpu.wait_dma2 semaphore(%arg10 : memref<!tpu.dma_semaphore, #tpu.memory_space<semaphore_mem>>) src(%dma_wait3A_1523 : memref<8x2048xf32, #tpu.memory_space<vmem>>) dst(%dma_wait3A_1519 : memref<8x2048xf32, #tpu.memory_space<hbm>>)
    %dma_wait3A_1524 = arith.constant 0 : i32
    %dma_wait3A_1525 = arith.constant 0 : i32
    %dma_wait3A_1526 = arith.constant 0 : i32
    %dma_wait3A_1527 = tpu.memref_slice %arg9[%dma_wait3A_1524, %dma_wait3A_1525, %dma_wait3A_1526] : memref<2x8x2048xf32, #tpu.memory_space<vmem>> -> memref<1x8x2048xf32, #tpu.memory_space<vmem>>
    %dma_wait3A_1528 = tpu.memref_squeeze %dma_wait3A_1527 : memref<1x8x2048xf32, #tpu.memory_space<vmem>> -> memref<8x2048xf32, #tpu.memory_space<vmem>>
    %dma_wait3A_1529 = arith.constant 48 : i32
    %dma_wait3A_1530 = arith.constant 0 : i32
    %dma_wait3A_1531 = tpu.memref_slice %arg5[%add3A_857, %dma_wait3A_1529, %dma_wait3A_1530] : memref<256x64x2048xf32, #tpu.memory_space<hbm>> -> memref<1x8x2048xf32, #tpu.memory_space<hbm>>
    %dma_wait3A_1532 = tpu.memref_squeeze %dma_wait3A_1531 : memref<1x8x2048xf32, #tpu.memory_space<hbm>> -> memref<8x2048xf32, #tpu.memory_space<hbm>>
    %dma_wait3A_1533 = arith.constant 48 : i32
    %dma_wait3A_1534 = arith.constant 0 : i32
    %dma_wait3A_1535 = tpu.memref_slice %arg5[%add3A_857, %dma_wait3A_1533, %dma_wait3A_1534] : memref<256x64x2048xf32, #tpu.memory_space<hbm>> -> memref<1x8x2048xf32, #tpu.memory_space<hbm>>
    %dma_wait3A_1536 = tpu.memref_squeeze %dma_wait3A_1535 : memref<1x8x2048xf32, #tpu.memory_space<hbm>> -> memref<8x2048xf32, #tpu.memory_space<hbm>>
    %dma_wait3A_1537 = arith.constant 0 : i32
    %dma_wait3A_1538 = arith.constant 0 : i32
    %dma_wait3A_1539 = tpu.memref_slice %arg9[%dma_wait3A_1524, %dma_wait3A_1537, %dma_wait3A_1538] : memref<2x8x2048xf32, #tpu.memory_space<vmem>> -> memref<1x8x2048xf32, #tpu.memory_space<vmem>>
    %dma_wait3A_1540 = tpu.memref_squeeze %dma_wait3A_1539 : memref<1x8x2048xf32, #tpu.memory_space<vmem>> -> memref<8x2048xf32, #tpu.memory_space<vmem>>
    tpu.wait_dma2 semaphore(%arg10 : memref<!tpu.dma_semaphore, #tpu.memory_space<semaphore_mem>>) src(%dma_wait3A_1540 : memref<8x2048xf32, #tpu.memory_space<vmem>>) dst(%dma_wait3A_1536 : memref<8x2048xf32, #tpu.memory_space<hbm>>)
    %dma_wait3A_1541 = arith.constant 0 : i32
    %dma_wait3A_1542 = arith.constant 0 : i32
    %dma_wait3A_1543 = arith.constant 0 : i32
    %dma_wait3A_1544 = tpu.memref_slice %arg9[%dma_wait3A_1541, %dma_wait3A_1542, %dma_wait3A_1543] : memref<2x8x2048xf32, #tpu.memory_space<vmem>> -> memref<1x8x2048xf32, #tpu.memory_space<vmem>>
    %dma_wait3A_1545 = tpu.memref_squeeze %dma_wait3A_1544 : memref<1x8x2048xf32, #tpu.memory_space<vmem>> -> memref<8x2048xf32, #tpu.memory_space<vmem>>
    %dma_wait3A_1546 = arith.constant 56 : i32
    %dma_wait3A_1547 = arith.constant 0 : i32
    %dma_wait3A_1548 = tpu.memref_slice %arg5[%add3A_857, %dma_wait3A_1546, %dma_wait3A_1547] : memref<256x64x2048xf32, #tpu.memory_space<hbm>> -> memref<1x8x2048xf32, #tpu.memory_space<hbm>>
    %dma_wait3A_1549 = tpu.memref_squeeze %dma_wait3A_1548 : memref<1x8x2048xf32, #tpu.memory_space<hbm>> -> memref<8x2048xf32, #tpu.memory_space<hbm>>
    %dma_wait3A_1550 = arith.constant 56 : i32
    %dma_wait3A_1551 = arith.constant 0 : i32
    %dma_wait3A_1552 = tpu.memref_slice %arg5[%add3A_857, %dma_wait3A_1550, %dma_wait3A_1551] : memref<256x64x2048xf32, #tpu.memory_space<hbm>> -> memref<1x8x2048xf32, #tpu.memory_space<hbm>>
    %dma_wait3A_1553 = tpu.memref_squeeze %dma_wait3A_1552 : memref<1x8x2048xf32, #tpu.memory_space<hbm>> -> memref<8x2048xf32, #tpu.memory_space<hbm>>
    %dma_wait3A_1554 = arith.constant 0 : i32
    %dma_wait3A_1555 = arith.constant 0 : i32
    %dma_wait3A_1556 = tpu.memref_slice %arg9[%dma_wait3A_1541, %dma_wait3A_1554, %dma_wait3A_1555] : memref<2x8x2048xf32, #tpu.memory_space<vmem>> -> memref<1x8x2048xf32, #tpu.memory_space<vmem>>
    %dma_wait3A_1557 = tpu.memref_squeeze %dma_wait3A_1556 : memref<1x8x2048xf32, #tpu.memory_space<vmem>> -> memref<8x2048xf32, #tpu.memory_space<vmem>>
    tpu.wait_dma2 semaphore(%arg10 : memref<!tpu.dma_semaphore, #tpu.memory_space<semaphore_mem>>) src(%dma_wait3A_1557 : memref<8x2048xf32, #tpu.memory_space<vmem>>) dst(%dma_wait3A_1553 : memref<8x2048xf32, #tpu.memory_space<hbm>>)
    %scan3A_1558 = arith.constant 0 : i32
    %scan3A_1559 = arith.constant 0 : i32
    %scan3A_1560 = arith.constant 128 : i32
    %scan3A_1561 = arith.addi %scan3A_1559, %scan3A_1560 : i32
    %scan3A_1562 = arith.constant 1 : i32
    scf.for %scan3A_2254 = %scan3A_1559 to %scan3A_1561 step %scan3A_1562  : i32 {
      %mul3A_2255 = arith.constant 16 : i32
      %mul3A_2256 = arith.muli %scan3A_2254, %mul3A_2255 : i32
      %multiple_of3A = tpu.assume_multiple %mul3A_2256, 16 : i32
      %get3A = arith.constant 0 : i32
      %get3A_2257 = arith.index_cast %get3A : i32 to index
      %get3A_2258 = arith.index_cast %multiple_of3A : i32 to index
      %get3A_2259 = tpu.vector_load %arg7[%get3A_2257, %get3A_2258] {strides = array<i32>} : memref<4x2048xi32, #tpu.memory_space<vmem>>, vector<16xi32>,
      %get3A_2260 = arith.constant 1 : i32
      %get3A_2261 = arith.index_cast %get3A_2260 : i32 to index
      %get3A_2262 = arith.index_cast %multiple_of3A : i32 to index
      %get3A_2263 = tpu.vector_load %arg7[%get3A_2261, %get3A_2262] {strides = array<i32>} : memref<4x2048xi32, #tpu.memory_space<vmem>>, vector<16xi32>,
      %get3A_2264 = arith.constant 2 : i32
      %get3A_2265 = arith.index_cast %get3A_2264 : i32 to index
      %get3A_2266 = arith.index_cast %multiple_of3A : i32 to index
      %get3A_2267 = tpu.vector_load %arg7[%get3A_2265, %get3A_2266] {strides = array<i32>} : memref<4x2048xi32, #tpu.memory_space<vmem>>, vector<16xi32>,
      %get3A_2268 = arith.constant 3 : i32
      %get3A_2269 = arith.index_cast %get3A_2268 : i32 to index
      %get3A_2270 = arith.index_cast %multiple_of3A : i32 to index
      %get3A_2271 = tpu.vector_load %arg7[%get3A_2269, %get3A_2270] {strides = array<i32>} : memref<4x2048xi32, #tpu.memory_space<vmem>>, vector<16xi32>,
      %gather3A = tpu.vector_load_idx %arg6[%get3A_2259, %get3A_2267] : memref<256x256xf32, #tpu.memory_space<vmem>>[vector<16xi32>, vector<16xi32>], vector<16xf32>,
      %gather3A_2272 = tpu.vector_load_idx %arg6[%get3A_2259, %get3A_2271] : memref<256x256xf32, #tpu.memory_space<vmem>>[vector<16xi32>, vector<16xi32>], vector<16xf32>,
      %gather3A_2273 = tpu.vector_load_idx %arg6[%get3A_2263, %get3A_2267] : memref<256x256xf32, #tpu.memory_space<vmem>>[vector<16xi32>, vector<16xi32>], vector<16xf32>,
      %gather3A_2274 = tpu.vector_load_idx %arg6[%get3A_2263, %get3A_2271] : memref<256x256xf32, #tpu.memory_space<vmem>>[vector<16xi32>, vector<16xi32>], vector<16xf32>,
      %get3A_2275 = arith.constant 0 : i32
      %get3A_2276 = arith.index_cast %get3A_2275 : i32 to index
      %get3A_2277 = arith.index_cast %multiple_of3A : i32 to index
      %get3A_2278 = tpu.vector_load %arg8[%get3A_2276, %get3A_2277] {strides = array<i32>} : memref<4x2048xf32, #tpu.memory_space<vmem>>, vector<16xf32>,
      %mul3A_2279 = arith.mulf %gather3A, %get3A_2278 : vector<16xf32>
      %get3A_2280 = arith.constant 1 : i32
      %get3A_2281 = arith.index_cast %get3A_2280 : i32 to index
      %get3A_2282 = arith.index_cast %multiple_of3A : i32 to index
      %get3A_2283 = tpu.vector_load %arg8[%get3A_2281, %get3A_2282] {strides = array<i32>} : memref<4x2048xf32, #tpu.memory_space<vmem>>, vector<16xf32>,
      %mul3A_2284 = arith.mulf %gather3A_2272, %get3A_2283 : vector<16xf32>
      %add3A_2285 = arith.addf %mul3A_2279, %mul3A_2284 : vector<16xf32>
      %get3A_2286 = arith.constant 2 : i32
      %get3A_2287 = arith.index_cast %get3A_2286 : i32 to index
      %get3A_2288 = arith.index_cast %multiple_of3A : i32 to index
      %get3A_2289 = tpu.vector_load %arg8[%get3A_2287, %get3A_2288] {strides = array<i32>} : memref<4x2048xf32, #tpu.memory_space<vmem>>, vector<16xf32>,
      %mul3A_2290 = arith.mulf %gather3A_2273, %get3A_2289 : vector<16xf32>
      %add3A_2291 = arith.addf %add3A_2285, %mul3A_2290 : vector<16xf32>
      %get3A_2292 = arith.constant 3 : i32
      %get3A_2293 = arith.index_cast %get3A_2292 : i32 to index
      %get3A_2294 = arith.index_cast %multiple_of3A : i32 to index
      %get3A_2295 = tpu.vector_load %arg8[%get3A_2293, %get3A_2294] {strides = array<i32>} : memref<4x2048xf32, #tpu.memory_space<vmem>>, vector<16xf32>,
      %mul3A_2296 = arith.mulf %gather3A_2274, %get3A_2295 : vector<16xf32>
      %add3A_2297 = arith.addf %add3A_2291, %mul3A_2296 : vector<16xf32>
      %swap3A = arith.constant 0 : i32
      %swap3A_2298 = arith.constant 0 : i32
      %swap3A_2299 = arith.index_cast %swap3A : i32 to index
      %swap3A_2300 = arith.index_cast %swap3A_2298 : i32 to index
      %swap3A_2301 = arith.index_cast %multiple_of3A : i32 to index
      %swap3A_2302 = tpu.vector_load %arg9[%swap3A_2299, %swap3A_2300, %swap3A_2301] {strides = array<i32>} : memref<2x8x2048xf32, #tpu.memory_space<vmem>>, vector<16xf32>,
      tpu.vector_store %arg9[%swap3A_2299, %swap3A_2300, %swap3A_2301], %add3A_2297 {strides = array<i32>} : memref<2x8x2048xf32, #tpu.memory_space<vmem>>, vector<16xf32>,
      %swap3A_2303 = arith.constant 0 : i32
      %swap3A_2304 = arith.constant 1 : i32
      %swap3A_2305 = arith.index_cast %swap3A_2303 : i32 to index
      %swap3A_2306 = arith.index_cast %swap3A_2304 : i32 to index
      %swap3A_2307 = arith.index_cast %multiple_of3A : i32 to index
      %swap3A_2308 = tpu.vector_load %arg9[%swap3A_2305, %swap3A_2306, %swap3A_2307] {strides = array<i32>} : memref<2x8x2048xf32, #tpu.memory_space<vmem>>, vector<16xf32>,
      tpu.vector_store %arg9[%swap3A_2305, %swap3A_2306, %swap3A_2307], %add3A_2297 {strides = array<i32>} : memref<2x8x2048xf32, #tpu.memory_space<vmem>>, vector<16xf32>,
      %swap3A_2309 = arith.constant 0 : i32
      %swap3A_2310 = arith.constant 2 : i32
      %swap3A_2311 = arith.index_cast %swap3A_2309 : i32 to index
      %swap3A_2312 = arith.index_cast %swap3A_2310 : i32 to index
      %swap3A_2313 = arith.index_cast %multiple_of3A : i32 to index
      %swap3A_2314 = tpu.vector_load %arg9[%swap3A_2311, %swap3A_2312, %swap3A_2313] {strides = array<i32>} : memref<2x8x2048xf32, #tpu.memory_space<vmem>>, vector<16xf32>,
      tpu.vector_store %arg9[%swap3A_2311, %swap3A_2312, %swap3A_2313], %add3A_2297 {strides = array<i32>} : memref<2x8x2048xf32, #tpu.memory_space<vmem>>, vector<16xf32>,
      %swap3A_2315 = arith.constant 0 : i32
      %swap3A_2316 = arith.constant 3 : i32
      %swap3A_2317 = arith.index_cast %swap3A_2315 : i32 to index
      %swap3A_2318 = arith.index_cast %swap3A_2316 : i32 to index
      %swap3A_2319 = arith.index_cast %multiple_of3A : i32 to index
      %swap3A_2320 = tpu.vector_load %arg9[%swap3A_2317, %swap3A_2318, %swap3A_2319] {strides = array<i32>} : memref<2x8x2048xf32, #tpu.memory_space<vmem>>, vector<16xf32>,
      tpu.vector_store %arg9[%swap3A_2317, %swap3A_2318, %swap3A_2319], %add3A_2297 {strides = array<i32>} : memref<2x8x2048xf32, #tpu.memory_space<vmem>>, vector<16xf32>,
      %swap3A_2321 = arith.constant 0 : i32
      %swap3A_2322 = arith.constant 4 : i32
      %swap3A_2323 = arith.index_cast %swap3A_2321 : i32 to index
      %swap3A_2324 = arith.index_cast %swap3A_2322 : i32 to index
      %swap3A_2325 = arith.index_cast %multiple_of3A : i32 to index
      %swap3A_2326 = tpu.vector_load %arg9[%swap3A_2323, %swap3A_2324, %swap3A_2325] {strides = array<i32>} : memref<2x8x2048xf32, #tpu.memory_space<vmem>>, vector<16xf32>,
      tpu.vector_store %arg9[%swap3A_2323, %swap3A_2324, %swap3A_2325], %add3A_2297 {strides = array<i32>} : memref<2x8x2048xf32, #tpu.memory_space<vmem>>, vector<16xf32>,
      %swap3A_2327 = arith.constant 0 : i32
      %swap3A_2328 = arith.constant 5 : i32
      %swap3A_2329 = arith.index_cast %swap3A_2327 : i32 to index
      %swap3A_2330 = arith.index_cast %swap3A_2328 : i32 to index
      %swap3A_2331 = arith.index_cast %multiple_of3A : i32 to index
      %swap3A_2332 = tpu.vector_load %arg9[%swap3A_2329, %swap3A_2330, %swap3A_2331] {strides = array<i32>} : memref<2x8x2048xf32, #tpu.memory_space<vmem>>, vector<16xf32>,
      tpu.vector_store %arg9[%swap3A_2329, %swap3A_2330, %swap3A_2331], %add3A_2297 {strides = array<i32>} : memref<2x8x2048xf32, #tpu.memory_space<vmem>>, vector<16xf32>,
      %swap3A_2333 = arith.constant 0 : i32
      %swap3A_2334 = arith.constant 6 : i32
      %swap3A_2335 = arith.index_cast %swap3A_2333 : i32 to index
      %swap3A_2336 = arith.index_cast %swap3A_2334 : i32 to index
      %swap3A_2337 = arith.index_cast %multiple_of3A : i32 to index
      %swap3A_2338 = tpu.vector_load %arg9[%swap3A_2335, %swap3A_2336, %swap3A_2337] {strides = array<i32>} : memref<2x8x2048xf32, #tpu.memory_space<vmem>>, vector<16xf32>,
      tpu.vector_store %arg9[%swap3A_2335, %swap3A_2336, %swap3A_2337], %add3A_2297 {strides = array<i32>} : memref<2x8x2048xf32, #tpu.memory_space<vmem>>, vector<16xf32>,
      %swap3A_2339 = arith.constant 0 : i32
      %swap3A_2340 = arith.constant 7 : i32
      %swap3A_2341 = arith.index_cast %swap3A_2339 : i32 to index
      %swap3A_2342 = arith.index_cast %swap3A_2340 : i32 to index
      %swap3A_2343 = arith.index_cast %multiple_of3A : i32 to index
      %swap3A_2344 = tpu.vector_load %arg9[%swap3A_2341, %swap3A_2342, %swap3A_2343] {strides = array<i32>} : memref<2x8x2048xf32, #tpu.memory_space<vmem>>, vector<16xf32>,
      tpu.vector_store %arg9[%swap3A_2341, %swap3A_2342, %swap3A_2343], %add3A_2297 {strides = array<i32>} : memref<2x8x2048xf32, #tpu.memory_space<vmem>>, vector<16xf32>,
    }
    %scan3A_1563 = arith.constant 128 : i32
    %dma_start3A_1564 = arith.constant 0 : i32
    %dma_start3A_1565 = arith.constant 0 : i32
    %dma_start3A_1566 = arith.constant 0 : i32
    %dma_start3A_1567 = tpu.memref_slice %arg9[%dma_start3A_1564, %dma_start3A_1565, %dma_start3A_1566] : memref<2x8x2048xf32, #tpu.memory_space<vmem>> -> memref<1x8x2048xf32, #tpu.memory_space<vmem>>
    %dma_start3A_1568 = tpu.memref_squeeze %dma_start3A_1567 : memref<1x8x2048xf32, #tpu.memory_space<vmem>> -> memref<8x2048xf32, #tpu.memory_space<vmem>>
    %dma_start3A_1569 = arith.constant 0 : i32
    %dma_start3A_1570 = arith.constant 0 : i32
    %dma_start3A_1571 = tpu.memref_slice %arg5[%add3A_1421, %dma_start3A_1569, %dma_start3A_1570] : memref<256x64x2048xf32, #tpu.memory_space<hbm>> -> memref<1x8x2048xf32, #tpu.memory_space<hbm>>
    %dma_start3A_1572 = tpu.memref_squeeze %dma_start3A_1571 : memref<1x8x2048xf32, #tpu.memory_space<hbm>> -> memref<8x2048xf32, #tpu.memory_space<hbm>>
    %dma_start3A_1573 = arith.constant 0 : i32
    %dma_start3A_1574 = arith.constant 0 : i32
    %dma_start3A_1575 = tpu.memref_slice %arg5[%add3A_1421, %dma_start3A_1573, %dma_start3A_1574] : memref<256x64x2048xf32, #tpu.memory_space<hbm>> -> memref<1x8x2048xf32, #tpu.memory_space<hbm>>
    %dma_start3A_1576 = tpu.memref_squeeze %dma_start3A_1575 : memref<1x8x2048xf32, #tpu.memory_space<hbm>> -> memref<8x2048xf32, #tpu.memory_space<hbm>>
    %dma_start3A_1577 = arith.constant 0 : i32
    %dma_start3A_1578 = arith.constant 0 : i32
    %dma_start3A_1579 = tpu.memref_slice %arg9[%dma_start3A_1564, %dma_start3A_1577, %dma_start3A_1578] : memref<2x8x2048xf32, #tpu.memory_space<vmem>> -> memref<1x8x2048xf32, #tpu.memory_space<vmem>>
    %dma_start3A_1580 = tpu.memref_squeeze %dma_start3A_1579 : memref<1x8x2048xf32, #tpu.memory_space<vmem>> -> memref<8x2048xf32, #tpu.memory_space<vmem>>
    tpu.enqueue_dma source(%dma_start3A_1580 : memref<8x2048xf32, #tpu.memory_space<vmem>>) target(%dma_start3A_1576 : memref<8x2048xf32, #tpu.memory_space<hbm>>) target_semaphore(%arg10 : memref<!tpu.dma_semaphore, #tpu.memory_space<semaphore_mem>>)
    %dma_start3A_1581 = arith.constant 0 : i32
    %dma_start3A_1582 = arith.constant 0 : i32
    %dma_start3A_1583 = arith.constant 0 : i32
    %dma_start3A_1584 = tpu.memref_slice %arg9[%dma_start3A_1581, %dma_start3A_1582, %dma_start3A_1583] : memref<2x8x2048xf32, #tpu.memory_space<vmem>> -> memref<1x8x2048xf32, #tpu.memory_space<vmem>>
    %dma_start3A_1585 = tpu.memref_squeeze %dma_start3A_1584 : memref<1x8x2048xf32, #tpu.memory_space<vmem>> -> memref<8x2048xf32, #tpu.memory_space<vmem>>
    %dma_start3A_1586 = arith.constant 8 : i32
    %dma_start3A_1587 = arith.constant 0 : i32
    %dma_start3A_1588 = tpu.memref_slice %arg5[%add3A_1421, %dma_start3A_1586, %dma_start3A_1587] : memref<256x64x2048xf32, #tpu.memory_space<hbm>> -> memref<1x8x2048xf32, #tpu.memory_space<hbm>>
    %dma_start3A_1589 = tpu.memref_squeeze %dma_start3A_1588 : memref<1x8x2048xf32, #tpu.memory_space<hbm>> -> memref<8x2048xf32, #tpu.memory_space<hbm>>
    %dma_start3A_1590 = arith.constant 8 : i32
    %dma_start3A_1591 = arith.constant 0 : i32
    %dma_start3A_1592 = tpu.memref_slice %arg5[%add3A_1421, %dma_start3A_1590, %dma_start3A_1591] : memref<256x64x2048xf32, #tpu.memory_space<hbm>> -> memref<1x8x2048xf32, #tpu.memory_space<hbm>>
    %dma_start3A_1593 = tpu.memref_squeeze %dma_start3A_1592 : memref<1x8x2048xf32, #tpu.memory_space<hbm>> -> memref<8x2048xf32, #tpu.memory_space<hbm>>
    %dma_start3A_1594 = arith.constant 0 : i32
    %dma_start3A_1595 = arith.constant 0 : i32
    %dma_start3A_1596 = tpu.memref_slice %arg9[%dma_start3A_1581, %dma_start3A_1594, %dma_start3A_1595] : memref<2x8x2048xf32, #tpu.memory_space<vmem>> -> memref<1x8x2048xf32, #tpu.memory_space<vmem>>
    %dma_start3A_1597 = tpu.memref_squeeze %dma_start3A_1596 : memref<1x8x2048xf32, #tpu.memory_space<vmem>> -> memref<8x2048xf32, #tpu.memory_space<vmem>>
    tpu.enqueue_dma source(%dma_start3A_1597 : memref<8x2048xf32, #tpu.memory_space<vmem>>) target(%dma_start3A_1593 : memref<8x2048xf32, #tpu.memory_space<hbm>>) target_semaphore(%arg10 : memref<!tpu.dma_semaphore, #tpu.memory_space<semaphore_mem>>)
    %dma_start3A_1598 = arith.constant 0 : i32
    %dma_start3A_1599 = arith.constant 0 : i32
    %dma_start3A_1600 = arith.constant 0 : i32
    %dma_start3A_1601 = tpu.memref_slice %arg9[%dma_start3A_1598, %dma_start3A_1599, %dma_start3A_1600] : memref<2x8x2048xf32, #tpu.memory_space<vmem>> -> memref<1x8x2048xf32, #tpu.memory_space<vmem>>
    %dma_start3A_1602 = tpu.memref_squeeze %dma_start3A_1601 : memref<1x8x2048xf32, #tpu.memory_space<vmem>> -> memref<8x2048xf32, #tpu.memory_space<vmem>>
    %dma_start3A_1603 = arith.constant 16 : i32
    %dma_start3A_1604 = arith.constant 0 : i32
    %dma_start3A_1605 = tpu.memref_slice %arg5[%add3A_1421, %dma_start3A_1603, %dma_start3A_1604] : memref<256x64x2048xf32, #tpu.memory_space<hbm>> -> memref<1x8x2048xf32, #tpu.memory_space<hbm>>
    %dma_start3A_1606 = tpu.memref_squeeze %dma_start3A_1605 : memref<1x8x2048xf32, #tpu.memory_space<hbm>> -> memref<8x2048xf32, #tpu.memory_space<hbm>>
    %dma_start3A_1607 = arith.constant 16 : i32
    %dma_start3A_1608 = arith.constant 0 : i32
    %dma_start3A_1609 = tpu.memref_slice %arg5[%add3A_1421, %dma_start3A_1607, %dma_start3A_1608] : memref<256x64x2048xf32, #tpu.memory_space<hbm>> -> memref<1x8x2048xf32, #tpu.memory_space<hbm>>
    %dma_start3A_1610 = tpu.memref_squeeze %dma_start3A_1609 : memref<1x8x2048xf32, #tpu.memory_space<hbm>> -> memref<8x2048xf32, #tpu.memory_space<hbm>>
    %dma_start3A_1611 = arith.constant 0 : i32
    %dma_start3A_1612 = arith.constant 0 : i32
    %dma_start3A_1613 = tpu.memref_slice %arg9[%dma_start3A_1598, %dma_start3A_1611, %dma_start3A_1612] : memref<2x8x2048xf32, #tpu.memory_space<vmem>> -> memref<1x8x2048xf32, #tpu.memory_space<vmem>>
    %dma_start3A_1614 = tpu.memref_squeeze %dma_start3A_1613 : memref<1x8x2048xf32, #tpu.memory_space<vmem>> -> memref<8x2048xf32, #tpu.memory_space<vmem>>
    tpu.enqueue_dma source(%dma_start3A_1614 : memref<8x2048xf32, #tpu.memory_space<vmem>>) target(%dma_start3A_1610 : memref<8x2048xf32, #tpu.memory_space<hbm>>) target_semaphore(%arg10 : memref<!tpu.dma_semaphore, #tpu.memory_space<semaphore_mem>>)
    %dma_start3A_1615 = arith.constant 0 : i32
    %dma_start3A_1616 = arith.constant 0 : i32
    %dma_start3A_1617 = arith.constant 0 : i32
    %dma_start3A_1618 = tpu.memref_slice %arg9[%dma_start3A_1615, %dma_start3A_1616, %dma_start3A_1617] : memref<2x8x2048xf32, #tpu.memory_space<vmem>> -> memref<1x8x2048xf32, #tpu.memory_space<vmem>>
    %dma_start3A_1619 = tpu.memref_squeeze %dma_start3A_1618 : memref<1x8x2048xf32, #tpu.memory_space<vmem>> -> memref<8x2048xf32, #tpu.memory_space<vmem>>
    %dma_start3A_1620 = arith.constant 24 : i32
    %dma_start3A_1621 = arith.constant 0 : i32
    %dma_start3A_1622 = tpu.memref_slice %arg5[%add3A_1421, %dma_start3A_1620, %dma_start3A_1621] : memref<256x64x2048xf32, #tpu.memory_space<hbm>> -> memref<1x8x2048xf32, #tpu.memory_space<hbm>>
    %dma_start3A_1623 = tpu.memref_squeeze %dma_start3A_1622 : memref<1x8x2048xf32, #tpu.memory_space<hbm>> -> memref<8x2048xf32, #tpu.memory_space<hbm>>
    %dma_start3A_1624 = arith.constant 24 : i32
    %dma_start3A_1625 = arith.constant 0 : i32
    %dma_start3A_1626 = tpu.memref_slice %arg5[%add3A_1421, %dma_start3A_1624, %dma_start3A_1625] : memref<256x64x2048xf32, #tpu.memory_space<hbm>> -> memref<1x8x2048xf32, #tpu.memory_space<hbm>>
    %dma_start3A_1627 = tpu.memref_squeeze %dma_start3A_1626 : memref<1x8x2048xf32, #tpu.memory_space<hbm>> -> memref<8x2048xf32, #tpu.memory_space<hbm>>
    %dma_start3A_1628 = arith.constant 0 : i32
    %dma_start3A_1629 = arith.constant 0 : i32
    %dma_start3A_1630 = tpu.memref_slice %arg9[%dma_start3A_1615, %dma_start3A_1628, %dma_start3A_1629] : memref<2x8x2048xf32, #tpu.memory_space<vmem>> -> memref<1x8x2048xf32, #tpu.memory_space<vmem>>
    %dma_start3A_1631 = tpu.memref_squeeze %dma_start3A_1630 : memref<1x8x2048xf32, #tpu.memory_space<vmem>> -> memref<8x2048xf32, #tpu.memory_space<vmem>>
    tpu.enqueue_dma source(%dma_start3A_1631 : memref<8x2048xf32, #tpu.memory_space<vmem>>) target(%dma_start3A_1627 : memref<8x2048xf32, #tpu.memory_space<hbm>>) target_semaphore(%arg10 : memref<!tpu.dma_semaphore, #tpu.memory_space<semaphore_mem>>)
    %dma_start3A_1632 = arith.constant 0 : i32
    %dma_start3A_1633 = arith.constant 0 : i32
    %dma_start3A_1634 = arith.constant 0 : i32
    %dma_start3A_1635 = tpu.memref_slice %arg9[%dma_start3A_1632, %dma_start3A_1633, %dma_start3A_1634] : memref<2x8x2048xf32, #tpu.memory_space<vmem>> -> memref<1x8x2048xf32, #tpu.memory_space<vmem>>
    %dma_start3A_1636 = tpu.memref_squeeze %dma_start3A_1635 : memref<1x8x2048xf32, #tpu.memory_space<vmem>> -> memref<8x2048xf32, #tpu.memory_space<vmem>>
    %dma_start3A_1637 = arith.constant 32 : i32
    %dma_start3A_1638 = arith.constant 0 : i32
    %dma_start3A_1639 = tpu.memref_slice %arg5[%add3A_1421, %dma_start3A_1637, %dma_start3A_1638] : memref<256x64x2048xf32, #tpu.memory_space<hbm>> -> memref<1x8x2048xf32, #tpu.memory_space<hbm>>
    %dma_start3A_1640 = tpu.memref_squeeze %dma_start3A_1639 : memref<1x8x2048xf32, #tpu.memory_space<hbm>> -> memref<8x2048xf32, #tpu.memory_space<hbm>>
    %dma_start3A_1641 = arith.constant 32 : i32
    %dma_start3A_1642 = arith.constant 0 : i32
    %dma_start3A_1643 = tpu.memref_slice %arg5[%add3A_1421, %dma_start3A_1641, %dma_start3A_1642] : memref<256x64x2048xf32, #tpu.memory_space<hbm>> -> memref<1x8x2048xf32, #tpu.memory_space<hbm>>
    %dma_start3A_1644 = tpu.memref_squeeze %dma_start3A_1643 : memref<1x8x2048xf32, #tpu.memory_space<hbm>> -> memref<8x2048xf32, #tpu.memory_space<hbm>>
    %dma_start3A_1645 = arith.constant 0 : i32
    %dma_start3A_1646 = arith.constant 0 : i32
    %dma_start3A_1647 = tpu.memref_slice %arg9[%dma_start3A_1632, %dma_start3A_1645, %dma_start3A_1646] : memref<2x8x2048xf32, #tpu.memory_space<vmem>> -> memref<1x8x2048xf32, #tpu.memory_space<vmem>>
    %dma_start3A_1648 = tpu.memref_squeeze %dma_start3A_1647 : memref<1x8x2048xf32, #tpu.memory_space<vmem>> -> memref<8x2048xf32, #tpu.memory_space<vmem>>
    tpu.enqueue_dma source(%dma_start3A_1648 : memref<8x2048xf32, #tpu.memory_space<vmem>>) target(%dma_start3A_1644 : memref<8x2048xf32, #tpu.memory_space<hbm>>) target_semaphore(%arg10 : memref<!tpu.dma_semaphore, #tpu.memory_space<semaphore_mem>>)
    %dma_start3A_1649 = arith.constant 0 : i32
    %dma_start3A_1650 = arith.constant 0 : i32
    %dma_start3A_1651 = arith.constant 0 : i32
    %dma_start3A_1652 = tpu.memref_slice %arg9[%dma_start3A_1649, %dma_start3A_1650, %dma_start3A_1651] : memref<2x8x2048xf32, #tpu.memory_space<vmem>> -> memref<1x8x2048xf32, #tpu.memory_space<vmem>>
    %dma_start3A_1653 = tpu.memref_squeeze %dma_start3A_1652 : memref<1x8x2048xf32, #tpu.memory_space<vmem>> -> memref<8x2048xf32, #tpu.memory_space<vmem>>
    %dma_start3A_1654 = arith.constant 40 : i32
    %dma_start3A_1655 = arith.constant 0 : i32
    %dma_start3A_1656 = tpu.memref_slice %arg5[%add3A_1421, %dma_start3A_1654, %dma_start3A_1655] : memref<256x64x2048xf32, #tpu.memory_space<hbm>> -> memref<1x8x2048xf32, #tpu.memory_space<hbm>>
    %dma_start3A_1657 = tpu.memref_squeeze %dma_start3A_1656 : memref<1x8x2048xf32, #tpu.memory_space<hbm>> -> memref<8x2048xf32, #tpu.memory_space<hbm>>
    %dma_start3A_1658 = arith.constant 40 : i32
    %dma_start3A_1659 = arith.constant 0 : i32
    %dma_start3A_1660 = tpu.memref_slice %arg5[%add3A_1421, %dma_start3A_1658, %dma_start3A_1659] : memref<256x64x2048xf32, #tpu.memory_space<hbm>> -> memref<1x8x2048xf32, #tpu.memory_space<hbm>>
    %dma_start3A_1661 = tpu.memref_squeeze %dma_start3A_1660 : memref<1x8x2048xf32, #tpu.memory_space<hbm>> -> memref<8x2048xf32, #tpu.memory_space<hbm>>
    %dma_start3A_1662 = arith.constant 0 : i32
    %dma_start3A_1663 = arith.constant 0 : i32
    %dma_start3A_1664 = tpu.memref_slice %arg9[%dma_start3A_1649, %dma_start3A_1662, %dma_start3A_1663] : memref<2x8x2048xf32, #tpu.memory_space<vmem>> -> memref<1x8x2048xf32, #tpu.memory_space<vmem>>
    %dma_start3A_1665 = tpu.memref_squeeze %dma_start3A_1664 : memref<1x8x2048xf32, #tpu.memory_space<vmem>> -> memref<8x2048xf32, #tpu.memory_space<vmem>>
    tpu.enqueue_dma source(%dma_start3A_1665 : memref<8x2048xf32, #tpu.memory_space<vmem>>) target(%dma_start3A_1661 : memref<8x2048xf32, #tpu.memory_space<hbm>>) target_semaphore(%arg10 : memref<!tpu.dma_semaphore, #tpu.memory_space<semaphore_mem>>)
    %dma_start3A_1666 = arith.constant 0 : i32
    %dma_start3A_1667 = arith.constant 0 : i32
    %dma_start3A_1668 = arith.constant 0 : i32
    %dma_start3A_1669 = tpu.memref_slice %arg9[%dma_start3A_1666, %dma_start3A_1667, %dma_start3A_1668] : memref<2x8x2048xf32, #tpu.memory_space<vmem>> -> memref<1x8x2048xf32, #tpu.memory_space<vmem>>
    %dma_start3A_1670 = tpu.memref_squeeze %dma_start3A_1669 : memref<1x8x2048xf32, #tpu.memory_space<vmem>> -> memref<8x2048xf32, #tpu.memory_space<vmem>>
    %dma_start3A_1671 = arith.constant 48 : i32
    %dma_start3A_1672 = arith.constant 0 : i32
    %dma_start3A_1673 = tpu.memref_slice %arg5[%add3A_1421, %dma_start3A_1671, %dma_start3A_1672] : memref<256x64x2048xf32, #tpu.memory_space<hbm>> -> memref<1x8x2048xf32, #tpu.memory_space<hbm>>
    %dma_start3A_1674 = tpu.memref_squeeze %dma_start3A_1673 : memref<1x8x2048xf32, #tpu.memory_space<hbm>> -> memref<8x2048xf32, #tpu.memory_space<hbm>>
    %dma_start3A_1675 = arith.constant 48 : i32
    %dma_start3A_1676 = arith.constant 0 : i32
    %dma_start3A_1677 = tpu.memref_slice %arg5[%add3A_1421, %dma_start3A_1675, %dma_start3A_1676] : memref<256x64x2048xf32, #tpu.memory_space<hbm>> -> memref<1x8x2048xf32, #tpu.memory_space<hbm>>
    %dma_start3A_1678 = tpu.memref_squeeze %dma_start3A_1677 : memref<1x8x2048xf32, #tpu.memory_space<hbm>> -> memref<8x2048xf32, #tpu.memory_space<hbm>>
    %dma_start3A_1679 = arith.constant 0 : i32
    %dma_start3A_1680 = arith.constant 0 : i32
    %dma_start3A_1681 = tpu.memref_slice %arg9[%dma_start3A_1666, %dma_start3A_1679, %dma_start3A_1680] : memref<2x8x2048xf32, #tpu.memory_space<vmem>> -> memref<1x8x2048xf32, #tpu.memory_space<vmem>>
    %dma_start3A_1682 = tpu.memref_squeeze %dma_start3A_1681 : memref<1x8x2048xf32, #tpu.memory_space<vmem>> -> memref<8x2048xf32, #tpu.memory_space<vmem>>
    tpu.enqueue_dma source(%dma_start3A_1682 : memref<8x2048xf32, #tpu.memory_space<vmem>>) target(%dma_start3A_1678 : memref<8x2048xf32, #tpu.memory_space<hbm>>) target_semaphore(%arg10 : memref<!tpu.dma_semaphore, #tpu.memory_space<semaphore_mem>>)
    %dma_start3A_1683 = arith.constant 0 : i32
    %dma_start3A_1684 = arith.constant 0 : i32
    %dma_start3A_1685 = arith.constant 0 : i32
    %dma_start3A_1686 = tpu.memref_slice %arg9[%dma_start3A_1683, %dma_start3A_1684, %dma_start3A_1685] : memref<2x8x2048xf32, #tpu.memory_space<vmem>> -> memref<1x8x2048xf32, #tpu.memory_space<vmem>>
    %dma_start3A_1687 = tpu.memref_squeeze %dma_start3A_1686 : memref<1x8x2048xf32, #tpu.memory_space<vmem>> -> memref<8x2048xf32, #tpu.memory_space<vmem>>
    %dma_start3A_1688 = arith.constant 56 : i32
    %dma_start3A_1689 = arith.constant 0 : i32
    %dma_start3A_1690 = tpu.memref_slice %arg5[%add3A_1421, %dma_start3A_1688, %dma_start3A_1689] : memref<256x64x2048xf32, #tpu.memory_space<hbm>> -> memref<1x8x2048xf32, #tpu.memory_space<hbm>>
    %dma_start3A_1691 = tpu.memref_squeeze %dma_start3A_1690 : memref<1x8x2048xf32, #tpu.memory_space<hbm>> -> memref<8x2048xf32, #tpu.memory_space<hbm>>
    %dma_start3A_1692 = arith.constant 56 : i32
    %dma_start3A_1693 = arith.constant 0 : i32
    %dma_start3A_1694 = tpu.memref_slice %arg5[%add3A_1421, %dma_start3A_1692, %dma_start3A_1693] : memref<256x64x2048xf32, #tpu.memory_space<hbm>> -> memref<1x8x2048xf32, #tpu.memory_space<hbm>>
    %dma_start3A_1695 = tpu.memref_squeeze %dma_start3A_1694 : memref<1x8x2048xf32, #tpu.memory_space<hbm>> -> memref<8x2048xf32, #tpu.memory_space<hbm>>
    %dma_start3A_1696 = arith.constant 0 : i32
    %dma_start3A_1697 = arith.constant 0 : i32
    %dma_start3A_1698 = tpu.memref_slice %arg9[%dma_start3A_1683, %dma_start3A_1696, %dma_start3A_1697] : memref<2x8x2048xf32, #tpu.memory_space<vmem>> -> memref<1x8x2048xf32, #tpu.memory_space<vmem>>
    %dma_start3A_1699 = tpu.memref_squeeze %dma_start3A_1698 : memref<1x8x2048xf32, #tpu.memory_space<vmem>> -> memref<8x2048xf32, #tpu.memory_space<vmem>>
    tpu.enqueue_dma source(%dma_start3A_1699 : memref<8x2048xf32, #tpu.memory_space<vmem>>) target(%dma_start3A_1695 : memref<8x2048xf32, #tpu.memory_space<hbm>>) target_semaphore(%arg10 : memref<!tpu.dma_semaphore, #tpu.memory_space<semaphore_mem>>)
    %mul3A_1700 = arith.constant 8 : i32
    %mul3A_1701 = arith.muli %add3A, %mul3A_1700 : i32
    %add3A_1702 = arith.constant 7 : i32
    %add3A_1703 = arith.addi %mul3A_1701, %add3A_1702 : i32
    "tpu.region"() ({
      %run_scoped3A = tpu.sem_alloc : memref<!tpu.dma_semaphore, #tpu.memory_space<semaphore_mem>>
      %dma_start3A_2254 = arith.constant 0 : i32
      %dma_start3A_2255 = arith.constant 0 : i32
      %dma_start3A_2256 = tpu.memref_slice %arg2[%add3A_1703, %dma_start3A_2254, %dma_start3A_2255] : memref<256x256x256xf32, #tpu.memory_space<hbm>> -> memref<1x256x256xf32, #tpu.memory_space<hbm>>
      %dma_start3A_2257 = tpu.memref_squeeze %dma_start3A_2256 : memref<1x256x256xf32, #tpu.memory_space<hbm>> -> memref<256x256xf32, #tpu.memory_space<hbm>>
      %dma_start3A_2258 = arith.constant 0 : i32
      %dma_start3A_2259 = arith.constant 0 : i32
      %dma_start3A_2260 = tpu.memref_slice %arg2[%add3A_1703, %dma_start3A_2258, %dma_start3A_2259] : memref<256x256x256xf32, #tpu.memory_space<hbm>> -> memref<1x256x256xf32, #tpu.memory_space<hbm>>
      %dma_start3A_2261 = tpu.memref_squeeze %dma_start3A_2260 : memref<1x256x256xf32, #tpu.memory_space<hbm>> -> memref<256x256xf32, #tpu.memory_space<hbm>>
      tpu.enqueue_dma source(%dma_start3A_2261 : memref<256x256xf32, #tpu.memory_space<hbm>>) target(%arg6 : memref<256x256xf32, #tpu.memory_space<vmem>>) target_semaphore(%run_scoped3A : memref<!tpu.dma_semaphore, #tpu.memory_space<semaphore_mem>>)
      %dma_wait3A_2262 = arith.constant 0 : i32
      %dma_wait3A_2263 = arith.constant 0 : i32
      %dma_wait3A_2264 = tpu.memref_slice %arg2[%add3A_1703, %dma_wait3A_2262, %dma_wait3A_2263] : memref<256x256x256xf32, #tpu.memory_space<hbm>> -> memref<1x256x256xf32, #tpu.memory_space<hbm>>
      %dma_wait3A_2265 = tpu.memref_squeeze %dma_wait3A_2264 : memref<1x256x256xf32, #tpu.memory_space<hbm>> -> memref<256x256xf32, #tpu.memory_space<hbm>>
      %dma_wait3A_2266 = arith.constant 0 : i32
      %dma_wait3A_2267 = arith.constant 0 : i32
      %dma_wait3A_2268 = tpu.memref_slice %arg2[%add3A_1703, %dma_wait3A_2266, %dma_wait3A_2267] : memref<256x256x256xf32, #tpu.memory_space<hbm>> -> memref<1x256x256xf32, #tpu.memory_space<hbm>>
      %dma_wait3A_2269 = tpu.memref_squeeze %dma_wait3A_2268 : memref<1x256x256xf32, #tpu.memory_space<hbm>> -> memref<256x256xf32, #tpu.memory_space<hbm>>
      tpu.wait_dma2 semaphore(%run_scoped3A : memref<!tpu.dma_semaphore, #tpu.memory_space<semaphore_mem>>) src(%dma_wait3A_2269 : memref<256x256xf32, #tpu.memory_space<hbm>>) dst(%arg6 : memref<256x256xf32, #tpu.memory_space<vmem>>)
      tpu.yield
    }) : () -> ()
    %dma_wait3A_1704 = arith.constant 1 : i32
    %dma_wait3A_1705 = arith.constant 0 : i32
    %dma_wait3A_1706 = arith.constant 0 : i32
    %dma_wait3A_1707 = tpu.memref_slice %arg9[%dma_wait3A_1704, %dma_wait3A_1705, %dma_wait3A_1706] : memref<2x8x2048xf32, #tpu.memory_space<vmem>> -> memref<1x8x2048xf32, #tpu.memory_space<vmem>>
    %dma_wait3A_1708 = tpu.memref_squeeze %dma_wait3A_1707 : memref<1x8x2048xf32, #tpu.memory_space<vmem>> -> memref<8x2048xf32, #tpu.memory_space<vmem>>
    %dma_wait3A_1709 = arith.constant 0 : i32
    %dma_wait3A_1710 = arith.constant 0 : i32
    %dma_wait3A_1711 = tpu.memref_slice %arg5[%add3A_1139, %dma_wait3A_1709, %dma_wait3A_1710] : memref<256x64x2048xf32, #tpu.memory_space<hbm>> -> memref<1x8x2048xf32, #tpu.memory_space<hbm>>
    %dma_wait3A_1712 = tpu.memref_squeeze %dma_wait3A_1711 : memref<1x8x2048xf32, #tpu.memory_space<hbm>> -> memref<8x2048xf32, #tpu.memory_space<hbm>>
    %dma_wait3A_1713 = arith.constant 0 : i32
    %dma_wait3A_1714 = arith.constant 0 : i32
    %dma_wait3A_1715 = tpu.memref_slice %arg5[%add3A_1139, %dma_wait3A_1713, %dma_wait3A_1714] : memref<256x64x2048xf32, #tpu.memory_space<hbm>> -> memref<1x8x2048xf32, #tpu.memory_space<hbm>>
    %dma_wait3A_1716 = tpu.memref_squeeze %dma_wait3A_1715 : memref<1x8x2048xf32, #tpu.memory_space<hbm>> -> memref<8x2048xf32, #tpu.memory_space<hbm>>
    %dma_wait3A_1717 = arith.constant 0 : i32
    %dma_wait3A_1718 = arith.constant 0 : i32
    %dma_wait3A_1719 = tpu.memref_slice %arg9[%dma_wait3A_1704, %dma_wait3A_1717, %dma_wait3A_1718] : memref<2x8x2048xf32, #tpu.memory_space<vmem>> -> memref<1x8x2048xf32, #tpu.memory_space<vmem>>
    %dma_wait3A_1720 = tpu.memref_squeeze %dma_wait3A_1719 : memref<1x8x2048xf32, #tpu.memory_space<vmem>> -> memref<8x2048xf32, #tpu.memory_space<vmem>>
    tpu.wait_dma2 semaphore(%arg11 : memref<!tpu.dma_semaphore, #tpu.memory_space<semaphore_mem>>) src(%dma_wait3A_1720 : memref<8x2048xf32, #tpu.memory_space<vmem>>) dst(%dma_wait3A_1716 : memref<8x2048xf32, #tpu.memory_space<hbm>>)
    %dma_wait3A_1721 = arith.constant 1 : i32
    %dma_wait3A_1722 = arith.constant 0 : i32
    %dma_wait3A_1723 = arith.constant 0 : i32
    %dma_wait3A_1724 = tpu.memref_slice %arg9[%dma_wait3A_1721, %dma_wait3A_1722, %dma_wait3A_1723] : memref<2x8x2048xf32, #tpu.memory_space<vmem>> -> memref<1x8x2048xf32, #tpu.memory_space<vmem>>
    %dma_wait3A_1725 = tpu.memref_squeeze %dma_wait3A_1724 : memref<1x8x2048xf32, #tpu.memory_space<vmem>> -> memref<8x2048xf32, #tpu.memory_space<vmem>>
    %dma_wait3A_1726 = arith.constant 8 : i32
    %dma_wait3A_1727 = arith.constant 0 : i32
    %dma_wait3A_1728 = tpu.memref_slice %arg5[%add3A_1139, %dma_wait3A_1726, %dma_wait3A_1727] : memref<256x64x2048xf32, #tpu.memory_space<hbm>> -> memref<1x8x2048xf32, #tpu.memory_space<hbm>>
    %dma_wait3A_1729 = tpu.memref_squeeze %dma_wait3A_1728 : memref<1x8x2048xf32, #tpu.memory_space<hbm>> -> memref<8x2048xf32, #tpu.memory_space<hbm>>
    %dma_wait3A_1730 = arith.constant 8 : i32
    %dma_wait3A_1731 = arith.constant 0 : i32
    %dma_wait3A_1732 = tpu.memref_slice %arg5[%add3A_1139, %dma_wait3A_1730, %dma_wait3A_1731] : memref<256x64x2048xf32, #tpu.memory_space<hbm>> -> memref<1x8x2048xf32, #tpu.memory_space<hbm>>
    %dma_wait3A_1733 = tpu.memref_squeeze %dma_wait3A_1732 : memref<1x8x2048xf32, #tpu.memory_space<hbm>> -> memref<8x2048xf32, #tpu.memory_space<hbm>>
    %dma_wait3A_1734 = arith.constant 0 : i32
    %dma_wait3A_1735 = arith.constant 0 : i32
    %dma_wait3A_1736 = tpu.memref_slice %arg9[%dma_wait3A_1721, %dma_wait3A_1734, %dma_wait3A_1735] : memref<2x8x2048xf32, #tpu.memory_space<vmem>> -> memref<1x8x2048xf32, #tpu.memory_space<vmem>>
    %dma_wait3A_1737 = tpu.memref_squeeze %dma_wait3A_1736 : memref<1x8x2048xf32, #tpu.memory_space<vmem>> -> memref<8x2048xf32, #tpu.memory_space<vmem>>
    tpu.wait_dma2 semaphore(%arg11 : memref<!tpu.dma_semaphore, #tpu.memory_space<semaphore_mem>>) src(%dma_wait3A_1737 : memref<8x2048xf32, #tpu.memory_space<vmem>>) dst(%dma_wait3A_1733 : memref<8x2048xf32, #tpu.memory_space<hbm>>)
    %dma_wait3A_1738 = arith.constant 1 : i32
    %dma_wait3A_1739 = arith.constant 0 : i32
    %dma_wait3A_1740 = arith.constant 0 : i32
    %dma_wait3A_1741 = tpu.memref_slice %arg9[%dma_wait3A_1738, %dma_wait3A_1739, %dma_wait3A_1740] : memref<2x8x2048xf32, #tpu.memory_space<vmem>> -> memref<1x8x2048xf32, #tpu.memory_space<vmem>>
    %dma_wait3A_1742 = tpu.memref_squeeze %dma_wait3A_1741 : memref<1x8x2048xf32, #tpu.memory_space<vmem>> -> memref<8x2048xf32, #tpu.memory_space<vmem>>
    %dma_wait3A_1743 = arith.constant 16 : i32
    %dma_wait3A_1744 = arith.constant 0 : i32
    %dma_wait3A_1745 = tpu.memref_slice %arg5[%add3A_1139, %dma_wait3A_1743, %dma_wait3A_1744] : memref<256x64x2048xf32, #tpu.memory_space<hbm>> -> memref<1x8x2048xf32, #tpu.memory_space<hbm>>
    %dma_wait3A_1746 = tpu.memref_squeeze %dma_wait3A_1745 : memref<1x8x2048xf32, #tpu.memory_space<hbm>> -> memref<8x2048xf32, #tpu.memory_space<hbm>>
    %dma_wait3A_1747 = arith.constant 16 : i32
    %dma_wait3A_1748 = arith.constant 0 : i32
    %dma_wait3A_1749 = tpu.memref_slice %arg5[%add3A_1139, %dma_wait3A_1747, %dma_wait3A_1748] : memref<256x64x2048xf32, #tpu.memory_space<hbm>> -> memref<1x8x2048xf32, #tpu.memory_space<hbm>>
    %dma_wait3A_1750 = tpu.memref_squeeze %dma_wait3A_1749 : memref<1x8x2048xf32, #tpu.memory_space<hbm>> -> memref<8x2048xf32, #tpu.memory_space<hbm>>
    %dma_wait3A_1751 = arith.constant 0 : i32
    %dma_wait3A_1752 = arith.constant 0 : i32
    %dma_wait3A_1753 = tpu.memref_slice %arg9[%dma_wait3A_1738, %dma_wait3A_1751, %dma_wait3A_1752] : memref<2x8x2048xf32, #tpu.memory_space<vmem>> -> memref<1x8x2048xf32, #tpu.memory_space<vmem>>
    %dma_wait3A_1754 = tpu.memref_squeeze %dma_wait3A_1753 : memref<1x8x2048xf32, #tpu.memory_space<vmem>> -> memref<8x2048xf32, #tpu.memory_space<vmem>>
    tpu.wait_dma2 semaphore(%arg11 : memref<!tpu.dma_semaphore, #tpu.memory_space<semaphore_mem>>) src(%dma_wait3A_1754 : memref<8x2048xf32, #tpu.memory_space<vmem>>) dst(%dma_wait3A_1750 : memref<8x2048xf32, #tpu.memory_space<hbm>>)
    %dma_wait3A_1755 = arith.constant 1 : i32
    %dma_wait3A_1756 = arith.constant 0 : i32
    %dma_wait3A_1757 = arith.constant 0 : i32
    %dma_wait3A_1758 = tpu.memref_slice %arg9[%dma_wait3A_1755, %dma_wait3A_1756, %dma_wait3A_1757] : memref<2x8x2048xf32, #tpu.memory_space<vmem>> -> memref<1x8x2048xf32, #tpu.memory_space<vmem>>
    %dma_wait3A_1759 = tpu.memref_squeeze %dma_wait3A_1758 : memref<1x8x2048xf32, #tpu.memory_space<vmem>> -> memref<8x2048xf32, #tpu.memory_space<vmem>>
    %dma_wait3A_1760 = arith.constant 24 : i32
    %dma_wait3A_1761 = arith.constant 0 : i32
    %dma_wait3A_1762 = tpu.memref_slice %arg5[%add3A_1139, %dma_wait3A_1760, %dma_wait3A_1761] : memref<256x64x2048xf32, #tpu.memory_space<hbm>> -> memref<1x8x2048xf32, #tpu.memory_space<hbm>>
    %dma_wait3A_1763 = tpu.memref_squeeze %dma_wait3A_1762 : memref<1x8x2048xf32, #tpu.memory_space<hbm>> -> memref<8x2048xf32, #tpu.memory_space<hbm>>
    %dma_wait3A_1764 = arith.constant 24 : i32
    %dma_wait3A_1765 = arith.constant 0 : i32
    %dma_wait3A_1766 = tpu.memref_slice %arg5[%add3A_1139, %dma_wait3A_1764, %dma_wait3A_1765] : memref<256x64x2048xf32, #tpu.memory_space<hbm>> -> memref<1x8x2048xf32, #tpu.memory_space<hbm>>
    %dma_wait3A_1767 = tpu.memref_squeeze %dma_wait3A_1766 : memref<1x8x2048xf32, #tpu.memory_space<hbm>> -> memref<8x2048xf32, #tpu.memory_space<hbm>>
    %dma_wait3A_1768 = arith.constant 0 : i32
    %dma_wait3A_1769 = arith.constant 0 : i32
    %dma_wait3A_1770 = tpu.memref_slice %arg9[%dma_wait3A_1755, %dma_wait3A_1768, %dma_wait3A_1769] : memref<2x8x2048xf32, #tpu.memory_space<vmem>> -> memref<1x8x2048xf32, #tpu.memory_space<vmem>>
    %dma_wait3A_1771 = tpu.memref_squeeze %dma_wait3A_1770 : memref<1x8x2048xf32, #tpu.memory_space<vmem>> -> memref<8x2048xf32, #tpu.memory_space<vmem>>
    tpu.wait_dma2 semaphore(%arg11 : memref<!tpu.dma_semaphore, #tpu.memory_space<semaphore_mem>>) src(%dma_wait3A_1771 : memref<8x2048xf32, #tpu.memory_space<vmem>>) dst(%dma_wait3A_1767 : memref<8x2048xf32, #tpu.memory_space<hbm>>)
    %dma_wait3A_1772 = arith.constant 1 : i32
    %dma_wait3A_1773 = arith.constant 0 : i32
    %dma_wait3A_1774 = arith.constant 0 : i32
    %dma_wait3A_1775 = tpu.memref_slice %arg9[%dma_wait3A_1772, %dma_wait3A_1773, %dma_wait3A_1774] : memref<2x8x2048xf32, #tpu.memory_space<vmem>> -> memref<1x8x2048xf32, #tpu.memory_space<vmem>>
    %dma_wait3A_1776 = tpu.memref_squeeze %dma_wait3A_1775 : memref<1x8x2048xf32, #tpu.memory_space<vmem>> -> memref<8x2048xf32, #tpu.memory_space<vmem>>
    %dma_wait3A_1777 = arith.constant 32 : i32
    %dma_wait3A_1778 = arith.constant 0 : i32
    %dma_wait3A_1779 = tpu.memref_slice %arg5[%add3A_1139, %dma_wait3A_1777, %dma_wait3A_1778] : memref<256x64x2048xf32, #tpu.memory_space<hbm>> -> memref<1x8x2048xf32, #tpu.memory_space<hbm>>
    %dma_wait3A_1780 = tpu.memref_squeeze %dma_wait3A_1779 : memref<1x8x2048xf32, #tpu.memory_space<hbm>> -> memref<8x2048xf32, #tpu.memory_space<hbm>>
    %dma_wait3A_1781 = arith.constant 32 : i32
    %dma_wait3A_1782 = arith.constant 0 : i32
    %dma_wait3A_1783 = tpu.memref_slice %arg5[%add3A_1139, %dma_wait3A_1781, %dma_wait3A_1782] : memref<256x64x2048xf32, #tpu.memory_space<hbm>> -> memref<1x8x2048xf32, #tpu.memory_space<hbm>>
    %dma_wait3A_1784 = tpu.memref_squeeze %dma_wait3A_1783 : memref<1x8x2048xf32, #tpu.memory_space<hbm>> -> memref<8x2048xf32, #tpu.memory_space<hbm>>
    %dma_wait3A_1785 = arith.constant 0 : i32
    %dma_wait3A_1786 = arith.constant 0 : i32
    %dma_wait3A_1787 = tpu.memref_slice %arg9[%dma_wait3A_1772, %dma_wait3A_1785, %dma_wait3A_1786] : memref<2x8x2048xf32, #tpu.memory_space<vmem>> -> memref<1x8x2048xf32, #tpu.memory_space<vmem>>
    %dma_wait3A_1788 = tpu.memref_squeeze %dma_wait3A_1787 : memref<1x8x2048xf32, #tpu.memory_space<vmem>> -> memref<8x2048xf32, #tpu.memory_space<vmem>>
    tpu.wait_dma2 semaphore(%arg11 : memref<!tpu.dma_semaphore, #tpu.memory_space<semaphore_mem>>) src(%dma_wait3A_1788 : memref<8x2048xf32, #tpu.memory_space<vmem>>) dst(%dma_wait3A_1784 : memref<8x2048xf32, #tpu.memory_space<hbm>>)
    %dma_wait3A_1789 = arith.constant 1 : i32
    %dma_wait3A_1790 = arith.constant 0 : i32
    %dma_wait3A_1791 = arith.constant 0 : i32
    %dma_wait3A_1792 = tpu.memref_slice %arg9[%dma_wait3A_1789, %dma_wait3A_1790, %dma_wait3A_1791] : memref<2x8x2048xf32, #tpu.memory_space<vmem>> -> memref<1x8x2048xf32, #tpu.memory_space<vmem>>
    %dma_wait3A_1793 = tpu.memref_squeeze %dma_wait3A_1792 : memref<1x8x2048xf32, #tpu.memory_space<vmem>> -> memref<8x2048xf32, #tpu.memory_space<vmem>>
    %dma_wait3A_1794 = arith.constant 40 : i32
    %dma_wait3A_1795 = arith.constant 0 : i32
    %dma_wait3A_1796 = tpu.memref_slice %arg5[%add3A_1139, %dma_wait3A_1794, %dma_wait3A_1795] : memref<256x64x2048xf32, #tpu.memory_space<hbm>> -> memref<1x8x2048xf32, #tpu.memory_space<hbm>>
    %dma_wait3A_1797 = tpu.memref_squeeze %dma_wait3A_1796 : memref<1x8x2048xf32, #tpu.memory_space<hbm>> -> memref<8x2048xf32, #tpu.memory_space<hbm>>
    %dma_wait3A_1798 = arith.constant 40 : i32
    %dma_wait3A_1799 = arith.constant 0 : i32
    %dma_wait3A_1800 = tpu.memref_slice %arg5[%add3A_1139, %dma_wait3A_1798, %dma_wait3A_1799] : memref<256x64x2048xf32, #tpu.memory_space<hbm>> -> memref<1x8x2048xf32, #tpu.memory_space<hbm>>
    %dma_wait3A_1801 = tpu.memref_squeeze %dma_wait3A_1800 : memref<1x8x2048xf32, #tpu.memory_space<hbm>> -> memref<8x2048xf32, #tpu.memory_space<hbm>>
    %dma_wait3A_1802 = arith.constant 0 : i32
    %dma_wait3A_1803 = arith.constant 0 : i32
    %dma_wait3A_1804 = tpu.memref_slice %arg9[%dma_wait3A_1789, %dma_wait3A_1802, %dma_wait3A_1803] : memref<2x8x2048xf32, #tpu.memory_space<vmem>> -> memref<1x8x2048xf32, #tpu.memory_space<vmem>>
    %dma_wait3A_1805 = tpu.memref_squeeze %dma_wait3A_1804 : memref<1x8x2048xf32, #tpu.memory_space<vmem>> -> memref<8x2048xf32, #tpu.memory_space<vmem>>
    tpu.wait_dma2 semaphore(%arg11 : memref<!tpu.dma_semaphore, #tpu.memory_space<semaphore_mem>>) src(%dma_wait3A_1805 : memref<8x2048xf32, #tpu.memory_space<vmem>>) dst(%dma_wait3A_1801 : memref<8x2048xf32, #tpu.memory_space<hbm>>)
    %dma_wait3A_1806 = arith.constant 1 : i32
    %dma_wait3A_1807 = arith.constant 0 : i32
    %dma_wait3A_1808 = arith.constant 0 : i32
    %dma_wait3A_1809 = tpu.memref_slice %arg9[%dma_wait3A_1806, %dma_wait3A_1807, %dma_wait3A_1808] : memref<2x8x2048xf32, #tpu.memory_space<vmem>> -> memref<1x8x2048xf32, #tpu.memory_space<vmem>>
    %dma_wait3A_1810 = tpu.memref_squeeze %dma_wait3A_1809 : memref<1x8x2048xf32, #tpu.memory_space<vmem>> -> memref<8x2048xf32, #tpu.memory_space<vmem>>
    %dma_wait3A_1811 = arith.constant 48 : i32
    %dma_wait3A_1812 = arith.constant 0 : i32
    %dma_wait3A_1813 = tpu.memref_slice %arg5[%add3A_1139, %dma_wait3A_1811, %dma_wait3A_1812] : memref<256x64x2048xf32, #tpu.memory_space<hbm>> -> memref<1x8x2048xf32, #tpu.memory_space<hbm>>
    %dma_wait3A_1814 = tpu.memref_squeeze %dma_wait3A_1813 : memref<1x8x2048xf32, #tpu.memory_space<hbm>> -> memref<8x2048xf32, #tpu.memory_space<hbm>>
    %dma_wait3A_1815 = arith.constant 48 : i32
    %dma_wait3A_1816 = arith.constant 0 : i32
    %dma_wait3A_1817 = tpu.memref_slice %arg5[%add3A_1139, %dma_wait3A_1815, %dma_wait3A_1816] : memref<256x64x2048xf32, #tpu.memory_space<hbm>> -> memref<1x8x2048xf32, #tpu.memory_space<hbm>>
    %dma_wait3A_1818 = tpu.memref_squeeze %dma_wait3A_1817 : memref<1x8x2048xf32, #tpu.memory_space<hbm>> -> memref<8x2048xf32, #tpu.memory_space<hbm>>
    %dma_wait3A_1819 = arith.constant 0 : i32
    %dma_wait3A_1820 = arith.constant 0 : i32
    %dma_wait3A_1821 = tpu.memref_slice %arg9[%dma_wait3A_1806, %dma_wait3A_1819, %dma_wait3A_1820] : memref<2x8x2048xf32, #tpu.memory_space<vmem>> -> memref<1x8x2048xf32, #tpu.memory_space<vmem>>
    %dma_wait3A_1822 = tpu.memref_squeeze %dma_wait3A_1821 : memref<1x8x2048xf32, #tpu.memory_space<vmem>> -> memref<8x2048xf32, #tpu.memory_space<vmem>>
    tpu.wait_dma2 semaphore(%arg11 : memref<!tpu.dma_semaphore, #tpu.memory_space<semaphore_mem>>) src(%dma_wait3A_1822 : memref<8x2048xf32, #tpu.memory_space<vmem>>) dst(%dma_wait3A_1818 : memref<8x2048xf32, #tpu.memory_space<hbm>>)
    %dma_wait3A_1823 = arith.constant 1 : i32
    %dma_wait3A_1824 = arith.constant 0 : i32
    %dma_wait3A_1825 = arith.constant 0 : i32
    %dma_wait3A_1826 = tpu.memref_slice %arg9[%dma_wait3A_1823, %dma_wait3A_1824, %dma_wait3A_1825] : memref<2x8x2048xf32, #tpu.memory_space<vmem>> -> memref<1x8x2048xf32, #tpu.memory_space<vmem>>
    %dma_wait3A_1827 = tpu.memref_squeeze %dma_wait3A_1826 : memref<1x8x2048xf32, #tpu.memory_space<vmem>> -> memref<8x2048xf32, #tpu.memory_space<vmem>>
    %dma_wait3A_1828 = arith.constant 56 : i32
    %dma_wait3A_1829 = arith.constant 0 : i32
    %dma_wait3A_1830 = tpu.memref_slice %arg5[%add3A_1139, %dma_wait3A_1828, %dma_wait3A_1829] : memref<256x64x2048xf32, #tpu.memory_space<hbm>> -> memref<1x8x2048xf32, #tpu.memory_space<hbm>>
    %dma_wait3A_1831 = tpu.memref_squeeze %dma_wait3A_1830 : memref<1x8x2048xf32, #tpu.memory_space<hbm>> -> memref<8x2048xf32, #tpu.memory_space<hbm>>
    %dma_wait3A_1832 = arith.constant 56 : i32
    %dma_wait3A_1833 = arith.constant 0 : i32
    %dma_wait3A_1834 = tpu.memref_slice %arg5[%add3A_1139, %dma_wait3A_1832, %dma_wait3A_1833] : memref<256x64x2048xf32, #tpu.memory_space<hbm>> -> memref<1x8x2048xf32, #tpu.memory_space<hbm>>
    %dma_wait3A_1835 = tpu.memref_squeeze %dma_wait3A_1834 : memref<1x8x2048xf32, #tpu.memory_space<hbm>> -> memref<8x2048xf32, #tpu.memory_space<hbm>>
    %dma_wait3A_1836 = arith.constant 0 : i32
    %dma_wait3A_1837 = arith.constant 0 : i32
    %dma_wait3A_1838 = tpu.memref_slice %arg9[%dma_wait3A_1823, %dma_wait3A_1836, %dma_wait3A_1837] : memref<2x8x2048xf32, #tpu.memory_space<vmem>> -> memref<1x8x2048xf32, #tpu.memory_space<vmem>>
    %dma_wait3A_1839 = tpu.memref_squeeze %dma_wait3A_1838 : memref<1x8x2048xf32, #tpu.memory_space<vmem>> -> memref<8x2048xf32, #tpu.memory_space<vmem>>
    tpu.wait_dma2 semaphore(%arg11 : memref<!tpu.dma_semaphore, #tpu.memory_space<semaphore_mem>>) src(%dma_wait3A_1839 : memref<8x2048xf32, #tpu.memory_space<vmem>>) dst(%dma_wait3A_1835 : memref<8x2048xf32, #tpu.memory_space<hbm>>)
    %scan3A_1840 = arith.constant 0 : i32
    %scan3A_1841 = arith.constant 0 : i32
    %scan3A_1842 = arith.constant 128 : i32
    %scan3A_1843 = arith.addi %scan3A_1841, %scan3A_1842 : i32
    %scan3A_1844 = arith.constant 1 : i32
    scf.for %scan3A_2254 = %scan3A_1841 to %scan3A_1843 step %scan3A_1844  : i32 {
      %mul3A_2255 = arith.constant 16 : i32
      %mul3A_2256 = arith.muli %scan3A_2254, %mul3A_2255 : i32
      %multiple_of3A = tpu.assume_multiple %mul3A_2256, 16 : i32
      %get3A = arith.constant 0 : i32
      %get3A_2257 = arith.index_cast %get3A : i32 to index
      %get3A_2258 = arith.index_cast %multiple_of3A : i32 to index
      %get3A_2259 = tpu.vector_load %arg7[%get3A_2257, %get3A_2258] {strides = array<i32>} : memref<4x2048xi32, #tpu.memory_space<vmem>>, vector<16xi32>,
      %get3A_2260 = arith.constant 1 : i32
      %get3A_2261 = arith.index_cast %get3A_2260 : i32 to index
      %get3A_2262 = arith.index_cast %multiple_of3A : i32 to index
      %get3A_2263 = tpu.vector_load %arg7[%get3A_2261, %get3A_2262] {strides = array<i32>} : memref<4x2048xi32, #tpu.memory_space<vmem>>, vector<16xi32>,
      %get3A_2264 = arith.constant 2 : i32
      %get3A_2265 = arith.index_cast %get3A_2264 : i32 to index
      %get3A_2266 = arith.index_cast %multiple_of3A : i32 to index
      %get3A_2267 = tpu.vector_load %arg7[%get3A_2265, %get3A_2266] {strides = array<i32>} : memref<4x2048xi32, #tpu.memory_space<vmem>>, vector<16xi32>,
      %get3A_2268 = arith.constant 3 : i32
      %get3A_2269 = arith.index_cast %get3A_2268 : i32 to index
      %get3A_2270 = arith.index_cast %multiple_of3A : i32 to index
      %get3A_2271 = tpu.vector_load %arg7[%get3A_2269, %get3A_2270] {strides = array<i32>} : memref<4x2048xi32, #tpu.memory_space<vmem>>, vector<16xi32>,
      %gather3A = tpu.vector_load_idx %arg6[%get3A_2259, %get3A_2267] : memref<256x256xf32, #tpu.memory_space<vmem>>[vector<16xi32>, vector<16xi32>], vector<16xf32>,
      %gather3A_2272 = tpu.vector_load_idx %arg6[%get3A_2259, %get3A_2271] : memref<256x256xf32, #tpu.memory_space<vmem>>[vector<16xi32>, vector<16xi32>], vector<16xf32>,
      %gather3A_2273 = tpu.vector_load_idx %arg6[%get3A_2263, %get3A_2267] : memref<256x256xf32, #tpu.memory_space<vmem>>[vector<16xi32>, vector<16xi32>], vector<16xf32>,
      %gather3A_2274 = tpu.vector_load_idx %arg6[%get3A_2263, %get3A_2271] : memref<256x256xf32, #tpu.memory_space<vmem>>[vector<16xi32>, vector<16xi32>], vector<16xf32>,
      %get3A_2275 = arith.constant 0 : i32
      %get3A_2276 = arith.index_cast %get3A_2275 : i32 to index
      %get3A_2277 = arith.index_cast %multiple_of3A : i32 to index
      %get3A_2278 = tpu.vector_load %arg8[%get3A_2276, %get3A_2277] {strides = array<i32>} : memref<4x2048xf32, #tpu.memory_space<vmem>>, vector<16xf32>,
      %mul3A_2279 = arith.mulf %gather3A, %get3A_2278 : vector<16xf32>
      %get3A_2280 = arith.constant 1 : i32
      %get3A_2281 = arith.index_cast %get3A_2280 : i32 to index
      %get3A_2282 = arith.index_cast %multiple_of3A : i32 to index
      %get3A_2283 = tpu.vector_load %arg8[%get3A_2281, %get3A_2282] {strides = array<i32>} : memref<4x2048xf32, #tpu.memory_space<vmem>>, vector<16xf32>,
      %mul3A_2284 = arith.mulf %gather3A_2272, %get3A_2283 : vector<16xf32>
      %add3A_2285 = arith.addf %mul3A_2279, %mul3A_2284 : vector<16xf32>
      %get3A_2286 = arith.constant 2 : i32
      %get3A_2287 = arith.index_cast %get3A_2286 : i32 to index
      %get3A_2288 = arith.index_cast %multiple_of3A : i32 to index
      %get3A_2289 = tpu.vector_load %arg8[%get3A_2287, %get3A_2288] {strides = array<i32>} : memref<4x2048xf32, #tpu.memory_space<vmem>>, vector<16xf32>,
      %mul3A_2290 = arith.mulf %gather3A_2273, %get3A_2289 : vector<16xf32>
      %add3A_2291 = arith.addf %add3A_2285, %mul3A_2290 : vector<16xf32>
      %get3A_2292 = arith.constant 3 : i32
      %get3A_2293 = arith.index_cast %get3A_2292 : i32 to index
      %get3A_2294 = arith.index_cast %multiple_of3A : i32 to index
      %get3A_2295 = tpu.vector_load %arg8[%get3A_2293, %get3A_2294] {strides = array<i32>} : memref<4x2048xf32, #tpu.memory_space<vmem>>, vector<16xf32>,
      %mul3A_2296 = arith.mulf %gather3A_2274, %get3A_2295 : vector<16xf32>
      %add3A_2297 = arith.addf %add3A_2291, %mul3A_2296 : vector<16xf32>
      %swap3A = arith.constant 1 : i32
      %swap3A_2298 = arith.constant 0 : i32
      %swap3A_2299 = arith.index_cast %swap3A : i32 to index
      %swap3A_2300 = arith.index_cast %swap3A_2298 : i32 to index
      %swap3A_2301 = arith.index_cast %multiple_of3A : i32 to index
      %swap3A_2302 = tpu.vector_load %arg9[%swap3A_2299, %swap3A_2300, %swap3A_2301] {strides = array<i32>} : memref<2x8x2048xf32, #tpu.memory_space<vmem>>, vector<16xf32>,
      tpu.vector_store %arg9[%swap3A_2299, %swap3A_2300, %swap3A_2301], %add3A_2297 {strides = array<i32>} : memref<2x8x2048xf32, #tpu.memory_space<vmem>>, vector<16xf32>,
      %swap3A_2303 = arith.constant 1 : i32
      %swap3A_2304 = arith.constant 1 : i32
      %swap3A_2305 = arith.index_cast %swap3A_2303 : i32 to index
      %swap3A_2306 = arith.index_cast %swap3A_2304 : i32 to index
      %swap3A_2307 = arith.index_cast %multiple_of3A : i32 to index
      %swap3A_2308 = tpu.vector_load %arg9[%swap3A_2305, %swap3A_2306, %swap3A_2307] {strides = array<i32>} : memref<2x8x2048xf32, #tpu.memory_space<vmem>>, vector<16xf32>,
      tpu.vector_store %arg9[%swap3A_2305, %swap3A_2306, %swap3A_2307], %add3A_2297 {strides = array<i32>} : memref<2x8x2048xf32, #tpu.memory_space<vmem>>, vector<16xf32>,
      %swap3A_2309 = arith.constant 1 : i32
      %swap3A_2310 = arith.constant 2 : i32
      %swap3A_2311 = arith.index_cast %swap3A_2309 : i32 to index
      %swap3A_2312 = arith.index_cast %swap3A_2310 : i32 to index
      %swap3A_2313 = arith.index_cast %multiple_of3A : i32 to index
      %swap3A_2314 = tpu.vector_load %arg9[%swap3A_2311, %swap3A_2312, %swap3A_2313] {strides = array<i32>} : memref<2x8x2048xf32, #tpu.memory_space<vmem>>, vector<16xf32>,
      tpu.vector_store %arg9[%swap3A_2311, %swap3A_2312, %swap3A_2313], %add3A_2297 {strides = array<i32>} : memref<2x8x2048xf32, #tpu.memory_space<vmem>>, vector<16xf32>,
      %swap3A_2315 = arith.constant 1 : i32
      %swap3A_2316 = arith.constant 3 : i32
      %swap3A_2317 = arith.index_cast %swap3A_2315 : i32 to index
      %swap3A_2318 = arith.index_cast %swap3A_2316 : i32 to index
      %swap3A_2319 = arith.index_cast %multiple_of3A : i32 to index
      %swap3A_2320 = tpu.vector_load %arg9[%swap3A_2317, %swap3A_2318, %swap3A_2319] {strides = array<i32>} : memref<2x8x2048xf32, #tpu.memory_space<vmem>>, vector<16xf32>,
      tpu.vector_store %arg9[%swap3A_2317, %swap3A_2318, %swap3A_2319], %add3A_2297 {strides = array<i32>} : memref<2x8x2048xf32, #tpu.memory_space<vmem>>, vector<16xf32>,
      %swap3A_2321 = arith.constant 1 : i32
      %swap3A_2322 = arith.constant 4 : i32
      %swap3A_2323 = arith.index_cast %swap3A_2321 : i32 to index
      %swap3A_2324 = arith.index_cast %swap3A_2322 : i32 to index
      %swap3A_2325 = arith.index_cast %multiple_of3A : i32 to index
      %swap3A_2326 = tpu.vector_load %arg9[%swap3A_2323, %swap3A_2324, %swap3A_2325] {strides = array<i32>} : memref<2x8x2048xf32, #tpu.memory_space<vmem>>, vector<16xf32>,
      tpu.vector_store %arg9[%swap3A_2323, %swap3A_2324, %swap3A_2325], %add3A_2297 {strides = array<i32>} : memref<2x8x2048xf32, #tpu.memory_space<vmem>>, vector<16xf32>,
      %swap3A_2327 = arith.constant 1 : i32
      %swap3A_2328 = arith.constant 5 : i32
      %swap3A_2329 = arith.index_cast %swap3A_2327 : i32 to index
      %swap3A_2330 = arith.index_cast %swap3A_2328 : i32 to index
      %swap3A_2331 = arith.index_cast %multiple_of3A : i32 to index
      %swap3A_2332 = tpu.vector_load %arg9[%swap3A_2329, %swap3A_2330, %swap3A_2331] {strides = array<i32>} : memref<2x8x2048xf32, #tpu.memory_space<vmem>>, vector<16xf32>,
      tpu.vector_store %arg9[%swap3A_2329, %swap3A_2330, %swap3A_2331], %add3A_2297 {strides = array<i32>} : memref<2x8x2048xf32, #tpu.memory_space<vmem>>, vector<16xf32>,
      %swap3A_2333 = arith.constant 1 : i32
      %swap3A_2334 = arith.constant 6 : i32
      %swap3A_2335 = arith.index_cast %swap3A_2333 : i32 to index
      %swap3A_2336 = arith.index_cast %swap3A_2334 : i32 to index
      %swap3A_2337 = arith.index_cast %multiple_of3A : i32 to index
      %swap3A_2338 = tpu.vector_load %arg9[%swap3A_2335, %swap3A_2336, %swap3A_2337] {strides = array<i32>} : memref<2x8x2048xf32, #tpu.memory_space<vmem>>, vector<16xf32>,
      tpu.vector_store %arg9[%swap3A_2335, %swap3A_2336, %swap3A_2337], %add3A_2297 {strides = array<i32>} : memref<2x8x2048xf32, #tpu.memory_space<vmem>>, vector<16xf32>,
      %swap3A_2339 = arith.constant 1 : i32
      %swap3A_2340 = arith.constant 7 : i32
      %swap3A_2341 = arith.index_cast %swap3A_2339 : i32 to index
      %swap3A_2342 = arith.index_cast %swap3A_2340 : i32 to index
      %swap3A_2343 = arith.index_cast %multiple_of3A : i32 to index
      %swap3A_2344 = tpu.vector_load %arg9[%swap3A_2341, %swap3A_2342, %swap3A_2343] {strides = array<i32>} : memref<2x8x2048xf32, #tpu.memory_space<vmem>>, vector<16xf32>,
      tpu.vector_store %arg9[%swap3A_2341, %swap3A_2342, %swap3A_2343], %add3A_2297 {strides = array<i32>} : memref<2x8x2048xf32, #tpu.memory_space<vmem>>, vector<16xf32>,
    }
    %scan3A_1845 = arith.constant 128 : i32
    %dma_start3A_1846 = arith.constant 1 : i32
    %dma_start3A_1847 = arith.constant 0 : i32
    %dma_start3A_1848 = arith.constant 0 : i32
    %dma_start3A_1849 = tpu.memref_slice %arg9[%dma_start3A_1846, %dma_start3A_1847, %dma_start3A_1848] : memref<2x8x2048xf32, #tpu.memory_space<vmem>> -> memref<1x8x2048xf32, #tpu.memory_space<vmem>>
    %dma_start3A_1850 = tpu.memref_squeeze %dma_start3A_1849 : memref<1x8x2048xf32, #tpu.memory_space<vmem>> -> memref<8x2048xf32, #tpu.memory_space<vmem>>
    %dma_start3A_1851 = arith.constant 0 : i32
    %dma_start3A_1852 = arith.constant 0 : i32
    %dma_start3A_1853 = tpu.memref_slice %arg5[%add3A_1703, %dma_start3A_1851, %dma_start3A_1852] : memref<256x64x2048xf32, #tpu.memory_space<hbm>> -> memref<1x8x2048xf32, #tpu.memory_space<hbm>>
    %dma_start3A_1854 = tpu.memref_squeeze %dma_start3A_1853 : memref<1x8x2048xf32, #tpu.memory_space<hbm>> -> memref<8x2048xf32, #tpu.memory_space<hbm>>
    %dma_start3A_1855 = arith.constant 0 : i32
    %dma_start3A_1856 = arith.constant 0 : i32
    %dma_start3A_1857 = tpu.memref_slice %arg5[%add3A_1703, %dma_start3A_1855, %dma_start3A_1856] : memref<256x64x2048xf32, #tpu.memory_space<hbm>> -> memref<1x8x2048xf32, #tpu.memory_space<hbm>>
    %dma_start3A_1858 = tpu.memref_squeeze %dma_start3A_1857 : memref<1x8x2048xf32, #tpu.memory_space<hbm>> -> memref<8x2048xf32, #tpu.memory_space<hbm>>
    %dma_start3A_1859 = arith.constant 0 : i32
    %dma_start3A_1860 = arith.constant 0 : i32
    %dma_start3A_1861 = tpu.memref_slice %arg9[%dma_start3A_1846, %dma_start3A_1859, %dma_start3A_1860] : memref<2x8x2048xf32, #tpu.memory_space<vmem>> -> memref<1x8x2048xf32, #tpu.memory_space<vmem>>
    %dma_start3A_1862 = tpu.memref_squeeze %dma_start3A_1861 : memref<1x8x2048xf32, #tpu.memory_space<vmem>> -> memref<8x2048xf32, #tpu.memory_space<vmem>>
    tpu.enqueue_dma source(%dma_start3A_1862 : memref<8x2048xf32, #tpu.memory_space<vmem>>) target(%dma_start3A_1858 : memref<8x2048xf32, #tpu.memory_space<hbm>>) target_semaphore(%arg11 : memref<!tpu.dma_semaphore, #tpu.memory_space<semaphore_mem>>)
    %dma_start3A_1863 = arith.constant 1 : i32
    %dma_start3A_1864 = arith.constant 0 : i32
    %dma_start3A_1865 = arith.constant 0 : i32
    %dma_start3A_1866 = tpu.memref_slice %arg9[%dma_start3A_1863, %dma_start3A_1864, %dma_start3A_1865] : memref<2x8x2048xf32, #tpu.memory_space<vmem>> -> memref<1x8x2048xf32, #tpu.memory_space<vmem>>
    %dma_start3A_1867 = tpu.memref_squeeze %dma_start3A_1866 : memref<1x8x2048xf32, #tpu.memory_space<vmem>> -> memref<8x2048xf32, #tpu.memory_space<vmem>>
    %dma_start3A_1868 = arith.constant 8 : i32
    %dma_start3A_1869 = arith.constant 0 : i32
    %dma_start3A_1870 = tpu.memref_slice %arg5[%add3A_1703, %dma_start3A_1868, %dma_start3A_1869] : memref<256x64x2048xf32, #tpu.memory_space<hbm>> -> memref<1x8x2048xf32, #tpu.memory_space<hbm>>
    %dma_start3A_1871 = tpu.memref_squeeze %dma_start3A_1870 : memref<1x8x2048xf32, #tpu.memory_space<hbm>> -> memref<8x2048xf32, #tpu.memory_space<hbm>>
    %dma_start3A_1872 = arith.constant 8 : i32
    %dma_start3A_1873 = arith.constant 0 : i32
    %dma_start3A_1874 = tpu.memref_slice %arg5[%add3A_1703, %dma_start3A_1872, %dma_start3A_1873] : memref<256x64x2048xf32, #tpu.memory_space<hbm>> -> memref<1x8x2048xf32, #tpu.memory_space<hbm>>
    %dma_start3A_1875 = tpu.memref_squeeze %dma_start3A_1874 : memref<1x8x2048xf32, #tpu.memory_space<hbm>> -> memref<8x2048xf32, #tpu.memory_space<hbm>>
    %dma_start3A_1876 = arith.constant 0 : i32
    %dma_start3A_1877 = arith.constant 0 : i32
    %dma_start3A_1878 = tpu.memref_slice %arg9[%dma_start3A_1863, %dma_start3A_1876, %dma_start3A_1877] : memref<2x8x2048xf32, #tpu.memory_space<vmem>> -> memref<1x8x2048xf32, #tpu.memory_space<vmem>>
    %dma_start3A_1879 = tpu.memref_squeeze %dma_start3A_1878 : memref<1x8x2048xf32, #tpu.memory_space<vmem>> -> memref<8x2048xf32, #tpu.memory_space<vmem>>
    tpu.enqueue_dma source(%dma_start3A_1879 : memref<8x2048xf32, #tpu.memory_space<vmem>>) target(%dma_start3A_1875 : memref<8x2048xf32, #tpu.memory_space<hbm>>) target_semaphore(%arg11 : memref<!tpu.dma_semaphore, #tpu.memory_space<semaphore_mem>>)
    %dma_start3A_1880 = arith.constant 1 : i32
    %dma_start3A_1881 = arith.constant 0 : i32
    %dma_start3A_1882 = arith.constant 0 : i32
    %dma_start3A_1883 = tpu.memref_slice %arg9[%dma_start3A_1880, %dma_start3A_1881, %dma_start3A_1882] : memref<2x8x2048xf32, #tpu.memory_space<vmem>> -> memref<1x8x2048xf32, #tpu.memory_space<vmem>>
    %dma_start3A_1884 = tpu.memref_squeeze %dma_start3A_1883 : memref<1x8x2048xf32, #tpu.memory_space<vmem>> -> memref<8x2048xf32, #tpu.memory_space<vmem>>
    %dma_start3A_1885 = arith.constant 16 : i32
    %dma_start3A_1886 = arith.constant 0 : i32
    %dma_start3A_1887 = tpu.memref_slice %arg5[%add3A_1703, %dma_start3A_1885, %dma_start3A_1886] : memref<256x64x2048xf32, #tpu.memory_space<hbm>> -> memref<1x8x2048xf32, #tpu.memory_space<hbm>>
    %dma_start3A_1888 = tpu.memref_squeeze %dma_start3A_1887 : memref<1x8x2048xf32, #tpu.memory_space<hbm>> -> memref<8x2048xf32, #tpu.memory_space<hbm>>
    %dma_start3A_1889 = arith.constant 16 : i32
    %dma_start3A_1890 = arith.constant 0 : i32
    %dma_start3A_1891 = tpu.memref_slice %arg5[%add3A_1703, %dma_start3A_1889, %dma_start3A_1890] : memref<256x64x2048xf32, #tpu.memory_space<hbm>> -> memref<1x8x2048xf32, #tpu.memory_space<hbm>>
    %dma_start3A_1892 = tpu.memref_squeeze %dma_start3A_1891 : memref<1x8x2048xf32, #tpu.memory_space<hbm>> -> memref<8x2048xf32, #tpu.memory_space<hbm>>
    %dma_start3A_1893 = arith.constant 0 : i32
    %dma_start3A_1894 = arith.constant 0 : i32
    %dma_start3A_1895 = tpu.memref_slice %arg9[%dma_start3A_1880, %dma_start3A_1893, %dma_start3A_1894] : memref<2x8x2048xf32, #tpu.memory_space<vmem>> -> memref<1x8x2048xf32, #tpu.memory_space<vmem>>
    %dma_start3A_1896 = tpu.memref_squeeze %dma_start3A_1895 : memref<1x8x2048xf32, #tpu.memory_space<vmem>> -> memref<8x2048xf32, #tpu.memory_space<vmem>>
    tpu.enqueue_dma source(%dma_start3A_1896 : memref<8x2048xf32, #tpu.memory_space<vmem>>) target(%dma_start3A_1892 : memref<8x2048xf32, #tpu.memory_space<hbm>>) target_semaphore(%arg11 : memref<!tpu.dma_semaphore, #tpu.memory_space<semaphore_mem>>)
    %dma_start3A_1897 = arith.constant 1 : i32
    %dma_start3A_1898 = arith.constant 0 : i32
    %dma_start3A_1899 = arith.constant 0 : i32
    %dma_start3A_1900 = tpu.memref_slice %arg9[%dma_start3A_1897, %dma_start3A_1898, %dma_start3A_1899] : memref<2x8x2048xf32, #tpu.memory_space<vmem>> -> memref<1x8x2048xf32, #tpu.memory_space<vmem>>
    %dma_start3A_1901 = tpu.memref_squeeze %dma_start3A_1900 : memref<1x8x2048xf32, #tpu.memory_space<vmem>> -> memref<8x2048xf32, #tpu.memory_space<vmem>>
    %dma_start3A_1902 = arith.constant 24 : i32
    %dma_start3A_1903 = arith.constant 0 : i32
    %dma_start3A_1904 = tpu.memref_slice %arg5[%add3A_1703, %dma_start3A_1902, %dma_start3A_1903] : memref<256x64x2048xf32, #tpu.memory_space<hbm>> -> memref<1x8x2048xf32, #tpu.memory_space<hbm>>
    %dma_start3A_1905 = tpu.memref_squeeze %dma_start3A_1904 : memref<1x8x2048xf32, #tpu.memory_space<hbm>> -> memref<8x2048xf32, #tpu.memory_space<hbm>>
    %dma_start3A_1906 = arith.constant 24 : i32
    %dma_start3A_1907 = arith.constant 0 : i32
    %dma_start3A_1908 = tpu.memref_slice %arg5[%add3A_1703, %dma_start3A_1906, %dma_start3A_1907] : memref<256x64x2048xf32, #tpu.memory_space<hbm>> -> memref<1x8x2048xf32, #tpu.memory_space<hbm>>
    %dma_start3A_1909 = tpu.memref_squeeze %dma_start3A_1908 : memref<1x8x2048xf32, #tpu.memory_space<hbm>> -> memref<8x2048xf32, #tpu.memory_space<hbm>>
    %dma_start3A_1910 = arith.constant 0 : i32
    %dma_start3A_1911 = arith.constant 0 : i32
    %dma_start3A_1912 = tpu.memref_slice %arg9[%dma_start3A_1897, %dma_start3A_1910, %dma_start3A_1911] : memref<2x8x2048xf32, #tpu.memory_space<vmem>> -> memref<1x8x2048xf32, #tpu.memory_space<vmem>>
    %dma_start3A_1913 = tpu.memref_squeeze %dma_start3A_1912 : memref<1x8x2048xf32, #tpu.memory_space<vmem>> -> memref<8x2048xf32, #tpu.memory_space<vmem>>
    tpu.enqueue_dma source(%dma_start3A_1913 : memref<8x2048xf32, #tpu.memory_space<vmem>>) target(%dma_start3A_1909 : memref<8x2048xf32, #tpu.memory_space<hbm>>) target_semaphore(%arg11 : memref<!tpu.dma_semaphore, #tpu.memory_space<semaphore_mem>>)
    %dma_start3A_1914 = arith.constant 1 : i32
    %dma_start3A_1915 = arith.constant 0 : i32
    %dma_start3A_1916 = arith.constant 0 : i32
    %dma_start3A_1917 = tpu.memref_slice %arg9[%dma_start3A_1914, %dma_start3A_1915, %dma_start3A_1916] : memref<2x8x2048xf32, #tpu.memory_space<vmem>> -> memref<1x8x2048xf32, #tpu.memory_space<vmem>>
    %dma_start3A_1918 = tpu.memref_squeeze %dma_start3A_1917 : memref<1x8x2048xf32, #tpu.memory_space<vmem>> -> memref<8x2048xf32, #tpu.memory_space<vmem>>
    %dma_start3A_1919 = arith.constant 32 : i32
    %dma_start3A_1920 = arith.constant 0 : i32
    %dma_start3A_1921 = tpu.memref_slice %arg5[%add3A_1703, %dma_start3A_1919, %dma_start3A_1920] : memref<256x64x2048xf32, #tpu.memory_space<hbm>> -> memref<1x8x2048xf32, #tpu.memory_space<hbm>>
    %dma_start3A_1922 = tpu.memref_squeeze %dma_start3A_1921 : memref<1x8x2048xf32, #tpu.memory_space<hbm>> -> memref<8x2048xf32, #tpu.memory_space<hbm>>
    %dma_start3A_1923 = arith.constant 32 : i32
    %dma_start3A_1924 = arith.constant 0 : i32
    %dma_start3A_1925 = tpu.memref_slice %arg5[%add3A_1703, %dma_start3A_1923, %dma_start3A_1924] : memref<256x64x2048xf32, #tpu.memory_space<hbm>> -> memref<1x8x2048xf32, #tpu.memory_space<hbm>>
    %dma_start3A_1926 = tpu.memref_squeeze %dma_start3A_1925 : memref<1x8x2048xf32, #tpu.memory_space<hbm>> -> memref<8x2048xf32, #tpu.memory_space<hbm>>
    %dma_start3A_1927 = arith.constant 0 : i32
    %dma_start3A_1928 = arith.constant 0 : i32
    %dma_start3A_1929 = tpu.memref_slice %arg9[%dma_start3A_1914, %dma_start3A_1927, %dma_start3A_1928] : memref<2x8x2048xf32, #tpu.memory_space<vmem>> -> memref<1x8x2048xf32, #tpu.memory_space<vmem>>
    %dma_start3A_1930 = tpu.memref_squeeze %dma_start3A_1929 : memref<1x8x2048xf32, #tpu.memory_space<vmem>> -> memref<8x2048xf32, #tpu.memory_space<vmem>>
    tpu.enqueue_dma source(%dma_start3A_1930 : memref<8x2048xf32, #tpu.memory_space<vmem>>) target(%dma_start3A_1926 : memref<8x2048xf32, #tpu.memory_space<hbm>>) target_semaphore(%arg11 : memref<!tpu.dma_semaphore, #tpu.memory_space<semaphore_mem>>)
    %dma_start3A_1931 = arith.constant 1 : i32
    %dma_start3A_1932 = arith.constant 0 : i32
    %dma_start3A_1933 = arith.constant 0 : i32
    %dma_start3A_1934 = tpu.memref_slice %arg9[%dma_start3A_1931, %dma_start3A_1932, %dma_start3A_1933] : memref<2x8x2048xf32, #tpu.memory_space<vmem>> -> memref<1x8x2048xf32, #tpu.memory_space<vmem>>
    %dma_start3A_1935 = tpu.memref_squeeze %dma_start3A_1934 : memref<1x8x2048xf32, #tpu.memory_space<vmem>> -> memref<8x2048xf32, #tpu.memory_space<vmem>>
    %dma_start3A_1936 = arith.constant 40 : i32
    %dma_start3A_1937 = arith.constant 0 : i32
    %dma_start3A_1938 = tpu.memref_slice %arg5[%add3A_1703, %dma_start3A_1936, %dma_start3A_1937] : memref<256x64x2048xf32, #tpu.memory_space<hbm>> -> memref<1x8x2048xf32, #tpu.memory_space<hbm>>
    %dma_start3A_1939 = tpu.memref_squeeze %dma_start3A_1938 : memref<1x8x2048xf32, #tpu.memory_space<hbm>> -> memref<8x2048xf32, #tpu.memory_space<hbm>>
    %dma_start3A_1940 = arith.constant 40 : i32
    %dma_start3A_1941 = arith.constant 0 : i32
    %dma_start3A_1942 = tpu.memref_slice %arg5[%add3A_1703, %dma_start3A_1940, %dma_start3A_1941] : memref<256x64x2048xf32, #tpu.memory_space<hbm>> -> memref<1x8x2048xf32, #tpu.memory_space<hbm>>
    %dma_start3A_1943 = tpu.memref_squeeze %dma_start3A_1942 : memref<1x8x2048xf32, #tpu.memory_space<hbm>> -> memref<8x2048xf32, #tpu.memory_space<hbm>>
    %dma_start3A_1944 = arith.constant 0 : i32
    %dma_start3A_1945 = arith.constant 0 : i32
    %dma_start3A_1946 = tpu.memref_slice %arg9[%dma_start3A_1931, %dma_start3A_1944, %dma_start3A_1945] : memref<2x8x2048xf32, #tpu.memory_space<vmem>> -> memref<1x8x2048xf32, #tpu.memory_space<vmem>>
    %dma_start3A_1947 = tpu.memref_squeeze %dma_start3A_1946 : memref<1x8x2048xf32, #tpu.memory_space<vmem>> -> memref<8x2048xf32, #tpu.memory_space<vmem>>
    tpu.enqueue_dma source(%dma_start3A_1947 : memref<8x2048xf32, #tpu.memory_space<vmem>>) target(%dma_start3A_1943 : memref<8x2048xf32, #tpu.memory_space<hbm>>) target_semaphore(%arg11 : memref<!tpu.dma_semaphore, #tpu.memory_space<semaphore_mem>>)
    %dma_start3A_1948 = arith.constant 1 : i32
    %dma_start3A_1949 = arith.constant 0 : i32
    %dma_start3A_1950 = arith.constant 0 : i32
    %dma_start3A_1951 = tpu.memref_slice %arg9[%dma_start3A_1948, %dma_start3A_1949, %dma_start3A_1950] : memref<2x8x2048xf32, #tpu.memory_space<vmem>> -> memref<1x8x2048xf32, #tpu.memory_space<vmem>>
    %dma_start3A_1952 = tpu.memref_squeeze %dma_start3A_1951 : memref<1x8x2048xf32, #tpu.memory_space<vmem>> -> memref<8x2048xf32, #tpu.memory_space<vmem>>
    %dma_start3A_1953 = arith.constant 48 : i32
    %dma_start3A_1954 = arith.constant 0 : i32
    %dma_start3A_1955 = tpu.memref_slice %arg5[%add3A_1703, %dma_start3A_1953, %dma_start3A_1954] : memref<256x64x2048xf32, #tpu.memory_space<hbm>> -> memref<1x8x2048xf32, #tpu.memory_space<hbm>>
    %dma_start3A_1956 = tpu.memref_squeeze %dma_start3A_1955 : memref<1x8x2048xf32, #tpu.memory_space<hbm>> -> memref<8x2048xf32, #tpu.memory_space<hbm>>
    %dma_start3A_1957 = arith.constant 48 : i32
    %dma_start3A_1958 = arith.constant 0 : i32
    %dma_start3A_1959 = tpu.memref_slice %arg5[%add3A_1703, %dma_start3A_1957, %dma_start3A_1958] : memref<256x64x2048xf32, #tpu.memory_space<hbm>> -> memref<1x8x2048xf32, #tpu.memory_space<hbm>>
    %dma_start3A_1960 = tpu.memref_squeeze %dma_start3A_1959 : memref<1x8x2048xf32, #tpu.memory_space<hbm>> -> memref<8x2048xf32, #tpu.memory_space<hbm>>
    %dma_start3A_1961 = arith.constant 0 : i32
    %dma_start3A_1962 = arith.constant 0 : i32
    %dma_start3A_1963 = tpu.memref_slice %arg9[%dma_start3A_1948, %dma_start3A_1961, %dma_start3A_1962] : memref<2x8x2048xf32, #tpu.memory_space<vmem>> -> memref<1x8x2048xf32, #tpu.memory_space<vmem>>
    %dma_start3A_1964 = tpu.memref_squeeze %dma_start3A_1963 : memref<1x8x2048xf32, #tpu.memory_space<vmem>> -> memref<8x2048xf32, #tpu.memory_space<vmem>>
    tpu.enqueue_dma source(%dma_start3A_1964 : memref<8x2048xf32, #tpu.memory_space<vmem>>) target(%dma_start3A_1960 : memref<8x2048xf32, #tpu.memory_space<hbm>>) target_semaphore(%arg11 : memref<!tpu.dma_semaphore, #tpu.memory_space<semaphore_mem>>)
    %dma_start3A_1965 = arith.constant 1 : i32
    %dma_start3A_1966 = arith.constant 0 : i32
    %dma_start3A_1967 = arith.constant 0 : i32
    %dma_start3A_1968 = tpu.memref_slice %arg9[%dma_start3A_1965, %dma_start3A_1966, %dma_start3A_1967] : memref<2x8x2048xf32, #tpu.memory_space<vmem>> -> memref<1x8x2048xf32, #tpu.memory_space<vmem>>
    %dma_start3A_1969 = tpu.memref_squeeze %dma_start3A_1968 : memref<1x8x2048xf32, #tpu.memory_space<vmem>> -> memref<8x2048xf32, #tpu.memory_space<vmem>>
    %dma_start3A_1970 = arith.constant 56 : i32
    %dma_start3A_1971 = arith.constant 0 : i32
    %dma_start3A_1972 = tpu.memref_slice %arg5[%add3A_1703, %dma_start3A_1970, %dma_start3A_1971] : memref<256x64x2048xf32, #tpu.memory_space<hbm>> -> memref<1x8x2048xf32, #tpu.memory_space<hbm>>
    %dma_start3A_1973 = tpu.memref_squeeze %dma_start3A_1972 : memref<1x8x2048xf32, #tpu.memory_space<hbm>> -> memref<8x2048xf32, #tpu.memory_space<hbm>>
    %dma_start3A_1974 = arith.constant 56 : i32
    %dma_start3A_1975 = arith.constant 0 : i32
    %dma_start3A_1976 = tpu.memref_slice %arg5[%add3A_1703, %dma_start3A_1974, %dma_start3A_1975] : memref<256x64x2048xf32, #tpu.memory_space<hbm>> -> memref<1x8x2048xf32, #tpu.memory_space<hbm>>
    %dma_start3A_1977 = tpu.memref_squeeze %dma_start3A_1976 : memref<1x8x2048xf32, #tpu.memory_space<hbm>> -> memref<8x2048xf32, #tpu.memory_space<hbm>>
    %dma_start3A_1978 = arith.constant 0 : i32
    %dma_start3A_1979 = arith.constant 0 : i32
    %dma_start3A_1980 = tpu.memref_slice %arg9[%dma_start3A_1965, %dma_start3A_1978, %dma_start3A_1979] : memref<2x8x2048xf32, #tpu.memory_space<vmem>> -> memref<1x8x2048xf32, #tpu.memory_space<vmem>>
    %dma_start3A_1981 = tpu.memref_squeeze %dma_start3A_1980 : memref<1x8x2048xf32, #tpu.memory_space<vmem>> -> memref<8x2048xf32, #tpu.memory_space<vmem>>
    tpu.enqueue_dma source(%dma_start3A_1981 : memref<8x2048xf32, #tpu.memory_space<vmem>>) target(%dma_start3A_1977 : memref<8x2048xf32, #tpu.memory_space<hbm>>) target_semaphore(%arg11 : memref<!tpu.dma_semaphore, #tpu.memory_space<semaphore_mem>>)
    %dma_wait3A_1982 = arith.constant 0 : i32
    %dma_wait3A_1983 = arith.constant 0 : i32
    %dma_wait3A_1984 = arith.constant 0 : i32
    %dma_wait3A_1985 = tpu.memref_slice %arg9[%dma_wait3A_1982, %dma_wait3A_1983, %dma_wait3A_1984] : memref<2x8x2048xf32, #tpu.memory_space<vmem>> -> memref<1x8x2048xf32, #tpu.memory_space<vmem>>
    %dma_wait3A_1986 = tpu.memref_squeeze %dma_wait3A_1985 : memref<1x8x2048xf32, #tpu.memory_space<vmem>> -> memref<8x2048xf32, #tpu.memory_space<vmem>>
    %dma_wait3A_1987 = arith.constant 0 : i32
    %dma_wait3A_1988 = arith.constant 0 : i32
    %dma_wait3A_1989 = tpu.memref_slice %arg5[%add3A_1421, %dma_wait3A_1987, %dma_wait3A_1988] : memref<256x64x2048xf32, #tpu.memory_space<hbm>> -> memref<1x8x2048xf32, #tpu.memory_space<hbm>>
    %dma_wait3A_1990 = tpu.memref_squeeze %dma_wait3A_1989 : memref<1x8x2048xf32, #tpu.memory_space<hbm>> -> memref<8x2048xf32, #tpu.memory_space<hbm>>
    %dma_wait3A_1991 = arith.constant 0 : i32
    %dma_wait3A_1992 = arith.constant 0 : i32
    %dma_wait3A_1993 = tpu.memref_slice %arg5[%add3A_1421, %dma_wait3A_1991, %dma_wait3A_1992] : memref<256x64x2048xf32, #tpu.memory_space<hbm>> -> memref<1x8x2048xf32, #tpu.memory_space<hbm>>
    %dma_wait3A_1994 = tpu.memref_squeeze %dma_wait3A_1993 : memref<1x8x2048xf32, #tpu.memory_space<hbm>> -> memref<8x2048xf32, #tpu.memory_space<hbm>>
    %dma_wait3A_1995 = arith.constant 0 : i32
    %dma_wait3A_1996 = arith.constant 0 : i32
    %dma_wait3A_1997 = tpu.memref_slice %arg9[%dma_wait3A_1982, %dma_wait3A_1995, %dma_wait3A_1996] : memref<2x8x2048xf32, #tpu.memory_space<vmem>> -> memref<1x8x2048xf32, #tpu.memory_space<vmem>>
    %dma_wait3A_1998 = tpu.memref_squeeze %dma_wait3A_1997 : memref<1x8x2048xf32, #tpu.memory_space<vmem>> -> memref<8x2048xf32, #tpu.memory_space<vmem>>
    tpu.wait_dma2 semaphore(%arg10 : memref<!tpu.dma_semaphore, #tpu.memory_space<semaphore_mem>>) src(%dma_wait3A_1998 : memref<8x2048xf32, #tpu.memory_space<vmem>>) dst(%dma_wait3A_1994 : memref<8x2048xf32, #tpu.memory_space<hbm>>)
    %dma_wait3A_1999 = arith.constant 0 : i32
    %dma_wait3A_2000 = arith.constant 0 : i32
    %dma_wait3A_2001 = arith.constant 0 : i32
    %dma_wait3A_2002 = tpu.memref_slice %arg9[%dma_wait3A_1999, %dma_wait3A_2000, %dma_wait3A_2001] : memref<2x8x2048xf32, #tpu.memory_space<vmem>> -> memref<1x8x2048xf32, #tpu.memory_space<vmem>>
    %dma_wait3A_2003 = tpu.memref_squeeze %dma_wait3A_2002 : memref<1x8x2048xf32, #tpu.memory_space<vmem>> -> memref<8x2048xf32, #tpu.memory_space<vmem>>
    %dma_wait3A_2004 = arith.constant 8 : i32
    %dma_wait3A_2005 = arith.constant 0 : i32
    %dma_wait3A_2006 = tpu.memref_slice %arg5[%add3A_1421, %dma_wait3A_2004, %dma_wait3A_2005] : memref<256x64x2048xf32, #tpu.memory_space<hbm>> -> memref<1x8x2048xf32, #tpu.memory_space<hbm>>
    %dma_wait3A_2007 = tpu.memref_squeeze %dma_wait3A_2006 : memref<1x8x2048xf32, #tpu.memory_space<hbm>> -> memref<8x2048xf32, #tpu.memory_space<hbm>>
    %dma_wait3A_2008 = arith.constant 8 : i32
    %dma_wait3A_2009 = arith.constant 0 : i32
    %dma_wait3A_2010 = tpu.memref_slice %arg5[%add3A_1421, %dma_wait3A_2008, %dma_wait3A_2009] : memref<256x64x2048xf32, #tpu.memory_space<hbm>> -> memref<1x8x2048xf32, #tpu.memory_space<hbm>>
    %dma_wait3A_2011 = tpu.memref_squeeze %dma_wait3A_2010 : memref<1x8x2048xf32, #tpu.memory_space<hbm>> -> memref<8x2048xf32, #tpu.memory_space<hbm>>
    %dma_wait3A_2012 = arith.constant 0 : i32
    %dma_wait3A_2013 = arith.constant 0 : i32
    %dma_wait3A_2014 = tpu.memref_slice %arg9[%dma_wait3A_1999, %dma_wait3A_2012, %dma_wait3A_2013] : memref<2x8x2048xf32, #tpu.memory_space<vmem>> -> memref<1x8x2048xf32, #tpu.memory_space<vmem>>
    %dma_wait3A_2015 = tpu.memref_squeeze %dma_wait3A_2014 : memref<1x8x2048xf32, #tpu.memory_space<vmem>> -> memref<8x2048xf32, #tpu.memory_space<vmem>>
    tpu.wait_dma2 semaphore(%arg10 : memref<!tpu.dma_semaphore, #tpu.memory_space<semaphore_mem>>) src(%dma_wait3A_2015 : memref<8x2048xf32, #tpu.memory_space<vmem>>) dst(%dma_wait3A_2011 : memref<8x2048xf32, #tpu.memory_space<hbm>>)
    %dma_wait3A_2016 = arith.constant 0 : i32
    %dma_wait3A_2017 = arith.constant 0 : i32
    %dma_wait3A_2018 = arith.constant 0 : i32
    %dma_wait3A_2019 = tpu.memref_slice %arg9[%dma_wait3A_2016, %dma_wait3A_2017, %dma_wait3A_2018] : memref<2x8x2048xf32, #tpu.memory_space<vmem>> -> memref<1x8x2048xf32, #tpu.memory_space<vmem>>
    %dma_wait3A_2020 = tpu.memref_squeeze %dma_wait3A_2019 : memref<1x8x2048xf32, #tpu.memory_space<vmem>> -> memref<8x2048xf32, #tpu.memory_space<vmem>>
    %dma_wait3A_2021 = arith.constant 16 : i32
    %dma_wait3A_2022 = arith.constant 0 : i32
    %dma_wait3A_2023 = tpu.memref_slice %arg5[%add3A_1421, %dma_wait3A_2021, %dma_wait3A_2022] : memref<256x64x2048xf32, #tpu.memory_space<hbm>> -> memref<1x8x2048xf32, #tpu.memory_space<hbm>>
    %dma_wait3A_2024 = tpu.memref_squeeze %dma_wait3A_2023 : memref<1x8x2048xf32, #tpu.memory_space<hbm>> -> memref<8x2048xf32, #tpu.memory_space<hbm>>
    %dma_wait3A_2025 = arith.constant 16 : i32
    %dma_wait3A_2026 = arith.constant 0 : i32
    %dma_wait3A_2027 = tpu.memref_slice %arg5[%add3A_1421, %dma_wait3A_2025, %dma_wait3A_2026] : memref<256x64x2048xf32, #tpu.memory_space<hbm>> -> memref<1x8x2048xf32, #tpu.memory_space<hbm>>
    %dma_wait3A_2028 = tpu.memref_squeeze %dma_wait3A_2027 : memref<1x8x2048xf32, #tpu.memory_space<hbm>> -> memref<8x2048xf32, #tpu.memory_space<hbm>>
    %dma_wait3A_2029 = arith.constant 0 : i32
    %dma_wait3A_2030 = arith.constant 0 : i32
    %dma_wait3A_2031 = tpu.memref_slice %arg9[%dma_wait3A_2016, %dma_wait3A_2029, %dma_wait3A_2030] : memref<2x8x2048xf32, #tpu.memory_space<vmem>> -> memref<1x8x2048xf32, #tpu.memory_space<vmem>>
    %dma_wait3A_2032 = tpu.memref_squeeze %dma_wait3A_2031 : memref<1x8x2048xf32, #tpu.memory_space<vmem>> -> memref<8x2048xf32, #tpu.memory_space<vmem>>
    tpu.wait_dma2 semaphore(%arg10 : memref<!tpu.dma_semaphore, #tpu.memory_space<semaphore_mem>>) src(%dma_wait3A_2032 : memref<8x2048xf32, #tpu.memory_space<vmem>>) dst(%dma_wait3A_2028 : memref<8x2048xf32, #tpu.memory_space<hbm>>)
    %dma_wait3A_2033 = arith.constant 0 : i32
    %dma_wait3A_2034 = arith.constant 0 : i32
    %dma_wait3A_2035 = arith.constant 0 : i32
    %dma_wait3A_2036 = tpu.memref_slice %arg9[%dma_wait3A_2033, %dma_wait3A_2034, %dma_wait3A_2035] : memref<2x8x2048xf32, #tpu.memory_space<vmem>> -> memref<1x8x2048xf32, #tpu.memory_space<vmem>>
    %dma_wait3A_2037 = tpu.memref_squeeze %dma_wait3A_2036 : memref<1x8x2048xf32, #tpu.memory_space<vmem>> -> memref<8x2048xf32, #tpu.memory_space<vmem>>
    %dma_wait3A_2038 = arith.constant 24 : i32
    %dma_wait3A_2039 = arith.constant 0 : i32
    %dma_wait3A_2040 = tpu.memref_slice %arg5[%add3A_1421, %dma_wait3A_2038, %dma_wait3A_2039] : memref<256x64x2048xf32, #tpu.memory_space<hbm>> -> memref<1x8x2048xf32, #tpu.memory_space<hbm>>
    %dma_wait3A_2041 = tpu.memref_squeeze %dma_wait3A_2040 : memref<1x8x2048xf32, #tpu.memory_space<hbm>> -> memref<8x2048xf32, #tpu.memory_space<hbm>>
    %dma_wait3A_2042 = arith.constant 24 : i32
    %dma_wait3A_2043 = arith.constant 0 : i32
    %dma_wait3A_2044 = tpu.memref_slice %arg5[%add3A_1421, %dma_wait3A_2042, %dma_wait3A_2043] : memref<256x64x2048xf32, #tpu.memory_space<hbm>> -> memref<1x8x2048xf32, #tpu.memory_space<hbm>>
    %dma_wait3A_2045 = tpu.memref_squeeze %dma_wait3A_2044 : memref<1x8x2048xf32, #tpu.memory_space<hbm>> -> memref<8x2048xf32, #tpu.memory_space<hbm>>
    %dma_wait3A_2046 = arith.constant 0 : i32
    %dma_wait3A_2047 = arith.constant 0 : i32
    %dma_wait3A_2048 = tpu.memref_slice %arg9[%dma_wait3A_2033, %dma_wait3A_2046, %dma_wait3A_2047] : memref<2x8x2048xf32, #tpu.memory_space<vmem>> -> memref<1x8x2048xf32, #tpu.memory_space<vmem>>
    %dma_wait3A_2049 = tpu.memref_squeeze %dma_wait3A_2048 : memref<1x8x2048xf32, #tpu.memory_space<vmem>> -> memref<8x2048xf32, #tpu.memory_space<vmem>>
    tpu.wait_dma2 semaphore(%arg10 : memref<!tpu.dma_semaphore, #tpu.memory_space<semaphore_mem>>) src(%dma_wait3A_2049 : memref<8x2048xf32, #tpu.memory_space<vmem>>) dst(%dma_wait3A_2045 : memref<8x2048xf32, #tpu.memory_space<hbm>>)
    %dma_wait3A_2050 = arith.constant 0 : i32
    %dma_wait3A_2051 = arith.constant 0 : i32
    %dma_wait3A_2052 = arith.constant 0 : i32
    %dma_wait3A_2053 = tpu.memref_slice %arg9[%dma_wait3A_2050, %dma_wait3A_2051, %dma_wait3A_2052] : memref<2x8x2048xf32, #tpu.memory_space<vmem>> -> memref<1x8x2048xf32, #tpu.memory_space<vmem>>
    %dma_wait3A_2054 = tpu.memref_squeeze %dma_wait3A_2053 : memref<1x8x2048xf32, #tpu.memory_space<vmem>> -> memref<8x2048xf32, #tpu.memory_space<vmem>>
    %dma_wait3A_2055 = arith.constant 32 : i32
    %dma_wait3A_2056 = arith.constant 0 : i32
    %dma_wait3A_2057 = tpu.memref_slice %arg5[%add3A_1421, %dma_wait3A_2055, %dma_wait3A_2056] : memref<256x64x2048xf32, #tpu.memory_space<hbm>> -> memref<1x8x2048xf32, #tpu.memory_space<hbm>>
    %dma_wait3A_2058 = tpu.memref_squeeze %dma_wait3A_2057 : memref<1x8x2048xf32, #tpu.memory_space<hbm>> -> memref<8x2048xf32, #tpu.memory_space<hbm>>
    %dma_wait3A_2059 = arith.constant 32 : i32
    %dma_wait3A_2060 = arith.constant 0 : i32
    %dma_wait3A_2061 = tpu.memref_slice %arg5[%add3A_1421, %dma_wait3A_2059, %dma_wait3A_2060] : memref<256x64x2048xf32, #tpu.memory_space<hbm>> -> memref<1x8x2048xf32, #tpu.memory_space<hbm>>
    %dma_wait3A_2062 = tpu.memref_squeeze %dma_wait3A_2061 : memref<1x8x2048xf32, #tpu.memory_space<hbm>> -> memref<8x2048xf32, #tpu.memory_space<hbm>>
    %dma_wait3A_2063 = arith.constant 0 : i32
    %dma_wait3A_2064 = arith.constant 0 : i32
    %dma_wait3A_2065 = tpu.memref_slice %arg9[%dma_wait3A_2050, %dma_wait3A_2063, %dma_wait3A_2064] : memref<2x8x2048xf32, #tpu.memory_space<vmem>> -> memref<1x8x2048xf32, #tpu.memory_space<vmem>>
    %dma_wait3A_2066 = tpu.memref_squeeze %dma_wait3A_2065 : memref<1x8x2048xf32, #tpu.memory_space<vmem>> -> memref<8x2048xf32, #tpu.memory_space<vmem>>
    tpu.wait_dma2 semaphore(%arg10 : memref<!tpu.dma_semaphore, #tpu.memory_space<semaphore_mem>>) src(%dma_wait3A_2066 : memref<8x2048xf32, #tpu.memory_space<vmem>>) dst(%dma_wait3A_2062 : memref<8x2048xf32, #tpu.memory_space<hbm>>)
    %dma_wait3A_2067 = arith.constant 0 : i32
    %dma_wait3A_2068 = arith.constant 0 : i32
    %dma_wait3A_2069 = arith.constant 0 : i32
    %dma_wait3A_2070 = tpu.memref_slice %arg9[%dma_wait3A_2067, %dma_wait3A_2068, %dma_wait3A_2069] : memref<2x8x2048xf32, #tpu.memory_space<vmem>> -> memref<1x8x2048xf32, #tpu.memory_space<vmem>>
    %dma_wait3A_2071 = tpu.memref_squeeze %dma_wait3A_2070 : memref<1x8x2048xf32, #tpu.memory_space<vmem>> -> memref<8x2048xf32, #tpu.memory_space<vmem>>
    %dma_wait3A_2072 = arith.constant 40 : i32
    %dma_wait3A_2073 = arith.constant 0 : i32
    %dma_wait3A_2074 = tpu.memref_slice %arg5[%add3A_1421, %dma_wait3A_2072, %dma_wait3A_2073] : memref<256x64x2048xf32, #tpu.memory_space<hbm>> -> memref<1x8x2048xf32, #tpu.memory_space<hbm>>
    %dma_wait3A_2075 = tpu.memref_squeeze %dma_wait3A_2074 : memref<1x8x2048xf32, #tpu.memory_space<hbm>> -> memref<8x2048xf32, #tpu.memory_space<hbm>>
    %dma_wait3A_2076 = arith.constant 40 : i32
    %dma_wait3A_2077 = arith.constant 0 : i32
    %dma_wait3A_2078 = tpu.memref_slice %arg5[%add3A_1421, %dma_wait3A_2076, %dma_wait3A_2077] : memref<256x64x2048xf32, #tpu.memory_space<hbm>> -> memref<1x8x2048xf32, #tpu.memory_space<hbm>>
    %dma_wait3A_2079 = tpu.memref_squeeze %dma_wait3A_2078 : memref<1x8x2048xf32, #tpu.memory_space<hbm>> -> memref<8x2048xf32, #tpu.memory_space<hbm>>
    %dma_wait3A_2080 = arith.constant 0 : i32
    %dma_wait3A_2081 = arith.constant 0 : i32
    %dma_wait3A_2082 = tpu.memref_slice %arg9[%dma_wait3A_2067, %dma_wait3A_2080, %dma_wait3A_2081] : memref<2x8x2048xf32, #tpu.memory_space<vmem>> -> memref<1x8x2048xf32, #tpu.memory_space<vmem>>
    %dma_wait3A_2083 = tpu.memref_squeeze %dma_wait3A_2082 : memref<1x8x2048xf32, #tpu.memory_space<vmem>> -> memref<8x2048xf32, #tpu.memory_space<vmem>>
    tpu.wait_dma2 semaphore(%arg10 : memref<!tpu.dma_semaphore, #tpu.memory_space<semaphore_mem>>) src(%dma_wait3A_2083 : memref<8x2048xf32, #tpu.memory_space<vmem>>) dst(%dma_wait3A_2079 : memref<8x2048xf32, #tpu.memory_space<hbm>>)
    %dma_wait3A_2084 = arith.constant 0 : i32
    %dma_wait3A_2085 = arith.constant 0 : i32
    %dma_wait3A_2086 = arith.constant 0 : i32
    %dma_wait3A_2087 = tpu.memref_slice %arg9[%dma_wait3A_2084, %dma_wait3A_2085, %dma_wait3A_2086] : memref<2x8x2048xf32, #tpu.memory_space<vmem>> -> memref<1x8x2048xf32, #tpu.memory_space<vmem>>
    %dma_wait3A_2088 = tpu.memref_squeeze %dma_wait3A_2087 : memref<1x8x2048xf32, #tpu.memory_space<vmem>> -> memref<8x2048xf32, #tpu.memory_space<vmem>>
    %dma_wait3A_2089 = arith.constant 48 : i32
    %dma_wait3A_2090 = arith.constant 0 : i32
    %dma_wait3A_2091 = tpu.memref_slice %arg5[%add3A_1421, %dma_wait3A_2089, %dma_wait3A_2090] : memref<256x64x2048xf32, #tpu.memory_space<hbm>> -> memref<1x8x2048xf32, #tpu.memory_space<hbm>>
    %dma_wait3A_2092 = tpu.memref_squeeze %dma_wait3A_2091 : memref<1x8x2048xf32, #tpu.memory_space<hbm>> -> memref<8x2048xf32, #tpu.memory_space<hbm>>
    %dma_wait3A_2093 = arith.constant 48 : i32
    %dma_wait3A_2094 = arith.constant 0 : i32
    %dma_wait3A_2095 = tpu.memref_slice %arg5[%add3A_1421, %dma_wait3A_2093, %dma_wait3A_2094] : memref<256x64x2048xf32, #tpu.memory_space<hbm>> -> memref<1x8x2048xf32, #tpu.memory_space<hbm>>
    %dma_wait3A_2096 = tpu.memref_squeeze %dma_wait3A_2095 : memref<1x8x2048xf32, #tpu.memory_space<hbm>> -> memref<8x2048xf32, #tpu.memory_space<hbm>>
    %dma_wait3A_2097 = arith.constant 0 : i32
    %dma_wait3A_2098 = arith.constant 0 : i32
    %dma_wait3A_2099 = tpu.memref_slice %arg9[%dma_wait3A_2084, %dma_wait3A_2097, %dma_wait3A_2098] : memref<2x8x2048xf32, #tpu.memory_space<vmem>> -> memref<1x8x2048xf32, #tpu.memory_space<vmem>>
    %dma_wait3A_2100 = tpu.memref_squeeze %dma_wait3A_2099 : memref<1x8x2048xf32, #tpu.memory_space<vmem>> -> memref<8x2048xf32, #tpu.memory_space<vmem>>
    tpu.wait_dma2 semaphore(%arg10 : memref<!tpu.dma_semaphore, #tpu.memory_space<semaphore_mem>>) src(%dma_wait3A_2100 : memref<8x2048xf32, #tpu.memory_space<vmem>>) dst(%dma_wait3A_2096 : memref<8x2048xf32, #tpu.memory_space<hbm>>)
    %dma_wait3A_2101 = arith.constant 0 : i32
    %dma_wait3A_2102 = arith.constant 0 : i32
    %dma_wait3A_2103 = arith.constant 0 : i32
    %dma_wait3A_2104 = tpu.memref_slice %arg9[%dma_wait3A_2101, %dma_wait3A_2102, %dma_wait3A_2103] : memref<2x8x2048xf32, #tpu.memory_space<vmem>> -> memref<1x8x2048xf32, #tpu.memory_space<vmem>>
    %dma_wait3A_2105 = tpu.memref_squeeze %dma_wait3A_2104 : memref<1x8x2048xf32, #tpu.memory_space<vmem>> -> memref<8x2048xf32, #tpu.memory_space<vmem>>
    %dma_wait3A_2106 = arith.constant 56 : i32
    %dma_wait3A_2107 = arith.constant 0 : i32
    %dma_wait3A_2108 = tpu.memref_slice %arg5[%add3A_1421, %dma_wait3A_2106, %dma_wait3A_2107] : memref<256x64x2048xf32, #tpu.memory_space<hbm>> -> memref<1x8x2048xf32, #tpu.memory_space<hbm>>
    %dma_wait3A_2109 = tpu.memref_squeeze %dma_wait3A_2108 : memref<1x8x2048xf32, #tpu.memory_space<hbm>> -> memref<8x2048xf32, #tpu.memory_space<hbm>>
    %dma_wait3A_2110 = arith.constant 56 : i32
    %dma_wait3A_2111 = arith.constant 0 : i32
    %dma_wait3A_2112 = tpu.memref_slice %arg5[%add3A_1421, %dma_wait3A_2110, %dma_wait3A_2111] : memref<256x64x2048xf32, #tpu.memory_space<hbm>> -> memref<1x8x2048xf32, #tpu.memory_space<hbm>>
    %dma_wait3A_2113 = tpu.memref_squeeze %dma_wait3A_2112 : memref<1x8x2048xf32, #tpu.memory_space<hbm>> -> memref<8x2048xf32, #tpu.memory_space<hbm>>
    %dma_wait3A_2114 = arith.constant 0 : i32
    %dma_wait3A_2115 = arith.constant 0 : i32
    %dma_wait3A_2116 = tpu.memref_slice %arg9[%dma_wait3A_2101, %dma_wait3A_2114, %dma_wait3A_2115] : memref<2x8x2048xf32, #tpu.memory_space<vmem>> -> memref<1x8x2048xf32, #tpu.memory_space<vmem>>
    %dma_wait3A_2117 = tpu.memref_squeeze %dma_wait3A_2116 : memref<1x8x2048xf32, #tpu.memory_space<vmem>> -> memref<8x2048xf32, #tpu.memory_space<vmem>>
    tpu.wait_dma2 semaphore(%arg10 : memref<!tpu.dma_semaphore, #tpu.memory_space<semaphore_mem>>) src(%dma_wait3A_2117 : memref<8x2048xf32, #tpu.memory_space<vmem>>) dst(%dma_wait3A_2113 : memref<8x2048xf32, #tpu.memory_space<hbm>>)
    %dma_wait3A_2118 = arith.constant 1 : i32
    %dma_wait3A_2119 = arith.constant 0 : i32
    %dma_wait3A_2120 = arith.constant 0 : i32
    %dma_wait3A_2121 = tpu.memref_slice %arg9[%dma_wait3A_2118, %dma_wait3A_2119, %dma_wait3A_2120] : memref<2x8x2048xf32, #tpu.memory_space<vmem>> -> memref<1x8x2048xf32, #tpu.memory_space<vmem>>
    %dma_wait3A_2122 = tpu.memref_squeeze %dma_wait3A_2121 : memref<1x8x2048xf32, #tpu.memory_space<vmem>> -> memref<8x2048xf32, #tpu.memory_space<vmem>>
    %dma_wait3A_2123 = arith.constant 0 : i32
    %dma_wait3A_2124 = arith.constant 0 : i32
    %dma_wait3A_2125 = tpu.memref_slice %arg5[%add3A_1703, %dma_wait3A_2123, %dma_wait3A_2124] : memref<256x64x2048xf32, #tpu.memory_space<hbm>> -> memref<1x8x2048xf32, #tpu.memory_space<hbm>>
    %dma_wait3A_2126 = tpu.memref_squeeze %dma_wait3A_2125 : memref<1x8x2048xf32, #tpu.memory_space<hbm>> -> memref<8x2048xf32, #tpu.memory_space<hbm>>
    %dma_wait3A_2127 = arith.constant 0 : i32
    %dma_wait3A_2128 = arith.constant 0 : i32
    %dma_wait3A_2129 = tpu.memref_slice %arg5[%add3A_1703, %dma_wait3A_2127, %dma_wait3A_2128] : memref<256x64x2048xf32, #tpu.memory_space<hbm>> -> memref<1x8x2048xf32, #tpu.memory_space<hbm>>
    %dma_wait3A_2130 = tpu.memref_squeeze %dma_wait3A_2129 : memref<1x8x2048xf32, #tpu.memory_space<hbm>> -> memref<8x2048xf32, #tpu.memory_space<hbm>>
    %dma_wait3A_2131 = arith.constant 0 : i32
    %dma_wait3A_2132 = arith.constant 0 : i32
    %dma_wait3A_2133 = tpu.memref_slice %arg9[%dma_wait3A_2118, %dma_wait3A_2131, %dma_wait3A_2132] : memref<2x8x2048xf32, #tpu.memory_space<vmem>> -> memref<1x8x2048xf32, #tpu.memory_space<vmem>>
    %dma_wait3A_2134 = tpu.memref_squeeze %dma_wait3A_2133 : memref<1x8x2048xf32, #tpu.memory_space<vmem>> -> memref<8x2048xf32, #tpu.memory_space<vmem>>
    tpu.wait_dma2 semaphore(%arg11 : memref<!tpu.dma_semaphore, #tpu.memory_space<semaphore_mem>>) src(%dma_wait3A_2134 : memref<8x2048xf32, #tpu.memory_space<vmem>>) dst(%dma_wait3A_2130 : memref<8x2048xf32, #tpu.memory_space<hbm>>)
    %dma_wait3A_2135 = arith.constant 1 : i32
    %dma_wait3A_2136 = arith.constant 0 : i32
    %dma_wait3A_2137 = arith.constant 0 : i32
    %dma_wait3A_2138 = tpu.memref_slice %arg9[%dma_wait3A_2135, %dma_wait3A_2136, %dma_wait3A_2137] : memref<2x8x2048xf32, #tpu.memory_space<vmem>> -> memref<1x8x2048xf32, #tpu.memory_space<vmem>>
    %dma_wait3A_2139 = tpu.memref_squeeze %dma_wait3A_2138 : memref<1x8x2048xf32, #tpu.memory_space<vmem>> -> memref<8x2048xf32, #tpu.memory_space<vmem>>
    %dma_wait3A_2140 = arith.constant 8 : i32
    %dma_wait3A_2141 = arith.constant 0 : i32
    %dma_wait3A_2142 = tpu.memref_slice %arg5[%add3A_1703, %dma_wait3A_2140, %dma_wait3A_2141] : memref<256x64x2048xf32, #tpu.memory_space<hbm>> -> memref<1x8x2048xf32, #tpu.memory_space<hbm>>
    %dma_wait3A_2143 = tpu.memref_squeeze %dma_wait3A_2142 : memref<1x8x2048xf32, #tpu.memory_space<hbm>> -> memref<8x2048xf32, #tpu.memory_space<hbm>>
    %dma_wait3A_2144 = arith.constant 8 : i32
    %dma_wait3A_2145 = arith.constant 0 : i32
    %dma_wait3A_2146 = tpu.memref_slice %arg5[%add3A_1703, %dma_wait3A_2144, %dma_wait3A_2145] : memref<256x64x2048xf32, #tpu.memory_space<hbm>> -> memref<1x8x2048xf32, #tpu.memory_space<hbm>>
    %dma_wait3A_2147 = tpu.memref_squeeze %dma_wait3A_2146 : memref<1x8x2048xf32, #tpu.memory_space<hbm>> -> memref<8x2048xf32, #tpu.memory_space<hbm>>
    %dma_wait3A_2148 = arith.constant 0 : i32
    %dma_wait3A_2149 = arith.constant 0 : i32
    %dma_wait3A_2150 = tpu.memref_slice %arg9[%dma_wait3A_2135, %dma_wait3A_2148, %dma_wait3A_2149] : memref<2x8x2048xf32, #tpu.memory_space<vmem>> -> memref<1x8x2048xf32, #tpu.memory_space<vmem>>
    %dma_wait3A_2151 = tpu.memref_squeeze %dma_wait3A_2150 : memref<1x8x2048xf32, #tpu.memory_space<vmem>> -> memref<8x2048xf32, #tpu.memory_space<vmem>>
    tpu.wait_dma2 semaphore(%arg11 : memref<!tpu.dma_semaphore, #tpu.memory_space<semaphore_mem>>) src(%dma_wait3A_2151 : memref<8x2048xf32, #tpu.memory_space<vmem>>) dst(%dma_wait3A_2147 : memref<8x2048xf32, #tpu.memory_space<hbm>>)
    %dma_wait3A_2152 = arith.constant 1 : i32
    %dma_wait3A_2153 = arith.constant 0 : i32
    %dma_wait3A_2154 = arith.constant 0 : i32
    %dma_wait3A_2155 = tpu.memref_slice %arg9[%dma_wait3A_2152, %dma_wait3A_2153, %dma_wait3A_2154] : memref<2x8x2048xf32, #tpu.memory_space<vmem>> -> memref<1x8x2048xf32, #tpu.memory_space<vmem>>
    %dma_wait3A_2156 = tpu.memref_squeeze %dma_wait3A_2155 : memref<1x8x2048xf32, #tpu.memory_space<vmem>> -> memref<8x2048xf32, #tpu.memory_space<vmem>>
    %dma_wait3A_2157 = arith.constant 16 : i32
    %dma_wait3A_2158 = arith.constant 0 : i32
    %dma_wait3A_2159 = tpu.memref_slice %arg5[%add3A_1703, %dma_wait3A_2157, %dma_wait3A_2158] : memref<256x64x2048xf32, #tpu.memory_space<hbm>> -> memref<1x8x2048xf32, #tpu.memory_space<hbm>>
    %dma_wait3A_2160 = tpu.memref_squeeze %dma_wait3A_2159 : memref<1x8x2048xf32, #tpu.memory_space<hbm>> -> memref<8x2048xf32, #tpu.memory_space<hbm>>
    %dma_wait3A_2161 = arith.constant 16 : i32
    %dma_wait3A_2162 = arith.constant 0 : i32
    %dma_wait3A_2163 = tpu.memref_slice %arg5[%add3A_1703, %dma_wait3A_2161, %dma_wait3A_2162] : memref<256x64x2048xf32, #tpu.memory_space<hbm>> -> memref<1x8x2048xf32, #tpu.memory_space<hbm>>
    %dma_wait3A_2164 = tpu.memref_squeeze %dma_wait3A_2163 : memref<1x8x2048xf32, #tpu.memory_space<hbm>> -> memref<8x2048xf32, #tpu.memory_space<hbm>>
    %dma_wait3A_2165 = arith.constant 0 : i32
    %dma_wait3A_2166 = arith.constant 0 : i32
    %dma_wait3A_2167 = tpu.memref_slice %arg9[%dma_wait3A_2152, %dma_wait3A_2165, %dma_wait3A_2166] : memref<2x8x2048xf32, #tpu.memory_space<vmem>> -> memref<1x8x2048xf32, #tpu.memory_space<vmem>>
    %dma_wait3A_2168 = tpu.memref_squeeze %dma_wait3A_2167 : memref<1x8x2048xf32, #tpu.memory_space<vmem>> -> memref<8x2048xf32, #tpu.memory_space<vmem>>
    tpu.wait_dma2 semaphore(%arg11 : memref<!tpu.dma_semaphore, #tpu.memory_space<semaphore_mem>>) src(%dma_wait3A_2168 : memref<8x2048xf32, #tpu.memory_space<vmem>>) dst(%dma_wait3A_2164 : memref<8x2048xf32, #tpu.memory_space<hbm>>)
    %dma_wait3A_2169 = arith.constant 1 : i32
    %dma_wait3A_2170 = arith.constant 0 : i32
    %dma_wait3A_2171 = arith.constant 0 : i32
    %dma_wait3A_2172 = tpu.memref_slice %arg9[%dma_wait3A_2169, %dma_wait3A_2170, %dma_wait3A_2171] : memref<2x8x2048xf32, #tpu.memory_space<vmem>> -> memref<1x8x2048xf32, #tpu.memory_space<vmem>>
    %dma_wait3A_2173 = tpu.memref_squeeze %dma_wait3A_2172 : memref<1x8x2048xf32, #tpu.memory_space<vmem>> -> memref<8x2048xf32, #tpu.memory_space<vmem>>
    %dma_wait3A_2174 = arith.constant 24 : i32
    %dma_wait3A_2175 = arith.constant 0 : i32
    %dma_wait3A_2176 = tpu.memref_slice %arg5[%add3A_1703, %dma_wait3A_2174, %dma_wait3A_2175] : memref<256x64x2048xf32, #tpu.memory_space<hbm>> -> memref<1x8x2048xf32, #tpu.memory_space<hbm>>
    %dma_wait3A_2177 = tpu.memref_squeeze %dma_wait3A_2176 : memref<1x8x2048xf32, #tpu.memory_space<hbm>> -> memref<8x2048xf32, #tpu.memory_space<hbm>>
    %dma_wait3A_2178 = arith.constant 24 : i32
    %dma_wait3A_2179 = arith.constant 0 : i32
    %dma_wait3A_2180 = tpu.memref_slice %arg5[%add3A_1703, %dma_wait3A_2178, %dma_wait3A_2179] : memref<256x64x2048xf32, #tpu.memory_space<hbm>> -> memref<1x8x2048xf32, #tpu.memory_space<hbm>>
    %dma_wait3A_2181 = tpu.memref_squeeze %dma_wait3A_2180 : memref<1x8x2048xf32, #tpu.memory_space<hbm>> -> memref<8x2048xf32, #tpu.memory_space<hbm>>
    %dma_wait3A_2182 = arith.constant 0 : i32
    %dma_wait3A_2183 = arith.constant 0 : i32
    %dma_wait3A_2184 = tpu.memref_slice %arg9[%dma_wait3A_2169, %dma_wait3A_2182, %dma_wait3A_2183] : memref<2x8x2048xf32, #tpu.memory_space<vmem>> -> memref<1x8x2048xf32, #tpu.memory_space<vmem>>
    %dma_wait3A_2185 = tpu.memref_squeeze %dma_wait3A_2184 : memref<1x8x2048xf32, #tpu.memory_space<vmem>> -> memref<8x2048xf32, #tpu.memory_space<vmem>>
    tpu.wait_dma2 semaphore(%arg11 : memref<!tpu.dma_semaphore, #tpu.memory_space<semaphore_mem>>) src(%dma_wait3A_2185 : memref<8x2048xf32, #tpu.memory_space<vmem>>) dst(%dma_wait3A_2181 : memref<8x2048xf32, #tpu.memory_space<hbm>>)
    %dma_wait3A_2186 = arith.constant 1 : i32
    %dma_wait3A_2187 = arith.constant 0 : i32
    %dma_wait3A_2188 = arith.constant 0 : i32
    %dma_wait3A_2189 = tpu.memref_slice %arg9[%dma_wait3A_2186, %dma_wait3A_2187, %dma_wait3A_2188] : memref<2x8x2048xf32, #tpu.memory_space<vmem>> -> memref<1x8x2048xf32, #tpu.memory_space<vmem>>
    %dma_wait3A_2190 = tpu.memref_squeeze %dma_wait3A_2189 : memref<1x8x2048xf32, #tpu.memory_space<vmem>> -> memref<8x2048xf32, #tpu.memory_space<vmem>>
    %dma_wait3A_2191 = arith.constant 32 : i32
    %dma_wait3A_2192 = arith.constant 0 : i32
    %dma_wait3A_2193 = tpu.memref_slice %arg5[%add3A_1703, %dma_wait3A_2191, %dma_wait3A_2192] : memref<256x64x2048xf32, #tpu.memory_space<hbm>> -> memref<1x8x2048xf32, #tpu.memory_space<hbm>>
    %dma_wait3A_2194 = tpu.memref_squeeze %dma_wait3A_2193 : memref<1x8x2048xf32, #tpu.memory_space<hbm>> -> memref<8x2048xf32, #tpu.memory_space<hbm>>
    %dma_wait3A_2195 = arith.constant 32 : i32
    %dma_wait3A_2196 = arith.constant 0 : i32
    %dma_wait3A_2197 = tpu.memref_slice %arg5[%add3A_1703, %dma_wait3A_2195, %dma_wait3A_2196] : memref<256x64x2048xf32, #tpu.memory_space<hbm>> -> memref<1x8x2048xf32, #tpu.memory_space<hbm>>
    %dma_wait3A_2198 = tpu.memref_squeeze %dma_wait3A_2197 : memref<1x8x2048xf32, #tpu.memory_space<hbm>> -> memref<8x2048xf32, #tpu.memory_space<hbm>>
    %dma_wait3A_2199 = arith.constant 0 : i32
    %dma_wait3A_2200 = arith.constant 0 : i32
    %dma_wait3A_2201 = tpu.memref_slice %arg9[%dma_wait3A_2186, %dma_wait3A_2199, %dma_wait3A_2200] : memref<2x8x2048xf32, #tpu.memory_space<vmem>> -> memref<1x8x2048xf32, #tpu.memory_space<vmem>>
    %dma_wait3A_2202 = tpu.memref_squeeze %dma_wait3A_2201 : memref<1x8x2048xf32, #tpu.memory_space<vmem>> -> memref<8x2048xf32, #tpu.memory_space<vmem>>
    tpu.wait_dma2 semaphore(%arg11 : memref<!tpu.dma_semaphore, #tpu.memory_space<semaphore_mem>>) src(%dma_wait3A_2202 : memref<8x2048xf32, #tpu.memory_space<vmem>>) dst(%dma_wait3A_2198 : memref<8x2048xf32, #tpu.memory_space<hbm>>)
    %dma_wait3A_2203 = arith.constant 1 : i32
    %dma_wait3A_2204 = arith.constant 0 : i32
    %dma_wait3A_2205 = arith.constant 0 : i32
    %dma_wait3A_2206 = tpu.memref_slice %arg9[%dma_wait3A_2203, %dma_wait3A_2204, %dma_wait3A_2205] : memref<2x8x2048xf32, #tpu.memory_space<vmem>> -> memref<1x8x2048xf32, #tpu.memory_space<vmem>>
    %dma_wait3A_2207 = tpu.memref_squeeze %dma_wait3A_2206 : memref<1x8x2048xf32, #tpu.memory_space<vmem>> -> memref<8x2048xf32, #tpu.memory_space<vmem>>
    %dma_wait3A_2208 = arith.constant 40 : i32
    %dma_wait3A_2209 = arith.constant 0 : i32
    %dma_wait3A_2210 = tpu.memref_slice %arg5[%add3A_1703, %dma_wait3A_2208, %dma_wait3A_2209] : memref<256x64x2048xf32, #tpu.memory_space<hbm>> -> memref<1x8x2048xf32, #tpu.memory_space<hbm>>
    %dma_wait3A_2211 = tpu.memref_squeeze %dma_wait3A_2210 : memref<1x8x2048xf32, #tpu.memory_space<hbm>> -> memref<8x2048xf32, #tpu.memory_space<hbm>>
    %dma_wait3A_2212 = arith.constant 40 : i32
    %dma_wait3A_2213 = arith.constant 0 : i32
    %dma_wait3A_2214 = tpu.memref_slice %arg5[%add3A_1703, %dma_wait3A_2212, %dma_wait3A_2213] : memref<256x64x2048xf32, #tpu.memory_space<hbm>> -> memref<1x8x2048xf32, #tpu.memory_space<hbm>>
    %dma_wait3A_2215 = tpu.memref_squeeze %dma_wait3A_2214 : memref<1x8x2048xf32, #tpu.memory_space<hbm>> -> memref<8x2048xf32, #tpu.memory_space<hbm>>
    %dma_wait3A_2216 = arith.constant 0 : i32
    %dma_wait3A_2217 = arith.constant 0 : i32
    %dma_wait3A_2218 = tpu.memref_slice %arg9[%dma_wait3A_2203, %dma_wait3A_2216, %dma_wait3A_2217] : memref<2x8x2048xf32, #tpu.memory_space<vmem>> -> memref<1x8x2048xf32, #tpu.memory_space<vmem>>
    %dma_wait3A_2219 = tpu.memref_squeeze %dma_wait3A_2218 : memref<1x8x2048xf32, #tpu.memory_space<vmem>> -> memref<8x2048xf32, #tpu.memory_space<vmem>>
    tpu.wait_dma2 semaphore(%arg11 : memref<!tpu.dma_semaphore, #tpu.memory_space<semaphore_mem>>) src(%dma_wait3A_2219 : memref<8x2048xf32, #tpu.memory_space<vmem>>) dst(%dma_wait3A_2215 : memref<8x2048xf32, #tpu.memory_space<hbm>>)
    %dma_wait3A_2220 = arith.constant 1 : i32
    %dma_wait3A_2221 = arith.constant 0 : i32
    %dma_wait3A_2222 = arith.constant 0 : i32
    %dma_wait3A_2223 = tpu.memref_slice %arg9[%dma_wait3A_2220, %dma_wait3A_2221, %dma_wait3A_2222] : memref<2x8x2048xf32, #tpu.memory_space<vmem>> -> memref<1x8x2048xf32, #tpu.memory_space<vmem>>
    %dma_wait3A_2224 = tpu.memref_squeeze %dma_wait3A_2223 : memref<1x8x2048xf32, #tpu.memory_space<vmem>> -> memref<8x2048xf32, #tpu.memory_space<vmem>>
    %dma_wait3A_2225 = arith.constant 48 : i32
    %dma_wait3A_2226 = arith.constant 0 : i32
    %dma_wait3A_2227 = tpu.memref_slice %arg5[%add3A_1703, %dma_wait3A_2225, %dma_wait3A_2226] : memref<256x64x2048xf32, #tpu.memory_space<hbm>> -> memref<1x8x2048xf32, #tpu.memory_space<hbm>>
    %dma_wait3A_2228 = tpu.memref_squeeze %dma_wait3A_2227 : memref<1x8x2048xf32, #tpu.memory_space<hbm>> -> memref<8x2048xf32, #tpu.memory_space<hbm>>
    %dma_wait3A_2229 = arith.constant 48 : i32
    %dma_wait3A_2230 = arith.constant 0 : i32
    %dma_wait3A_2231 = tpu.memref_slice %arg5[%add3A_1703, %dma_wait3A_2229, %dma_wait3A_2230] : memref<256x64x2048xf32, #tpu.memory_space<hbm>> -> memref<1x8x2048xf32, #tpu.memory_space<hbm>>
    %dma_wait3A_2232 = tpu.memref_squeeze %dma_wait3A_2231 : memref<1x8x2048xf32, #tpu.memory_space<hbm>> -> memref<8x2048xf32, #tpu.memory_space<hbm>>
    %dma_wait3A_2233 = arith.constant 0 : i32
    %dma_wait3A_2234 = arith.constant 0 : i32
    %dma_wait3A_2235 = tpu.memref_slice %arg9[%dma_wait3A_2220, %dma_wait3A_2233, %dma_wait3A_2234] : memref<2x8x2048xf32, #tpu.memory_space<vmem>> -> memref<1x8x2048xf32, #tpu.memory_space<vmem>>
    %dma_wait3A_2236 = tpu.memref_squeeze %dma_wait3A_2235 : memref<1x8x2048xf32, #tpu.memory_space<vmem>> -> memref<8x2048xf32, #tpu.memory_space<vmem>>
    tpu.wait_dma2 semaphore(%arg11 : memref<!tpu.dma_semaphore, #tpu.memory_space<semaphore_mem>>) src(%dma_wait3A_2236 : memref<8x2048xf32, #tpu.memory_space<vmem>>) dst(%dma_wait3A_2232 : memref<8x2048xf32, #tpu.memory_space<hbm>>)
    %dma_wait3A_2237 = arith.constant 1 : i32
    %dma_wait3A_2238 = arith.constant 0 : i32
    %dma_wait3A_2239 = arith.constant 0 : i32
    %dma_wait3A_2240 = tpu.memref_slice %arg9[%dma_wait3A_2237, %dma_wait3A_2238, %dma_wait3A_2239] : memref<2x8x2048xf32, #tpu.memory_space<vmem>> -> memref<1x8x2048xf32, #tpu.memory_space<vmem>>
    %dma_wait3A_2241 = tpu.memref_squeeze %dma_wait3A_2240 : memref<1x8x2048xf32, #tpu.memory_space<vmem>> -> memref<8x2048xf32, #tpu.memory_space<vmem>>
    %dma_wait3A_2242 = arith.constant 56 : i32
    %dma_wait3A_2243 = arith.constant 0 : i32
    %dma_wait3A_2244 = tpu.memref_slice %arg5[%add3A_1703, %dma_wait3A_2242, %dma_wait3A_2243] : memref<256x64x2048xf32, #tpu.memory_space<hbm>> -> memref<1x8x2048xf32, #tpu.memory_space<hbm>>
    %dma_wait3A_2245 = tpu.memref_squeeze %dma_wait3A_2244 : memref<1x8x2048xf32, #tpu.memory_space<hbm>> -> memref<8x2048xf32, #tpu.memory_space<hbm>>
    %dma_wait3A_2246 = arith.constant 56 : i32
    %dma_wait3A_2247 = arith.constant 0 : i32
    %dma_wait3A_2248 = tpu.memref_slice %arg5[%add3A_1703, %dma_wait3A_2246, %dma_wait3A_2247] : memref<256x64x2048xf32, #tpu.memory_space<hbm>> -> memref<1x8x2048xf32, #tpu.memory_space<hbm>>
    %dma_wait3A_2249 = tpu.memref_squeeze %dma_wait3A_2248 : memref<1x8x2048xf32, #tpu.memory_space<hbm>> -> memref<8x2048xf32, #tpu.memory_space<hbm>>
    %dma_wait3A_2250 = arith.constant 0 : i32
    %dma_wait3A_2251 = arith.constant 0 : i32
    %dma_wait3A_2252 = tpu.memref_slice %arg9[%dma_wait3A_2237, %dma_wait3A_2250, %dma_wait3A_2251] : memref<2x8x2048xf32, #tpu.memory_space<vmem>> -> memref<1x8x2048xf32, #tpu.memory_space<vmem>>
    %dma_wait3A_2253 = tpu.memref_squeeze %dma_wait3A_2252 : memref<1x8x2048xf32, #tpu.memory_space<vmem>> -> memref<8x2048xf32, #tpu.memory_space<vmem>>
    tpu.wait_dma2 semaphore(%arg11 : memref<!tpu.dma_semaphore, #tpu.memory_space<semaphore_mem>>) src(%dma_wait3A_2253 : memref<8x2048xf32, #tpu.memory_space<vmem>>) dst(%dma_wait3A_2249 : memref<8x2048xf32, #tpu.memory_space<hbm>>)
    return
  }
}

</mosaic_0001>

<sc_bundles>
// kernel: kernel.3.cloned.1.call-start
scs
__scs_entry_jumppad:
0x0: {  	(pc) =	sbr.rel $0x88, $3  }
0x1: {  	(tag) =	ssettag $0x0;
	lr =	simm.s32 $0x1  }
0x2: {  	[smem:$0x3FA0] =	sst lr;
	_ =	strace $0xD0000000  }
0x3: {  	_ = 	snop  }
0x4: {  	_ = 	snop  }
0x5: {  	_ = 	snop  }
0x6: {  	_ = 	snop  }
0x7: {  	_ = 	snop  }
__scs_overlays_trampoline_lowered:
0x8: {  	[smem:$0x3FAF] =	sst s0  }
0x9: {  	[smem:$0x3FB0] =	sst s1  }
0xa: {  	[smem:$0x3FB1] =	sst s2  }
0xb: {  	[smem:$0x3FB2] =	sst s3  }
0xc: {  	[smem:$0x3FB3] =	sst s4  }
0xd: {  	[smem:$0x3FB4] =	sst s5  }
0xe: {  	[smem:$0x3FB5] =	sst s6  }
0xf: {  	[smem:$0x3FB6] =	sst s7  }
0x10: {  	[smem:$0x3FB7] =	sst s8  }
0x11: {  	[smem:$0x3FB8] =	sst s9;
	s0 =	simm.s32 @!p0 $0x0  }
0x12: {  	s1 =	sld [smem:$0x3F9E];
	s0 =	simm.s32 @p0 $0x1  }
0x13: {  	[smem:$0x3FB9] =	sst s0;
	s0 =	simm.s32 @!p1 $0x0  }
0x14: {  	s2 =	sld [smem:$0x3F9D];
	s0 =	simm.s32 @p1 $0x1  }
0x15: {  	[smem:$0x3FBA] =	sst s0;
	s0 =	simm.s32 @!p2 $0x0  }
0x16: {  	s3 =	sld [smem:$0x3FDB];
	s0 =	simm.s32 @p2 $0x1  }
0x17: {  	s4 =	simm.s32 $0x1BF5;
	[smem:$0x3FBC] =	sst s0  }
0x18: {  	s0 =	sld [smem:$0x3F9F];
	_ =	swait.ge [sflag:s4], $0x0  }
0x19: {  	s7 =	sld [smem:$0x3FA0]  }
0x1a: {  	s8 =	sadd.s32 $0xFFFFE003, lr  }
0x1b: {  	s9 =	sadd.s32 $0xFFFFFEF7, lr;
	s5 =	simm.s32 $0xFFFFFFFF;
	p2 =	slt.u32 s8, $0xFFFFF086  }
0x1c: {  	p1 =	slt.u32 s9, $0xF7A;
	s5 =	simm.s32 @!p2 $0x0  }
0x1d: {  	s5 =	simm.s32 @p1 $0x1;
	p0 =	seq.s32 s7, s2  }
0x1e: {  	s7 =	smul.u32 @!p0 $0xF7A, s2;
	p2 =	seq.s32 @!p0 s5, $0x0  }
0x1f: {  	s9 =	smul.u32 $0xF7A, s1;
	s8 =	simm.s32 @!p0 $0x1BF5;
	p2 =	por !p2, p0  }
0x20: {  	[sflag:s8] =	ssyncset.s32 @!p0 $0xFFFFF086;
	s6 =	sadd.s32 @!p0 s3, s7;
	s7 =	simm.s32 @!p0 $0x108  }
0x21: {  	s3 =	sadd.s32 s3, s9;
	s6 =	sadd.s32 @!p0 $0x88, s6;
	s7 =	simm.s32 @p2 $0x1082  }
0x22: {  	[simem:s7], [sflag:s8] =	dma.local @!p0 [hbm:s6], $0xF7A  }
0x23: {  	s9 =	sor.u32 $0xD0000000, s2;
	s6 =	simm.s32 $0x108;
	_ =	swait.ge @!p0 [sflag:s8], $0x0  }
0x24: {  	s3 =	sadd.s32 $0x88, s3;
	s6 =	simm.s32 @!p1 $0x1082;
	[sflag:s4] =	ssyncset.s32 $0xFFFFF086  }
0x25: {  	[simem:s6], [sflag:s4] =	dma.local [hbm:s3], $0xF7A  }
0x26: {  	[smem:$0x3FA0] =	sst s1;
	(tag) =	ssettag s2;
	_ =	strace s9  }
0x27: {  	s1 =	sld [smem:$0x3FB0]  }
0x28: {  	s2 =	sld [smem:$0x3FB1]  }
0x29: {  	s4 =	sld [smem:$0x3FB3]  }
0x2a: {  	p0 =	seq.s32 s5, $0x0;
	s5 =	sld [smem:$0x3FB4]  }
0x2b: {  	s6 =	sld [smem:$0x3FB5]  }
0x2c: {  	s7 =	sld [smem:$0x3FB6]  }
0x2d: {  	s3 =	simm.s32 $0x108;
	s8 =	sld [smem:$0x3FB7]  }
0x2e: {  	s3 =	simm.s32 @!p0 $0x1082;
	s9 =	sld [smem:$0x3FB8]  }
0x2f: {  	lr =	sadd.s32 s0, s3;
	s0 =	sld [smem:$0x3FAF]  }
0x30: {  	s3 =	sld [smem:$0x3FB2]  }
0x31: {  	[smem:$0x3FBB] =	sst s10  }
0x32: {  	s10 =	sld [smem:$0x3FB9];
	_ =	sdelay $0x3  }
0x33: {  	p0 =	seq.s32 s10, $0x1;
	s10 =	sld [smem:$0x3FBB];
	_ =	sdelay $0x3  }
0x34: {  	[smem:$0x3FBB] =	sst s10  }
0x35: {  	s10 =	sld [smem:$0x3FBA];
	_ =	sdelay $0x3  }
0x36: {  	p1 =	seq.s32 s10, $0x1;
	s10 =	sld [smem:$0x3FBB];
	_ =	sdelay $0x3  }
0x37: {  	[smem:$0x3FBB] =	sst s10  }
0x38: {  	s10 =	sld [smem:$0x3FBC]  }
0x39: {  	_ = 	snop;
	(pc) =	sbr.ind lr, $3  }
0x3a: {  	_ = 	snop  }
0x3b: {  	_ = 	snop  }
0x3c: {  	p2 =	seq.s32 s10, $0x1;
	s10 =	sld [smem:$0x3FBB]  }
0x3d: {  	_ =	shalt  }
0x3e: {  	_ =	shalt  }
0x3f: {  	_ =	shalt  }
0x40: {  	_ =	shalt  }
0x41: {  	_ =	shalt  }
0x42: {  	_ =	shalt  }
0x43: {  	_ =	shalt  }
0x44: {  	_ =	shalt  }
0x45: {  	_ =	shalt  }
0x46: {  	_ =	shalt  }
0x47: {  	_ =	shalt  }
0x48: {  	_ =	shalt  }
0x49: {  	_ =	shalt  }
0x4a: {  	_ =	shalt  }
0x4b: {  	_ =	shalt  }
0x4c: {  	_ =	shalt  }
0x4d: {  	_ =	shalt  }
0x4e: {  	_ =	shalt  }
0x4f: {  	_ =	shalt  }
0x50: {  	_ =	shalt  }
0x51: {  	_ =	shalt  }
0x52: {  	_ =	shalt  }
0x53: {  	_ =	shalt  }
0x54: {  	_ =	shalt  }
0x55: {  	_ =	shalt  }
0x56: {  	_ =	shalt  }
0x57: {  	_ =	shalt  }
0x58: {  	_ =	shalt  }
0x59: {  	_ =	shalt  }
0x5a: {  	_ =	shalt  }
0x5b: {  	_ =	shalt  }
0x5c: {  	_ =	shalt  }
0x5d: {  	_ =	shalt  }
0x5e: {  	_ =	shalt  }
0x5f: {  	_ =	shalt  }
0x60: {  	_ =	shalt  }
0x61: {  	_ =	shalt  }
0x62: {  	_ =	shalt  }
0x63: {  	_ =	shalt  }
0x64: {  	_ =	shalt  }
0x65: {  	_ =	shalt  }
0x66: {  	_ =	shalt  }
0x67: {  	_ =	shalt  }
0x68: {  	_ =	shalt  }
0x69: {  	_ =	shalt  }
0x6a: {  	_ =	shalt  }
0x6b: {  	_ =	shalt  }
0x6c: {  	_ =	shalt  }
0x6d: {  	_ =	shalt  }
0x6e: {  	_ =	shalt  }
0x6f: {  	_ =	shalt  }
0x70: {  	_ =	shalt  }
0x71: {  	_ =	shalt  }
0x72: {  	_ =	shalt  }
0x73: {  	_ =	shalt  }
0x74: {  	_ =	shalt  }
0x75: {  	_ =	shalt  }
0x76: {  	_ =	shalt  }
0x77: {  	_ =	shalt  }
0x78: {  	_ =	shalt  }
0x79: {  	_ =	shalt  }
0x7a: {  	_ =	shalt  }
0x7b: {  	_ =	shalt  }
0x7c: {  	_ =	shalt  }
0x7d: {  	_ =	shalt  }
0x7e: {  	_ =	shalt  }
0x7f: {  	_ =	shalt  }
0x80: {  	_ =	shalt  }
0x81: {  	_ =	shalt  }
0x82: {  	_ =	shalt  }
0x83: {  	_ =	shalt  }
0x84: {  	_ =	shalt  }
0x85: {  	_ =	shalt  }
0x86: {  	_ =	shalt  }
0x87: {  	_ =	shalt  }
.Lfunc_end0:
.L_simem_size_0:
called_computation_lowered:
.L_overlay_start_0:
0x88: {  	s2 =	sld [smem:$0x3FD9]  }
0x89: {  	s3 =	sld [smem:$0x3FFE];
	_ =	sdelay $0x1  }
0x8a: {  	s1 =	srdreg.scid  }
0x8b: {  	s0 =	sand.u32 $0x1, s1  }
0x8c: {  	s17 =	sshll.u32 s0, $0xA;
	s2 =	sadd.s32 s3, s2  }
0x8d: {  	s2 =	sadd.s32 s2, s17  }
0x8e: {  	[smem:$0x3FC7] =	sst s2  }
0x8f: {  	_ = 	snop  }
0x90: {  	s2 =	sld [smem:$0x3FC9]  }
0x91: {  	s18 =	sld [smem:$0x3FD0];
	(tm) =	ssettm $0x1  }
0x92: {  	s4 =	sld [smem:$0x3FFB];
	_ =	sdelay $0x3  }
0x93: {  	_ =	strace s4  }
0x94: {  	s4 =	sld [smem:$0x3FFC];
	_ =	sdelay $0x3  }
0x95: {  	_ =	strace s4  }
0x96: {  	s4 =	sld [smem:$0x3FFD];
	_ =	sdelay $0x3  }
0x97: {  	_ =	strace s4  }
0x98: {  	_ =	strace $0x8FFFFFFF  }
0x99: {  	s19 =	sld [smem:$0x3FDB];
	_ =	sdelay $0x1  }
0x9a: {  	s5 =	simm.s32 $_scs_section_size  }
0x9b: {  	s6 =	simm.s32 $_size__tile_overlayer_lowered;
	s7 =	simm.s32 $_tile_overlayer_lowered  }
0x9c: {  	s22 =	simm.s32 $0x1BFF;
	s21 =	sshll.u32 s7, $0x1;
	s4 =	sadd.s32 s5, s19  }
0x9d: {  	s8 =	simm.s32 $0x0;
	s20 =	sshll.u32 s6, $0x1;
	s6 =	sadd.s32 s21, s4  }
0x9e: {  	[timem:s8], [sflag:s22] =	dma.local [hbm:s6], s20  }
0x9f: {  	_ =	swait.ge [sflag:s22], s20  }
0xa0: {  	s5 =	ssub.s32 $0x0, s20;
	[sflag:s22] =	ssyncset.done $0x0  }
0xa1: {  	[sflag:s22] =	ssyncadd.s32 s5;
	_ =	sdelay $0x1  }
0xa2: {  	s23 =	simm.s32 $0x1B8B  }
0xa3: {  	_ =	swait.ge [sflag:s23], $0x1  }
0xa4: {  	[sflag:s23] =	ssyncset.done $0x0  }
0xa5: {  	s25 =	simm.s32 $0x1B8E;
	s24 =	sld [smem:$0x3FFE];
	[sflag:s23] =	ssyncadd.s32 $0xFFFFFFFF  }
0xa6: {  	s26 =	simm.s32 $execute0_lowered;
	[smem:$0x3FD2] =	sst s25  }
0xa7: {  	s6 =	sshll.u32 s26, $0x1;
	_ =	strace $0x80000046;
	[dreg:$0x1] =	wrdreg $0xFFFFFFFF  }
0xa8: {  	s28 =	simm.s32 $_size_execute0_lowered;
	s4 =	sadd.s32 s4, s6;
	[dreg:$0x0] =	wrdreg $0x0  }
0xa9: {  	s6 =	sshll.u32 s28, $0x1;
	[dreg:$0x2] =	wrdreg s4  }
0xaa: {  	[dreg:$0x3] =	wrdreg s6  }
0xab: {  	[dreg:$0x4] =	wrdreg $0xC0  }
0xac: {  	_ =	task [dreg:s8], $0x5FFFF  }
0xad: {  	[dreg:$0x1] =	wrdreg $0xFFFFFFFF  }
0xae: {  	[dreg:$0x0] =	wrdreg $0x60  }
0xaf: {  	[dreg:$0x2] =	wrdreg s2  }
0xb0: {  	[dreg:$0x3] =	wrdreg s24  }
0xb1: {  	[dreg:$0x4] =	wrdreg s18  }
0xb2: {  	[dreg:$0x5] =	wrdreg $0x9  }
0xb3: {  	_ =	task.clear_ibuf [dreg:s8], $0x6FFFF;
	_ =	strace $0x90000046  }
0xb4: {  	s29 =	simm.s32 $0x9;
	_ =	strace $0x80000048  }
0xb5: {  	_ =	swait.ge [sflag:s29], $0x1  }
0xb6: {  	[sflag:s29] =	ssyncadd.s32 $0xFFFFFFFF  }
0xb7: {  	_ =	strace $0x90000048  }
0xb8: {  	_ =	sfence  }
0xb9: {  	s30 =	sld [smem:$0x0];
	_ =	sdelay $0x2  }
0xba: {  	s31 =	sshll.u32 s1, $0xD;
	s1 =	sshrl.u32 s1, $0x2  }
0xbb: {  	s3 =	sand.u32 $0x4000, s31;
	s1 =	sadd.s32 s1, s30  }
0xbc: {  	s0 =	sor.u32 s3, s0;
	s1 =	sshll.u32 s1, $0x11  }
0xbd: {  	s0 =	sor.u32 s1, s0  }
0xbe: {  	s0 =	sadd.s32 $0x8F2B, s0  }
0xbf: {  	[sflag:s0] =	ssyncadd.remote.s32 $0x1  }
0xc0: {  	_ =	sfence.sel $0xFFFF  }
0xc1: {  	[dreg:$0x0] =	wrdreg $0xFFFFFFFF;
	(pc) =	sbr.abs _section_cstart, $3  }
0xc2: {  	[dreg:$0x1] =	wrdreg $0xFFFFFFFF  }
0xc3: {  	_ =	task.clear_ibuf [dreg:s8], $0x2FFFF;
	_ =	strace $0x9FFFFFFF  }
0xc4: {  	(tm) =	ssettm $0x7FFFFFFF  }
0xc5: {  	_ =	shalt  }
tec
execute0_lowered:
.L_overlay_start_1:
0x0: {  	(tag) =	ssettag $0x1  }
0x1: {  	s3 =	rddreg [dreg:$0x0]  }
0x2: {  	s6 =	rddreg [dreg:$0x2]  }
0x3: {  	s0 =	srdreg.scid;
	s4 =	stileid.u32  }
0x4: {  	s1 =	simm.s32 $0x0;
	s0 =	sand.u32 $0x1, s0;
	s4 =	sshll.u32 s4, $0x4  }
0x5: {  	[smem:$0x7FF] =	sst s1;
	s2 =	ssub.s32 $0x2, s0;
	s0 =	sshll.u32 s0, $0x3  }
0x6: {  	s7 =	sadd.s32 $0x800, s6;
	s5 =	sshrl.u32 s2, $0x1;
	s4 =	sor.u32 s0, s4  }
0x7: {  	s8 =	sadd.s32 $0x1000, s6;
	s16 =	ssub.s32 s2, s5;
	s0 =	sshll.u32 s4, $0xD  }
0x8: {  	s29 =	sshll.u32 s4, $0xE;
	s10 =	sor.u32 $0x1, s4;
	s0 =	sadd.s32 s3, s0  }
0x9: {  	s15 =	sor.u32 $0x3, s4;
	s30 =	sadd.s32 s6, s29;
	[dreg:$0x4] =	wrdreg s0  }
0xa: {  	s31 =	sshll.u32 s10, $0xD;
	s9 =	sadd.s32 s29, s7;
	[dreg:$0x5] =	wrdreg s30  }
0xb: {  	s11 =	sadd.s32 s29, s8;
	s13 =	sshll.u32 s15, $0xD;
	[dreg:$0x6] =	wrdreg s9  }
0xc: {  	s23 =	sshll.u32 s10, $0xE;
	[dreg:$0x7] =	wrdreg s11;
	s0 =	sadd.s32 s3, s31  }
0xd: {  	s10 =	sadd.s32 $0x2000, s6;
	s18 =	sadd.s32 s3, s13;
	[dreg:$0x8] =	wrdreg s0  }
0xe: {  	s14 =	sor.u32 $0x2, s4;
	s25 =	sadd.s32 s29, s10;
	[dreg:$0xa] =	wrdreg s18  }
0xf: {  	s17 =	sor.u32 $0x4, s4;
	s30 =	sadd.s32 s6, s23;
	[dreg:$0x10] =	wrdreg s25  }
0x10: {  	s2 =	sor.u32 $0x7, s4;
	s31 =	sadd.s32 s23, s7;
	[dreg:$0x14] =	wrdreg s30  }
0x11: {  	s12 =	sshll.u32 s14, $0xD;
	s5 =	sadd.s32 s23, s8;
	[dreg:$0x15] =	wrdreg s31  }
0x12: {  	s9 =	sshll.u32 s17, $0xD;
	s0 =	sadd.s32 s3, s12;
	[dreg:$0x16] =	wrdreg s5  }
0x13: {  	s19 =	sadd.s32 s3, s9;
	s9 =	sadd.s32 $0x1800, s6;
	[dreg:$0x9] =	wrdreg s0  }
0x14: {  	s12 =	sadd.s32 $0x3000, s6;
	[dreg:$0xb] =	wrdreg s19;
	s24 =	sadd.s32 s29, s9  }
0x15: {  	s18 =	sor.u32 $0x5, s4;
	s28 =	sadd.s32 s29, s12;
	[dreg:$0xf] =	wrdreg s24  }
0x16: {  	s20 =	sshll.u32 s18, $0xD;
	s19 =	sadd.s32 s23, s9;
	[dreg:$0x12] =	wrdreg s28  }
0x17: {  	s0 =	sor.u32 $0x6, s4;
	s4 =	sadd.s32 s3, s20;
	[dreg:$0x17] =	wrdreg s19  }
0x18: {  	s21 =	sshll.u32 s0, $0xD;
	s20 =	sadd.s32 s23, s10;
	[dreg:$0xc] =	wrdreg s4  }
0x19: {  	s11 =	sshll.u32 s2, $0xD;
	s22 =	sadd.s32 s3, s21;
	[dreg:$0x18] =	wrdreg s20  }
0x1a: {  	s3 =	sadd.s32 s3, s11;
	s11 =	sadd.s32 $0x2800, s6;
	[dreg:$0xd] =	wrdreg s22  }
0x1b: {  	s13 =	sadd.s32 $0x3800, s6;
	[dreg:$0xe] =	wrdreg s3;
	s26 =	sadd.s32 s29, s11  }
0x1c: {  	s29 =	sadd.s32 s29, s13;
	[dreg:$0x11] =	wrdreg s26  }
0x1d: {  	s21 =	sadd.s32 s23, s11;
	[dreg:$0x13] =	wrdreg s29  }
0x1e: {  	s22 =	sadd.s32 s23, s12;
	[dreg:$0x19] =	wrdreg s21  }
0x1f: {  	s4 =	sshll.u32 s15, $0xE;
	s3 =	sadd.s32 s23, s13;
	[dreg:$0x1a] =	wrdreg s22  }
0x20: {  	s23 =	sshll.u32 s14, $0xE;
	s14 =	sadd.s32 s6, s4;
	[dreg:$0x1b] =	wrdreg s3  }
0x21: {  	s15 =	sadd.s32 s4, s7;
	[smem:$0x7E3] =	sst s14  }
0x22: {  	s19 =	sadd.s32 s4, s8;
	[smem:$0x7E4] =	sst s15  }
0x23: {  	s20 =	sadd.s32 s4, s9;
	[smem:$0x7E5] =	sst s19  }
0x24: {  	s24 =	sadd.s32 s6, s23;
	[smem:$0x7E6] =	sst s20  }
0x25: {  	s25 =	sadd.s32 s23, s7;
	[dreg:$0x1c] =	wrdreg s24  }
0x26: {  	s26 =	sadd.s32 s23, s8;
	[dreg:$0x1d] =	wrdreg s25  }
0x27: {  	s28 =	sadd.s32 s23, s9;
	[dreg:$0x1e] =	wrdreg s26  }
0x28: {  	s29 =	sadd.s32 s23, s10;
	[dreg:$0x1f] =	wrdreg s28  }
0x29: {  	s30 =	sadd.s32 s23, s11;
	[smem:$0x7DF] =	sst s29  }
0x2a: {  	s31 =	sadd.s32 s23, s12;
	[smem:$0x7E0] =	sst s30  }
0x2b: {  	s3 =	sadd.s32 s23, s13;
	[smem:$0x7E1] =	sst s31  }
0x2c: {  	s21 =	sadd.s32 s4, s10;
	[smem:$0x7E2] =	sst s3  }
0x2d: {  	s22 =	sadd.s32 s4, s11;
	[smem:$0x7E7] =	sst s21  }
0x2e: {  	s23 =	sadd.s32 s4, s12;
	[smem:$0x7E8] =	sst s22  }
0x2f: {  	[smem:$0x7E9] =	sst s23;
	s24 =	sadd.s32 s4, s13;
	s25 =	sshll.u32 s17, $0xE  }
0x30: {  	[smem:$0x7EA] =	sst s24;
	s28 =	sadd.s32 s6, s25  }
0x31: {  	s29 =	sadd.s32 s25, s7;
	[smem:$0x7EB] =	sst s28  }
0x32: {  	s30 =	sadd.s32 s25, s8;
	[smem:$0x7EC] =	sst s29  }
0x33: {  	s31 =	sadd.s32 s25, s9;
	[smem:$0x7ED] =	sst s30  }
0x34: {  	s14 =	sadd.s32 s25, s10;
	[smem:$0x7EE] =	sst s31  }
0x35: {  	s15 =	sadd.s32 s25, s11;
	[smem:$0x7EF] =	sst s14  }
0x36: {  	s17 =	sadd.s32 s25, s12;
	[smem:$0x7F0] =	sst s15  }
0x37: {  	s26 =	sshll.u32 s18, $0xE;
	s3 =	sadd.s32 s25, s13;
	[smem:$0x7F1] =	sst s17  }
0x38: {  	s18 =	sadd.s32 s6, s26;
	[smem:$0x7F2] =	sst s3  }
0x39: {  	s19 =	sadd.s32 s26, s7;
	[smem:$0x7F3] =	sst s18  }
0x3a: {  	s20 =	sadd.s32 s26, s8;
	[smem:$0x7F4] =	sst s19  }
0x3b: {  	s21 =	sadd.s32 s26, s9;
	[smem:$0x7F5] =	sst s20  }
0x3c: {  	s22 =	sadd.s32 s26, s10;
	[smem:$0x7F6] =	sst s21  }
0x3d: {  	s23 =	sadd.s32 s26, s11;
	[smem:$0x7F7] =	sst s22  }
0x3e: {  	s24 =	sadd.s32 s26, s12;
	[smem:$0x7F8] =	sst s23  }
0x3f: {  	s25 =	sadd.s32 s26, s13;
	[smem:$0x7F9] =	sst s24  }
0x40: {  	s16 =	smax.u32 s16, $0x1;
	s26 =	sshll.u32 s0, $0xE;
	[smem:$0x7FA] =	sst s25  }
0x41: {  	s28 =	sshll.u32 s2, $0xE;
	s0 =	sadd.s32 s6, s26;
	s29 =	sadd.s32 s26, s7  }
0x42: {  	s30 =	sadd.s32 s26, s8;
	s2 =	sadd.s32 s26, s10;
	s3 =	sadd.s32 s26, s11  }
0x43: {  	s4 =	sadd.s32 s26, s12;
	s5 =	sadd.s32 s26, s13;
	s31 =	rddreg [dreg:$0x1]  }
0x44: {  	s17 =	simm.s32 $0x3;
	s18 =	simm.s32 $0x14000;
	[smem:$0x7FB] =	sst s0  }
0x45: {  	s19 =	simm.s32 $0x18000;
	s20 =	simm.s32 $0x1;
	[smem:$0x7FC] =	sst s29  }
0x46: {  	s21 =	simm.s32 $0x2;
	s22 =	simm.s32 $0x0;
	[smem:$0x7FD] =	sst s30  }
0x47: {  	s0 =	sadd.s32 s26, s9;
	s6 =	sadd.s32 s6, s28;
	s7 =	sadd.s32 s28, s7  }
0x48: {  	s8 =	sadd.s32 s28, s8;
	s9 =	sadd.s32 s28, s9;
	s10 =	sadd.s32 s28, s10  }
0x49: {  	s11 =	sadd.s32 s28, s11;
	s12 =	sadd.s32 s28, s12;
	s13 =	sadd.s32 s28, s13  }
0x4a: {  	s14 =	sadd.s32 $0x800, s31;
	s15 =	sadd.s32 $0x400, s31;
	_ =	strace $0x80000047  }
.LBB2_1:
0x4b: {  	s23 =	simm.s32 $0x10000  }
0x4c: {  	[tilespmem:s23], [sflag:$0x3] =	stream.linear.gather [hbm4b:s14+s1], $0x2000, $0x38;
	[tilespmem:$0x1C000] =	vst v63  }
0x4d: {  	_ =	swait.ge [sflag:s17], $0x2000  }
0x4e: {  	[sflag:s17] =	ssyncset.done $0x0  }
0x4f: {  	s30 =	simm.s32 $0x12000;
	[sflag:s17] =	ssyncadd.s32 $0xFFFFE000  }
0x50: {  	[tilespmem:s30], [sflag:$0x3] =	stream.linear.gather [hbm4b:s15+s1], $0x2000, $0x38;
	[tilespmem:$0x1C000] =	vst v63  }
0x51: {  	_ =	swait.ge [sflag:s17], $0x2000  }
0x52: {  	[sflag:s17] =	ssyncset.done $0x0  }
0x53: {  	s31 =	rddreg [dreg:$0x4];
	[sflag:s17] =	ssyncadd.s32 $0xFFFFE000  }
0x54: {  	[tilespmem:s1], [sflag:$0x3] =	stream.linear.gather [hbm4b:s31+s1], $0x10000, $0x38;
	[tilespmem:$0x1C000] =	vst v63  }
0x55: {  	s24 =	simm.s32 $0x0;
	_ =	swait.ge [sflag:s17], $0x10000  }
0x56: {  	s23 =	sand.u32 $0x70, s1;
	s24 =	sand.u32 $0xFFFFFE00, s24;
	[sflag:s17] =	ssyncset.done $0x0  }
0x57: {  	s24 =	sor.u32 s23, s24;
	[sflag:s17] =	ssyncadd.s32 $0xFFFF0000  }
0x58: {  	v0 =	vld [tilespmem:s24+$0x10000]  }
0x59: {  	v1 =	vld [tilespmem:s24+$0x10100]  }
0x5a: {  	v2 =	vld [tilespmem:s24+$0x10080]  }
0x5b: {  	v3 =	vld [tilespmem:s24+$0x10180];
	_ =	sdelay $0x3  }
0x5c: {  	v4 =	vshll.u32 v1, $0x3;
	v5 =	vshll.u32 v0, $0x7  }
0x5d: {  	v0 =	vshll.u32 v0, $0x8;
	v6 =	vshll.u32 v2, $0x7;
	v7 =	vand.u32 $0x7F, v3  }
0x5e: {  	v3 =	vshll.u32 v3, $0x3;
	v1 =	vand.u32 $0x7F, v1;
	v2 =	vshll.u32 v2, $0x8  }
0x5f: {  	v4 =	vand.u32 $0xFFFFFC00, v4;
	v5 =	vand.u32 $0x380, v5;
	v0 =	vand.u32 $0xFFFFF800, v0  }
0x60: {  	v3 =	vand.u32 $0xFFFFFC00, v3;
	v2 =	vand.u32 $0xFFFFF800, v2;
	v8 =	vadd.s32 v0, v4  }
0x61: {  	v6 =	vand.u32 $0x380, v6;
	v0 =	vadd.s32 v0, v3;
	v8 =	vor.u32 v5, v8  }
0x62: {  	v4 =	vadd.s32 v2, v4;
	v0 =	vor.u32 v5, v0;
	v8 =	vor.u32 v1, v8  }
0x63: {  	v2 =	vadd.s32 v2, v3;
	v3 =	vor.u32 v7, v0;
	v0 =	vor.u32 v6, v4  }
0x64: {  	v2 =	vor.u32 v6, v2;
	v1 =	vor.u32 v1, v0  }
0x65: {  	v6 =	vor.u32 v7, v2;
	v4 =	vld [tilespmem:s24+$0x12000]  }
0x66: {  	v0 =	vld [tilespmem:s24+$0x12080]  }
0x67: {  	v2 =	vld.idx.msk [tilespmem:v8+s1+$0x0], $0xffff  }
0x68: {  	v5 =	vld.idx.msk [tilespmem:v3+s1+$0x0], $0xffff  }
0x69: {  	v3 =	vld.idx.msk [tilespmem:v1+s1+$0x0], $0xffff  }
0x6a: {  	v1 =	vld.idx.msk [tilespmem:v6+s1+$0x0], $0xffff  }
0x6b: {  	s26 =	simm.s32 $0x1;
	s28 =	simm.s32 $0x0;
	s25 =	simm.s32 $0x0;
	v6 =	vld [tilespmem:s24+$0x12100]  }
.LBB2_2:
0x6c: {  	p0 =	sne.s32 s26, $0x7F  }
0x6d: {  	s28 =	sadd.s32 $0x10, s28;
	s29 =	smov.u32 s26;
	s26 =	sadd.s32 $0x1, s26  }
0x6e: {  	v7 =	vld [tilespmem:s24+$0x12180]  }
0x6f: {  	v2 =	vmul.f32 v4, v2;
	v0 =	vmul.f32 v0, v5;
	_ =	sdelay $0x1  }
0x70: {  	v0 =	vadd.f32 v0, v2;
	v2 =	vmul.f32 v6, v3;
	_ =	sdelay $0x1  }
0x71: {  	v0 =	vadd.f32 v2, v0;
	v1 =	vmul.f32 v7, v1  }
0x72: {  	s24 =	sshll.u32 s25, $0x7;
	s25 =	smov.u32 s29  }
0x73: {  	s24 =	sand.u32 $0x3FFFFC00, s24;
	v0 =	vadd.f32 v1, v0  }
0x74: {  	s29 =	sshll.u32 s25, $0x6;
	s24 =	sor.u32 s23, s24  }
0x75: {  	s23 =	sand.u32 $0x70, s28;
	s29 =	sand.u32 $0xFFFFFE00, s29;
	s30 =	sadd.s32 $0x14000, s24;
	[tilespmem:s24+$0x14000] =	vst v0  }
0x76: {  	s24 =	sor.u32 s23, s29;
	[tilespmem:s30+$0x80] =	vst v0  }
0x77: {  	[tilespmem:s30+$0x100] =	vst v0  }
0x78: {  	[tilespmem:s30+$0x180] =	vst v0  }
0x79: {  	[tilespmem:s30+$0x200] =	vst v0  }
0x7a: {  	[tilespmem:s30+$0x280] =	vst v0  }
0x7b: {  	[tilespmem:s30+$0x300] =	vst v0  }
0x7c: {  	[tilespmem:s30+$0x380] =	vst v0  }
0x7d: {  	v0 =	vld [tilespmem:s24+$0x10000]  }
0x7e: {  	v1 =	vld [tilespmem:s24+$0x10100]  }
0x7f: {  	v2 =	vld [tilespmem:s24+$0x10080]  }
0x80: {  	v3 =	vld [tilespmem:s24+$0x10180];
	_ =	sdelay $0x2  }
0x81: {  	v4 =	vshll.u32 v0, $0x8;
	v0 =	vshll.u32 v0, $0x7;
	v5 =	vshll.u32 v1, $0x3  }
0x82: {  	v0 =	vand.u32 $0x380, v0;
	v5 =	vand.u32 $0xFFFFFC00, v5;
	v6 =	vshll.u32 v2, $0x7  }
0x83: {  	v4 =	vand.u32 $0xFFFFF800, v4;
	v7 =	vand.u32 $0x7F, v3;
	v3 =	vshll.u32 v3, $0x3  }
0x84: {  	v1 =	vand.u32 $0x7F, v1;
	v8 =	vadd.s32 v4, v5;
	v6 =	vand.u32 $0x380, v6  }
0x85: {  	v2 =	vshll.u32 v2, $0x8;
	v8 =	vor.u32 v0, v8;
	v3 =	vand.u32 $0xFFFFFC00, v3  }
0x86: {  	v2 =	vand.u32 $0xFFFFF800, v2;
	v8 =	vor.u32 v1, v8;
	v4 =	vadd.s32 v4, v3  }
0x87: {  	v0 =	vor.u32 v0, v4;
	v4 =	vadd.s32 v2, v5;
	v2 =	vadd.s32 v2, v3  }
0x88: {  	v3 =	vor.u32 v7, v0;
	v0 =	vor.u32 v6, v4;
	v2 =	vor.u32 v6, v2  }
0x89: {  	v1 =	vor.u32 v1, v0;
	v6 =	vor.u32 v7, v2  }
0x8a: {  	v0 =	vld [tilespmem:s24+$0x12080]  }
0x8b: {  	v2 =	vld.idx.msk [tilespmem:v8+s1+$0x0], $0xffff  }
.Ltmp0:
0x8c: {  	v4 =	vld [tilespmem:s24+$0x12000];
	(pc) =	sbr.rel @p0 .LBB2_2-.Ltmp0, $4  }
0x8d: {  	v5 =	vld.idx.msk [tilespmem:v3+s1+$0x0], $0xffff  }
0x8e: {  	v3 =	vld.idx.msk [tilespmem:v1+s1+$0x0], $0xffff  }
0x8f: {  	v1 =	vld.idx.msk [tilespmem:v6+s1+$0x0], $0xffff  }
0x90: {  	v6 =	vld [tilespmem:s24+$0x12100]  }
0x91: {  	_ = 	snop  }
0x92: {  	v7 =	vld [tilespmem:s24+$0x12180]  }
0x93: {  	v2 =	vmul.f32 v4, v2;
	v0 =	vmul.f32 v0, v5;
	_ =	sdelay $0x1  }
0x94: {  	v0 =	vadd.f32 v0, v2;
	v2 =	vmul.f32 v6, v3;
	_ =	sdelay $0x1  }
0x95: {  	v1 =	vmul.f32 v7, v1;
	v0 =	vadd.f32 v2, v0  }
0x96: {  	s31 =	sshll.u32 s25, $0x7  }
0x97: {  	s24 =	sand.u32 $0x3FFFFC00, s31;
	v0 =	vadd.f32 v1, v0  }
0x98: {  	s23 =	sor.u32 s23, s24  }
0x99: {  	s24 =	sadd.s32 $0x14000, s23;
	[tilespmem:s23+$0x14000] =	vst v0  }
0x9a: {  	[tilespmem:s24+$0x80] =	vst v0  }
0x9b: {  	[tilespmem:s24+$0x100] =	vst v0  }
0x9c: {  	[tilespmem:s24+$0x180] =	vst v0  }
0x9d: {  	[tilespmem:s24+$0x200] =	vst v0  }
0x9e: {  	[tilespmem:s24+$0x280] =	vst v0  }
0x9f: {  	[tilespmem:s24+$0x300] =	vst v0  }
0xa0: {  	s25 =	rddreg [dreg:$0x5];
	[tilespmem:s24+$0x380] =	vst v0;
	s24 =	simm.s32 $0x0  }
0xa1: {  	[hbm4b:s25+s24] =	stream.linear.scatter [tilespmem:s18], [sflag:$0x1], $0x4000, $0x38;
	[tilespmem:$0x1C000] =	vst v63  }
0xa2: {  	s26 =	rddreg [dreg:$0x6]  }
0xa3: {  	[hbm4b:s26+s24] =	stream.linear.scatter [tilespmem:s18], [sflag:$0x1], $0x4000, $0x38;
	[tilespmem:$0x1C000] =	vst v63  }
0xa4: {  	s29 =	rddreg [dreg:$0x7]  }
0xa5: {  	[hbm4b:s29+s24] =	stream.linear.scatter [tilespmem:s18], [sflag:$0x1], $0x4000, $0x38;
	[tilespmem:$0x1C000] =	vst v63  }
0xa6: {  	s30 =	rddreg [dreg:$0xf]  }
0xa7: {  	[hbm4b:s30+s24] =	stream.linear.scatter [tilespmem:s18], [sflag:$0x1], $0x4000, $0x38;
	[tilespmem:$0x1C000] =	vst v63  }
0xa8: {  	s31 =	rddreg [dreg:$0x10]  }
0xa9: {  	[hbm4b:s31+s24] =	stream.linear.scatter [tilespmem:s18], [sflag:$0x1], $0x4000, $0x38;
	[tilespmem:$0x1C000] =	vst v63  }
0xaa: {  	s25 =	rddreg [dreg:$0x11]  }
0xab: {  	[hbm4b:s25+s24] =	stream.linear.scatter [tilespmem:s18], [sflag:$0x1], $0x4000, $0x38;
	[tilespmem:$0x1C000] =	vst v63  }
0xac: {  	s26 =	rddreg [dreg:$0x12]  }
0xad: {  	[hbm4b:s26+s24] =	stream.linear.scatter [tilespmem:s18], [sflag:$0x1], $0x4000, $0x38;
	[tilespmem:$0x1C000] =	vst v63  }
0xae: {  	s29 =	rddreg [dreg:$0x13]  }
0xaf: {  	[hbm4b:s29+s24] =	stream.linear.scatter [tilespmem:s18], [sflag:$0x1], $0x4000, $0x38;
	[tilespmem:$0x1C000] =	vst v63  }
0xb0: {  	s30 =	rddreg [dreg:$0x8]  }
0xb1: {  	[tilespmem:s24], [sflag:$0x3] =	stream.linear.gather [hbm4b:s30+s24], $0x10000, $0x38;
	[tilespmem:$0x1C000] =	vst v63  }
0xb2: {  	s31 =	simm.s32 $0x0;
	_ =	swait.ge [sflag:s17], $0x10000  }
0xb3: {  	s23 =	sand.u32 $0x70, s24;
	s25 =	sand.u32 $0xFFFFFE00, s31;
	[sflag:s17] =	ssyncset.done $0x0  }
0xb4: {  	s25 =	sor.u32 s23, s25;
	[sflag:s17] =	ssyncadd.s32 $0xFFFF0000  }
0xb5: {  	v0 =	vld [tilespmem:s25+$0x10100]  }
0xb6: {  	v1 =	vld [tilespmem:s25+$0x10000]  }
0xb7: {  	v2 =	vld [tilespmem:s25+$0x10180]  }
0xb8: {  	v3 =	vld [tilespmem:s25+$0x10080];
	_ =	sdelay $0x3  }
0xb9: {  	v4 =	vshll.u32 v1, $0x7;
	v1 =	vshll.u32 v1, $0x8;
	v5 =	vshll.u32 v0, $0x3  }
0xba: {  	v6 =	vshll.u32 v2, $0x3;
	v0 =	vand.u32 $0x7F, v0;
	v7 =	vshll.u32 v3, $0x8  }
0xbb: {  	v63 =	vand.u32 $0x7F, v2;
	v3 =	vshll.u32 v3, $0x7;
	v1 =	vand.u32 $0xFFFFF800, v1  }
0xbc: {  	v5 =	vand.u32 $0xFFFFFC00, v5;
	v6 =	vand.u32 $0xFFFFFC00, v6;
	v4 =	vand.u32 $0x380, v4  }
0xbd: {  	v7 =	vand.u32 $0xFFFFF800, v7;
	v3 =	vand.u32 $0x380, v3;
	v8 =	vadd.s32 v1, v5  }
0xbe: {  	v9 =	vadd.s32 v1, v6;
	v2 =	vadd.s32 v7, v6;
	v1 =	vor.u32 v4, v8  }
0xbf: {  	v5 =	vadd.s32 v7, v5;
	v4 =	vor.u32 v4, v9;
	v1 =	vor.u32 v0, v1  }
0xc0: {  	v5 =	vor.u32 v3, v5;
	v3 =	vor.u32 v3, v2;
	v2 =	vor.u32 v63, v4  }
0xc1: {  	s28 =	simm.s32 $0x1;
	s26 =	simm.s32 $0x0;
	v4 =	vor.u32 v0, v5;
	v3 =	vor.u32 v63, v3;
	v0 =	vld [tilespmem:s25+$0x12100]  }
.LBB2_4:
0xc2: {  	p0 =	sne.s32 s28, $0x7F  }
0xc3: {  	v5 =	vld [tilespmem:s25+$0x12080];
	s24 =	sadd.s32 $0x10, s24;
	s29 =	smov.u32 s28;
	s28 =	sadd.s32 $0x1, s28  }
0xc4: {  	v1 =	vld.idx.msk [tilespmem:v1+s1+$0x0], $0xffff  }
0xc5: {  	v2 =	vld.idx.msk [tilespmem:v2+s1+$0x0], $0xffff  }
0xc6: {  	v6 =	vld [tilespmem:s25+$0x12000]  }
0xc7: {  	v4 =	vld.idx.msk [tilespmem:v4+s1+$0x0], $0xffff  }
0xc8: {  	v3 =	vld.idx.msk [tilespmem:v3+s1+$0x0], $0xffff;
	_ =	sdelay $0x1  }
0xc9: {  	v7 =	vld [tilespmem:s25+$0x12180]  }
0xca: {  	v2 =	vmul.f32 v5, v2;
	v1 =	vmul.f32 v6, v1  }
0xcb: {  	s25 =	sshll.u32 s29, $0x6  }
0xcc: {  	s30 =	sand.u32 $0x70, s24;
	s25 =	sand.u32 $0xFFFFFE00, s25;
	v0 =	vmul.f32 v0, v4;
	v1 =	vadd.f32 v2, v1  }
0xcd: {  	s25 =	sor.u32 s30, s25  }
0xce: {  	v0 =	vadd.f32 v0, v1;
	v1 =	vmul.f32 v7, v3  }
0xcf: {  	s31 =	sshll.u32 s26, $0x7;
	s26 =	smov.u32 s29  }
0xd0: {  	s29 =	sand.u32 $0x3FFFFC00, s31;
	v0 =	vadd.f32 v1, v0  }
0xd1: {  	s29 =	sor.u32 s23, s29;
	s23 =	smov.u32 s30  }
0xd2: {  	[tilespmem:s29+$0x18000] =	vst v0  }
0xd3: {  	[tilespmem:s29+$0x18080] =	vst v0  }
0xd4: {  	[tilespmem:s29+$0x18100] =	vst v0  }
0xd5: {  	[tilespmem:s29+$0x18180] =	vst v0  }
0xd6: {  	[tilespmem:s29+$0x18200] =	vst v0  }
0xd7: {  	[tilespmem:s29+$0x18280] =	vst v0  }
0xd8: {  	[tilespmem:s29+$0x18300] =	vst v0  }
0xd9: {  	[tilespmem:s29+$0x18380] =	vst v0  }
0xda: {  	v0 =	vld [tilespmem:s25+$0x10100]  }
0xdb: {  	v1 =	vld [tilespmem:s25+$0x10000]  }
0xdc: {  	v2 =	vld [tilespmem:s25+$0x10180]  }
0xdd: {  	v3 =	vld [tilespmem:s25+$0x10080];
	_ =	sdelay $0x2  }
0xde: {  	v4 =	vshll.u32 v1, $0x7  }
0xdf: {  	v5 =	vshll.u32 v0, $0x3;
	v1 =	vshll.u32 v1, $0x8;
	v6 =	vshll.u32 v2, $0x3  }
0xe0: {  	v0 =	vand.u32 $0x7F, v0;
	v1 =	vand.u32 $0xFFFFF800, v1;
	v7 =	vshll.u32 v3, $0x8  }
0xe1: {  	v5 =	vand.u32 $0xFFFFFC00, v5;
	v6 =	vand.u32 $0xFFFFFC00, v6;
	v7 =	vand.u32 $0xFFFFF800, v7  }
0xe2: {  	v4 =	vand.u32 $0x380, v4;
	v8 =	vadd.s32 v1, v5;
	v9 =	vadd.s32 v1, v6  }
.Ltmp1:
0xe3: {  	v1 =	vor.u32 v4, v8;
	v8 =	vand.u32 $0x7F, v2;
	v6 =	vadd.s32 v7, v6;
	(pc) =	sbr.rel @p0 .LBB2_4-.Ltmp1, $4  }
0xe4: {  	v3 =	vshll.u32 v3, $0x7;
	v1 =	vor.u32 v0, v1;
	v2 =	vor.u32 v4, v9  }
0xe5: {  	v3 =	vand.u32 $0x380, v3;
	v4 =	vadd.s32 v7, v5;
	v2 =	vor.u32 v8, v2  }
0xe6: {  	v4 =	vor.u32 v3, v4;
	v3 =	vor.u32 v3, v6  }
0xe7: {  	v4 =	vor.u32 v0, v4;
	v3 =	vor.u32 v8, v3;
	v0 =	vld [tilespmem:s25+$0x12100]  }
0xe8: {  	_ =	sdelay $0x2  }
0xe9: {  	v5 =	vld [tilespmem:s25+$0x12080]  }
0xea: {  	v1 =	vld.idx.msk [tilespmem:v1+s1+$0x0], $0xffff  }
0xeb: {  	v2 =	vld.idx.msk [tilespmem:v2+s1+$0x0], $0xffff  }
0xec: {  	v6 =	vld [tilespmem:s25+$0x12000];
	_ =	sdelay $0x1  }
0xed: {  	v4 =	vld.idx.msk [tilespmem:v4+s1+$0x0], $0xffff  }
0xee: {  	v3 =	vld.idx.msk [tilespmem:v3+s1+$0x0], $0xffff  }
0xef: {  	v7 =	vld [tilespmem:s25+$0x12180]  }
0xf0: {  	v1 =	vmul.f32 v6, v1;
	v2 =	vmul.f32 v5, v2;
	_ =	sdelay $0x1  }
0xf1: {  	v0 =	vmul.f32 v0, v4;
	v1 =	vadd.f32 v2, v1;
	_ =	sdelay $0x1  }
0xf2: {  	v0 =	vadd.f32 v0, v1;
	v1 =	vmul.f32 v7, v3  }
0xf3: {  	s24 =	sshll.u32 s26, $0x7  }
0xf4: {  	s24 =	sand.u32 $0x3FFFFC00, s24;
	v0 =	vadd.f32 v1, v0  }
0xf5: {  	s23 =	sor.u32 s23, s24  }
0xf6: {  	[tilespmem:s23+$0x18000] =	vst v0  }
0xf7: {  	[tilespmem:s23+$0x18080] =	vst v0  }
0xf8: {  	[tilespmem:s23+$0x18100] =	vst v0  }
0xf9: {  	[tilespmem:s23+$0x18180] =	vst v0  }
0xfa: {  	[tilespmem:s23+$0x18200] =	vst v0  }
0xfb: {  	[tilespmem:s23+$0x18280] =	vst v0  }
0xfc: {  	[tilespmem:s23+$0x18300] =	vst v0  }
0xfd: {  	s25 =	rddreg [dreg:$0x14];
	[tilespmem:s23+$0x18380] =	vst v0;
	s23 =	simm.s32 $0x0  }
0xfe: {  	[hbm4b:s25+s23] =	stream.linear.scatter [tilespmem:s19], [sflag:$0x2], $0x4000, $0x38;
	[tilespmem:$0x1C000] =	vst v63  }
0xff: {  	s26 =	rddreg [dreg:$0x15]  }
0x100: {  	[hbm4b:s26+s23] =	stream.linear.scatter [tilespmem:s19], [sflag:$0x2], $0x4000, $0x38;
	[tilespmem:$0x1C000] =	vst v63  }
0x101: {  	s29 =	rddreg [dreg:$0x16]  }
0x102: {  	[hbm4b:s29+s23] =	stream.linear.scatter [tilespmem:s19], [sflag:$0x2], $0x4000, $0x38;
	[tilespmem:$0x1C000] =	vst v63  }
0x103: {  	s30 =	rddreg [dreg:$0x17]  }
0x104: {  	[hbm4b:s30+s23] =	stream.linear.scatter [tilespmem:s19], [sflag:$0x2], $0x4000, $0x38;
	[tilespmem:$0x1C000] =	vst v63  }
0x105: {  	s31 =	rddreg [dreg:$0x18]  }
0x106: {  	[hbm4b:s31+s23] =	stream.linear.scatter [tilespmem:s19], [sflag:$0x2], $0x4000, $0x38;
	[tilespmem:$0x1C000] =	vst v63  }
0x107: {  	s25 =	rddreg [dreg:$0x19]  }
0x108: {  	[hbm4b:s25+s23] =	stream.linear.scatter [tilespmem:s19], [sflag:$0x2], $0x4000, $0x38;
	[tilespmem:$0x1C000] =	vst v63  }
0x109: {  	s26 =	rddreg [dreg:$0x1a]  }
0x10a: {  	[hbm4b:s26+s23] =	stream.linear.scatter [tilespmem:s19], [sflag:$0x2], $0x4000, $0x38;
	[tilespmem:$0x1C000] =	vst v63  }
0x10b: {  	s29 =	rddreg [dreg:$0x1b]  }
0x10c: {  	[hbm4b:s29+s23] =	stream.linear.scatter [tilespmem:s19], [sflag:$0x2], $0x4000, $0x38;
	[tilespmem:$0x1C000] =	vst v63  }
0x10d: {  	s30 =	rddreg [dreg:$0x9]  }
0x10e: {  	[tilespmem:s23], [sflag:$0x3] =	stream.linear.gather [hbm4b:s30+s23], $0x10000, $0x38;
	[tilespmem:$0x1C000] =	vst v63  }
0x10f: {  	_ =	swait.ge [sflag:s17], $0x10000  }
0x110: {  	[sflag:s17] =	ssyncset.done $0x0  }
0x111: {  	[sflag:s17] =	ssyncadd.s32 $0xFFFF0000  }
0x112: {  	_ =	swait.ge [sflag:s20], $0x4000  }
0x113: {  	[sflag:s20] =	ssyncset.done $0x0  }
0x114: {  	[sflag:s20] =	ssyncadd.s32 $0xFFFFC000  }
0x115: {  	_ =	swait.ge [sflag:s20], $0x4000  }
0x116: {  	[sflag:s20] =	ssyncset.done $0x0  }
0x117: {  	[sflag:s20] =	ssyncadd.s32 $0xFFFFC000  }
0x118: {  	_ =	swait.ge [sflag:s20], $0x4000  }
0x119: {  	[sflag:s20] =	ssyncset.done $0x0  }
0x11a: {  	[sflag:s20] =	ssyncadd.s32 $0xFFFFC000  }
0x11b: {  	_ =	swait.ge [sflag:s20], $0x4000  }
0x11c: {  	[sflag:s20] =	ssyncset.done $0x0  }
0x11d: {  	[sflag:s20] =	ssyncadd.s32 $0xFFFFC000  }
0x11e: {  	_ =	swait.ge [sflag:s20], $0x4000  }
0x11f: {  	[sflag:s20] =	ssyncset.done $0x0  }
0x120: {  	[sflag:s20] =	ssyncadd.s32 $0xFFFFC000  }
0x121: {  	_ =	swait.ge [sflag:s20], $0x4000  }
0x122: {  	[sflag:s20] =	ssyncset.done $0x0  }
0x123: {  	[sflag:s20] =	ssyncadd.s32 $0xFFFFC000  }
0x124: {  	_ =	swait.ge [sflag:s20], $0x4000  }
0x125: {  	[sflag:s20] =	ssyncset.done $0x0  }
0x126: {  	[sflag:s20] =	ssyncadd.s32 $0xFFFFC000  }
0x127: {  	s31 =	simm.s32 $0x0;
	_ =	swait.ge [sflag:s20], $0x4000  }
0x128: {  	s24 =	sand.u32 $0x70, s23;
	s25 =	sand.u32 $0xFFFFFE00, s31;
	[sflag:s20] =	ssyncset.done $0x0  }
0x129: {  	s25 =	sor.u32 s24, s25;
	[sflag:s20] =	ssyncadd.s32 $0xFFFFC000  }
0x12a: {  	v0 =	vld [tilespmem:s25+$0x10000]  }
0x12b: {  	v1 =	vld [tilespmem:s25+$0x10100]  }
0x12c: {  	v2 =	vld [tilespmem:s25+$0x10080]  }
0x12d: {  	v3 =	vld [tilespmem:s25+$0x10180];
	_ =	sdelay $0x3  }
0x12e: {  	v4 =	vshll.u32 v1, $0x3;
	v5 =	vshll.u32 v0, $0x7  }
0x12f: {  	v0 =	vshll.u32 v0, $0x8;
	v6 =	vshll.u32 v2, $0x7;
	v7 =	vand.u32 $0x7F, v3  }
0x130: {  	v3 =	vshll.u32 v3, $0x3;
	v1 =	vand.u32 $0x7F, v1;
	v2 =	vshll.u32 v2, $0x8  }
0x131: {  	v4 =	vand.u32 $0xFFFFFC00, v4;
	v5 =	vand.u32 $0x380, v5;
	v0 =	vand.u32 $0xFFFFF800, v0  }
0x132: {  	v3 =	vand.u32 $0xFFFFFC00, v3;
	v2 =	vand.u32 $0xFFFFF800, v2;
	v8 =	vadd.s32 v0, v4  }
0x133: {  	v6 =	vand.u32 $0x380, v6;
	v0 =	vadd.s32 v0, v3;
	v8 =	vor.u32 v5, v8  }
0x134: {  	v4 =	vadd.s32 v2, v4;
	v0 =	vor.u32 v5, v0;
	v8 =	vor.u32 v1, v8  }
0x135: {  	v2 =	vadd.s32 v2, v3;
	v3 =	vor.u32 v7, v0;
	v0 =	vor.u32 v6, v4  }
0x136: {  	v2 =	vor.u32 v6, v2;
	v1 =	vor.u32 v1, v0  }
0x137: {  	v6 =	vor.u32 v7, v2;
	v4 =	vld [tilespmem:s25+$0x12000]  }
0x138: {  	v0 =	vld [tilespmem:s25+$0x12080]  }
0x139: {  	v2 =	vld.idx.msk [tilespmem:v8+s1+$0x0], $0xffff  }
0x13a: {  	v5 =	vld.idx.msk [tilespmem:v3+s1+$0x0], $0xffff  }
0x13b: {  	v3 =	vld.idx.msk [tilespmem:v1+s1+$0x0], $0xffff  }
0x13c: {  	v1 =	vld.idx.msk [tilespmem:v6+s1+$0x0], $0xffff  }
0x13d: {  	s28 =	simm.s32 $0x1;
	s26 =	simm.s32 $0x0;
	v6 =	vld [tilespmem:s25+$0x12100]  }
.LBB2_6:
0x13e: {  	p0 =	sne.s32 s28, $0x7F  }
0x13f: {  	s23 =	sadd.s32 $0x10, s23;
	s29 =	smov.u32 s28;
	s28 =	sadd.s32 $0x1, s28  }
0x140: {  	v7 =	vld [tilespmem:s25+$0x12180]  }
0x141: {  	v2 =	vmul.f32 v4, v2;
	v0 =	vmul.f32 v0, v5;
	_ =	sdelay $0x1  }
0x142: {  	v0 =	vadd.f32 v0, v2;
	v2 =	vmul.f32 v6, v3;
	_ =	sdelay $0x1  }
0x143: {  	v0 =	vadd.f32 v2, v0;
	v1 =	vmul.f32 v7, v1  }
0x144: {  	s25 =	sshll.u32 s26, $0x7;
	s26 =	smov.u32 s29  }
0x145: {  	s25 =	sand.u32 $0x3FFFFC00, s25;
	v0 =	vadd.f32 v1, v0  }
0x146: {  	s29 =	sshll.u32 s26, $0x6;
	s25 =	sor.u32 s24, s25  }
0x147: {  	s24 =	sand.u32 $0x70, s23;
	s29 =	sand.u32 $0xFFFFFE00, s29;
	s30 =	sadd.s32 $0x14000, s25;
	[tilespmem:s25+$0x14000] =	vst v0  }
0x148: {  	s25 =	sor.u32 s24, s29;
	[tilespmem:s30+$0x80] =	vst v0  }
0x149: {  	[tilespmem:s30+$0x100] =	vst v0  }
0x14a: {  	[tilespmem:s30+$0x180] =	vst v0  }
0x14b: {  	[tilespmem:s30+$0x200] =	vst v0  }
0x14c: {  	[tilespmem:s30+$0x280] =	vst v0  }
0x14d: {  	[tilespmem:s30+$0x300] =	vst v0  }
0x14e: {  	[tilespmem:s30+$0x380] =	vst v0  }
0x14f: {  	v0 =	vld [tilespmem:s25+$0x10000]  }
0x150: {  	v1 =	vld [tilespmem:s25+$0x10100]  }
0x151: {  	v2 =	vld [tilespmem:s25+$0x10080]  }
0x152: {  	v3 =	vld [tilespmem:s25+$0x10180];
	_ =	sdelay $0x2  }
0x153: {  	v4 =	vshll.u32 v0, $0x8;
	v0 =	vshll.u32 v0, $0x7;
	v5 =	vshll.u32 v1, $0x3  }
0x154: {  	v0 =	vand.u32 $0x380, v0;
	v5 =	vand.u32 $0xFFFFFC00, v5;
	v6 =	vshll.u32 v2, $0x7  }
0x155: {  	v4 =	vand.u32 $0xFFFFF800, v4;
	v7 =	vand.u32 $0x7F, v3;
	v3 =	vshll.u32 v3, $0x3  }
0x156: {  	v1 =	vand.u32 $0x7F, v1;
	v8 =	vadd.s32 v4, v5;
	v6 =	vand.u32 $0x380, v6  }
0x157: {  	v2 =	vshll.u32 v2, $0x8;
	v8 =	vor.u32 v0, v8;
	v3 =	vand.u32 $0xFFFFFC00, v3  }
0x158: {  	v2 =	vand.u32 $0xFFFFF800, v2;
	v8 =	vor.u32 v1, v8;
	v4 =	vadd.s32 v4, v3  }
0x159: {  	v0 =	vor.u32 v0, v4;
	v4 =	vadd.s32 v2, v5;
	v2 =	vadd.s32 v2, v3  }
0x15a: {  	v3 =	vor.u32 v7, v0;
	v0 =	vor.u32 v6, v4;
	v2 =	vor.u32 v6, v2  }
0x15b: {  	v1 =	vor.u32 v1, v0;
	v6 =	vor.u32 v7, v2  }
0x15c: {  	v0 =	vld [tilespmem:s25+$0x12080]  }
0x15d: {  	v2 =	vld.idx.msk [tilespmem:v8+s1+$0x0], $0xffff  }
.Ltmp2:
0x15e: {  	v4 =	vld [tilespmem:s25+$0x12000];
	(pc) =	sbr.rel @p0 .LBB2_6-.Ltmp2, $4  }
0x15f: {  	v5 =	vld.idx.msk [tilespmem:v3+s1+$0x0], $0xffff  }
0x160: {  	v3 =	vld.idx.msk [tilespmem:v1+s1+$0x0], $0xffff  }
0x161: {  	v1 =	vld.idx.msk [tilespmem:v6+s1+$0x0], $0xffff  }
0x162: {  	v6 =	vld [tilespmem:s25+$0x12100]  }
0x163: {  	_ = 	snop  }
0x164: {  	v7 =	vld [tilespmem:s25+$0x12180]  }
0x165: {  	v2 =	vmul.f32 v4, v2;
	v0 =	vmul.f32 v0, v5;
	_ =	sdelay $0x1  }
0x166: {  	v0 =	vadd.f32 v0, v2;
	v2 =	vmul.f32 v6, v3;
	_ =	sdelay $0x1  }
0x167: {  	v1 =	vmul.f32 v7, v1;
	v0 =	vadd.f32 v2, v0  }
0x168: {  	s23 =	sshll.u32 s26, $0x7  }
0x169: {  	s23 =	sand.u32 $0x3FFFFC00, s23;
	v0 =	vadd.f32 v1, v0  }
0x16a: {  	s23 =	sor.u32 s24, s23  }
0x16b: {  	s24 =	sadd.s32 $0x14000, s23;
	[tilespmem:s23+$0x14000] =	vst v0  }
0x16c: {  	[tilespmem:s24+$0x80] =	vst v0  }
0x16d: {  	[tilespmem:s24+$0x100] =	vst v0  }
0x16e: {  	[tilespmem:s24+$0x180] =	vst v0  }
0x16f: {  	[tilespmem:s24+$0x200] =	vst v0  }
0x170: {  	[tilespmem:s24+$0x280] =	vst v0  }
0x171: {  	s25 =	rddreg [dreg:$0x1c];
	[tilespmem:s24+$0x300] =	vst v0  }
0x172: {  	s26 =	rddreg [dreg:$0x1d];
	[tilespmem:s24+$0x380] =	vst v0;
	s23 =	simm.s32 $0x0  }
0x173: {  	[hbm4b:s25+s23] =	stream.linear.scatter [tilespmem:s18], [sflag:$0x1], $0x4000, $0x38;
	[tilespmem:$0x1C000] =	vst v63  }
0x174: {  	s29 =	rddreg [dreg:$0x1e]  }
0x175: {  	[hbm4b:s26+s23] =	stream.linear.scatter [tilespmem:s18], [sflag:$0x1], $0x4000, $0x38;
	[tilespmem:$0x1C000] =	vst v63  }
0x176: {  	s30 =	rddreg [dreg:$0x1f]  }
0x177: {  	[hbm4b:s29+s23] =	stream.linear.scatter [tilespmem:s18], [sflag:$0x1], $0x4000, $0x38;
	[tilespmem:$0x1C000] =	vst v63  }
0x178: {  	s31 =	sld [smem:$0x7DF]  }
0x179: {  	[hbm4b:s30+s23] =	stream.linear.scatter [tilespmem:s18], [sflag:$0x1], $0x4000, $0x38;
	[tilespmem:$0x1C000] =	vst v63  }
0x17a: {  	s25 =	sld [smem:$0x7E0]  }
0x17b: {  	[hbm4b:s31+s23] =	stream.linear.scatter [tilespmem:s18], [sflag:$0x1], $0x4000, $0x38;
	[tilespmem:$0x1C000] =	vst v63  }
0x17c: {  	s26 =	sld [smem:$0x7E1]  }
0x17d: {  	[hbm4b:s25+s23] =	stream.linear.scatter [tilespmem:s18], [sflag:$0x1], $0x4000, $0x38;
	[tilespmem:$0x1C000] =	vst v63  }
0x17e: {  	s29 =	sld [smem:$0x7E2]  }
0x17f: {  	[hbm4b:s26+s23] =	stream.linear.scatter [tilespmem:s18], [sflag:$0x1], $0x4000, $0x38;
	[tilespmem:$0x1C000] =	vst v63  }
0x180: {  	_ = 	snop  }
0x181: {  	[hbm4b:s29+s23] =	stream.linear.scatter [tilespmem:s18], [sflag:$0x1], $0x4000, $0x38;
	[tilespmem:$0x1C000] =	vst v63  }
0x182: {  	s30 =	rddreg [dreg:$0xa]  }
0x183: {  	[tilespmem:s23], [sflag:$0x3] =	stream.linear.gather [hbm4b:s30+s23], $0x10000, $0x38;
	[tilespmem:$0x1C000] =	vst v63  }
0x184: {  	_ =	swait.ge [sflag:s17], $0x10000  }
0x185: {  	[sflag:s17] =	ssyncset.done $0x0  }
0x186: {  	[sflag:s17] =	ssyncadd.s32 $0xFFFF0000  }
0x187: {  	_ =	swait.ge [sflag:s21], $0x4000  }
0x188: {  	[sflag:s21] =	ssyncset.done $0x0  }
0x189: {  	[sflag:s21] =	ssyncadd.s32 $0xFFFFC000  }
0x18a: {  	_ =	swait.ge [sflag:s21], $0x4000  }
0x18b: {  	[sflag:s21] =	ssyncset.done $0x0  }
0x18c: {  	[sflag:s21] =	ssyncadd.s32 $0xFFFFC000  }
0x18d: {  	_ =	swait.ge [sflag:s21], $0x4000  }
0x18e: {  	[sflag:s21] =	ssyncset.done $0x0  }
0x18f: {  	[sflag:s21] =	ssyncadd.s32 $0xFFFFC000  }
0x190: {  	_ =	swait.ge [sflag:s21], $0x4000  }
0x191: {  	[sflag:s21] =	ssyncset.done $0x0  }
0x192: {  	[sflag:s21] =	ssyncadd.s32 $0xFFFFC000  }
0x193: {  	_ =	swait.ge [sflag:s21], $0x4000  }
0x194: {  	[sflag:s21] =	ssyncset.done $0x0  }
0x195: {  	[sflag:s21] =	ssyncadd.s32 $0xFFFFC000  }
0x196: {  	_ =	swait.ge [sflag:s21], $0x4000  }
0x197: {  	[sflag:s21] =	ssyncset.done $0x0  }
0x198: {  	[sflag:s21] =	ssyncadd.s32 $0xFFFFC000  }
0x199: {  	_ =	swait.ge [sflag:s21], $0x4000  }
0x19a: {  	[sflag:s21] =	ssyncset.done $0x0  }
0x19b: {  	[sflag:s21] =	ssyncadd.s32 $0xFFFFC000  }
0x19c: {  	s31 =	simm.s32 $0x0;
	_ =	swait.ge [sflag:s21], $0x4000  }
0x19d: {  	s24 =	sand.u32 $0x70, s23;
	s25 =	sand.u32 $0xFFFFFE00, s31;
	[sflag:s21] =	ssyncset.done $0x0  }
0x19e: {  	s25 =	sor.u32 s24, s25;
	[sflag:s21] =	ssyncadd.s32 $0xFFFFC000  }
0x19f: {  	v0 =	vld [tilespmem:s25+$0x10100]  }
0x1a0: {  	v1 =	vld [tilespmem:s25+$0x10000]  }
0x1a1: {  	v2 =	vld [tilespmem:s25+$0x10180]  }
0x1a2: {  	v3 =	vld [tilespmem:s25+$0x10080];
	_ =	sdelay $0x3  }
0x1a3: {  	v4 =	vshll.u32 v1, $0x7;
	v1 =	vshll.u32 v1, $0x8;
	v5 =	vshll.u32 v0, $0x3  }
0x1a4: {  	v6 =	vshll.u32 v2, $0x3;
	v0 =	vand.u32 $0x7F, v0;
	v7 =	vshll.u32 v3, $0x8  }
0x1a5: {  	v63 =	vand.u32 $0x7F, v2;
	v3 =	vshll.u32 v3, $0x7;
	v1 =	vand.u32 $0xFFFFF800, v1  }
0x1a6: {  	v5 =	vand.u32 $0xFFFFFC00, v5;
	v6 =	vand.u32 $0xFFFFFC00, v6;
	v4 =	vand.u32 $0x380, v4  }
0x1a7: {  	v7 =	vand.u32 $0xFFFFF800, v7;
	v3 =	vand.u32 $0x380, v3;
	v8 =	vadd.s32 v1, v5  }
0x1a8: {  	v9 =	vadd.s32 v1, v6;
	v2 =	vadd.s32 v7, v6;
	v1 =	vor.u32 v4, v8  }
0x1a9: {  	v5 =	vadd.s32 v7, v5;
	v4 =	vor.u32 v4, v9;
	v1 =	vor.u32 v0, v1  }
0x1aa: {  	v5 =	vor.u32 v3, v5;
	v3 =	vor.u32 v3, v2;
	v2 =	vor.u32 v63, v4  }
0x1ab: {  	s28 =	simm.s32 $0x1;
	s26 =	simm.s32 $0x0;
	v4 =	vor.u32 v0, v5;
	v3 =	vor.u32 v63, v3;
	v0 =	vld [tilespmem:s25+$0x12100]  }
.LBB2_8:
0x1ac: {  	p0 =	sne.s32 s28, $0x7F  }
0x1ad: {  	v5 =	vld [tilespmem:s25+$0x12080];
	s23 =	sadd.s32 $0x10, s23;
	s29 =	smov.u32 s28;
	s28 =	sadd.s32 $0x1, s28  }
0x1ae: {  	v1 =	vld.idx.msk [tilespmem:v1+s1+$0x0], $0xffff  }
0x1af: {  	v2 =	vld.idx.msk [tilespmem:v2+s1+$0x0], $0xffff  }
0x1b0: {  	v6 =	vld [tilespmem:s25+$0x12000]  }
0x1b1: {  	v4 =	vld.idx.msk [tilespmem:v4+s1+$0x0], $0xffff  }
0x1b2: {  	v3 =	vld.idx.msk [tilespmem:v3+s1+$0x0], $0xffff;
	_ =	sdelay $0x1  }
0x1b3: {  	v7 =	vld [tilespmem:s25+$0x12180]  }
0x1b4: {  	v2 =	vmul.f32 v5, v2;
	v1 =	vmul.f32 v6, v1  }
0x1b5: {  	s25 =	sshll.u32 s29, $0x6  }
0x1b6: {  	s30 =	sand.u32 $0x70, s23;
	s25 =	sand.u32 $0xFFFFFE00, s25;
	v0 =	vmul.f32 v0, v4;
	v1 =	vadd.f32 v2, v1  }
0x1b7: {  	s25 =	sor.u32 s30, s25  }
0x1b8: {  	v0 =	vadd.f32 v0, v1;
	v1 =	vmul.f32 v7, v3  }
0x1b9: {  	s31 =	sshll.u32 s26, $0x7;
	s26 =	smov.u32 s29  }
0x1ba: {  	s29 =	sand.u32 $0x3FFFFC00, s31;
	v0 =	vadd.f32 v1, v0  }
0x1bb: {  	s29 =	sor.u32 s24, s29;
	s24 =	smov.u32 s30  }
0x1bc: {  	[tilespmem:s29+$0x18000] =	vst v0  }
0x1bd: {  	[tilespmem:s29+$0x18080] =	vst v0  }
0x1be: {  	[tilespmem:s29+$0x18100] =	vst v0  }
0x1bf: {  	[tilespmem:s29+$0x18180] =	vst v0  }
0x1c0: {  	[tilespmem:s29+$0x18200] =	vst v0  }
0x1c1: {  	[tilespmem:s29+$0x18280] =	vst v0  }
0x1c2: {  	[tilespmem:s29+$0x18300] =	vst v0  }
0x1c3: {  	[tilespmem:s29+$0x18380] =	vst v0  }
0x1c4: {  	v0 =	vld [tilespmem:s25+$0x10100]  }
0x1c5: {  	v1 =	vld [tilespmem:s25+$0x10000]  }
0x1c6: {  	v2 =	vld [tilespmem:s25+$0x10180]  }
0x1c7: {  	v3 =	vld [tilespmem:s25+$0x10080];
	_ =	sdelay $0x2  }
0x1c8: {  	v4 =	vshll.u32 v1, $0x7  }
0x1c9: {  	v5 =	vshll.u32 v0, $0x3;
	v1 =	vshll.u32 v1, $0x8;
	v6 =	vshll.u32 v2, $0x3  }
0x1ca: {  	v0 =	vand.u32 $0x7F, v0;
	v1 =	vand.u32 $0xFFFFF800, v1;
	v7 =	vshll.u32 v3, $0x8  }
0x1cb: {  	v5 =	vand.u32 $0xFFFFFC00, v5;
	v6 =	vand.u32 $0xFFFFFC00, v6;
	v7 =	vand.u32 $0xFFFFF800, v7  }
0x1cc: {  	v4 =	vand.u32 $0x380, v4;
	v8 =	vadd.s32 v1, v5;
	v9 =	vadd.s32 v1, v6  }
.Ltmp3:
0x1cd: {  	v1 =	vor.u32 v4, v8;
	v8 =	vand.u32 $0x7F, v2;
	v6 =	vadd.s32 v7, v6;
	(pc) =	sbr.rel @p0 .LBB2_8-.Ltmp3, $4  }
0x1ce: {  	v3 =	vshll.u32 v3, $0x7;
	v1 =	vor.u32 v0, v1;
	v2 =	vor.u32 v4, v9  }
0x1cf: {  	v3 =	vand.u32 $0x380, v3;
	v4 =	vadd.s32 v7, v5;
	v2 =	vor.u32 v8, v2  }
0x1d0: {  	v4 =	vor.u32 v3, v4;
	v3 =	vor.u32 v3, v6  }
0x1d1: {  	v4 =	vor.u32 v0, v4;
	v3 =	vor.u32 v8, v3;
	v0 =	vld [tilespmem:s25+$0x12100]  }
0x1d2: {  	_ =	sdelay $0x2  }
0x1d3: {  	v5 =	vld [tilespmem:s25+$0x12080]  }
0x1d4: {  	v1 =	vld.idx.msk [tilespmem:v1+s1+$0x0], $0xffff  }
0x1d5: {  	v2 =	vld.idx.msk [tilespmem:v2+s1+$0x0], $0xffff  }
0x1d6: {  	v6 =	vld [tilespmem:s25+$0x12000];
	_ =	sdelay $0x1  }
0x1d7: {  	v4 =	vld.idx.msk [tilespmem:v4+s1+$0x0], $0xffff  }
0x1d8: {  	v3 =	vld.idx.msk [tilespmem:v3+s1+$0x0], $0xffff  }
0x1d9: {  	v7 =	vld [tilespmem:s25+$0x12180]  }
0x1da: {  	v1 =	vmul.f32 v6, v1;
	v2 =	vmul.f32 v5, v2;
	_ =	sdelay $0x1  }
0x1db: {  	v0 =	vmul.f32 v0, v4;
	v1 =	vadd.f32 v2, v1;
	_ =	sdelay $0x1  }
0x1dc: {  	v0 =	vadd.f32 v0, v1;
	v1 =	vmul.f32 v7, v3  }
0x1dd: {  	s23 =	sshll.u32 s26, $0x7  }
0x1de: {  	s23 =	sand.u32 $0x3FFFFC00, s23;
	v0 =	vadd.f32 v1, v0  }
0x1df: {  	s23 =	sor.u32 s24, s23  }
0x1e0: {  	[tilespmem:s23+$0x18000] =	vst v0  }
0x1e1: {  	[tilespmem:s23+$0x18080] =	vst v0  }
0x1e2: {  	[tilespmem:s23+$0x18100] =	vst v0  }
0x1e3: {  	[tilespmem:s23+$0x18180] =	vst v0  }
0x1e4: {  	[tilespmem:s23+$0x18200] =	vst v0  }
0x1e5: {  	s25 =	sld [smem:$0x7E3];
	[tilespmem:s23+$0x18280] =	vst v0  }
0x1e6: {  	[tilespmem:s23+$0x18300] =	vst v0  }
0x1e7: {  	s26 =	sld [smem:$0x7E4];
	[tilespmem:s23+$0x18380] =	vst v0;
	s23 =	simm.s32 $0x0  }
0x1e8: {  	[hbm4b:s25+s23] =	stream.linear.scatter [tilespmem:s19], [sflag:$0x2], $0x4000, $0x38;
	[tilespmem:$0x1C000] =	vst v63  }
0x1e9: {  	s29 =	sld [smem:$0x7E5]  }
0x1ea: {  	[hbm4b:s26+s23] =	stream.linear.scatter [tilespmem:s19], [sflag:$0x2], $0x4000, $0x38;
	[tilespmem:$0x1C000] =	vst v63  }
0x1eb: {  	s30 =	sld [smem:$0x7E6]  }
0x1ec: {  	[hbm4b:s29+s23] =	stream.linear.scatter [tilespmem:s19], [sflag:$0x2], $0x4000, $0x38;
	[tilespmem:$0x1C000] =	vst v63  }
0x1ed: {  	s31 =	sld [smem:$0x7E7]  }
0x1ee: {  	[hbm4b:s30+s23] =	stream.linear.scatter [tilespmem:s19], [sflag:$0x2], $0x4000, $0x38;
	[tilespmem:$0x1C000] =	vst v63  }
0x1ef: {  	s25 =	sld [smem:$0x7E8]  }
0x1f0: {  	[hbm4b:s31+s23] =	stream.linear.scatter [tilespmem:s19], [sflag:$0x2], $0x4000, $0x38;
	[tilespmem:$0x1C000] =	vst v63  }
0x1f1: {  	s26 =	sld [smem:$0x7E9]  }
0x1f2: {  	[hbm4b:s25+s23] =	stream.linear.scatter [tilespmem:s19], [sflag:$0x2], $0x4000, $0x38;
	[tilespmem:$0x1C000] =	vst v63  }
0x1f3: {  	s29 =	sld [smem:$0x7EA]  }
0x1f4: {  	[hbm4b:s26+s23] =	stream.linear.scatter [tilespmem:s19], [sflag:$0x2], $0x4000, $0x38;
	[tilespmem:$0x1C000] =	vst v63  }
0x1f5: {  	_ = 	snop  }
0x1f6: {  	[hbm4b:s29+s23] =	stream.linear.scatter [tilespmem:s19], [sflag:$0x2], $0x4000, $0x38;
	[tilespmem:$0x1C000] =	vst v63  }
0x1f7: {  	s30 =	rddreg [dreg:$0xb]  }
0x1f8: {  	[tilespmem:s23], [sflag:$0x3] =	stream.linear.gather [hbm4b:s30+s23], $0x10000, $0x38;
	[tilespmem:$0x1C000] =	vst v63  }
0x1f9: {  	_ =	swait.ge [sflag:s17], $0x10000  }
0x1fa: {  	[sflag:s17] =	ssyncset.done $0x0  }
0x1fb: {  	[sflag:s17] =	ssyncadd.s32 $0xFFFF0000  }
0x1fc: {  	_ =	swait.ge [sflag:s20], $0x4000  }
0x1fd: {  	[sflag:s20] =	ssyncset.done $0x0  }
0x1fe: {  	[sflag:s20] =	ssyncadd.s32 $0xFFFFC000  }
0x1ff: {  	_ =	swait.ge [sflag:s20], $0x4000  }
0x200: {  	[sflag:s20] =	ssyncset.done $0x0  }
0x201: {  	[sflag:s20] =	ssyncadd.s32 $0xFFFFC000  }
0x202: {  	_ =	swait.ge [sflag:s20], $0x4000  }
0x203: {  	[sflag:s20] =	ssyncset.done $0x0  }
0x204: {  	[sflag:s20] =	ssyncadd.s32 $0xFFFFC000  }
0x205: {  	_ =	swait.ge [sflag:s20], $0x4000  }
0x206: {  	[sflag:s20] =	ssyncset.done $0x0  }
0x207: {  	[sflag:s20] =	ssyncadd.s32 $0xFFFFC000  }
0x208: {  	_ =	swait.ge [sflag:s20], $0x4000  }
0x209: {  	[sflag:s20] =	ssyncset.done $0x0  }
0x20a: {  	[sflag:s20] =	ssyncadd.s32 $0xFFFFC000  }
0x20b: {  	_ =	swait.ge [sflag:s20], $0x4000  }
0x20c: {  	[sflag:s20] =	ssyncset.done $0x0  }
0x20d: {  	[sflag:s20] =	ssyncadd.s32 $0xFFFFC000  }
0x20e: {  	_ =	swait.ge [sflag:s20], $0x4000  }
0x20f: {  	[sflag:s20] =	ssyncset.done $0x0  }
0x210: {  	[sflag:s20] =	ssyncadd.s32 $0xFFFFC000  }
0x211: {  	s31 =	simm.s32 $0x0;
	_ =	swait.ge [sflag:s20], $0x4000  }
0x212: {  	s24 =	sand.u32 $0x70, s23;
	s25 =	sand.u32 $0xFFFFFE00, s31;
	[sflag:s20] =	ssyncset.done $0x0  }
0x213: {  	s25 =	sor.u32 s24, s25;
	[sflag:s20] =	ssyncadd.s32 $0xFFFFC000  }
0x214: {  	v0 =	vld [tilespmem:s25+$0x10000]  }
0x215: {  	v1 =	vld [tilespmem:s25+$0x10100]  }
0x216: {  	v2 =	vld [tilespmem:s25+$0x10080]  }
0x217: {  	v3 =	vld [tilespmem:s25+$0x10180];
	_ =	sdelay $0x3  }
0x218: {  	v4 =	vshll.u32 v1, $0x3;
	v5 =	vshll.u32 v0, $0x7  }
0x219: {  	v0 =	vshll.u32 v0, $0x8;
	v6 =	vshll.u32 v2, $0x7;
	v7 =	vand.u32 $0x7F, v3  }
0x21a: {  	v3 =	vshll.u32 v3, $0x3;
	v1 =	vand.u32 $0x7F, v1;
	v2 =	vshll.u32 v2, $0x8  }
0x21b: {  	v4 =	vand.u32 $0xFFFFFC00, v4;
	v5 =	vand.u32 $0x380, v5;
	v0 =	vand.u32 $0xFFFFF800, v0  }
0x21c: {  	v3 =	vand.u32 $0xFFFFFC00, v3;
	v2 =	vand.u32 $0xFFFFF800, v2;
	v8 =	vadd.s32 v0, v4  }
0x21d: {  	v6 =	vand.u32 $0x380, v6;
	v0 =	vadd.s32 v0, v3;
	v8 =	vor.u32 v5, v8  }
0x21e: {  	v4 =	vadd.s32 v2, v4;
	v0 =	vor.u32 v5, v0;
	v8 =	vor.u32 v1, v8  }
0x21f: {  	v2 =	vadd.s32 v2, v3;
	v3 =	vor.u32 v7, v0;
	v0 =	vor.u32 v6, v4  }
0x220: {  	v2 =	vor.u32 v6, v2;
	v1 =	vor.u32 v1, v0  }
0x221: {  	v6 =	vor.u32 v7, v2;
	v4 =	vld [tilespmem:s25+$0x12000]  }
0x222: {  	v0 =	vld [tilespmem:s25+$0x12080]  }
0x223: {  	v2 =	vld.idx.msk [tilespmem:v8+s1+$0x0], $0xffff  }
0x224: {  	v5 =	vld.idx.msk [tilespmem:v3+s1+$0x0], $0xffff  }
0x225: {  	v3 =	vld.idx.msk [tilespmem:v1+s1+$0x0], $0xffff  }
0x226: {  	v1 =	vld.idx.msk [tilespmem:v6+s1+$0x0], $0xffff  }
0x227: {  	s28 =	simm.s32 $0x1;
	s26 =	simm.s32 $0x0;
	v6 =	vld [tilespmem:s25+$0x12100]  }
.LBB2_10:
0x228: {  	p0 =	sne.s32 s28, $0x7F  }
0x229: {  	s23 =	sadd.s32 $0x10, s23;
	s29 =	smov.u32 s28;
	s28 =	sadd.s32 $0x1, s28  }
0x22a: {  	v7 =	vld [tilespmem:s25+$0x12180]  }
0x22b: {  	v2 =	vmul.f32 v4, v2;
	v0 =	vmul.f32 v0, v5;
	_ =	sdelay $0x1  }
0x22c: {  	v0 =	vadd.f32 v0, v2;
	v2 =	vmul.f32 v6, v3;
	_ =	sdelay $0x1  }
0x22d: {  	v0 =	vadd.f32 v2, v0;
	v1 =	vmul.f32 v7, v1  }
0x22e: {  	s25 =	sshll.u32 s26, $0x7;
	s26 =	smov.u32 s29  }
0x22f: {  	s25 =	sand.u32 $0x3FFFFC00, s25;
	v0 =	vadd.f32 v1, v0  }
0x230: {  	s29 =	sshll.u32 s26, $0x6;
	s25 =	sor.u32 s24, s25  }
0x231: {  	s24 =	sand.u32 $0x70, s23;
	s29 =	sand.u32 $0xFFFFFE00, s29;
	s30 =	sadd.s32 $0x14000, s25;
	[tilespmem:s25+$0x14000] =	vst v0  }
0x232: {  	s25 =	sor.u32 s24, s29;
	[tilespmem:s30+$0x80] =	vst v0  }
0x233: {  	[tilespmem:s30+$0x100] =	vst v0  }
0x234: {  	[tilespmem:s30+$0x180] =	vst v0  }
0x235: {  	[tilespmem:s30+$0x200] =	vst v0  }
0x236: {  	[tilespmem:s30+$0x280] =	vst v0  }
0x237: {  	[tilespmem:s30+$0x300] =	vst v0  }
0x238: {  	[tilespmem:s30+$0x380] =	vst v0  }
0x239: {  	v0 =	vld [tilespmem:s25+$0x10000]  }
0x23a: {  	v1 =	vld [tilespmem:s25+$0x10100]  }
0x23b: {  	v2 =	vld [tilespmem:s25+$0x10080]  }
0x23c: {  	v3 =	vld [tilespmem:s25+$0x10180];
	_ =	sdelay $0x2  }
0x23d: {  	v4 =	vshll.u32 v0, $0x8;
	v0 =	vshll.u32 v0, $0x7;
	v5 =	vshll.u32 v1, $0x3  }
0x23e: {  	v0 =	vand.u32 $0x380, v0;
	v5 =	vand.u32 $0xFFFFFC00, v5;
	v6 =	vshll.u32 v2, $0x7  }
0x23f: {  	v4 =	vand.u32 $0xFFFFF800, v4;
	v7 =	vand.u32 $0x7F, v3;
	v3 =	vshll.u32 v3, $0x3  }
0x240: {  	v1 =	vand.u32 $0x7F, v1;
	v8 =	vadd.s32 v4, v5;
	v6 =	vand.u32 $0x380, v6  }
0x241: {  	v2 =	vshll.u32 v2, $0x8;
	v8 =	vor.u32 v0, v8;
	v3 =	vand.u32 $0xFFFFFC00, v3  }
0x242: {  	v2 =	vand.u32 $0xFFFFF800, v2;
	v8 =	vor.u32 v1, v8;
	v4 =	vadd.s32 v4, v3  }
0x243: {  	v0 =	vor.u32 v0, v4;
	v4 =	vadd.s32 v2, v5;
	v2 =	vadd.s32 v2, v3  }
0x244: {  	v3 =	vor.u32 v7, v0;
	v0 =	vor.u32 v6, v4;
	v2 =	vor.u32 v6, v2  }
0x245: {  	v1 =	vor.u32 v1, v0;
	v6 =	vor.u32 v7, v2  }
0x246: {  	v0 =	vld [tilespmem:s25+$0x12080]  }
0x247: {  	v2 =	vld.idx.msk [tilespmem:v8+s1+$0x0], $0xffff  }
.Ltmp4:
0x248: {  	v4 =	vld [tilespmem:s25+$0x12000];
	(pc) =	sbr.rel @p0 .LBB2_10-.Ltmp4, $4  }
0x249: {  	v5 =	vld.idx.msk [tilespmem:v3+s1+$0x0], $0xffff  }
0x24a: {  	v3 =	vld.idx.msk [tilespmem:v1+s1+$0x0], $0xffff  }
0x24b: {  	v1 =	vld.idx.msk [tilespmem:v6+s1+$0x0], $0xffff  }
0x24c: {  	v6 =	vld [tilespmem:s25+$0x12100]  }
0x24d: {  	_ = 	snop  }
0x24e: {  	v7 =	vld [tilespmem:s25+$0x12180]  }
0x24f: {  	v2 =	vmul.f32 v4, v2;
	v0 =	vmul.f32 v0, v5;
	_ =	sdelay $0x1  }
0x250: {  	v0 =	vadd.f32 v0, v2;
	v2 =	vmul.f32 v6, v3;
	_ =	sdelay $0x1  }
0x251: {  	v1 =	vmul.f32 v7, v1;
	v0 =	vadd.f32 v2, v0  }
0x252: {  	s23 =	sshll.u32 s26, $0x7  }
0x253: {  	s23 =	sand.u32 $0x3FFFFC00, s23;
	v0 =	vadd.f32 v1, v0  }
0x254: {  	s23 =	sor.u32 s24, s23  }
0x255: {  	s24 =	sadd.s32 $0x14000, s23;
	[tilespmem:s23+$0x14000] =	vst v0  }
0x256: {  	[tilespmem:s24+$0x80] =	vst v0  }
0x257: {  	[tilespmem:s24+$0x100] =	vst v0  }
0x258: {  	[tilespmem:s24+$0x180] =	vst v0  }
0x259: {  	[tilespmem:s24+$0x200] =	vst v0  }
0x25a: {  	s25 =	sld [smem:$0x7EB];
	[tilespmem:s24+$0x280] =	vst v0  }
0x25b: {  	[tilespmem:s24+$0x300] =	vst v0  }
0x25c: {  	s26 =	sld [smem:$0x7EC];
	[tilespmem:s24+$0x380] =	vst v0;
	s23 =	simm.s32 $0x0  }
0x25d: {  	[hbm4b:s25+s23] =	stream.linear.scatter [tilespmem:s18], [sflag:$0x1], $0x4000, $0x38;
	[tilespmem:$0x1C000] =	vst v63  }
0x25e: {  	s29 =	sld [smem:$0x7ED]  }
0x25f: {  	[hbm4b:s26+s23] =	stream.linear.scatter [tilespmem:s18], [sflag:$0x1], $0x4000, $0x38;
	[tilespmem:$0x1C000] =	vst v63  }
0x260: {  	s30 =	sld [smem:$0x7EE]  }
0x261: {  	[hbm4b:s29+s23] =	stream.linear.scatter [tilespmem:s18], [sflag:$0x1], $0x4000, $0x38;
	[tilespmem:$0x1C000] =	vst v63  }
0x262: {  	s31 =	sld [smem:$0x7EF]  }
0x263: {  	[hbm4b:s30+s23] =	stream.linear.scatter [tilespmem:s18], [sflag:$0x1], $0x4000, $0x38;
	[tilespmem:$0x1C000] =	vst v63  }
0x264: {  	s25 =	sld [smem:$0x7F0]  }
0x265: {  	[hbm4b:s31+s23] =	stream.linear.scatter [tilespmem:s18], [sflag:$0x1], $0x4000, $0x38;
	[tilespmem:$0x1C000] =	vst v63  }
0x266: {  	s26 =	sld [smem:$0x7F1]  }
0x267: {  	[hbm4b:s25+s23] =	stream.linear.scatter [tilespmem:s18], [sflag:$0x1], $0x4000, $0x38;
	[tilespmem:$0x1C000] =	vst v63  }
0x268: {  	s29 =	sld [smem:$0x7F2]  }
0x269: {  	[hbm4b:s26+s23] =	stream.linear.scatter [tilespmem:s18], [sflag:$0x1], $0x4000, $0x38;
	[tilespmem:$0x1C000] =	vst v63  }
0x26a: {  	_ = 	snop  }
0x26b: {  	[hbm4b:s29+s23] =	stream.linear.scatter [tilespmem:s18], [sflag:$0x1], $0x4000, $0x38;
	[tilespmem:$0x1C000] =	vst v63  }
0x26c: {  	s30 =	rddreg [dreg:$0xc]  }
0x26d: {  	[tilespmem:s23], [sflag:$0x3] =	stream.linear.gather [hbm4b:s30+s23], $0x10000, $0x38;
	[tilespmem:$0x1C000] =	vst v63  }
0x26e: {  	_ =	swait.ge [sflag:s17], $0x10000  }
0x26f: {  	[sflag:s17] =	ssyncset.done $0x0  }
0x270: {  	[sflag:s17] =	ssyncadd.s32 $0xFFFF0000  }
0x271: {  	_ =	swait.ge [sflag:s21], $0x4000  }
0x272: {  	[sflag:s21] =	ssyncset.done $0x0  }
0x273: {  	[sflag:s21] =	ssyncadd.s32 $0xFFFFC000  }
0x274: {  	_ =	swait.ge [sflag:s21], $0x4000  }
0x275: {  	[sflag:s21] =	ssyncset.done $0x0  }
0x276: {  	[sflag:s21] =	ssyncadd.s32 $0xFFFFC000  }
0x277: {  	_ =	swait.ge [sflag:s21], $0x4000  }
0x278: {  	[sflag:s21] =	ssyncset.done $0x0  }
0x279: {  	[sflag:s21] =	ssyncadd.s32 $0xFFFFC000  }
0x27a: {  	_ =	swait.ge [sflag:s21], $0x4000  }
0x27b: {  	[sflag:s21] =	ssyncset.done $0x0  }
0x27c: {  	[sflag:s21] =	ssyncadd.s32 $0xFFFFC000  }
0x27d: {  	_ =	swait.ge [sflag:s21], $0x4000  }
0x27e: {  	[sflag:s21] =	ssyncset.done $0x0  }
0x27f: {  	[sflag:s21] =	ssyncadd.s32 $0xFFFFC000  }
0x280: {  	_ =	swait.ge [sflag:s21], $0x4000  }
0x281: {  	[sflag:s21] =	ssyncset.done $0x0  }
0x282: {  	[sflag:s21] =	ssyncadd.s32 $0xFFFFC000  }
0x283: {  	_ =	swait.ge [sflag:s21], $0x4000  }
0x284: {  	[sflag:s21] =	ssyncset.done $0x0  }
0x285: {  	[sflag:s21] =	ssyncadd.s32 $0xFFFFC000  }
0x286: {  	s31 =	simm.s32 $0x0;
	_ =	swait.ge [sflag:s21], $0x4000  }
0x287: {  	s24 =	sand.u32 $0x70, s23;
	s25 =	sand.u32 $0xFFFFFE00, s31;
	[sflag:s21] =	ssyncset.done $0x0  }
0x288: {  	s25 =	sor.u32 s24, s25;
	[sflag:s21] =	ssyncadd.s32 $0xFFFFC000  }
0x289: {  	v0 =	vld [tilespmem:s25+$0x10100]  }
0x28a: {  	v1 =	vld [tilespmem:s25+$0x10000]  }
0x28b: {  	v2 =	vld [tilespmem:s25+$0x10180]  }
0x28c: {  	v3 =	vld [tilespmem:s25+$0x10080];
	_ =	sdelay $0x3  }
0x28d: {  	v4 =	vshll.u32 v1, $0x7;
	v1 =	vshll.u32 v1, $0x8;
	v5 =	vshll.u32 v0, $0x3  }
0x28e: {  	v6 =	vshll.u32 v2, $0x3;
	v0 =	vand.u32 $0x7F, v0;
	v7 =	vshll.u32 v3, $0x8  }
0x28f: {  	v63 =	vand.u32 $0x7F, v2;
	v3 =	vshll.u32 v3, $0x7;
	v1 =	vand.u32 $0xFFFFF800, v1  }
0x290: {  	v5 =	vand.u32 $0xFFFFFC00, v5;
	v6 =	vand.u32 $0xFFFFFC00, v6;
	v4 =	vand.u32 $0x380, v4  }
0x291: {  	v7 =	vand.u32 $0xFFFFF800, v7;
	v3 =	vand.u32 $0x380, v3;
	v8 =	vadd.s32 v1, v5  }
0x292: {  	v9 =	vadd.s32 v1, v6;
	v2 =	vadd.s32 v7, v6;
	v1 =	vor.u32 v4, v8  }
0x293: {  	v5 =	vadd.s32 v7, v5;
	v4 =	vor.u32 v4, v9;
	v1 =	vor.u32 v0, v1  }
0x294: {  	v5 =	vor.u32 v3, v5;
	v3 =	vor.u32 v3, v2;
	v2 =	vor.u32 v63, v4  }
0x295: {  	s28 =	simm.s32 $0x1;
	s26 =	simm.s32 $0x0;
	v4 =	vor.u32 v0, v5;
	v3 =	vor.u32 v63, v3;
	v0 =	vld [tilespmem:s25+$0x12100]  }
.LBB2_12:
0x296: {  	p0 =	sne.s32 s28, $0x7F  }
0x297: {  	v5 =	vld [tilespmem:s25+$0x12080];
	s23 =	sadd.s32 $0x10, s23;
	s29 =	smov.u32 s28;
	s28 =	sadd.s32 $0x1, s28  }
0x298: {  	v1 =	vld.idx.msk [tilespmem:v1+s1+$0x0], $0xffff  }
0x299: {  	v2 =	vld.idx.msk [tilespmem:v2+s1+$0x0], $0xffff  }
0x29a: {  	v6 =	vld [tilespmem:s25+$0x12000]  }
0x29b: {  	v4 =	vld.idx.msk [tilespmem:v4+s1+$0x0], $0xffff  }
0x29c: {  	v3 =	vld.idx.msk [tilespmem:v3+s1+$0x0], $0xffff;
	_ =	sdelay $0x1  }
0x29d: {  	v7 =	vld [tilespmem:s25+$0x12180]  }
0x29e: {  	v2 =	vmul.f32 v5, v2;
	v1 =	vmul.f32 v6, v1  }
0x29f: {  	s25 =	sshll.u32 s29, $0x6  }
0x2a0: {  	s30 =	sand.u32 $0x70, s23;
	s25 =	sand.u32 $0xFFFFFE00, s25;
	v0 =	vmul.f32 v0, v4;
	v1 =	vadd.f32 v2, v1  }
0x2a1: {  	s25 =	sor.u32 s30, s25  }
0x2a2: {  	v0 =	vadd.f32 v0, v1;
	v1 =	vmul.f32 v7, v3  }
0x2a3: {  	s31 =	sshll.u32 s26, $0x7;
	s26 =	smov.u32 s29  }
0x2a4: {  	s29 =	sand.u32 $0x3FFFFC00, s31;
	v0 =	vadd.f32 v1, v0  }
0x2a5: {  	s29 =	sor.u32 s24, s29;
	s24 =	smov.u32 s30  }
0x2a6: {  	[tilespmem:s29+$0x18000] =	vst v0  }
0x2a7: {  	[tilespmem:s29+$0x18080] =	vst v0  }
0x2a8: {  	[tilespmem:s29+$0x18100] =	vst v0  }
0x2a9: {  	[tilespmem:s29+$0x18180] =	vst v0  }
0x2aa: {  	[tilespmem:s29+$0x18200] =	vst v0  }
0x2ab: {  	[tilespmem:s29+$0x18280] =	vst v0  }
0x2ac: {  	[tilespmem:s29+$0x18300] =	vst v0  }
0x2ad: {  	[tilespmem:s29+$0x18380] =	vst v0  }
0x2ae: {  	v0 =	vld [tilespmem:s25+$0x10100]  }
0x2af: {  	v1 =	vld [tilespmem:s25+$0x10000]  }
0x2b0: {  	v2 =	vld [tilespmem:s25+$0x10180]  }
0x2b1: {  	v3 =	vld [tilespmem:s25+$0x10080];
	_ =	sdelay $0x2  }
0x2b2: {  	v4 =	vshll.u32 v1, $0x7  }
0x2b3: {  	v5 =	vshll.u32 v0, $0x3;
	v1 =	vshll.u32 v1, $0x8;
	v6 =	vshll.u32 v2, $0x3  }
0x2b4: {  	v0 =	vand.u32 $0x7F, v0;
	v1 =	vand.u32 $0xFFFFF800, v1;
	v7 =	vshll.u32 v3, $0x8  }
0x2b5: {  	v5 =	vand.u32 $0xFFFFFC00, v5;
	v6 =	vand.u32 $0xFFFFFC00, v6;
	v7 =	vand.u32 $0xFFFFF800, v7  }
0x2b6: {  	v4 =	vand.u32 $0x380, v4;
	v8 =	vadd.s32 v1, v5;
	v9 =	vadd.s32 v1, v6  }
.Ltmp5:
0x2b7: {  	v1 =	vor.u32 v4, v8;
	v8 =	vand.u32 $0x7F, v2;
	v6 =	vadd.s32 v7, v6;
	(pc) =	sbr.rel @p0 .LBB2_12-.Ltmp5, $4  }
0x2b8: {  	v3 =	vshll.u32 v3, $0x7;
	v1 =	vor.u32 v0, v1;
	v2 =	vor.u32 v4, v9  }
0x2b9: {  	v3 =	vand.u32 $0x380, v3;
	v4 =	vadd.s32 v7, v5;
	v2 =	vor.u32 v8, v2  }
0x2ba: {  	v4 =	vor.u32 v3, v4;
	v3 =	vor.u32 v3, v6  }
0x2bb: {  	v4 =	vor.u32 v0, v4;
	v3 =	vor.u32 v8, v3;
	v0 =	vld [tilespmem:s25+$0x12100]  }
0x2bc: {  	_ =	sdelay $0x2  }
0x2bd: {  	v5 =	vld [tilespmem:s25+$0x12080]  }
0x2be: {  	v1 =	vld.idx.msk [tilespmem:v1+s1+$0x0], $0xffff  }
0x2bf: {  	v2 =	vld.idx.msk [tilespmem:v2+s1+$0x0], $0xffff  }
0x2c0: {  	v6 =	vld [tilespmem:s25+$0x12000];
	_ =	sdelay $0x1  }
0x2c1: {  	v4 =	vld.idx.msk [tilespmem:v4+s1+$0x0], $0xffff  }
0x2c2: {  	v3 =	vld.idx.msk [tilespmem:v3+s1+$0x0], $0xffff  }
0x2c3: {  	v7 =	vld [tilespmem:s25+$0x12180]  }
0x2c4: {  	v1 =	vmul.f32 v6, v1;
	v2 =	vmul.f32 v5, v2;
	_ =	sdelay $0x1  }
0x2c5: {  	v0 =	vmul.f32 v0, v4;
	v1 =	vadd.f32 v2, v1;
	_ =	sdelay $0x1  }
0x2c6: {  	v0 =	vadd.f32 v0, v1;
	v1 =	vmul.f32 v7, v3  }
0x2c7: {  	s23 =	sshll.u32 s26, $0x7  }
0x2c8: {  	s23 =	sand.u32 $0x3FFFFC00, s23;
	v0 =	vadd.f32 v1, v0  }
0x2c9: {  	s23 =	sor.u32 s24, s23  }
0x2ca: {  	[tilespmem:s23+$0x18000] =	vst v0  }
0x2cb: {  	[tilespmem:s23+$0x18080] =	vst v0  }
0x2cc: {  	[tilespmem:s23+$0x18100] =	vst v0  }
0x2cd: {  	[tilespmem:s23+$0x18180] =	vst v0  }
0x2ce: {  	[tilespmem:s23+$0x18200] =	vst v0  }
0x2cf: {  	s25 =	sld [smem:$0x7F3];
	[tilespmem:s23+$0x18280] =	vst v0  }
0x2d0: {  	[tilespmem:s23+$0x18300] =	vst v0  }
0x2d1: {  	s26 =	sld [smem:$0x7F4];
	[tilespmem:s23+$0x18380] =	vst v0;
	s23 =	simm.s32 $0x0  }
0x2d2: {  	[hbm4b:s25+s23] =	stream.linear.scatter [tilespmem:s19], [sflag:$0x2], $0x4000, $0x38;
	[tilespmem:$0x1C000] =	vst v63  }
0x2d3: {  	s29 =	sld [smem:$0x7F5]  }
0x2d4: {  	[hbm4b:s26+s23] =	stream.linear.scatter [tilespmem:s19], [sflag:$0x2], $0x4000, $0x38;
	[tilespmem:$0x1C000] =	vst v63  }
0x2d5: {  	s30 =	sld [smem:$0x7F6]  }
0x2d6: {  	[hbm4b:s29+s23] =	stream.linear.scatter [tilespmem:s19], [sflag:$0x2], $0x4000, $0x38;
	[tilespmem:$0x1C000] =	vst v63  }
0x2d7: {  	s31 =	sld [smem:$0x7F7]  }
0x2d8: {  	[hbm4b:s30+s23] =	stream.linear.scatter [tilespmem:s19], [sflag:$0x2], $0x4000, $0x38;
	[tilespmem:$0x1C000] =	vst v63  }
0x2d9: {  	s25 =	sld [smem:$0x7F8]  }
0x2da: {  	[hbm4b:s31+s23] =	stream.linear.scatter [tilespmem:s19], [sflag:$0x2], $0x4000, $0x38;
	[tilespmem:$0x1C000] =	vst v63  }
0x2db: {  	s26 =	sld [smem:$0x7F9]  }
0x2dc: {  	[hbm4b:s25+s23] =	stream.linear.scatter [tilespmem:s19], [sflag:$0x2], $0x4000, $0x38;
	[tilespmem:$0x1C000] =	vst v63  }
0x2dd: {  	s29 =	sld [smem:$0x7FA]  }
0x2de: {  	[hbm4b:s26+s23] =	stream.linear.scatter [tilespmem:s19], [sflag:$0x2], $0x4000, $0x38;
	[tilespmem:$0x1C000] =	vst v63  }
0x2df: {  	_ = 	snop  }
0x2e0: {  	[hbm4b:s29+s23] =	stream.linear.scatter [tilespmem:s19], [sflag:$0x2], $0x4000, $0x38;
	[tilespmem:$0x1C000] =	vst v63  }
0x2e1: {  	s30 =	rddreg [dreg:$0xd]  }
0x2e2: {  	[tilespmem:s23], [sflag:$0x3] =	stream.linear.gather [hbm4b:s30+s23], $0x10000, $0x38;
	[tilespmem:$0x1C000] =	vst v63  }
0x2e3: {  	_ =	swait.ge [sflag:s17], $0x10000  }
0x2e4: {  	[sflag:s17] =	ssyncset.done $0x0  }
0x2e5: {  	[sflag:s17] =	ssyncadd.s32 $0xFFFF0000  }
0x2e6: {  	_ =	swait.ge [sflag:s20], $0x4000  }
0x2e7: {  	[sflag:s20] =	ssyncset.done $0x0  }
0x2e8: {  	[sflag:s20] =	ssyncadd.s32 $0xFFFFC000  }
0x2e9: {  	_ =	swait.ge [sflag:s20], $0x4000  }
0x2ea: {  	[sflag:s20] =	ssyncset.done $0x0  }
0x2eb: {  	[sflag:s20] =	ssyncadd.s32 $0xFFFFC000  }
0x2ec: {  	_ =	swait.ge [sflag:s20], $0x4000  }
0x2ed: {  	[sflag:s20] =	ssyncset.done $0x0  }
0x2ee: {  	[sflag:s20] =	ssyncadd.s32 $0xFFFFC000  }
0x2ef: {  	_ =	swait.ge [sflag:s20], $0x4000  }
0x2f0: {  	[sflag:s20] =	ssyncset.done $0x0  }
0x2f1: {  	[sflag:s20] =	ssyncadd.s32 $0xFFFFC000  }
0x2f2: {  	_ =	swait.ge [sflag:s20], $0x4000  }
0x2f3: {  	[sflag:s20] =	ssyncset.done $0x0  }
0x2f4: {  	[sflag:s20] =	ssyncadd.s32 $0xFFFFC000  }
0x2f5: {  	_ =	swait.ge [sflag:s20], $0x4000  }
0x2f6: {  	[sflag:s20] =	ssyncset.done $0x0  }
0x2f7: {  	[sflag:s20] =	ssyncadd.s32 $0xFFFFC000  }
0x2f8: {  	_ =	swait.ge [sflag:s20], $0x4000  }
0x2f9: {  	[sflag:s20] =	ssyncset.done $0x0  }
0x2fa: {  	[sflag:s20] =	ssyncadd.s32 $0xFFFFC000  }
0x2fb: {  	s31 =	simm.s32 $0x0;
	_ =	swait.ge [sflag:s20], $0x4000  }
0x2fc: {  	s24 =	sand.u32 $0x70, s23;
	s25 =	sand.u32 $0xFFFFFE00, s31;
	[sflag:s20] =	ssyncset.done $0x0  }
0x2fd: {  	s25 =	sor.u32 s24, s25;
	[sflag:s20] =	ssyncadd.s32 $0xFFFFC000  }
0x2fe: {  	v0 =	vld [tilespmem:s25+$0x10000]  }
0x2ff: {  	v1 =	vld [tilespmem:s25+$0x10100]  }
0x300: {  	v2 =	vld [tilespmem:s25+$0x10080]  }
0x301: {  	v3 =	vld [tilespmem:s25+$0x10180];
	_ =	sdelay $0x3  }
0x302: {  	v4 =	vshll.u32 v1, $0x3;
	v5 =	vshll.u32 v0, $0x7  }
0x303: {  	v0 =	vshll.u32 v0, $0x8;
	v6 =	vshll.u32 v2, $0x7;
	v7 =	vand.u32 $0x7F, v3  }
0x304: {  	v3 =	vshll.u32 v3, $0x3;
	v1 =	vand.u32 $0x7F, v1;
	v2 =	vshll.u32 v2, $0x8  }
0x305: {  	v4 =	vand.u32 $0xFFFFFC00, v4;
	v5 =	vand.u32 $0x380, v5;
	v0 =	vand.u32 $0xFFFFF800, v0  }
0x306: {  	v3 =	vand.u32 $0xFFFFFC00, v3;
	v2 =	vand.u32 $0xFFFFF800, v2;
	v8 =	vadd.s32 v0, v4  }
0x307: {  	v6 =	vand.u32 $0x380, v6;
	v0 =	vadd.s32 v0, v3;
	v8 =	vor.u32 v5, v8  }
0x308: {  	v4 =	vadd.s32 v2, v4;
	v0 =	vor.u32 v5, v0;
	v8 =	vor.u32 v1, v8  }
0x309: {  	v2 =	vadd.s32 v2, v3;
	v3 =	vor.u32 v7, v0;
	v0 =	vor.u32 v6, v4  }
0x30a: {  	v2 =	vor.u32 v6, v2;
	v1 =	vor.u32 v1, v0  }
0x30b: {  	v6 =	vor.u32 v7, v2;
	v4 =	vld [tilespmem:s25+$0x12000]  }
0x30c: {  	v0 =	vld [tilespmem:s25+$0x12080]  }
0x30d: {  	v2 =	vld.idx.msk [tilespmem:v8+s1+$0x0], $0xffff  }
0x30e: {  	v5 =	vld.idx.msk [tilespmem:v3+s1+$0x0], $0xffff  }
0x30f: {  	v3 =	vld.idx.msk [tilespmem:v1+s1+$0x0], $0xffff  }
0x310: {  	v1 =	vld.idx.msk [tilespmem:v6+s1+$0x0], $0xffff  }
0x311: {  	s28 =	simm.s32 $0x1;
	s26 =	simm.s32 $0x0;
	v6 =	vld [tilespmem:s25+$0x12100]  }
.LBB2_14:
0x312: {  	p0 =	sne.s32 s28, $0x7F  }
0x313: {  	s23 =	sadd.s32 $0x10, s23;
	s29 =	smov.u32 s28;
	s28 =	sadd.s32 $0x1, s28  }
0x314: {  	v7 =	vld [tilespmem:s25+$0x12180]  }
0x315: {  	v2 =	vmul.f32 v4, v2;
	v0 =	vmul.f32 v0, v5;
	_ =	sdelay $0x1  }
0x316: {  	v0 =	vadd.f32 v0, v2;
	v2 =	vmul.f32 v6, v3;
	_ =	sdelay $0x1  }
0x317: {  	v0 =	vadd.f32 v2, v0;
	v1 =	vmul.f32 v7, v1  }
0x318: {  	s25 =	sshll.u32 s26, $0x7;
	s26 =	smov.u32 s29  }
0x319: {  	s25 =	sand.u32 $0x3FFFFC00, s25;
	v0 =	vadd.f32 v1, v0  }
0x31a: {  	s29 =	sshll.u32 s26, $0x6;
	s25 =	sor.u32 s24, s25  }
0x31b: {  	s24 =	sand.u32 $0x70, s23;
	s29 =	sand.u32 $0xFFFFFE00, s29;
	s30 =	sadd.s32 $0x14000, s25;
	[tilespmem:s25+$0x14000] =	vst v0  }
0x31c: {  	s25 =	sor.u32 s24, s29;
	[tilespmem:s30+$0x80] =	vst v0  }
0x31d: {  	[tilespmem:s30+$0x100] =	vst v0  }
0x31e: {  	[tilespmem:s30+$0x180] =	vst v0  }
0x31f: {  	[tilespmem:s30+$0x200] =	vst v0  }
0x320: {  	[tilespmem:s30+$0x280] =	vst v0  }
0x321: {  	[tilespmem:s30+$0x300] =	vst v0  }
0x322: {  	[tilespmem:s30+$0x380] =	vst v0  }
0x323: {  	v0 =	vld [tilespmem:s25+$0x10000]  }
0x324: {  	v1 =	vld [tilespmem:s25+$0x10100]  }
0x325: {  	v2 =	vld [tilespmem:s25+$0x10080]  }
0x326: {  	v3 =	vld [tilespmem:s25+$0x10180];
	_ =	sdelay $0x2  }
0x327: {  	v4 =	vshll.u32 v0, $0x8;
	v0 =	vshll.u32 v0, $0x7;
	v5 =	vshll.u32 v1, $0x3  }
0x328: {  	v0 =	vand.u32 $0x380, v0;
	v5 =	vand.u32 $0xFFFFFC00, v5;
	v6 =	vshll.u32 v2, $0x7  }
0x329: {  	v4 =	vand.u32 $0xFFFFF800, v4;
	v7 =	vand.u32 $0x7F, v3;
	v3 =	vshll.u32 v3, $0x3  }
0x32a: {  	v1 =	vand.u32 $0x7F, v1;
	v8 =	vadd.s32 v4, v5;
	v6 =	vand.u32 $0x380, v6  }
0x32b: {  	v2 =	vshll.u32 v2, $0x8;
	v8 =	vor.u32 v0, v8;
	v3 =	vand.u32 $0xFFFFFC00, v3  }
0x32c: {  	v2 =	vand.u32 $0xFFFFF800, v2;
	v8 =	vor.u32 v1, v8;
	v4 =	vadd.s32 v4, v3  }
0x32d: {  	v0 =	vor.u32 v0, v4;
	v4 =	vadd.s32 v2, v5;
	v2 =	vadd.s32 v2, v3  }
0x32e: {  	v3 =	vor.u32 v7, v0;
	v0 =	vor.u32 v6, v4;
	v2 =	vor.u32 v6, v2  }
0x32f: {  	v1 =	vor.u32 v1, v0;
	v6 =	vor.u32 v7, v2  }
0x330: {  	v0 =	vld [tilespmem:s25+$0x12080]  }
0x331: {  	v2 =	vld.idx.msk [tilespmem:v8+s1+$0x0], $0xffff  }
.Ltmp6:
0x332: {  	v4 =	vld [tilespmem:s25+$0x12000];
	(pc) =	sbr.rel @p0 .LBB2_14-.Ltmp6, $4  }
0x333: {  	v5 =	vld.idx.msk [tilespmem:v3+s1+$0x0], $0xffff  }
0x334: {  	v3 =	vld.idx.msk [tilespmem:v1+s1+$0x0], $0xffff  }
0x335: {  	v1 =	vld.idx.msk [tilespmem:v6+s1+$0x0], $0xffff  }
0x336: {  	v6 =	vld [tilespmem:s25+$0x12100]  }
0x337: {  	_ = 	snop  }
0x338: {  	v7 =	vld [tilespmem:s25+$0x12180]  }
0x339: {  	v2 =	vmul.f32 v4, v2;
	v0 =	vmul.f32 v0, v5;
	_ =	sdelay $0x1  }
0x33a: {  	v0 =	vadd.f32 v0, v2;
	v2 =	vmul.f32 v6, v3;
	_ =	sdelay $0x1  }
0x33b: {  	v1 =	vmul.f32 v7, v1;
	v0 =	vadd.f32 v2, v0  }
0x33c: {  	s23 =	sshll.u32 s26, $0x7  }
0x33d: {  	s23 =	sand.u32 $0x3FFFFC00, s23;
	v0 =	vadd.f32 v1, v0  }
0x33e: {  	s23 =	sor.u32 s24, s23  }
0x33f: {  	s24 =	sadd.s32 $0x14000, s23;
	[tilespmem:s23+$0x14000] =	vst v0  }
0x340: {  	[tilespmem:s24+$0x80] =	vst v0  }
0x341: {  	[tilespmem:s24+$0x100] =	vst v0  }
0x342: {  	[tilespmem:s24+$0x180] =	vst v0  }
0x343: {  	[tilespmem:s24+$0x200] =	vst v0  }
0x344: {  	s25 =	sld [smem:$0x7FB];
	[tilespmem:s24+$0x280] =	vst v0  }
0x345: {  	[tilespmem:s24+$0x300] =	vst v0  }
0x346: {  	s26 =	sld [smem:$0x7FC];
	[tilespmem:s24+$0x380] =	vst v0;
	s23 =	simm.s32 $0x0  }
0x347: {  	[hbm4b:s25+s23] =	stream.linear.scatter [tilespmem:s18], [sflag:$0x1], $0x4000, $0x38;
	[tilespmem:$0x1C000] =	vst v63  }
0x348: {  	s29 =	sld [smem:$0x7FD]  }
0x349: {  	[hbm4b:s26+s23] =	stream.linear.scatter [tilespmem:s18], [sflag:$0x1], $0x4000, $0x38;
	[tilespmem:$0x1C000] =	vst v63  }
0x34a: {  	_ = 	snop  }
0x34b: {  	[hbm4b:s29+s23] =	stream.linear.scatter [tilespmem:s18], [sflag:$0x1], $0x4000, $0x38;
	[tilespmem:$0x1C000] =	vst v63  }
0x34c: {  	_ = 	snop  }
0x34d: {  	[hbm4b:s0+s23] =	stream.linear.scatter [tilespmem:s18], [sflag:$0x1], $0x4000, $0x38;
	[tilespmem:$0x1C000] =	vst v63  }
0x34e: {  	_ = 	snop  }
0x34f: {  	[hbm4b:s2+s23] =	stream.linear.scatter [tilespmem:s18], [sflag:$0x1], $0x4000, $0x38;
	[tilespmem:$0x1C000] =	vst v63  }
0x350: {  	_ = 	snop  }
0x351: {  	[hbm4b:s3+s23] =	stream.linear.scatter [tilespmem:s18], [sflag:$0x1], $0x4000, $0x38;
	[tilespmem:$0x1C000] =	vst v63  }
0x352: {  	_ = 	snop  }
0x353: {  	[hbm4b:s4+s23] =	stream.linear.scatter [tilespmem:s18], [sflag:$0x1], $0x4000, $0x38;
	[tilespmem:$0x1C000] =	vst v63  }
0x354: {  	_ = 	snop  }
0x355: {  	[hbm4b:s5+s23] =	stream.linear.scatter [tilespmem:s18], [sflag:$0x1], $0x4000, $0x38;
	[tilespmem:$0x1C000] =	vst v63  }
0x356: {  	s30 =	rddreg [dreg:$0xe]  }
0x357: {  	[tilespmem:s23], [sflag:$0x3] =	stream.linear.gather [hbm4b:s30+s23], $0x10000, $0x38;
	[tilespmem:$0x1C000] =	vst v63  }
0x358: {  	_ =	swait.ge [sflag:s17], $0x10000  }
0x359: {  	[sflag:s17] =	ssyncset.done $0x0  }
0x35a: {  	[sflag:s17] =	ssyncadd.s32 $0xFFFF0000  }
0x35b: {  	_ =	swait.ge [sflag:s21], $0x4000  }
0x35c: {  	[sflag:s21] =	ssyncset.done $0x0  }
0x35d: {  	[sflag:s21] =	ssyncadd.s32 $0xFFFFC000  }
0x35e: {  	_ =	swait.ge [sflag:s21], $0x4000  }
0x35f: {  	[sflag:s21] =	ssyncset.done $0x0  }
0x360: {  	[sflag:s21] =	ssyncadd.s32 $0xFFFFC000  }
0x361: {  	_ =	swait.ge [sflag:s21], $0x4000  }
0x362: {  	[sflag:s21] =	ssyncset.done $0x0  }
0x363: {  	[sflag:s21] =	ssyncadd.s32 $0xFFFFC000  }
0x364: {  	_ =	swait.ge [sflag:s21], $0x4000  }
0x365: {  	[sflag:s21] =	ssyncset.done $0x0  }
0x366: {  	[sflag:s21] =	ssyncadd.s32 $0xFFFFC000  }
0x367: {  	_ =	swait.ge [sflag:s21], $0x4000  }
0x368: {  	[sflag:s21] =	ssyncset.done $0x0  }
0x369: {  	[sflag:s21] =	ssyncadd.s32 $0xFFFFC000  }
0x36a: {  	_ =	swait.ge [sflag:s21], $0x4000  }
0x36b: {  	[sflag:s21] =	ssyncset.done $0x0  }
0x36c: {  	[sflag:s21] =	ssyncadd.s32 $0xFFFFC000  }
0x36d: {  	_ =	swait.ge [sflag:s21], $0x4000  }
0x36e: {  	[sflag:s21] =	ssyncset.done $0x0  }
0x36f: {  	[sflag:s21] =	ssyncadd.s32 $0xFFFFC000  }
0x370: {  	s31 =	simm.s32 $0x0;
	_ =	swait.ge [sflag:s21], $0x4000  }
0x371: {  	s24 =	sand.u32 $0x70, s23;
	s25 =	sand.u32 $0xFFFFFE00, s31;
	[sflag:s21] =	ssyncset.done $0x0  }
0x372: {  	s25 =	sor.u32 s24, s25;
	[sflag:s21] =	ssyncadd.s32 $0xFFFFC000  }
0x373: {  	v0 =	vld [tilespmem:s25+$0x10100]  }
0x374: {  	v1 =	vld [tilespmem:s25+$0x10000]  }
0x375: {  	v2 =	vld [tilespmem:s25+$0x10180]  }
0x376: {  	v3 =	vld [tilespmem:s25+$0x10080];
	_ =	sdelay $0x3  }
0x377: {  	v4 =	vshll.u32 v1, $0x7;
	v1 =	vshll.u32 v1, $0x8;
	v5 =	vshll.u32 v0, $0x3  }
0x378: {  	v6 =	vshll.u32 v2, $0x3;
	v0 =	vand.u32 $0x7F, v0;
	v7 =	vshll.u32 v3, $0x8  }
0x379: {  	v63 =	vand.u32 $0x7F, v2;
	v3 =	vshll.u32 v3, $0x7;
	v1 =	vand.u32 $0xFFFFF800, v1  }
0x37a: {  	v5 =	vand.u32 $0xFFFFFC00, v5;
	v6 =	vand.u32 $0xFFFFFC00, v6;
	v4 =	vand.u32 $0x380, v4  }
0x37b: {  	v7 =	vand.u32 $0xFFFFF800, v7;
	v3 =	vand.u32 $0x380, v3;
	v8 =	vadd.s32 v1, v5  }
0x37c: {  	v9 =	vadd.s32 v1, v6;
	v2 =	vadd.s32 v7, v6;
	v1 =	vor.u32 v4, v8  }
0x37d: {  	v5 =	vadd.s32 v7, v5;
	v4 =	vor.u32 v4, v9;
	v1 =	vor.u32 v0, v1  }
0x37e: {  	v5 =	vor.u32 v3, v5;
	v3 =	vor.u32 v3, v2;
	v2 =	vor.u32 v63, v4  }
0x37f: {  	s28 =	simm.s32 $0x1;
	s26 =	simm.s32 $0x0;
	v4 =	vor.u32 v0, v5;
	v3 =	vor.u32 v63, v3;
	v0 =	vld [tilespmem:s25+$0x12100]  }
.LBB2_16:
0x380: {  	p0 =	sne.s32 s28, $0x7F  }
0x381: {  	v5 =	vld [tilespmem:s25+$0x12080];
	s23 =	sadd.s32 $0x10, s23;
	s29 =	smov.u32 s28;
	s28 =	sadd.s32 $0x1, s28  }
0x382: {  	v1 =	vld.idx.msk [tilespmem:v1+s1+$0x0], $0xffff  }
0x383: {  	v2 =	vld.idx.msk [tilespmem:v2+s1+$0x0], $0xffff  }
0x384: {  	v6 =	vld [tilespmem:s25+$0x12000]  }
0x385: {  	v4 =	vld.idx.msk [tilespmem:v4+s1+$0x0], $0xffff  }
0x386: {  	v3 =	vld.idx.msk [tilespmem:v3+s1+$0x0], $0xffff;
	_ =	sdelay $0x1  }
0x387: {  	v7 =	vld [tilespmem:s25+$0x12180]  }
0x388: {  	v2 =	vmul.f32 v5, v2;
	v1 =	vmul.f32 v6, v1  }
0x389: {  	s25 =	sshll.u32 s29, $0x6  }
0x38a: {  	s30 =	sand.u32 $0x70, s23;
	s25 =	sand.u32 $0xFFFFFE00, s25;
	v0 =	vmul.f32 v0, v4;
	v1 =	vadd.f32 v2, v1  }
0x38b: {  	s25 =	sor.u32 s30, s25  }
0x38c: {  	v0 =	vadd.f32 v0, v1;
	v1 =	vmul.f32 v7, v3  }
0x38d: {  	s31 =	sshll.u32 s26, $0x7;
	s26 =	smov.u32 s29  }
0x38e: {  	s29 =	sand.u32 $0x3FFFFC00, s31;
	v0 =	vadd.f32 v1, v0  }
0x38f: {  	s29 =	sor.u32 s24, s29;
	s24 =	smov.u32 s30  }
0x390: {  	[tilespmem:s29+$0x18000] =	vst v0  }
0x391: {  	[tilespmem:s29+$0x18080] =	vst v0  }
0x392: {  	[tilespmem:s29+$0x18100] =	vst v0  }
0x393: {  	[tilespmem:s29+$0x18180] =	vst v0  }
0x394: {  	[tilespmem:s29+$0x18200] =	vst v0  }
0x395: {  	[tilespmem:s29+$0x18280] =	vst v0  }
0x396: {  	[tilespmem:s29+$0x18300] =	vst v0  }
0x397: {  	[tilespmem:s29+$0x18380] =	vst v0  }
0x398: {  	v0 =	vld [tilespmem:s25+$0x10100]  }
0x399: {  	v1 =	vld [tilespmem:s25+$0x10000]  }
0x39a: {  	v2 =	vld [tilespmem:s25+$0x10180]  }
0x39b: {  	v3 =	vld [tilespmem:s25+$0x10080];
	_ =	sdelay $0x2  }
0x39c: {  	v4 =	vshll.u32 v1, $0x7  }
0x39d: {  	v5 =	vshll.u32 v0, $0x3;
	v1 =	vshll.u32 v1, $0x8;
	v6 =	vshll.u32 v2, $0x3  }
0x39e: {  	v0 =	vand.u32 $0x7F, v0;
	v1 =	vand.u32 $0xFFFFF800, v1;
	v7 =	vshll.u32 v3, $0x8  }
0x39f: {  	v5 =	vand.u32 $0xFFFFFC00, v5;
	v6 =	vand.u32 $0xFFFFFC00, v6;
	v7 =	vand.u32 $0xFFFFF800, v7  }
0x3a0: {  	v4 =	vand.u32 $0x380, v4;
	v8 =	vadd.s32 v1, v5;
	v9 =	vadd.s32 v1, v6  }
.Ltmp7:
0x3a1: {  	v1 =	vor.u32 v4, v8;
	v8 =	vand.u32 $0x7F, v2;
	v6 =	vadd.s32 v7, v6;
	(pc) =	sbr.rel @p0 .LBB2_16-.Ltmp7, $4  }
0x3a2: {  	v3 =	vshll.u32 v3, $0x7;
	v1 =	vor.u32 v0, v1;
	v2 =	vor.u32 v4, v9  }
0x3a3: {  	v3 =	vand.u32 $0x380, v3;
	v4 =	vadd.s32 v7, v5;
	v2 =	vor.u32 v8, v2  }
0x3a4: {  	v4 =	vor.u32 v3, v4;
	v3 =	vor.u32 v3, v6  }
0x3a5: {  	v4 =	vor.u32 v0, v4;
	v3 =	vor.u32 v8, v3;
	v0 =	vld [tilespmem:s25+$0x12100]  }
0x3a6: {  	_ =	sdelay $0x2  }
0x3a7: {  	v5 =	vld [tilespmem:s25+$0x12080]  }
0x3a8: {  	v1 =	vld.idx.msk [tilespmem:v1+s1+$0x0], $0xffff  }
0x3a9: {  	v2 =	vld.idx.msk [tilespmem:v2+s1+$0x0], $0xffff  }
0x3aa: {  	v6 =	vld [tilespmem:s25+$0x12000];
	_ =	sdelay $0x1  }
0x3ab: {  	v4 =	vld.idx.msk [tilespmem:v4+s1+$0x0], $0xffff  }
0x3ac: {  	v3 =	vld.idx.msk [tilespmem:v3+s1+$0x0], $0xffff  }
0x3ad: {  	v7 =	vld [tilespmem:s25+$0x12180]  }
0x3ae: {  	v1 =	vmul.f32 v6, v1;
	v2 =	vmul.f32 v5, v2;
	_ =	sdelay $0x1  }
0x3af: {  	v0 =	vmul.f32 v0, v4;
	v1 =	vadd.f32 v2, v1;
	_ =	sdelay $0x1  }
0x3b0: {  	v63 =	vmul.f32 v7, v3;
	v0 =	vadd.f32 v0, v1  }
0x3b1: {  	s23 =	sshll.u32 s26, $0x7  }
0x3b2: {  	s23 =	sand.u32 $0x3FFFFC00, s23;
	v0 =	vadd.f32 v63, v0  }
0x3b3: {  	s23 =	sor.u32 s24, s23  }
0x3b4: {  	[tilespmem:s23+$0x18000] =	vst v0  }
0x3b5: {  	[tilespmem:s23+$0x18080] =	vst v0  }
0x3b6: {  	[tilespmem:s23+$0x18100] =	vst v0  }
0x3b7: {  	[tilespmem:s23+$0x18180] =	vst v0  }
0x3b8: {  	[tilespmem:s23+$0x18200] =	vst v0  }
0x3b9: {  	[tilespmem:s23+$0x18280] =	vst v0  }
0x3ba: {  	[tilespmem:s23+$0x18300] =	vst v0  }
0x3bb: {  	[tilespmem:s23+$0x18380] =	vst v0  }
0x3bc: {  	[hbm4b:s6+s1] =	stream.linear.scatter [tilespmem:s19], [sflag:$0x2], $0x4000, $0x38;
	[tilespmem:$0x1C000] =	vst v63  }
0x3bd: {  	_ = 	snop  }
0x3be: {  	[hbm4b:s7+s1] =	stream.linear.scatter [tilespmem:s19], [sflag:$0x2], $0x4000, $0x38;
	[tilespmem:$0x1C000] =	vst v63  }
0x3bf: {  	_ = 	snop  }
0x3c0: {  	[hbm4b:s8+s1] =	stream.linear.scatter [tilespmem:s19], [sflag:$0x2], $0x4000, $0x38;
	[tilespmem:$0x1C000] =	vst v63  }
0x3c1: {  	_ = 	snop  }
0x3c2: {  	[hbm4b:s9+s1] =	stream.linear.scatter [tilespmem:s19], [sflag:$0x2], $0x4000, $0x38;
	[tilespmem:$0x1C000] =	vst v63  }
0x3c3: {  	_ = 	snop  }
0x3c4: {  	[hbm4b:s10+s1] =	stream.linear.scatter [tilespmem:s19], [sflag:$0x2], $0x4000, $0x38;
	[tilespmem:$0x1C000] =	vst v63  }
0x3c5: {  	_ = 	snop  }
0x3c6: {  	[hbm4b:s11+s1] =	stream.linear.scatter [tilespmem:s19], [sflag:$0x2], $0x4000, $0x38;
	[tilespmem:$0x1C000] =	vst v63  }
0x3c7: {  	_ = 	snop  }
0x3c8: {  	[hbm4b:s12+s1] =	stream.linear.scatter [tilespmem:s19], [sflag:$0x2], $0x4000, $0x38;
	[tilespmem:$0x1C000] =	vst v63  }
0x3c9: {  	_ = 	snop  }
0x3ca: {  	[hbm4b:s13+s1] =	stream.linear.scatter [tilespmem:s19], [sflag:$0x2], $0x4000, $0x38;
	[tilespmem:$0x1C000] =	vst v63  }
0x3cb: {  	_ =	swait.ge [sflag:s20], $0x4000  }
0x3cc: {  	[sflag:s20] =	ssyncset.done $0x0  }
0x3cd: {  	[sflag:s20] =	ssyncadd.s32 $0xFFFFC000  }
0x3ce: {  	_ =	swait.ge [sflag:s20], $0x4000  }
0x3cf: {  	[sflag:s20] =	ssyncset.done $0x0  }
0x3d0: {  	[sflag:s20] =	ssyncadd.s32 $0xFFFFC000  }
0x3d1: {  	_ =	swait.ge [sflag:s20], $0x4000  }
0x3d2: {  	[sflag:s20] =	ssyncset.done $0x0  }
0x3d3: {  	[sflag:s20] =	ssyncadd.s32 $0xFFFFC000  }
0x3d4: {  	_ =	swait.ge [sflag:s20], $0x4000  }
0x3d5: {  	[sflag:s20] =	ssyncset.done $0x0  }
0x3d6: {  	[sflag:s20] =	ssyncadd.s32 $0xFFFFC000  }
0x3d7: {  	_ =	swait.ge [sflag:s20], $0x4000  }
0x3d8: {  	[sflag:s20] =	ssyncset.done $0x0  }
0x3d9: {  	[sflag:s20] =	ssyncadd.s32 $0xFFFFC000  }
0x3da: {  	_ =	swait.ge [sflag:s20], $0x4000  }
0x3db: {  	[sflag:s20] =	ssyncset.done $0x0  }
0x3dc: {  	[sflag:s20] =	ssyncadd.s32 $0xFFFFC000  }
0x3dd: {  	_ =	swait.ge [sflag:s20], $0x4000  }
0x3de: {  	[sflag:s20] =	ssyncset.done $0x0  }
0x3df: {  	[sflag:s20] =	ssyncadd.s32 $0xFFFFC000  }
0x3e0: {  	_ =	swait.ge [sflag:s20], $0x4000  }
0x3e1: {  	[sflag:s20] =	ssyncset.done $0x0  }
0x3e2: {  	[sflag:s20] =	ssyncadd.s32 $0xFFFFC000  }
0x3e3: {  	_ =	swait.ge [sflag:s21], $0x4000  }
0x3e4: {  	[sflag:s21] =	ssyncset.done $0x0  }
0x3e5: {  	[sflag:s21] =	ssyncadd.s32 $0xFFFFC000  }
0x3e6: {  	_ =	swait.ge [sflag:s21], $0x4000  }
0x3e7: {  	[sflag:s21] =	ssyncset.done $0x0  }
0x3e8: {  	[sflag:s21] =	ssyncadd.s32 $0xFFFFC000  }
0x3e9: {  	_ =	swait.ge [sflag:s21], $0x4000  }
0x3ea: {  	[sflag:s21] =	ssyncset.done $0x0  }
0x3eb: {  	[sflag:s21] =	ssyncadd.s32 $0xFFFFC000  }
0x3ec: {  	_ =	swait.ge [sflag:s21], $0x4000  }
0x3ed: {  	[sflag:s21] =	ssyncset.done $0x0  }
0x3ee: {  	[sflag:s21] =	ssyncadd.s32 $0xFFFFC000  }
0x3ef: {  	_ =	swait.ge [sflag:s21], $0x4000  }
0x3f0: {  	[sflag:s21] =	ssyncset.done $0x0  }
0x3f1: {  	[sflag:s21] =	ssyncadd.s32 $0xFFFFC000  }
0x3f2: {  	_ =	swait.ge [sflag:s21], $0x4000  }
0x3f3: {  	[sflag:s21] =	ssyncset.done $0x0  }
0x3f4: {  	s22 =	sadd.s32 $0x1, s22;
	[sflag:s21] =	ssyncadd.s32 $0xFFFFC000  }
0x3f5: {  	p0 =	sne.s32 s22, s16;
	_ =	swait.ge [sflag:s21], $0x4000  }
.Ltmp8:
0x3f6: {  	[sflag:s21] =	ssyncset.done $0x0;
	(pc) =	sbr.rel @p0 .LBB2_1-.Ltmp8, $4  }
0x3f7: {  	[sflag:s21] =	ssyncadd.s32 $0xFFFFC000  }
0x3f8: {  	_ =	swait.ge [sflag:s21], $0x4000  }
0x3f9: {  	[sflag:s21] =	ssyncset.done $0x0  }
0x3fa: {  	[sflag:s21] =	ssyncadd.s32 $0xFFFFC000  }
0x3fb: {  	_ =	sfence.sel $0x180000  }
0x3fc: {  	[bflag:$0x0] =	sbarrier.arrive $0xFFFF  }
0x3fd: {  	_ =	strace $0x90000047  }
0x3fe: {  	s0 =	stileid.u32;
	[bflag:$0x2] =	sbarrier.arrive $0xFFFF  }
0x3ff: {  	p0 =	sne.s32 s0, $0x0;
	s0 =	rddreg [dreg:$0x3]  }
0x400: {  	s0 =	sadd.s32 @!p0 $0x100000, s0  }
0x401: {  	[sflag:s0] =	ssyncadd.tile.s32 @!p0 $0x1;
	_ =	shalt  }
.Lfunc_end2:
_tile_overlayer_lowered:
.L_overlay_start_2:
0x402: {  	(tag) =	ssettag $0x2  }
0x403: {  	s0 =	rddreg [dreg:$0x0];
	s2 =	stileid.u32  }
0x404: {  	s1 =	rddreg [dreg:$0x1];
	p0 =	sne.s32 s2, $0x0  }
0x405: {  	s3 =	rddreg [dreg:$0x2];
	[bflag:$0x3] =	sbarrier.arrive $0xFFFF;
	s2 =	simm.s32 @!p0 $0x1C03  }
0x406: {  	[timem:s3], [sflag:s2] =	dma.local @!p0 [hbm:s0], s1  }
0x407: {  	s0 =	simm.s32 @!p0 $0x3  }
0x408: {  	_ =	swait.ge @!p0 [sflag:s0], s1  }
0x409: {  	s1 =	ssub.s32 @!p0 $0x0, s1;
	[sflag:s0] =	ssyncset.done @!p0 $0x0  }
0x40a: {  	[sflag:s0] =	ssyncadd.s32 @!p0 s1  }
0x40b: {  	[bflag:$0x3] =	sbarrier.arrive $0xFFFF  }
0x40c: {  	_ =	shalt  }

</sc_bundles>
